<compile_context>
chip_gen: v7x
topology: tpu7x:2x2x1
jax: 0.10.2.dev20260603
libtpu: 0.0.44.dev20260713+nightly
codegen_flags: <defaults>
</compile_context>

<pallas_src>
import jax
import jax.numpy as jnp
from jax import lax
from jax.experimental import pallas as pl
from jax.experimental.pallas import tpu as pltpu
from jax.experimental.pallas import tpu_sc as plsc

VOCAB = 1_000_000
MAX_LEN = 200
EMBED_DIM = 64
BATCH = 4096

NC, NS, L = 2, 16, 16
NW = NC * NS
BW = BATCH // NW
LC = 2
NCHUNK = MAX_LEN // LC
KB = BW // L
DHI = EMBED_DIM // 8
DV = EMBED_DIM // L


VPAD = 1015808
VHI = VPAD // 128
ABLK = VHI // NW
NPAIR = ABLK // 2


def _tbody(t4_hbm, trm_hbm, tile, rows_out, isems, osems):
    wid = lax.axis_index("s") * NC + lax.axis_index("c")
    iota = lax.iota(jnp.int32, L)
    p0 = wid * NPAIR

    def rd(j, p):
        return pltpu.make_async_copy(
            t4_hbm.at[:, pl.ds((p0 + j) * 2, 2)], tile.at[p], isems[p])

    def wr(j, p):
        return pltpu.make_async_copy(
            rows_out.at[p, slice(None), pl.ds(0, EMBED_DIM)],
            trm_hbm.at[pl.ds((p0 + j) * 256, 256)], osems[p])

    rd(0, 0).start()

    @pl.loop(0, NPAIR, step=2)
    def _blocks(j0):
        for par in range(2):
            j = j0 + par

            @pl.when(j + 1 < NPAIR)
            def _pref():
                rd(j + 1, par ^ 1).start()

            @pl.when(j >= 2)
            def _drain():
                wr(j - 2, par).wait()

            rd(j, par).wait()

            @plsc.parallel_loop(0, EMBED_DIM, unroll=4)
            def _cols(d):
                dvec = iota * 0 + d
                dhi = d >> 3
                dlo = d & 7
                for v2 in range(2):
                    for k in range(KB):
                        vals = tile[par, dhi, v2, dlo, pl.ds(k * L, L)]
                        plsc.store_scatter(
                            rows_out.at[par],
                            [iota + (v2 * 128 + k * L), dvec], vals)

            wr(j, par).start()

    wr(NPAIR - 2, 0).wait()
    wr(NPAIR - 1, 1).wait()


def _body(x_hbm, tok_hbm, pos_hbm, out_hbm, pos_v, idx_v, rows_v, obuf,
          isems, gsems, wsems):
    wid = lax.axis_index("s") * NC + lax.axis_index("c")
    b0 = wid * BW
    pltpu.sync_copy(pos_hbm, pos_v)
    iota = lax.iota(jnp.int32, L)

    def idx_fetch(g, p):
        return pltpu.make_async_copy(
            x_hbm.at[pl.ds(g * LC, LC), pl.ds(b0, BW)], idx_v.at[p], isems[p])

    def gathers(g, p):
        del g
        return [pltpu.make_async_copy(
            tok_hbm.at[idx_v.at[p, i]], rows_v.at[p, i], gsems[p])
            for i in range(LC)]

    def write(g, p):
        return pltpu.make_async_copy(
            obuf.at[p, slice(None), slice(None), slice(None), pl.ds(0, BW)],
            out_hbm.at[pl.ds(g * LC, LC), :, wid], wsems[p])

    idx_fetch(0, 0).start()
    idx_fetch(1, 1).start()
    idx_fetch(0, 0).wait()
    for c in gathers(0, 0):
        c.start()

    @pl.loop(0, NCHUNK, step=2)
    def _ring(g0):
        for par in range(2):
            g = g0 + par

            @pl.when(g + 1 < NCHUNK)
            def _launch_next():
                idx_fetch(g + 1, par ^ 1).wait()
                for c in gathers(g + 1, par ^ 1):
                    c.start()

            @pl.when(g >= 2)
            def _drain_write():
                write(g - 2, par).wait()

            for c in gathers(g, par):
                c.wait()

            @pl.when(g + 2 < NCHUNK)
            def _prefetch_idx():
                idx_fetch(g + 2, par).start()

            dhi_vecs = [(iota + q * L) >> 3 for q in range(DV)]
            dlo_vecs = [iota & 7 for _ in range(DV)]
            for i in range(LC):
                lpos = g * LC + i
                pvs = [pos_v[lpos, pl.ds(q * L, L)] for q in range(DV)]

                @plsc.parallel_loop(0, BW, unroll=2)
                def _rows(b):
                    bvec = iota * 0 + b
                    for q in range(DV):
                        vals = rows_v[par, i, b, pl.ds(q * L, L)] + pvs[q]
                        plsc.store_scatter(
                            obuf.at[par, i], [dhi_vecs[q], dlo_vecs[q], bvec],
                            vals)

            write(g, par).start()

    write(NCHUNK - 2, 0).wait()
    write(NCHUNK - 1, 1).wait()


def kernel(x, token_table, pos_table):
    xt = x.T.astype(jnp.int32)
    tp = jnp.pad(token_table, ((0, VPAD - VOCAB), (0, 0)))
    t4 = tp.T.reshape(DHI, 8, VHI, 128).transpose(0, 2, 1, 3)
    trm = pl.kernel(
        _tbody,
        out_type=jax.ShapeDtypeStruct((VPAD, EMBED_DIM), jnp.float32),
        mesh=plsc.VectorSubcoreMesh(core_axis_name="c", subcore_axis_name="s"),
        compiler_params=pltpu.CompilerParams(use_tc_tiling_on_sc=False,
                                             needs_layout_passes=False),
        scratch_types=[
            pltpu.VMEM((2, DHI, 2, 8, 128), jnp.float32),
            pltpu.VMEM((2, 256, EMBED_DIM + 1), jnp.float32),
            [pltpu.SemaphoreType.DMA] * 2,
            [pltpu.SemaphoreType.DMA] * 2,
        ],
    )(t4)
    out5 = pl.kernel(
        _body,
        out_type=jax.ShapeDtypeStruct((MAX_LEN, DHI, NW, 8, BW), jnp.float32),
        mesh=plsc.VectorSubcoreMesh(core_axis_name="c", subcore_axis_name="s"),
        compiler_params=pltpu.CompilerParams(use_tc_tiling_on_sc=False,
                                               needs_layout_passes=False),
        scratch_types=[
            pltpu.VMEM((MAX_LEN, EMBED_DIM), jnp.float32),
            pltpu.VMEM((2, LC, BW), jnp.int32),
            pltpu.VMEM((2, LC, BW, EMBED_DIM), jnp.float32),
            pltpu.VMEM((2, LC, DHI, 8, BW + 1), jnp.float32),
            [pltpu.SemaphoreType.DMA] * 2,
            [pltpu.SemaphoreType.DMA] * 2,
            [pltpu.SemaphoreType.DMA] * 2,
        ],
    )(xt, trm, pos_table)
    return out5.transpose(2, 4, 0, 1, 3).reshape(BATCH, MAX_LEN, EMBED_DIM)

# --- scband reference (transcript-rebuilt; emitter-appended) ---
"""Pipeline reference for scband-token-and-position-embedding-2422361555247 (READ-ONLY COPY).

The authoritative reference and input builder live on the scoring server;
editing this copy changes nothing except your own understanding.
"""

import jax, jax.numpy as jnp
import numpy as np

VOCAB = 1000000
MAX_LEN = 200
EMBED_DIM = 64
BATCH = 4096

def setup_inputs(seed: int = 0) -> dict:
    key = jax.random.key(seed)
    k1, k2, k3 = jax.random.split(key, 3)
    x = jax.random.randint(k1, (BATCH, MAX_LEN), 0, VOCAB, dtype=jnp.int64 if jax.config.jax_enable_x64 else jnp.int32)
    token_table = jax.random.normal(k2, (VOCAB, EMBED_DIM), dtype=jnp.float32) * 0.02
    pos_table = jax.random.normal(k3, (MAX_LEN, EMBED_DIM), dtype=jnp.float32) * 0.02
    return {"x": x, "token_table": token_table, "pos_table": pos_table}

def reference(x, token_table, pos_table):
    # token embedding lookup: gather rows from the learned table
    tok = jnp.take(token_table, x, axis=0)  # [B, L, D]
    # learned positional embeddings: lookup by position index arange(L)
    pos = jnp.take(pos_table, jnp.arange(x.shape[1]), axis=0)  # [L, D]
    return tok + pos[None, :, :]

if __name__ == "__main__":
    import jax
    _d = setup_inputs()
    print(jax.jit(kernel)(*tuple(_d.values())))

</pallas_src>

<mosaic_0001>
#map = affine_map<(d0, d1) -> (0, 0, 0, 0)>
#map1 = affine_map<(d0, d1) -> (0, 0)>
module attributes {stable_mosaic.version = 14 : i64} {
  func.func @_tbody(%arg0: i32, %arg1: i32, %arg2: memref<8x7936x8x128xf32, #tpu.memory_space<hbm>>, %arg3: memref<1015808x64xf32, #tpu.memory_space<hbm>>, %arg4: memref<2x8x2x8x128xf32, #tpu.memory_space<vmem>>, %arg5: memref<2x256x65xf32, #tpu.memory_space<vmem>>, %arg6: memref<!tpu.dma_semaphore, #tpu.memory_space<semaphore_mem>>, %arg7: memref<!tpu.dma_semaphore, #tpu.memory_space<semaphore_mem>>, %arg8: memref<!tpu.dma_semaphore, #tpu.memory_space<semaphore_mem>>, %arg9: memref<!tpu.dma_semaphore, #tpu.memory_space<semaphore_mem>>) attributes {dimension_semantics = [#tpu.dimension_semantics<core_parallel>, #tpu.dimension_semantics<subcore_parallel>], iteration_bounds = array<i64: 2, 16>, scalar_prefetch = 0 : i64, scratch_operands = 6 : i64, tpu.core_type = #tpu.core_type<sc_vector_subcore>, window_params = [{transform_indices = #map}, {transform_indices = #map1}]} {
    %mul3A = arith.constant 2 : i32
    %mul3A_0 = arith.muli %arg1, %mul3A : i32
    %add3A = arith.addi %mul3A_0, %arg0 : i32
    %iota3A = tpu.iota {dimensions = array<i32: 0>} : vector<16xi32>
    %mul3A_1 = arith.constant 124 : i32
    %mul3A_2 = arith.muli %add3A, %mul3A_1 : i32
    %add3A_3 = arith.constant 0 : i32
    %add3A_4 = arith.addi %mul3A_2, %add3A_3 : i32
    %mul3A_5 = arith.constant 2 : i32
    %mul3A_6 = arith.muli %add3A_4, %mul3A_5 : i32
    %dma_start3A = arith.constant 0 : i32
    %dma_start3A_7 = arith.constant 0 : i32
    %dma_start3A_8 = arith.constant 0 : i32
    %dma_start3A_9 = arith.constant 0 : i32
    %dma_start3A_10 = arith.constant 0 : i32
    %dma_start3A_11 = tpu.memref_slice %arg4[%dma_start3A, %dma_start3A_7, %dma_start3A_8, %dma_start3A_9, %dma_start3A_10] : memref<2x8x2x8x128xf32, #tpu.memory_space<vmem>> -> memref<1x8x2x8x128xf32, #tpu.memory_space<vmem>>
    %dma_start3A_12 = tpu.memref_squeeze %dma_start3A_11 : memref<1x8x2x8x128xf32, #tpu.memory_space<vmem>> -> memref<8x2x8x128xf32, #tpu.memory_space<vmem>>
    %dma_start3A_13 = arith.constant 0 : i32
    %dma_start3A_14 = arith.constant 0 : i32
    %dma_start3A_15 = arith.constant 0 : i32
    %dma_start3A_16 = tpu.memref_slice %arg2[%dma_start3A_13, %mul3A_6, %dma_start3A_14, %dma_start3A_15] : memref<8x7936x8x128xf32, #tpu.memory_space<hbm>> -> memref<8x2x8x128xf32, #tpu.memory_space<hbm>>
    %dma_start3A_17 = arith.constant 0 : i32
    %dma_start3A_18 = arith.constant 0 : i32
    %dma_start3A_19 = arith.constant 0 : i32
    %dma_start3A_20 = arith.constant 0 : i32
    %dma_start3A_21 = tpu.memref_slice %arg4[%dma_start3A, %dma_start3A_17, %dma_start3A_18, %dma_start3A_19, %dma_start3A_20] : memref<2x8x2x8x128xf32, #tpu.memory_space<vmem>> -> memref<1x8x2x8x128xf32, #tpu.memory_space<vmem>>
    %dma_start3A_22 = tpu.memref_squeeze %dma_start3A_21 : memref<1x8x2x8x128xf32, #tpu.memory_space<vmem>> -> memref<8x2x8x128xf32, #tpu.memory_space<vmem>>
    %dma_start3A_23 = arith.constant 0 : i32
    %dma_start3A_24 = arith.constant 0 : i32
    %dma_start3A_25 = arith.constant 0 : i32
    %dma_start3A_26 = tpu.memref_slice %arg2[%dma_start3A_23, %mul3A_6, %dma_start3A_24, %dma_start3A_25] : memref<8x7936x8x128xf32, #tpu.memory_space<hbm>> -> memref<8x2x8x128xf32, #tpu.memory_space<hbm>>
    tpu.enqueue_dma source(%dma_start3A_26 : memref<8x2x8x128xf32, #tpu.memory_space<hbm>>) target(%dma_start3A_22 : memref<8x2x8x128xf32, #tpu.memory_space<vmem>>) target_semaphore(%arg6 : memref<!tpu.dma_semaphore, #tpu.memory_space<semaphore_mem>>)
    %scan3A = arith.constant 0 : i32
    %scan3A_27 = arith.constant 62 : i32
    %scan3A_28 = arith.addi %scan3A, %scan3A_27 : i32
    %scan3A_29 = arith.constant 1 : i32
    scf.for %scan3A_64 = %scan3A to %scan3A_28 step %scan3A_29  : i32 {
      %mul3A_65 = arith.constant 2 : i32
      %mul3A_66 = arith.muli %scan3A_64, %mul3A_65 : i32
      %add3A_67 = arith.constant 0 : i32
      %add3A_68 = arith.addi %add3A_67, %mul3A_66 : i32
      %add3A_69 = arith.constant 0 : i32
      %add3A_70 = arith.addi %add3A_68, %add3A_69 : i32
      %add3A_71 = arith.constant 1 : i32
      %add3A_72 = arith.addi %add3A_70, %add3A_71 : i32
      %lt3A = arith.constant 124 : i32
      %lt3A_73 = arith.cmpi slt, %add3A_72, %lt3A : i32
      %convert_element_type3A = arith.extui %lt3A_73 : i1 to i32
      %cond3A = arith.constant 0 : i32
      %cond3A_74 = arith.cmpi ne, %convert_element_type3A, %cond3A : i32
      scf.if %cond3A_74 {
        %add3A_178 = arith.constant 1 : i32
        %add3A_179 = arith.addi %add3A_70, %add3A_178 : i32
        %add3A_180 = arith.addi %mul3A_2, %add3A_179 : i32
        %mul3A_181 = arith.constant 2 : i32
        %mul3A_182 = arith.muli %add3A_180, %mul3A_181 : i32
        %dma_start3A_183 = arith.constant 1 : i32
        %dma_start3A_184 = arith.constant 0 : i32
        %dma_start3A_185 = arith.constant 0 : i32
        %dma_start3A_186 = arith.constant 0 : i32
        %dma_start3A_187 = arith.constant 0 : i32
        %dma_start3A_188 = tpu.memref_slice %arg4[%dma_start3A_183, %dma_start3A_184, %dma_start3A_185, %dma_start3A_186, %dma_start3A_187] : memref<2x8x2x8x128xf32, #tpu.memory_space<vmem>> -> memref<1x8x2x8x128xf32, #tpu.memory_space<vmem>>
        %dma_start3A_189 = tpu.memref_squeeze %dma_start3A_188 : memref<1x8x2x8x128xf32, #tpu.memory_space<vmem>> -> memref<8x2x8x128xf32, #tpu.memory_space<vmem>>
        %dma_start3A_190 = arith.constant 0 : i32
        %dma_start3A_191 = arith.constant 0 : i32
        %dma_start3A_192 = arith.constant 0 : i32
        %dma_start3A_193 = tpu.memref_slice %arg2[%dma_start3A_190, %mul3A_182, %dma_start3A_191, %dma_start3A_192] : memref<8x7936x8x128xf32, #tpu.memory_space<hbm>> -> memref<8x2x8x128xf32, #tpu.memory_space<hbm>>
        %dma_start3A_194 = arith.constant 0 : i32
        %dma_start3A_195 = arith.constant 0 : i32
        %dma_start3A_196 = arith.constant 0 : i32
        %dma_start3A_197 = arith.constant 0 : i32
        %dma_start3A_198 = tpu.memref_slice %arg4[%dma_start3A_183, %dma_start3A_194, %dma_start3A_195, %dma_start3A_196, %dma_start3A_197] : memref<2x8x2x8x128xf32, #tpu.memory_space<vmem>> -> memref<1x8x2x8x128xf32, #tpu.memory_space<vmem>>
        %dma_start3A_199 = tpu.memref_squeeze %dma_start3A_198 : memref<1x8x2x8x128xf32, #tpu.memory_space<vmem>> -> memref<8x2x8x128xf32, #tpu.memory_space<vmem>>
        %dma_start3A_200 = arith.constant 0 : i32
        %dma_start3A_201 = arith.constant 0 : i32
        %dma_start3A_202 = arith.constant 0 : i32
        %dma_start3A_203 = tpu.memref_slice %arg2[%dma_start3A_200, %mul3A_182, %dma_start3A_201, %dma_start3A_202] : memref<8x7936x8x128xf32, #tpu.memory_space<hbm>> -> memref<8x2x8x128xf32, #tpu.memory_space<hbm>>
        tpu.enqueue_dma source(%dma_start3A_203 : memref<8x2x8x128xf32, #tpu.memory_space<hbm>>) target(%dma_start3A_199 : memref<8x2x8x128xf32, #tpu.memory_space<vmem>>) target_semaphore(%arg7 : memref<!tpu.dma_semaphore, #tpu.memory_space<semaphore_mem>>)
      } else {
      }
      %ge3A = arith.constant 2 : i32
      %ge3A_75 = arith.cmpi sge, %add3A_70, %ge3A : i32
      %convert_element_type3A_76 = arith.extui %ge3A_75 : i1 to i32
      %cond3A_77 = arith.constant 0 : i32
      %cond3A_78 = arith.cmpi ne, %convert_element_type3A_76, %cond3A_77 : i32
      scf.if %cond3A_78 {
        %sub3A = arith.constant 2 : i32
        %sub3A_178 = arith.subi %add3A_70, %sub3A : i32
        %add3A_179 = arith.addi %mul3A_2, %sub3A_178 : i32
        %mul3A_180 = arith.constant 256 : i32
        %mul3A_181 = arith.muli %add3A_179, %mul3A_180 : i32
        %dma_wait3A_182 = arith.constant 0 : i32
        %dma_wait3A_183 = arith.constant 0 : i32
        %dma_wait3A_184 = arith.constant 0 : i32
        %dma_wait3A_185 = tpu.memref_slice %arg5[%dma_wait3A_182, %dma_wait3A_183, %dma_wait3A_184] : memref<2x256x65xf32, #tpu.memory_space<vmem>> -> memref<1x256x64xf32, #tpu.memory_space<vmem>>
        %dma_wait3A_186 = tpu.memref_squeeze %dma_wait3A_185 : memref<1x256x64xf32, #tpu.memory_space<vmem>> -> memref<256x64xf32, #tpu.memory_space<vmem>>
        %dma_wait3A_187 = arith.constant 0 : i32
        %dma_wait3A_188 = tpu.memref_slice %arg3[%mul3A_181, %dma_wait3A_187] : memref<1015808x64xf32, #tpu.memory_space<hbm>> -> memref<256x64xf32, #tpu.memory_space<hbm>>
        %dma_wait3A_189 = arith.constant 0 : i32
        %dma_wait3A_190 = tpu.memref_slice %arg3[%mul3A_181, %dma_wait3A_189] : memref<1015808x64xf32, #tpu.memory_space<hbm>> -> memref<256x64xf32, #tpu.memory_space<hbm>>
        %dma_wait3A_191 = arith.constant 0 : i32
        %dma_wait3A_192 = arith.constant 0 : i32
        %dma_wait3A_193 = tpu.memref_slice %arg5[%dma_wait3A_182, %dma_wait3A_191, %dma_wait3A_192] : memref<2x256x65xf32, #tpu.memory_space<vmem>> -> memref<1x256x64xf32, #tpu.memory_space<vmem>>
        %dma_wait3A_194 = tpu.memref_squeeze %dma_wait3A_193 : memref<1x256x64xf32, #tpu.memory_space<vmem>> -> memref<256x64xf32, #tpu.memory_space<vmem>>
        tpu.wait_dma2 semaphore(%arg8 : memref<!tpu.dma_semaphore, #tpu.memory_space<semaphore_mem>>) src(%dma_wait3A_194 : memref<256x64xf32, #tpu.memory_space<vmem>>) dst(%dma_wait3A_190 : memref<256x64xf32, #tpu.memory_space<hbm>>)
      } else {
      }
      %add3A_79 = arith.addi %mul3A_2, %add3A_70 : i32
      %mul3A_80 = arith.constant 2 : i32
      %mul3A_81 = arith.muli %add3A_79, %mul3A_80 : i32
      %dma_wait3A_82 = arith.constant 0 : i32
      %dma_wait3A_83 = arith.constant 0 : i32
      %dma_wait3A_84 = arith.constant 0 : i32
      %dma_wait3A_85 = arith.constant 0 : i32
      %dma_wait3A_86 = arith.constant 0 : i32
      %dma_wait3A_87 = tpu.memref_slice %arg4[%dma_wait3A_82, %dma_wait3A_83, %dma_wait3A_84, %dma_wait3A_85, %dma_wait3A_86] : memref<2x8x2x8x128xf32, #tpu.memory_space<vmem>> -> memref<1x8x2x8x128xf32, #tpu.memory_space<vmem>>
      %dma_wait3A_88 = tpu.memref_squeeze %dma_wait3A_87 : memref<1x8x2x8x128xf32, #tpu.memory_space<vmem>> -> memref<8x2x8x128xf32, #tpu.memory_space<vmem>>
      %dma_wait3A_89 = arith.constant 0 : i32
      %dma_wait3A_90 = arith.constant 0 : i32
      %dma_wait3A_91 = arith.constant 0 : i32
      %dma_wait3A_92 = tpu.memref_slice %arg2[%dma_wait3A_89, %mul3A_81, %dma_wait3A_90, %dma_wait3A_91] : memref<8x7936x8x128xf32, #tpu.memory_space<hbm>> -> memref<8x2x8x128xf32, #tpu.memory_space<hbm>>
      %dma_wait3A_93 = arith.constant 0 : i32
      %dma_wait3A_94 = arith.constant 0 : i32
      %dma_wait3A_95 = arith.constant 0 : i32
      %dma_wait3A_96 = arith.constant 0 : i32
      %dma_wait3A_97 = tpu.memref_slice %arg4[%dma_wait3A_82, %dma_wait3A_93, %dma_wait3A_94, %dma_wait3A_95, %dma_wait3A_96] : memref<2x8x2x8x128xf32, #tpu.memory_space<vmem>> -> memref<1x8x2x8x128xf32, #tpu.memory_space<vmem>>
      %dma_wait3A_98 = tpu.memref_squeeze %dma_wait3A_97 : memref<1x8x2x8x128xf32, #tpu.memory_space<vmem>> -> memref<8x2x8x128xf32, #tpu.memory_space<vmem>>
      %dma_wait3A_99 = arith.constant 0 : i32
      %dma_wait3A_100 = arith.constant 0 : i32
      %dma_wait3A_101 = arith.constant 0 : i32
      %dma_wait3A_102 = tpu.memref_slice %arg2[%dma_wait3A_99, %mul3A_81, %dma_wait3A_100, %dma_wait3A_101] : memref<8x7936x8x128xf32, #tpu.memory_space<hbm>> -> memref<8x2x8x128xf32, #tpu.memory_space<hbm>>
      tpu.wait_dma2 semaphore(%arg6 : memref<!tpu.dma_semaphore, #tpu.memory_space<semaphore_mem>>) src(%dma_wait3A_102 : memref<8x2x8x128xf32, #tpu.memory_space<hbm>>) dst(%dma_wait3A_98 : memref<8x2x8x128xf32, #tpu.memory_space<vmem>>)
      %parallel_loop3A = arith.constant 0 : i32
      %parallel_loop3A_103 = arith.constant 64 : i32
      %parallel_loop3A_104 = arith.constant 1 : i32
      scf.for %parallel_loop3A_178 = %parallel_loop3A to %parallel_loop3A_103 step %parallel_loop3A_104  : i32 {
        %parallel_loop3A_179 = arith.constant 0 : i32
        %parallel_loop3A_180 = vector.broadcast %parallel_loop3A_179 : i32 to vector<16xi32>
        %parallel_loop3A_181 = arith.muli %iota3A, %parallel_loop3A_180 : vector<16xi32>
        %parallel_loop3A_182 = vector.broadcast %parallel_loop3A_178 : i32 to vector<16xi32>
        %parallel_loop3A_183 = arith.addi %parallel_loop3A_181, %parallel_loop3A_182 : vector<16xi32>
        %parallel_loop3A_184 = arith.constant 3 : i32
        %parallel_loop3A_185 = arith.shrsi %parallel_loop3A_178, %parallel_loop3A_184 : i32
        %parallel_loop3A_186 = arith.constant 7 : i32
        %parallel_loop3A_187 = arith.andi %parallel_loop3A_178, %parallel_loop3A_186 : i32
        %parallel_loop3A_188 = arith.constant 0 : i32
        %parallel_loop3A_189 = arith.constant 0 : i32
        %parallel_loop3A_190 = arith.index_cast %parallel_loop3A_188 : i32 to index
        %parallel_loop3A_191 = arith.index_cast %parallel_loop3A_185 : i32 to index
        %parallel_loop3A_192 = arith.index_cast %parallel_loop3A_189 : i32 to index
        %parallel_loop3A_193 = arith.index_cast %parallel_loop3A_187 : i32 to index
        %parallel_loop3A_194 = arith.constant 0 : index
        %parallel_loop3A_195 = tpu.vector_load %arg4[%parallel_loop3A_190, %parallel_loop3A_191, %parallel_loop3A_192, %parallel_loop3A_193, %parallel_loop3A_194] {strides = array<i32>} : memref<2x8x2x8x128xf32, #tpu.memory_space<vmem>>, vector<16xf32>,
        %parallel_loop3A_196 = arith.constant 0 : i32
        %parallel_loop3A_197 = vector.broadcast %parallel_loop3A_196 : i32 to vector<16xi32>
        %parallel_loop3A_198 = arith.addi %iota3A, %parallel_loop3A_197 : vector<16xi32>
        %parallel_loop3A_199 = arith.constant 0 : i32
        %parallel_loop3A_200 = arith.constant 0 : i32
        %parallel_loop3A_201 = arith.constant 0 : i32
        %parallel_loop3A_202 = tpu.memref_slice %arg5[%parallel_loop3A_199, %parallel_loop3A_200, %parallel_loop3A_201] : memref<2x256x65xf32, #tpu.memory_space<vmem>> -> memref<1x256x65xf32, #tpu.memory_space<vmem>>
        %parallel_loop3A_203 = tpu.memref_squeeze %parallel_loop3A_202 : memref<1x256x65xf32, #tpu.memory_space<vmem>> -> memref<256x65xf32, #tpu.memory_space<vmem>>
        tpu.vector_store_idx %parallel_loop3A_203[%parallel_loop3A_198, %parallel_loop3A_183], %parallel_loop3A_195 : memref<256x65xf32, #tpu.memory_space<vmem>>[vector<16xi32>, vector<16xi32>], vector<16xf32>,
        %parallel_loop3A_204 = arith.constant 0 : i32
        %parallel_loop3A_205 = arith.constant 0 : i32
        %parallel_loop3A_206 = arith.index_cast %parallel_loop3A_204 : i32 to index
        %parallel_loop3A_207 = arith.index_cast %parallel_loop3A_185 : i32 to index
        %parallel_loop3A_208 = arith.index_cast %parallel_loop3A_205 : i32 to index
        %parallel_loop3A_209 = arith.index_cast %parallel_loop3A_187 : i32 to index
        %parallel_loop3A_210 = arith.constant 16 : index
        %parallel_loop3A_211 = tpu.vector_load %arg4[%parallel_loop3A_206, %parallel_loop3A_207, %parallel_loop3A_208, %parallel_loop3A_209, %parallel_loop3A_210] {strides = array<i32>} : memref<2x8x2x8x128xf32, #tpu.memory_space<vmem>>, vector<16xf32>,
        %parallel_loop3A_212 = arith.constant 16 : i32
        %parallel_loop3A_213 = vector.broadcast %parallel_loop3A_212 : i32 to vector<16xi32>
        %parallel_loop3A_214 = arith.addi %iota3A, %parallel_loop3A_213 : vector<16xi32>
        %parallel_loop3A_215 = arith.constant 0 : i32
        %parallel_loop3A_216 = arith.constant 0 : i32
        %parallel_loop3A_217 = arith.constant 0 : i32
        %parallel_loop3A_218 = tpu.memref_slice %arg5[%parallel_loop3A_215, %parallel_loop3A_216, %parallel_loop3A_217] : memref<2x256x65xf32, #tpu.memory_space<vmem>> -> memref<1x256x65xf32, #tpu.memory_space<vmem>>
        %parallel_loop3A_219 = tpu.memref_squeeze %parallel_loop3A_218 : memref<1x256x65xf32, #tpu.memory_space<vmem>> -> memref<256x65xf32, #tpu.memory_space<vmem>>
        tpu.vector_store_idx %parallel_loop3A_219[%parallel_loop3A_214, %parallel_loop3A_183], %parallel_loop3A_211 : memref<256x65xf32, #tpu.memory_space<vmem>>[vector<16xi32>, vector<16xi32>], vector<16xf32>,
        %parallel_loop3A_220 = arith.constant 0 : i32
        %parallel_loop3A_221 = arith.constant 0 : i32
        %parallel_loop3A_222 = arith.index_cast %parallel_loop3A_220 : i32 to index
        %parallel_loop3A_223 = arith.index_cast %parallel_loop3A_185 : i32 to index
        %parallel_loop3A_224 = arith.index_cast %parallel_loop3A_221 : i32 to index
        %parallel_loop3A_225 = arith.index_cast %parallel_loop3A_187 : i32 to index
        %parallel_loop3A_226 = arith.constant 32 : index
        %parallel_loop3A_227 = tpu.vector_load %arg4[%parallel_loop3A_222, %parallel_loop3A_223, %parallel_loop3A_224, %parallel_loop3A_225, %parallel_loop3A_226] {strides = array<i32>} : memref<2x8x2x8x128xf32, #tpu.memory_space<vmem>>, vector<16xf32>,
        %parallel_loop3A_228 = arith.constant 32 : i32
        %parallel_loop3A_229 = vector.broadcast %parallel_loop3A_228 : i32 to vector<16xi32>
        %parallel_loop3A_230 = arith.addi %iota3A, %parallel_loop3A_229 : vector<16xi32>
        %parallel_loop3A_231 = arith.constant 0 : i32
        %parallel_loop3A_232 = arith.constant 0 : i32
        %parallel_loop3A_233 = arith.constant 0 : i32
        %parallel_loop3A_234 = tpu.memref_slice %arg5[%parallel_loop3A_231, %parallel_loop3A_232, %parallel_loop3A_233] : memref<2x256x65xf32, #tpu.memory_space<vmem>> -> memref<1x256x65xf32, #tpu.memory_space<vmem>>
        %parallel_loop3A_235 = tpu.memref_squeeze %parallel_loop3A_234 : memref<1x256x65xf32, #tpu.memory_space<vmem>> -> memref<256x65xf32, #tpu.memory_space<vmem>>
        tpu.vector_store_idx %parallel_loop3A_235[%parallel_loop3A_230, %parallel_loop3A_183], %parallel_loop3A_227 : memref<256x65xf32, #tpu.memory_space<vmem>>[vector<16xi32>, vector<16xi32>], vector<16xf32>,
        %parallel_loop3A_236 = arith.constant 0 : i32
        %parallel_loop3A_237 = arith.constant 0 : i32
        %parallel_loop3A_238 = arith.index_cast %parallel_loop3A_236 : i32 to index
        %parallel_loop3A_239 = arith.index_cast %parallel_loop3A_185 : i32 to index
        %parallel_loop3A_240 = arith.index_cast %parallel_loop3A_237 : i32 to index
        %parallel_loop3A_241 = arith.index_cast %parallel_loop3A_187 : i32 to index
        %parallel_loop3A_242 = arith.constant 48 : index
        %parallel_loop3A_243 = tpu.vector_load %arg4[%parallel_loop3A_238, %parallel_loop3A_239, %parallel_loop3A_240, %parallel_loop3A_241, %parallel_loop3A_242] {strides = array<i32>} : memref<2x8x2x8x128xf32, #tpu.memory_space<vmem>>, vector<16xf32>,
        %parallel_loop3A_244 = arith.constant 48 : i32
        %parallel_loop3A_245 = vector.broadcast %parallel_loop3A_244 : i32 to vector<16xi32>
        %parallel_loop3A_246 = arith.addi %iota3A, %parallel_loop3A_245 : vector<16xi32>
        %parallel_loop3A_247 = arith.constant 0 : i32
        %parallel_loop3A_248 = arith.constant 0 : i32
        %parallel_loop3A_249 = arith.constant 0 : i32
        %parallel_loop3A_250 = tpu.memref_slice %arg5[%parallel_loop3A_247, %parallel_loop3A_248, %parallel_loop3A_249] : memref<2x256x65xf32, #tpu.memory_space<vmem>> -> memref<1x256x65xf32, #tpu.memory_space<vmem>>
        %parallel_loop3A_251 = tpu.memref_squeeze %parallel_loop3A_250 : memref<1x256x65xf32, #tpu.memory_space<vmem>> -> memref<256x65xf32, #tpu.memory_space<vmem>>
        tpu.vector_store_idx %parallel_loop3A_251[%parallel_loop3A_246, %parallel_loop3A_183], %parallel_loop3A_243 : memref<256x65xf32, #tpu.memory_space<vmem>>[vector<16xi32>, vector<16xi32>], vector<16xf32>,
        %parallel_loop3A_252 = arith.constant 0 : i32
        %parallel_loop3A_253 = arith.constant 0 : i32
        %parallel_loop3A_254 = arith.index_cast %parallel_loop3A_252 : i32 to index
        %parallel_loop3A_255 = arith.index_cast %parallel_loop3A_185 : i32 to index
        %parallel_loop3A_256 = arith.index_cast %parallel_loop3A_253 : i32 to index
        %parallel_loop3A_257 = arith.index_cast %parallel_loop3A_187 : i32 to index
        %parallel_loop3A_258 = arith.constant 64 : index
        %parallel_loop3A_259 = tpu.vector_load %arg4[%parallel_loop3A_254, %parallel_loop3A_255, %parallel_loop3A_256, %parallel_loop3A_257, %parallel_loop3A_258] {strides = array<i32>} : memref<2x8x2x8x128xf32, #tpu.memory_space<vmem>>, vector<16xf32>,
        %parallel_loop3A_260 = arith.constant 64 : i32
        %parallel_loop3A_261 = vector.broadcast %parallel_loop3A_260 : i32 to vector<16xi32>
        %parallel_loop3A_262 = arith.addi %iota3A, %parallel_loop3A_261 : vector<16xi32>
        %parallel_loop3A_263 = arith.constant 0 : i32
        %parallel_loop3A_264 = arith.constant 0 : i32
        %parallel_loop3A_265 = arith.constant 0 : i32
        %parallel_loop3A_266 = tpu.memref_slice %arg5[%parallel_loop3A_263, %parallel_loop3A_264, %parallel_loop3A_265] : memref<2x256x65xf32, #tpu.memory_space<vmem>> -> memref<1x256x65xf32, #tpu.memory_space<vmem>>
        %parallel_loop3A_267 = tpu.memref_squeeze %parallel_loop3A_266 : memref<1x256x65xf32, #tpu.memory_space<vmem>> -> memref<256x65xf32, #tpu.memory_space<vmem>>
        tpu.vector_store_idx %parallel_loop3A_267[%parallel_loop3A_262, %parallel_loop3A_183], %parallel_loop3A_259 : memref<256x65xf32, #tpu.memory_space<vmem>>[vector<16xi32>, vector<16xi32>], vector<16xf32>,
        %parallel_loop3A_268 = arith.constant 0 : i32
        %parallel_loop3A_269 = arith.constant 0 : i32
        %parallel_loop3A_270 = arith.index_cast %parallel_loop3A_268 : i32 to index
        %parallel_loop3A_271 = arith.index_cast %parallel_loop3A_185 : i32 to index
        %parallel_loop3A_272 = arith.index_cast %parallel_loop3A_269 : i32 to index
        %parallel_loop3A_273 = arith.index_cast %parallel_loop3A_187 : i32 to index
        %parallel_loop3A_274 = arith.constant 80 : index
        %parallel_loop3A_275 = tpu.vector_load %arg4[%parallel_loop3A_270, %parallel_loop3A_271, %parallel_loop3A_272, %parallel_loop3A_273, %parallel_loop3A_274] {strides = array<i32>} : memref<2x8x2x8x128xf32, #tpu.memory_space<vmem>>, vector<16xf32>,
        %parallel_loop3A_276 = arith.constant 80 : i32
        %parallel_loop3A_277 = vector.broadcast %parallel_loop3A_276 : i32 to vector<16xi32>
        %parallel_loop3A_278 = arith.addi %iota3A, %parallel_loop3A_277 : vector<16xi32>
        %parallel_loop3A_279 = arith.constant 0 : i32
        %parallel_loop3A_280 = arith.constant 0 : i32
        %parallel_loop3A_281 = arith.constant 0 : i32
        %parallel_loop3A_282 = tpu.memref_slice %arg5[%parallel_loop3A_279, %parallel_loop3A_280, %parallel_loop3A_281] : memref<2x256x65xf32, #tpu.memory_space<vmem>> -> memref<1x256x65xf32, #tpu.memory_space<vmem>>
        %parallel_loop3A_283 = tpu.memref_squeeze %parallel_loop3A_282 : memref<1x256x65xf32, #tpu.memory_space<vmem>> -> memref<256x65xf32, #tpu.memory_space<vmem>>
        tpu.vector_store_idx %parallel_loop3A_283[%parallel_loop3A_278, %parallel_loop3A_183], %parallel_loop3A_275 : memref<256x65xf32, #tpu.memory_space<vmem>>[vector<16xi32>, vector<16xi32>], vector<16xf32>,
        %parallel_loop3A_284 = arith.constant 0 : i32
        %parallel_loop3A_285 = arith.constant 0 : i32
        %parallel_loop3A_286 = arith.index_cast %parallel_loop3A_284 : i32 to index
        %parallel_loop3A_287 = arith.index_cast %parallel_loop3A_185 : i32 to index
        %parallel_loop3A_288 = arith.index_cast %parallel_loop3A_285 : i32 to index
        %parallel_loop3A_289 = arith.index_cast %parallel_loop3A_187 : i32 to index
        %parallel_loop3A_290 = arith.constant 96 : index
        %parallel_loop3A_291 = tpu.vector_load %arg4[%parallel_loop3A_286, %parallel_loop3A_287, %parallel_loop3A_288, %parallel_loop3A_289, %parallel_loop3A_290] {strides = array<i32>} : memref<2x8x2x8x128xf32, #tpu.memory_space<vmem>>, vector<16xf32>,
        %parallel_loop3A_292 = arith.constant 96 : i32
        %parallel_loop3A_293 = vector.broadcast %parallel_loop3A_292 : i32 to vector<16xi32>
        %parallel_loop3A_294 = arith.addi %iota3A, %parallel_loop3A_293 : vector<16xi32>
        %parallel_loop3A_295 = arith.constant 0 : i32
        %parallel_loop3A_296 = arith.constant 0 : i32
        %parallel_loop3A_297 = arith.constant 0 : i32
        %parallel_loop3A_298 = tpu.memref_slice %arg5[%parallel_loop3A_295, %parallel_loop3A_296, %parallel_loop3A_297] : memref<2x256x65xf32, #tpu.memory_space<vmem>> -> memref<1x256x65xf32, #tpu.memory_space<vmem>>
        %parallel_loop3A_299 = tpu.memref_squeeze %parallel_loop3A_298 : memref<1x256x65xf32, #tpu.memory_space<vmem>> -> memref<256x65xf32, #tpu.memory_space<vmem>>
        tpu.vector_store_idx %parallel_loop3A_299[%parallel_loop3A_294, %parallel_loop3A_183], %parallel_loop3A_291 : memref<256x65xf32, #tpu.memory_space<vmem>>[vector<16xi32>, vector<16xi32>], vector<16xf32>,
        %parallel_loop3A_300 = arith.constant 0 : i32
        %parallel_loop3A_301 = arith.constant 0 : i32
        %parallel_loop3A_302 = arith.index_cast %parallel_loop3A_300 : i32 to index
        %parallel_loop3A_303 = arith.index_cast %parallel_loop3A_185 : i32 to index
        %parallel_loop3A_304 = arith.index_cast %parallel_loop3A_301 : i32 to index
        %parallel_loop3A_305 = arith.index_cast %parallel_loop3A_187 : i32 to index
        %parallel_loop3A_306 = arith.constant 112 : index
        %parallel_loop3A_307 = tpu.vector_load %arg4[%parallel_loop3A_302, %parallel_loop3A_303, %parallel_loop3A_304, %parallel_loop3A_305, %parallel_loop3A_306] {strides = array<i32>} : memref<2x8x2x8x128xf32, #tpu.memory_space<vmem>>, vector<16xf32>,
        %parallel_loop3A_308 = arith.constant 112 : i32
        %parallel_loop3A_309 = vector.broadcast %parallel_loop3A_308 : i32 to vector<16xi32>
        %parallel_loop3A_310 = arith.addi %iota3A, %parallel_loop3A_309 : vector<16xi32>
        %parallel_loop3A_311 = arith.constant 0 : i32
        %parallel_loop3A_312 = arith.constant 0 : i32
        %parallel_loop3A_313 = arith.constant 0 : i32
        %parallel_loop3A_314 = tpu.memref_slice %arg5[%parallel_loop3A_311, %parallel_loop3A_312, %parallel_loop3A_313] : memref<2x256x65xf32, #tpu.memory_space<vmem>> -> memref<1x256x65xf32, #tpu.memory_space<vmem>>
        %parallel_loop3A_315 = tpu.memref_squeeze %parallel_loop3A_314 : memref<1x256x65xf32, #tpu.memory_space<vmem>> -> memref<256x65xf32, #tpu.memory_space<vmem>>
        tpu.vector_store_idx %parallel_loop3A_315[%parallel_loop3A_310, %parallel_loop3A_183], %parallel_loop3A_307 : memref<256x65xf32, #tpu.memory_space<vmem>>[vector<16xi32>, vector<16xi32>], vector<16xf32>,
        %parallel_loop3A_316 = arith.constant 0 : i32
        %parallel_loop3A_317 = arith.constant 1 : i32
        %parallel_loop3A_318 = arith.index_cast %parallel_loop3A_316 : i32 to index
        %parallel_loop3A_319 = arith.index_cast %parallel_loop3A_185 : i32 to index
        %parallel_loop3A_320 = arith.index_cast %parallel_loop3A_317 : i32 to index
        %parallel_loop3A_321 = arith.index_cast %parallel_loop3A_187 : i32 to index
        %parallel_loop3A_322 = arith.constant 0 : index
        %parallel_loop3A_323 = tpu.vector_load %arg4[%parallel_loop3A_318, %parallel_loop3A_319, %parallel_loop3A_320, %parallel_loop3A_321, %parallel_loop3A_322] {strides = array<i32>} : memref<2x8x2x8x128xf32, #tpu.memory_space<vmem>>, vector<16xf32>,
        %parallel_loop3A_324 = arith.constant 128 : i32
        %parallel_loop3A_325 = vector.broadcast %parallel_loop3A_324 : i32 to vector<16xi32>
        %parallel_loop3A_326 = arith.addi %iota3A, %parallel_loop3A_325 : vector<16xi32>
        %parallel_loop3A_327 = arith.constant 0 : i32
        %parallel_loop3A_328 = arith.constant 0 : i32
        %parallel_loop3A_329 = arith.constant 0 : i32
        %parallel_loop3A_330 = tpu.memref_slice %arg5[%parallel_loop3A_327, %parallel_loop3A_328, %parallel_loop3A_329] : memref<2x256x65xf32, #tpu.memory_space<vmem>> -> memref<1x256x65xf32, #tpu.memory_space<vmem>>
        %parallel_loop3A_331 = tpu.memref_squeeze %parallel_loop3A_330 : memref<1x256x65xf32, #tpu.memory_space<vmem>> -> memref<256x65xf32, #tpu.memory_space<vmem>>
        tpu.vector_store_idx %parallel_loop3A_331[%parallel_loop3A_326, %parallel_loop3A_183], %parallel_loop3A_323 : memref<256x65xf32, #tpu.memory_space<vmem>>[vector<16xi32>, vector<16xi32>], vector<16xf32>,
        %parallel_loop3A_332 = arith.constant 0 : i32
        %parallel_loop3A_333 = arith.constant 1 : i32
        %parallel_loop3A_334 = arith.index_cast %parallel_loop3A_332 : i32 to index
        %parallel_loop3A_335 = arith.index_cast %parallel_loop3A_185 : i32 to index
        %parallel_loop3A_336 = arith.index_cast %parallel_loop3A_333 : i32 to index
        %parallel_loop3A_337 = arith.index_cast %parallel_loop3A_187 : i32 to index
        %parallel_loop3A_338 = arith.constant 16 : index
        %parallel_loop3A_339 = tpu.vector_load %arg4[%parallel_loop3A_334, %parallel_loop3A_335, %parallel_loop3A_336, %parallel_loop3A_337, %parallel_loop3A_338] {strides = array<i32>} : memref<2x8x2x8x128xf32, #tpu.memory_space<vmem>>, vector<16xf32>,
        %parallel_loop3A_340 = arith.constant 144 : i32
        %parallel_loop3A_341 = vector.broadcast %parallel_loop3A_340 : i32 to vector<16xi32>
        %parallel_loop3A_342 = arith.addi %iota3A, %parallel_loop3A_341 : vector<16xi32>
        %parallel_loop3A_343 = arith.constant 0 : i32
        %parallel_loop3A_344 = arith.constant 0 : i32
        %parallel_loop3A_345 = arith.constant 0 : i32
        %parallel_loop3A_346 = tpu.memref_slice %arg5[%parallel_loop3A_343, %parallel_loop3A_344, %parallel_loop3A_345] : memref<2x256x65xf32, #tpu.memory_space<vmem>> -> memref<1x256x65xf32, #tpu.memory_space<vmem>>
        %parallel_loop3A_347 = tpu.memref_squeeze %parallel_loop3A_346 : memref<1x256x65xf32, #tpu.memory_space<vmem>> -> memref<256x65xf32, #tpu.memory_space<vmem>>
        tpu.vector_store_idx %parallel_loop3A_347[%parallel_loop3A_342, %parallel_loop3A_183], %parallel_loop3A_339 : memref<256x65xf32, #tpu.memory_space<vmem>>[vector<16xi32>, vector<16xi32>], vector<16xf32>,
        %parallel_loop3A_348 = arith.constant 0 : i32
        %parallel_loop3A_349 = arith.constant 1 : i32
        %parallel_loop3A_350 = arith.index_cast %parallel_loop3A_348 : i32 to index
        %parallel_loop3A_351 = arith.index_cast %parallel_loop3A_185 : i32 to index
        %parallel_loop3A_352 = arith.index_cast %parallel_loop3A_349 : i32 to index
        %parallel_loop3A_353 = arith.index_cast %parallel_loop3A_187 : i32 to index
        %parallel_loop3A_354 = arith.constant 32 : index
        %parallel_loop3A_355 = tpu.vector_load %arg4[%parallel_loop3A_350, %parallel_loop3A_351, %parallel_loop3A_352, %parallel_loop3A_353, %parallel_loop3A_354] {strides = array<i32>} : memref<2x8x2x8x128xf32, #tpu.memory_space<vmem>>, vector<16xf32>,
        %parallel_loop3A_356 = arith.constant 160 : i32
        %parallel_loop3A_357 = vector.broadcast %parallel_loop3A_356 : i32 to vector<16xi32>
        %parallel_loop3A_358 = arith.addi %iota3A, %parallel_loop3A_357 : vector<16xi32>
        %parallel_loop3A_359 = arith.constant 0 : i32
        %parallel_loop3A_360 = arith.constant 0 : i32
        %parallel_loop3A_361 = arith.constant 0 : i32
        %parallel_loop3A_362 = tpu.memref_slice %arg5[%parallel_loop3A_359, %parallel_loop3A_360, %parallel_loop3A_361] : memref<2x256x65xf32, #tpu.memory_space<vmem>> -> memref<1x256x65xf32, #tpu.memory_space<vmem>>
        %parallel_loop3A_363 = tpu.memref_squeeze %parallel_loop3A_362 : memref<1x256x65xf32, #tpu.memory_space<vmem>> -> memref<256x65xf32, #tpu.memory_space<vmem>>
        tpu.vector_store_idx %parallel_loop3A_363[%parallel_loop3A_358, %parallel_loop3A_183], %parallel_loop3A_355 : memref<256x65xf32, #tpu.memory_space<vmem>>[vector<16xi32>, vector<16xi32>], vector<16xf32>,
        %parallel_loop3A_364 = arith.constant 0 : i32
        %parallel_loop3A_365 = arith.constant 1 : i32
        %parallel_loop3A_366 = arith.index_cast %parallel_loop3A_364 : i32 to index
        %parallel_loop3A_367 = arith.index_cast %parallel_loop3A_185 : i32 to index
        %parallel_loop3A_368 = arith.index_cast %parallel_loop3A_365 : i32 to index
        %parallel_loop3A_369 = arith.index_cast %parallel_loop3A_187 : i32 to index
        %parallel_loop3A_370 = arith.constant 48 : index
        %parallel_loop3A_371 = tpu.vector_load %arg4[%parallel_loop3A_366, %parallel_loop3A_367, %parallel_loop3A_368, %parallel_loop3A_369, %parallel_loop3A_370] {strides = array<i32>} : memref<2x8x2x8x128xf32, #tpu.memory_space<vmem>>, vector<16xf32>,
        %parallel_loop3A_372 = arith.constant 176 : i32
        %parallel_loop3A_373 = vector.broadcast %parallel_loop3A_372 : i32 to vector<16xi32>
        %parallel_loop3A_374 = arith.addi %iota3A, %parallel_loop3A_373 : vector<16xi32>
        %parallel_loop3A_375 = arith.constant 0 : i32
        %parallel_loop3A_376 = arith.constant 0 : i32
        %parallel_loop3A_377 = arith.constant 0 : i32
        %parallel_loop3A_378 = tpu.memref_slice %arg5[%parallel_loop3A_375, %parallel_loop3A_376, %parallel_loop3A_377] : memref<2x256x65xf32, #tpu.memory_space<vmem>> -> memref<1x256x65xf32, #tpu.memory_space<vmem>>
        %parallel_loop3A_379 = tpu.memref_squeeze %parallel_loop3A_378 : memref<1x256x65xf32, #tpu.memory_space<vmem>> -> memref<256x65xf32, #tpu.memory_space<vmem>>
        tpu.vector_store_idx %parallel_loop3A_379[%parallel_loop3A_374, %parallel_loop3A_183], %parallel_loop3A_371 : memref<256x65xf32, #tpu.memory_space<vmem>>[vector<16xi32>, vector<16xi32>], vector<16xf32>,
        %parallel_loop3A_380 = arith.constant 0 : i32
        %parallel_loop3A_381 = arith.constant 1 : i32
        %parallel_loop3A_382 = arith.index_cast %parallel_loop3A_380 : i32 to index
        %parallel_loop3A_383 = arith.index_cast %parallel_loop3A_185 : i32 to index
        %parallel_loop3A_384 = arith.index_cast %parallel_loop3A_381 : i32 to index
        %parallel_loop3A_385 = arith.index_cast %parallel_loop3A_187 : i32 to index
        %parallel_loop3A_386 = arith.constant 64 : index
        %parallel_loop3A_387 = tpu.vector_load %arg4[%parallel_loop3A_382, %parallel_loop3A_383, %parallel_loop3A_384, %parallel_loop3A_385, %parallel_loop3A_386] {strides = array<i32>} : memref<2x8x2x8x128xf32, #tpu.memory_space<vmem>>, vector<16xf32>,
        %parallel_loop3A_388 = arith.constant 192 : i32
        %parallel_loop3A_389 = vector.broadcast %parallel_loop3A_388 : i32 to vector<16xi32>
        %parallel_loop3A_390 = arith.addi %iota3A, %parallel_loop3A_389 : vector<16xi32>
        %parallel_loop3A_391 = arith.constant 0 : i32
        %parallel_loop3A_392 = arith.constant 0 : i32
        %parallel_loop3A_393 = arith.constant 0 : i32
        %parallel_loop3A_394 = tpu.memref_slice %arg5[%parallel_loop3A_391, %parallel_loop3A_392, %parallel_loop3A_393] : memref<2x256x65xf32, #tpu.memory_space<vmem>> -> memref<1x256x65xf32, #tpu.memory_space<vmem>>
        %parallel_loop3A_395 = tpu.memref_squeeze %parallel_loop3A_394 : memref<1x256x65xf32, #tpu.memory_space<vmem>> -> memref<256x65xf32, #tpu.memory_space<vmem>>
        tpu.vector_store_idx %parallel_loop3A_395[%parallel_loop3A_390, %parallel_loop3A_183], %parallel_loop3A_387 : memref<256x65xf32, #tpu.memory_space<vmem>>[vector<16xi32>, vector<16xi32>], vector<16xf32>,
        %parallel_loop3A_396 = arith.constant 0 : i32
        %parallel_loop3A_397 = arith.constant 1 : i32
        %parallel_loop3A_398 = arith.index_cast %parallel_loop3A_396 : i32 to index
        %parallel_loop3A_399 = arith.index_cast %parallel_loop3A_185 : i32 to index
        %parallel_loop3A_400 = arith.index_cast %parallel_loop3A_397 : i32 to index
        %parallel_loop3A_401 = arith.index_cast %parallel_loop3A_187 : i32 to index
        %parallel_loop3A_402 = arith.constant 80 : index
        %parallel_loop3A_403 = tpu.vector_load %arg4[%parallel_loop3A_398, %parallel_loop3A_399, %parallel_loop3A_400, %parallel_loop3A_401, %parallel_loop3A_402] {strides = array<i32>} : memref<2x8x2x8x128xf32, #tpu.memory_space<vmem>>, vector<16xf32>,
        %parallel_loop3A_404 = arith.constant 208 : i32
        %parallel_loop3A_405 = vector.broadcast %parallel_loop3A_404 : i32 to vector<16xi32>
        %parallel_loop3A_406 = arith.addi %iota3A, %parallel_loop3A_405 : vector<16xi32>
        %parallel_loop3A_407 = arith.constant 0 : i32
        %parallel_loop3A_408 = arith.constant 0 : i32
        %parallel_loop3A_409 = arith.constant 0 : i32
        %parallel_loop3A_410 = tpu.memref_slice %arg5[%parallel_loop3A_407, %parallel_loop3A_408, %parallel_loop3A_409] : memref<2x256x65xf32, #tpu.memory_space<vmem>> -> memref<1x256x65xf32, #tpu.memory_space<vmem>>
        %parallel_loop3A_411 = tpu.memref_squeeze %parallel_loop3A_410 : memref<1x256x65xf32, #tpu.memory_space<vmem>> -> memref<256x65xf32, #tpu.memory_space<vmem>>
        tpu.vector_store_idx %parallel_loop3A_411[%parallel_loop3A_406, %parallel_loop3A_183], %parallel_loop3A_403 : memref<256x65xf32, #tpu.memory_space<vmem>>[vector<16xi32>, vector<16xi32>], vector<16xf32>,
        %parallel_loop3A_412 = arith.constant 0 : i32
        %parallel_loop3A_413 = arith.constant 1 : i32
        %parallel_loop3A_414 = arith.index_cast %parallel_loop3A_412 : i32 to index
        %parallel_loop3A_415 = arith.index_cast %parallel_loop3A_185 : i32 to index
        %parallel_loop3A_416 = arith.index_cast %parallel_loop3A_413 : i32 to index
        %parallel_loop3A_417 = arith.index_cast %parallel_loop3A_187 : i32 to index
        %parallel_loop3A_418 = arith.constant 96 : index
        %parallel_loop3A_419 = tpu.vector_load %arg4[%parallel_loop3A_414, %parallel_loop3A_415, %parallel_loop3A_416, %parallel_loop3A_417, %parallel_loop3A_418] {strides = array<i32>} : memref<2x8x2x8x128xf32, #tpu.memory_space<vmem>>, vector<16xf32>,
        %parallel_loop3A_420 = arith.constant 224 : i32
        %parallel_loop3A_421 = vector.broadcast %parallel_loop3A_420 : i32 to vector<16xi32>
        %parallel_loop3A_422 = arith.addi %iota3A, %parallel_loop3A_421 : vector<16xi32>
        %parallel_loop3A_423 = arith.constant 0 : i32
        %parallel_loop3A_424 = arith.constant 0 : i32
        %parallel_loop3A_425 = arith.constant 0 : i32
        %parallel_loop3A_426 = tpu.memref_slice %arg5[%parallel_loop3A_423, %parallel_loop3A_424, %parallel_loop3A_425] : memref<2x256x65xf32, #tpu.memory_space<vmem>> -> memref<1x256x65xf32, #tpu.memory_space<vmem>>
        %parallel_loop3A_427 = tpu.memref_squeeze %parallel_loop3A_426 : memref<1x256x65xf32, #tpu.memory_space<vmem>> -> memref<256x65xf32, #tpu.memory_space<vmem>>
        tpu.vector_store_idx %parallel_loop3A_427[%parallel_loop3A_422, %parallel_loop3A_183], %parallel_loop3A_419 : memref<256x65xf32, #tpu.memory_space<vmem>>[vector<16xi32>, vector<16xi32>], vector<16xf32>,
        %parallel_loop3A_428 = arith.constant 0 : i32
        %parallel_loop3A_429 = arith.constant 1 : i32
        %parallel_loop3A_430 = arith.index_cast %parallel_loop3A_428 : i32 to index
        %parallel_loop3A_431 = arith.index_cast %parallel_loop3A_185 : i32 to index
        %parallel_loop3A_432 = arith.index_cast %parallel_loop3A_429 : i32 to index
        %parallel_loop3A_433 = arith.index_cast %parallel_loop3A_187 : i32 to index
        %parallel_loop3A_434 = arith.constant 112 : index
        %parallel_loop3A_435 = tpu.vector_load %arg4[%parallel_loop3A_430, %parallel_loop3A_431, %parallel_loop3A_432, %parallel_loop3A_433, %parallel_loop3A_434] {strides = array<i32>} : memref<2x8x2x8x128xf32, #tpu.memory_space<vmem>>, vector<16xf32>,
        %parallel_loop3A_436 = arith.constant 240 : i32
        %parallel_loop3A_437 = vector.broadcast %parallel_loop3A_436 : i32 to vector<16xi32>
        %parallel_loop3A_438 = arith.addi %iota3A, %parallel_loop3A_437 : vector<16xi32>
        %parallel_loop3A_439 = arith.constant 0 : i32
        %parallel_loop3A_440 = arith.constant 0 : i32
        %parallel_loop3A_441 = arith.constant 0 : i32
        %parallel_loop3A_442 = tpu.memref_slice %arg5[%parallel_loop3A_439, %parallel_loop3A_440, %parallel_loop3A_441] : memref<2x256x65xf32, #tpu.memory_space<vmem>> -> memref<1x256x65xf32, #tpu.memory_space<vmem>>
        %parallel_loop3A_443 = tpu.memref_squeeze %parallel_loop3A_442 : memref<1x256x65xf32, #tpu.memory_space<vmem>> -> memref<256x65xf32, #tpu.memory_space<vmem>>
        tpu.vector_store_idx %parallel_loop3A_443[%parallel_loop3A_438, %parallel_loop3A_183], %parallel_loop3A_435 : memref<256x65xf32, #tpu.memory_space<vmem>>[vector<16xi32>, vector<16xi32>], vector<16xf32>,
      } {sc.loop_unroll_factor = 4 : i64, sc.parallel_access}
      %add3A_105 = arith.addi %mul3A_2, %add3A_70 : i32
      %mul3A_106 = arith.constant 256 : i32
      %mul3A_107 = arith.muli %add3A_105, %mul3A_106 : i32
      %dma_start3A_108 = arith.constant 0 : i32
      %dma_start3A_109 = arith.constant 0 : i32
      %dma_start3A_110 = arith.constant 0 : i32
      %dma_start3A_111 = tpu.memref_slice %arg5[%dma_start3A_108, %dma_start3A_109, %dma_start3A_110] : memref<2x256x65xf32, #tpu.memory_space<vmem>> -> memref<1x256x64xf32, #tpu.memory_space<vmem>>
      %dma_start3A_112 = tpu.memref_squeeze %dma_start3A_111 : memref<1x256x64xf32, #tpu.memory_space<vmem>> -> memref<256x64xf32, #tpu.memory_space<vmem>>
      %dma_start3A_113 = arith.constant 0 : i32
      %dma_start3A_114 = tpu.memref_slice %arg3[%mul3A_107, %dma_start3A_113] : memref<1015808x64xf32, #tpu.memory_space<hbm>> -> memref<256x64xf32, #tpu.memory_space<hbm>>
      %dma_start3A_115 = arith.constant 0 : i32
      %dma_start3A_116 = tpu.memref_slice %arg3[%mul3A_107, %dma_start3A_115] : memref<1015808x64xf32, #tpu.memory_space<hbm>> -> memref<256x64xf32, #tpu.memory_space<hbm>>
      %dma_start3A_117 = arith.constant 0 : i32
      %dma_start3A_118 = arith.constant 0 : i32
      %dma_start3A_119 = tpu.memref_slice %arg5[%dma_start3A_108, %dma_start3A_117, %dma_start3A_118] : memref<2x256x65xf32, #tpu.memory_space<vmem>> -> memref<1x256x64xf32, #tpu.memory_space<vmem>>
      %dma_start3A_120 = tpu.memref_squeeze %dma_start3A_119 : memref<1x256x64xf32, #tpu.memory_space<vmem>> -> memref<256x64xf32, #tpu.memory_space<vmem>>
      tpu.enqueue_dma source(%dma_start3A_120 : memref<256x64xf32, #tpu.memory_space<vmem>>) target(%dma_start3A_116 : memref<256x64xf32, #tpu.memory_space<hbm>>) target_semaphore(%arg8 : memref<!tpu.dma_semaphore, #tpu.memory_space<semaphore_mem>>)
      %add3A_121 = arith.constant 1 : i32
      %add3A_122 = arith.addi %add3A_68, %add3A_121 : i32
      %add3A_123 = arith.constant 1 : i32
      %add3A_124 = arith.addi %add3A_122, %add3A_123 : i32
      %lt3A_125 = arith.constant 124 : i32
      %lt3A_126 = arith.cmpi slt, %add3A_124, %lt3A_125 : i32
      %convert_element_type3A_127 = arith.extui %lt3A_126 : i1 to i32
      %cond3A_128 = arith.constant 0 : i32
      %cond3A_129 = arith.cmpi ne, %convert_element_type3A_127, %cond3A_128 : i32
      scf.if %cond3A_129 {
        %add3A_178 = arith.constant 1 : i32
        %add3A_179 = arith.addi %add3A_122, %add3A_178 : i32
        %add3A_180 = arith.addi %mul3A_2, %add3A_179 : i32
        %mul3A_181 = arith.constant 2 : i32
        %mul3A_182 = arith.muli %add3A_180, %mul3A_181 : i32
        %dma_start3A_183 = arith.constant 0 : i32
        %dma_start3A_184 = arith.constant 0 : i32
        %dma_start3A_185 = arith.constant 0 : i32
        %dma_start3A_186 = arith.constant 0 : i32
        %dma_start3A_187 = arith.constant 0 : i32
        %dma_start3A_188 = tpu.memref_slice %arg4[%dma_start3A_183, %dma_start3A_184, %dma_start3A_185, %dma_start3A_186, %dma_start3A_187] : memref<2x8x2x8x128xf32, #tpu.memory_space<vmem>> -> memref<1x8x2x8x128xf32, #tpu.memory_space<vmem>>
        %dma_start3A_189 = tpu.memref_squeeze %dma_start3A_188 : memref<1x8x2x8x128xf32, #tpu.memory_space<vmem>> -> memref<8x2x8x128xf32, #tpu.memory_space<vmem>>
        %dma_start3A_190 = arith.constant 0 : i32
        %dma_start3A_191 = arith.constant 0 : i32
        %dma_start3A_192 = arith.constant 0 : i32
        %dma_start3A_193 = tpu.memref_slice %arg2[%dma_start3A_190, %mul3A_182, %dma_start3A_191, %dma_start3A_192] : memref<8x7936x8x128xf32, #tpu.memory_space<hbm>> -> memref<8x2x8x128xf32, #tpu.memory_space<hbm>>
        %dma_start3A_194 = arith.constant 0 : i32
        %dma_start3A_195 = arith.constant 0 : i32
        %dma_start3A_196 = arith.constant 0 : i32
        %dma_start3A_197 = arith.constant 0 : i32
        %dma_start3A_198 = tpu.memref_slice %arg4[%dma_start3A_183, %dma_start3A_194, %dma_start3A_195, %dma_start3A_196, %dma_start3A_197] : memref<2x8x2x8x128xf32, #tpu.memory_space<vmem>> -> memref<1x8x2x8x128xf32, #tpu.memory_space<vmem>>
        %dma_start3A_199 = tpu.memref_squeeze %dma_start3A_198 : memref<1x8x2x8x128xf32, #tpu.memory_space<vmem>> -> memref<8x2x8x128xf32, #tpu.memory_space<vmem>>
        %dma_start3A_200 = arith.constant 0 : i32
        %dma_start3A_201 = arith.constant 0 : i32
        %dma_start3A_202 = arith.constant 0 : i32
        %dma_start3A_203 = tpu.memref_slice %arg2[%dma_start3A_200, %mul3A_182, %dma_start3A_201, %dma_start3A_202] : memref<8x7936x8x128xf32, #tpu.memory_space<hbm>> -> memref<8x2x8x128xf32, #tpu.memory_space<hbm>>
        tpu.enqueue_dma source(%dma_start3A_203 : memref<8x2x8x128xf32, #tpu.memory_space<hbm>>) target(%dma_start3A_199 : memref<8x2x8x128xf32, #tpu.memory_space<vmem>>) target_semaphore(%arg6 : memref<!tpu.dma_semaphore, #tpu.memory_space<semaphore_mem>>)
      } else {
      }
      %ge3A_130 = arith.constant 2 : i32
      %ge3A_131 = arith.cmpi sge, %add3A_122, %ge3A_130 : i32
      %convert_element_type3A_132 = arith.extui %ge3A_131 : i1 to i32
      %cond3A_133 = arith.constant 0 : i32
      %cond3A_134 = arith.cmpi ne, %convert_element_type3A_132, %cond3A_133 : i32
      scf.if %cond3A_134 {
        %sub3A = arith.constant 2 : i32
        %sub3A_178 = arith.subi %add3A_122, %sub3A : i32
        %add3A_179 = arith.addi %mul3A_2, %sub3A_178 : i32
        %mul3A_180 = arith.constant 256 : i32
        %mul3A_181 = arith.muli %add3A_179, %mul3A_180 : i32
        %dma_wait3A_182 = arith.constant 1 : i32
        %dma_wait3A_183 = arith.constant 0 : i32
        %dma_wait3A_184 = arith.constant 0 : i32
        %dma_wait3A_185 = tpu.memref_slice %arg5[%dma_wait3A_182, %dma_wait3A_183, %dma_wait3A_184] : memref<2x256x65xf32, #tpu.memory_space<vmem>> -> memref<1x256x64xf32, #tpu.memory_space<vmem>>
        %dma_wait3A_186 = tpu.memref_squeeze %dma_wait3A_185 : memref<1x256x64xf32, #tpu.memory_space<vmem>> -> memref<256x64xf32, #tpu.memory_space<vmem>>
        %dma_wait3A_187 = arith.constant 0 : i32
        %dma_wait3A_188 = tpu.memref_slice %arg3[%mul3A_181, %dma_wait3A_187] : memref<1015808x64xf32, #tpu.memory_space<hbm>> -> memref<256x64xf32, #tpu.memory_space<hbm>>
        %dma_wait3A_189 = arith.constant 0 : i32
        %dma_wait3A_190 = tpu.memref_slice %arg3[%mul3A_181, %dma_wait3A_189] : memref<1015808x64xf32, #tpu.memory_space<hbm>> -> memref<256x64xf32, #tpu.memory_space<hbm>>
        %dma_wait3A_191 = arith.constant 0 : i32
        %dma_wait3A_192 = arith.constant 0 : i32
        %dma_wait3A_193 = tpu.memref_slice %arg5[%dma_wait3A_182, %dma_wait3A_191, %dma_wait3A_192] : memref<2x256x65xf32, #tpu.memory_space<vmem>> -> memref<1x256x64xf32, #tpu.memory_space<vmem>>
        %dma_wait3A_194 = tpu.memref_squeeze %dma_wait3A_193 : memref<1x256x64xf32, #tpu.memory_space<vmem>> -> memref<256x64xf32, #tpu.memory_space<vmem>>
        tpu.wait_dma2 semaphore(%arg9 : memref<!tpu.dma_semaphore, #tpu.memory_space<semaphore_mem>>) src(%dma_wait3A_194 : memref<256x64xf32, #tpu.memory_space<vmem>>) dst(%dma_wait3A_190 : memref<256x64xf32, #tpu.memory_space<hbm>>)
      } else {
      }
      %add3A_135 = arith.addi %mul3A_2, %add3A_122 : i32
      %mul3A_136 = arith.constant 2 : i32
      %mul3A_137 = arith.muli %add3A_135, %mul3A_136 : i32
      %dma_wait3A_138 = arith.constant 1 : i32
      %dma_wait3A_139 = arith.constant 0 : i32
      %dma_wait3A_140 = arith.constant 0 : i32
      %dma_wait3A_141 = arith.constant 0 : i32
      %dma_wait3A_142 = arith.constant 0 : i32
      %dma_wait3A_143 = tpu.memref_slice %arg4[%dma_wait3A_138, %dma_wait3A_139, %dma_wait3A_140, %dma_wait3A_141, %dma_wait3A_142] : memref<2x8x2x8x128xf32, #tpu.memory_space<vmem>> -> memref<1x8x2x8x128xf32, #tpu.memory_space<vmem>>
      %dma_wait3A_144 = tpu.memref_squeeze %dma_wait3A_143 : memref<1x8x2x8x128xf32, #tpu.memory_space<vmem>> -> memref<8x2x8x128xf32, #tpu.memory_space<vmem>>
      %dma_wait3A_145 = arith.constant 0 : i32
      %dma_wait3A_146 = arith.constant 0 : i32
      %dma_wait3A_147 = arith.constant 0 : i32
      %dma_wait3A_148 = tpu.memref_slice %arg2[%dma_wait3A_145, %mul3A_137, %dma_wait3A_146, %dma_wait3A_147] : memref<8x7936x8x128xf32, #tpu.memory_space<hbm>> -> memref<8x2x8x128xf32, #tpu.memory_space<hbm>>
      %dma_wait3A_149 = arith.constant 0 : i32
      %dma_wait3A_150 = arith.constant 0 : i32
      %dma_wait3A_151 = arith.constant 0 : i32
      %dma_wait3A_152 = arith.constant 0 : i32
      %dma_wait3A_153 = tpu.memref_slice %arg4[%dma_wait3A_138, %dma_wait3A_149, %dma_wait3A_150, %dma_wait3A_151, %dma_wait3A_152] : memref<2x8x2x8x128xf32, #tpu.memory_space<vmem>> -> memref<1x8x2x8x128xf32, #tpu.memory_space<vmem>>
      %dma_wait3A_154 = tpu.memref_squeeze %dma_wait3A_153 : memref<1x8x2x8x128xf32, #tpu.memory_space<vmem>> -> memref<8x2x8x128xf32, #tpu.memory_space<vmem>>
      %dma_wait3A_155 = arith.constant 0 : i32
      %dma_wait3A_156 = arith.constant 0 : i32
      %dma_wait3A_157 = arith.constant 0 : i32
      %dma_wait3A_158 = tpu.memref_slice %arg2[%dma_wait3A_155, %mul3A_137, %dma_wait3A_156, %dma_wait3A_157] : memref<8x7936x8x128xf32, #tpu.memory_space<hbm>> -> memref<8x2x8x128xf32, #tpu.memory_space<hbm>>
      tpu.wait_dma2 semaphore(%arg7 : memref<!tpu.dma_semaphore, #tpu.memory_space<semaphore_mem>>) src(%dma_wait3A_158 : memref<8x2x8x128xf32, #tpu.memory_space<hbm>>) dst(%dma_wait3A_154 : memref<8x2x8x128xf32, #tpu.memory_space<vmem>>)
      %parallel_loop3A_159 = arith.constant 0 : i32
      %parallel_loop3A_160 = arith.constant 64 : i32
      %parallel_loop3A_161 = arith.constant 1 : i32
      scf.for %parallel_loop3A_178 = %parallel_loop3A_159 to %parallel_loop3A_160 step %parallel_loop3A_161  : i32 {
        %parallel_loop3A_179 = arith.constant 0 : i32
        %parallel_loop3A_180 = vector.broadcast %parallel_loop3A_179 : i32 to vector<16xi32>
        %parallel_loop3A_181 = arith.muli %iota3A, %parallel_loop3A_180 : vector<16xi32>
        %parallel_loop3A_182 = vector.broadcast %parallel_loop3A_178 : i32 to vector<16xi32>
        %parallel_loop3A_183 = arith.addi %parallel_loop3A_181, %parallel_loop3A_182 : vector<16xi32>
        %parallel_loop3A_184 = arith.constant 3 : i32
        %parallel_loop3A_185 = arith.shrsi %parallel_loop3A_178, %parallel_loop3A_184 : i32
        %parallel_loop3A_186 = arith.constant 7 : i32
        %parallel_loop3A_187 = arith.andi %parallel_loop3A_178, %parallel_loop3A_186 : i32
        %parallel_loop3A_188 = arith.constant 1 : i32
        %parallel_loop3A_189 = arith.constant 0 : i32
        %parallel_loop3A_190 = arith.index_cast %parallel_loop3A_188 : i32 to index
        %parallel_loop3A_191 = arith.index_cast %parallel_loop3A_185 : i32 to index
        %parallel_loop3A_192 = arith.index_cast %parallel_loop3A_189 : i32 to index
        %parallel_loop3A_193 = arith.index_cast %parallel_loop3A_187 : i32 to index
        %parallel_loop3A_194 = arith.constant 0 : index
        %parallel_loop3A_195 = tpu.vector_load %arg4[%parallel_loop3A_190, %parallel_loop3A_191, %parallel_loop3A_192, %parallel_loop3A_193, %parallel_loop3A_194] {strides = array<i32>} : memref<2x8x2x8x128xf32, #tpu.memory_space<vmem>>, vector<16xf32>,
        %parallel_loop3A_196 = arith.constant 0 : i32
        %parallel_loop3A_197 = vector.broadcast %parallel_loop3A_196 : i32 to vector<16xi32>
        %parallel_loop3A_198 = arith.addi %iota3A, %parallel_loop3A_197 : vector<16xi32>
        %parallel_loop3A_199 = arith.constant 1 : i32
        %parallel_loop3A_200 = arith.constant 0 : i32
        %parallel_loop3A_201 = arith.constant 0 : i32
        %parallel_loop3A_202 = tpu.memref_slice %arg5[%parallel_loop3A_199, %parallel_loop3A_200, %parallel_loop3A_201] : memref<2x256x65xf32, #tpu.memory_space<vmem>> -> memref<1x256x65xf32, #tpu.memory_space<vmem>>
        %parallel_loop3A_203 = tpu.memref_squeeze %parallel_loop3A_202 : memref<1x256x65xf32, #tpu.memory_space<vmem>> -> memref<256x65xf32, #tpu.memory_space<vmem>>
        tpu.vector_store_idx %parallel_loop3A_203[%parallel_loop3A_198, %parallel_loop3A_183], %parallel_loop3A_195 : memref<256x65xf32, #tpu.memory_space<vmem>>[vector<16xi32>, vector<16xi32>], vector<16xf32>,
        %parallel_loop3A_204 = arith.constant 1 : i32
        %parallel_loop3A_205 = arith.constant 0 : i32
        %parallel_loop3A_206 = arith.index_cast %parallel_loop3A_204 : i32 to index
        %parallel_loop3A_207 = arith.index_cast %parallel_loop3A_185 : i32 to index
        %parallel_loop3A_208 = arith.index_cast %parallel_loop3A_205 : i32 to index
        %parallel_loop3A_209 = arith.index_cast %parallel_loop3A_187 : i32 to index
        %parallel_loop3A_210 = arith.constant 16 : index
        %parallel_loop3A_211 = tpu.vector_load %arg4[%parallel_loop3A_206, %parallel_loop3A_207, %parallel_loop3A_208, %parallel_loop3A_209, %parallel_loop3A_210] {strides = array<i32>} : memref<2x8x2x8x128xf32, #tpu.memory_space<vmem>>, vector<16xf32>,
        %parallel_loop3A_212 = arith.constant 16 : i32
        %parallel_loop3A_213 = vector.broadcast %parallel_loop3A_212 : i32 to vector<16xi32>
        %parallel_loop3A_214 = arith.addi %iota3A, %parallel_loop3A_213 : vector<16xi32>
        %parallel_loop3A_215 = arith.constant 1 : i32
        %parallel_loop3A_216 = arith.constant 0 : i32
        %parallel_loop3A_217 = arith.constant 0 : i32
        %parallel_loop3A_218 = tpu.memref_slice %arg5[%parallel_loop3A_215, %parallel_loop3A_216, %parallel_loop3A_217] : memref<2x256x65xf32, #tpu.memory_space<vmem>> -> memref<1x256x65xf32, #tpu.memory_space<vmem>>
        %parallel_loop3A_219 = tpu.memref_squeeze %parallel_loop3A_218 : memref<1x256x65xf32, #tpu.memory_space<vmem>> -> memref<256x65xf32, #tpu.memory_space<vmem>>
        tpu.vector_store_idx %parallel_loop3A_219[%parallel_loop3A_214, %parallel_loop3A_183], %parallel_loop3A_211 : memref<256x65xf32, #tpu.memory_space<vmem>>[vector<16xi32>, vector<16xi32>], vector<16xf32>,
        %parallel_loop3A_220 = arith.constant 1 : i32
        %parallel_loop3A_221 = arith.constant 0 : i32
        %parallel_loop3A_222 = arith.index_cast %parallel_loop3A_220 : i32 to index
        %parallel_loop3A_223 = arith.index_cast %parallel_loop3A_185 : i32 to index
        %parallel_loop3A_224 = arith.index_cast %parallel_loop3A_221 : i32 to index
        %parallel_loop3A_225 = arith.index_cast %parallel_loop3A_187 : i32 to index
        %parallel_loop3A_226 = arith.constant 32 : index
        %parallel_loop3A_227 = tpu.vector_load %arg4[%parallel_loop3A_222, %parallel_loop3A_223, %parallel_loop3A_224, %parallel_loop3A_225, %parallel_loop3A_226] {strides = array<i32>} : memref<2x8x2x8x128xf32, #tpu.memory_space<vmem>>, vector<16xf32>,
        %parallel_loop3A_228 = arith.constant 32 : i32
        %parallel_loop3A_229 = vector.broadcast %parallel_loop3A_228 : i32 to vector<16xi32>
        %parallel_loop3A_230 = arith.addi %iota3A, %parallel_loop3A_229 : vector<16xi32>
        %parallel_loop3A_231 = arith.constant 1 : i32
        %parallel_loop3A_232 = arith.constant 0 : i32
        %parallel_loop3A_233 = arith.constant 0 : i32
        %parallel_loop3A_234 = tpu.memref_slice %arg5[%parallel_loop3A_231, %parallel_loop3A_232, %parallel_loop3A_233] : memref<2x256x65xf32, #tpu.memory_space<vmem>> -> memref<1x256x65xf32, #tpu.memory_space<vmem>>
        %parallel_loop3A_235 = tpu.memref_squeeze %parallel_loop3A_234 : memref<1x256x65xf32, #tpu.memory_space<vmem>> -> memref<256x65xf32, #tpu.memory_space<vmem>>
        tpu.vector_store_idx %parallel_loop3A_235[%parallel_loop3A_230, %parallel_loop3A_183], %parallel_loop3A_227 : memref<256x65xf32, #tpu.memory_space<vmem>>[vector<16xi32>, vector<16xi32>], vector<16xf32>,
        %parallel_loop3A_236 = arith.constant 1 : i32
        %parallel_loop3A_237 = arith.constant 0 : i32
        %parallel_loop3A_238 = arith.index_cast %parallel_loop3A_236 : i32 to index
        %parallel_loop3A_239 = arith.index_cast %parallel_loop3A_185 : i32 to index
        %parallel_loop3A_240 = arith.index_cast %parallel_loop3A_237 : i32 to index
        %parallel_loop3A_241 = arith.index_cast %parallel_loop3A_187 : i32 to index
        %parallel_loop3A_242 = arith.constant 48 : index
        %parallel_loop3A_243 = tpu.vector_load %arg4[%parallel_loop3A_238, %parallel_loop3A_239, %parallel_loop3A_240, %parallel_loop3A_241, %parallel_loop3A_242] {strides = array<i32>} : memref<2x8x2x8x128xf32, #tpu.memory_space<vmem>>, vector<16xf32>,
        %parallel_loop3A_244 = arith.constant 48 : i32
        %parallel_loop3A_245 = vector.broadcast %parallel_loop3A_244 : i32 to vector<16xi32>
        %parallel_loop3A_246 = arith.addi %iota3A, %parallel_loop3A_245 : vector<16xi32>
        %parallel_loop3A_247 = arith.constant 1 : i32
        %parallel_loop3A_248 = arith.constant 0 : i32
        %parallel_loop3A_249 = arith.constant 0 : i32
        %parallel_loop3A_250 = tpu.memref_slice %arg5[%parallel_loop3A_247, %parallel_loop3A_248, %parallel_loop3A_249] : memref<2x256x65xf32, #tpu.memory_space<vmem>> -> memref<1x256x65xf32, #tpu.memory_space<vmem>>
        %parallel_loop3A_251 = tpu.memref_squeeze %parallel_loop3A_250 : memref<1x256x65xf32, #tpu.memory_space<vmem>> -> memref<256x65xf32, #tpu.memory_space<vmem>>
        tpu.vector_store_idx %parallel_loop3A_251[%parallel_loop3A_246, %parallel_loop3A_183], %parallel_loop3A_243 : memref<256x65xf32, #tpu.memory_space<vmem>>[vector<16xi32>, vector<16xi32>], vector<16xf32>,
        %parallel_loop3A_252 = arith.constant 1 : i32
        %parallel_loop3A_253 = arith.constant 0 : i32
        %parallel_loop3A_254 = arith.index_cast %parallel_loop3A_252 : i32 to index
        %parallel_loop3A_255 = arith.index_cast %parallel_loop3A_185 : i32 to index
        %parallel_loop3A_256 = arith.index_cast %parallel_loop3A_253 : i32 to index
        %parallel_loop3A_257 = arith.index_cast %parallel_loop3A_187 : i32 to index
        %parallel_loop3A_258 = arith.constant 64 : index
        %parallel_loop3A_259 = tpu.vector_load %arg4[%parallel_loop3A_254, %parallel_loop3A_255, %parallel_loop3A_256, %parallel_loop3A_257, %parallel_loop3A_258] {strides = array<i32>} : memref<2x8x2x8x128xf32, #tpu.memory_space<vmem>>, vector<16xf32>,
        %parallel_loop3A_260 = arith.constant 64 : i32
        %parallel_loop3A_261 = vector.broadcast %parallel_loop3A_260 : i32 to vector<16xi32>
        %parallel_loop3A_262 = arith.addi %iota3A, %parallel_loop3A_261 : vector<16xi32>
        %parallel_loop3A_263 = arith.constant 1 : i32
        %parallel_loop3A_264 = arith.constant 0 : i32
        %parallel_loop3A_265 = arith.constant 0 : i32
        %parallel_loop3A_266 = tpu.memref_slice %arg5[%parallel_loop3A_263, %parallel_loop3A_264, %parallel_loop3A_265] : memref<2x256x65xf32, #tpu.memory_space<vmem>> -> memref<1x256x65xf32, #tpu.memory_space<vmem>>
        %parallel_loop3A_267 = tpu.memref_squeeze %parallel_loop3A_266 : memref<1x256x65xf32, #tpu.memory_space<vmem>> -> memref<256x65xf32, #tpu.memory_space<vmem>>
        tpu.vector_store_idx %parallel_loop3A_267[%parallel_loop3A_262, %parallel_loop3A_183], %parallel_loop3A_259 : memref<256x65xf32, #tpu.memory_space<vmem>>[vector<16xi32>, vector<16xi32>], vector<16xf32>,
        %parallel_loop3A_268 = arith.constant 1 : i32
        %parallel_loop3A_269 = arith.constant 0 : i32
        %parallel_loop3A_270 = arith.index_cast %parallel_loop3A_268 : i32 to index
        %parallel_loop3A_271 = arith.index_cast %parallel_loop3A_185 : i32 to index
        %parallel_loop3A_272 = arith.index_cast %parallel_loop3A_269 : i32 to index
        %parallel_loop3A_273 = arith.index_cast %parallel_loop3A_187 : i32 to index
        %parallel_loop3A_274 = arith.constant 80 : index
        %parallel_loop3A_275 = tpu.vector_load %arg4[%parallel_loop3A_270, %parallel_loop3A_271, %parallel_loop3A_272, %parallel_loop3A_273, %parallel_loop3A_274] {strides = array<i32>} : memref<2x8x2x8x128xf32, #tpu.memory_space<vmem>>, vector<16xf32>,
        %parallel_loop3A_276 = arith.constant 80 : i32
        %parallel_loop3A_277 = vector.broadcast %parallel_loop3A_276 : i32 to vector<16xi32>
        %parallel_loop3A_278 = arith.addi %iota3A, %parallel_loop3A_277 : vector<16xi32>
        %parallel_loop3A_279 = arith.constant 1 : i32
        %parallel_loop3A_280 = arith.constant 0 : i32
        %parallel_loop3A_281 = arith.constant 0 : i32
        %parallel_loop3A_282 = tpu.memref_slice %arg5[%parallel_loop3A_279, %parallel_loop3A_280, %parallel_loop3A_281] : memref<2x256x65xf32, #tpu.memory_space<vmem>> -> memref<1x256x65xf32, #tpu.memory_space<vmem>>
        %parallel_loop3A_283 = tpu.memref_squeeze %parallel_loop3A_282 : memref<1x256x65xf32, #tpu.memory_space<vmem>> -> memref<256x65xf32, #tpu.memory_space<vmem>>
        tpu.vector_store_idx %parallel_loop3A_283[%parallel_loop3A_278, %parallel_loop3A_183], %parallel_loop3A_275 : memref<256x65xf32, #tpu.memory_space<vmem>>[vector<16xi32>, vector<16xi32>], vector<16xf32>,
        %parallel_loop3A_284 = arith.constant 1 : i32
        %parallel_loop3A_285 = arith.constant 0 : i32
        %parallel_loop3A_286 = arith.index_cast %parallel_loop3A_284 : i32 to index
        %parallel_loop3A_287 = arith.index_cast %parallel_loop3A_185 : i32 to index
        %parallel_loop3A_288 = arith.index_cast %parallel_loop3A_285 : i32 to index
        %parallel_loop3A_289 = arith.index_cast %parallel_loop3A_187 : i32 to index
        %parallel_loop3A_290 = arith.constant 96 : index
        %parallel_loop3A_291 = tpu.vector_load %arg4[%parallel_loop3A_286, %parallel_loop3A_287, %parallel_loop3A_288, %parallel_loop3A_289, %parallel_loop3A_290] {strides = array<i32>} : memref<2x8x2x8x128xf32, #tpu.memory_space<vmem>>, vector<16xf32>,
        %parallel_loop3A_292 = arith.constant 96 : i32
        %parallel_loop3A_293 = vector.broadcast %parallel_loop3A_292 : i32 to vector<16xi32>
        %parallel_loop3A_294 = arith.addi %iota3A, %parallel_loop3A_293 : vector<16xi32>
        %parallel_loop3A_295 = arith.constant 1 : i32
        %parallel_loop3A_296 = arith.constant 0 : i32
        %parallel_loop3A_297 = arith.constant 0 : i32
        %parallel_loop3A_298 = tpu.memref_slice %arg5[%parallel_loop3A_295, %parallel_loop3A_296, %parallel_loop3A_297] : memref<2x256x65xf32, #tpu.memory_space<vmem>> -> memref<1x256x65xf32, #tpu.memory_space<vmem>>
        %parallel_loop3A_299 = tpu.memref_squeeze %parallel_loop3A_298 : memref<1x256x65xf32, #tpu.memory_space<vmem>> -> memref<256x65xf32, #tpu.memory_space<vmem>>
        tpu.vector_store_idx %parallel_loop3A_299[%parallel_loop3A_294, %parallel_loop3A_183], %parallel_loop3A_291 : memref<256x65xf32, #tpu.memory_space<vmem>>[vector<16xi32>, vector<16xi32>], vector<16xf32>,
        %parallel_loop3A_300 = arith.constant 1 : i32
        %parallel_loop3A_301 = arith.constant 0 : i32
        %parallel_loop3A_302 = arith.index_cast %parallel_loop3A_300 : i32 to index
        %parallel_loop3A_303 = arith.index_cast %parallel_loop3A_185 : i32 to index
        %parallel_loop3A_304 = arith.index_cast %parallel_loop3A_301 : i32 to index
        %parallel_loop3A_305 = arith.index_cast %parallel_loop3A_187 : i32 to index
        %parallel_loop3A_306 = arith.constant 112 : index
        %parallel_loop3A_307 = tpu.vector_load %arg4[%parallel_loop3A_302, %parallel_loop3A_303, %parallel_loop3A_304, %parallel_loop3A_305, %parallel_loop3A_306] {strides = array<i32>} : memref<2x8x2x8x128xf32, #tpu.memory_space<vmem>>, vector<16xf32>,
        %parallel_loop3A_308 = arith.constant 112 : i32
        %parallel_loop3A_309 = vector.broadcast %parallel_loop3A_308 : i32 to vector<16xi32>
        %parallel_loop3A_310 = arith.addi %iota3A, %parallel_loop3A_309 : vector<16xi32>
        %parallel_loop3A_311 = arith.constant 1 : i32
        %parallel_loop3A_312 = arith.constant 0 : i32
        %parallel_loop3A_313 = arith.constant 0 : i32
        %parallel_loop3A_314 = tpu.memref_slice %arg5[%parallel_loop3A_311, %parallel_loop3A_312, %parallel_loop3A_313] : memref<2x256x65xf32, #tpu.memory_space<vmem>> -> memref<1x256x65xf32, #tpu.memory_space<vmem>>
        %parallel_loop3A_315 = tpu.memref_squeeze %parallel_loop3A_314 : memref<1x256x65xf32, #tpu.memory_space<vmem>> -> memref<256x65xf32, #tpu.memory_space<vmem>>
        tpu.vector_store_idx %parallel_loop3A_315[%parallel_loop3A_310, %parallel_loop3A_183], %parallel_loop3A_307 : memref<256x65xf32, #tpu.memory_space<vmem>>[vector<16xi32>, vector<16xi32>], vector<16xf32>,
        %parallel_loop3A_316 = arith.constant 1 : i32
        %parallel_loop3A_317 = arith.constant 1 : i32
        %parallel_loop3A_318 = arith.index_cast %parallel_loop3A_316 : i32 to index
        %parallel_loop3A_319 = arith.index_cast %parallel_loop3A_185 : i32 to index
        %parallel_loop3A_320 = arith.index_cast %parallel_loop3A_317 : i32 to index
        %parallel_loop3A_321 = arith.index_cast %parallel_loop3A_187 : i32 to index
        %parallel_loop3A_322 = arith.constant 0 : index
        %parallel_loop3A_323 = tpu.vector_load %arg4[%parallel_loop3A_318, %parallel_loop3A_319, %parallel_loop3A_320, %parallel_loop3A_321, %parallel_loop3A_322] {strides = array<i32>} : memref<2x8x2x8x128xf32, #tpu.memory_space<vmem>>, vector<16xf32>,
        %parallel_loop3A_324 = arith.constant 128 : i32
        %parallel_loop3A_325 = vector.broadcast %parallel_loop3A_324 : i32 to vector<16xi32>
        %parallel_loop3A_326 = arith.addi %iota3A, %parallel_loop3A_325 : vector<16xi32>
        %parallel_loop3A_327 = arith.constant 1 : i32
        %parallel_loop3A_328 = arith.constant 0 : i32
        %parallel_loop3A_329 = arith.constant 0 : i32
        %parallel_loop3A_330 = tpu.memref_slice %arg5[%parallel_loop3A_327, %parallel_loop3A_328, %parallel_loop3A_329] : memref<2x256x65xf32, #tpu.memory_space<vmem>> -> memref<1x256x65xf32, #tpu.memory_space<vmem>>
        %parallel_loop3A_331 = tpu.memref_squeeze %parallel_loop3A_330 : memref<1x256x65xf32, #tpu.memory_space<vmem>> -> memref<256x65xf32, #tpu.memory_space<vmem>>
        tpu.vector_store_idx %parallel_loop3A_331[%parallel_loop3A_326, %parallel_loop3A_183], %parallel_loop3A_323 : memref<256x65xf32, #tpu.memory_space<vmem>>[vector<16xi32>, vector<16xi32>], vector<16xf32>,
        %parallel_loop3A_332 = arith.constant 1 : i32
        %parallel_loop3A_333 = arith.constant 1 : i32
        %parallel_loop3A_334 = arith.index_cast %parallel_loop3A_332 : i32 to index
        %parallel_loop3A_335 = arith.index_cast %parallel_loop3A_185 : i32 to index
        %parallel_loop3A_336 = arith.index_cast %parallel_loop3A_333 : i32 to index
        %parallel_loop3A_337 = arith.index_cast %parallel_loop3A_187 : i32 to index
        %parallel_loop3A_338 = arith.constant 16 : index
        %parallel_loop3A_339 = tpu.vector_load %arg4[%parallel_loop3A_334, %parallel_loop3A_335, %parallel_loop3A_336, %parallel_loop3A_337, %parallel_loop3A_338] {strides = array<i32>} : memref<2x8x2x8x128xf32, #tpu.memory_space<vmem>>, vector<16xf32>,
        %parallel_loop3A_340 = arith.constant 144 : i32
        %parallel_loop3A_341 = vector.broadcast %parallel_loop3A_340 : i32 to vector<16xi32>
        %parallel_loop3A_342 = arith.addi %iota3A, %parallel_loop3A_341 : vector<16xi32>
        %parallel_loop3A_343 = arith.constant 1 : i32
        %parallel_loop3A_344 = arith.constant 0 : i32
        %parallel_loop3A_345 = arith.constant 0 : i32
        %parallel_loop3A_346 = tpu.memref_slice %arg5[%parallel_loop3A_343, %parallel_loop3A_344, %parallel_loop3A_345] : memref<2x256x65xf32, #tpu.memory_space<vmem>> -> memref<1x256x65xf32, #tpu.memory_space<vmem>>
        %parallel_loop3A_347 = tpu.memref_squeeze %parallel_loop3A_346 : memref<1x256x65xf32, #tpu.memory_space<vmem>> -> memref<256x65xf32, #tpu.memory_space<vmem>>
        tpu.vector_store_idx %parallel_loop3A_347[%parallel_loop3A_342, %parallel_loop3A_183], %parallel_loop3A_339 : memref<256x65xf32, #tpu.memory_space<vmem>>[vector<16xi32>, vector<16xi32>], vector<16xf32>,
        %parallel_loop3A_348 = arith.constant 1 : i32
        %parallel_loop3A_349 = arith.constant 1 : i32
        %parallel_loop3A_350 = arith.index_cast %parallel_loop3A_348 : i32 to index
        %parallel_loop3A_351 = arith.index_cast %parallel_loop3A_185 : i32 to index
        %parallel_loop3A_352 = arith.index_cast %parallel_loop3A_349 : i32 to index
        %parallel_loop3A_353 = arith.index_cast %parallel_loop3A_187 : i32 to index
        %parallel_loop3A_354 = arith.constant 32 : index
        %parallel_loop3A_355 = tpu.vector_load %arg4[%parallel_loop3A_350, %parallel_loop3A_351, %parallel_loop3A_352, %parallel_loop3A_353, %parallel_loop3A_354] {strides = array<i32>} : memref<2x8x2x8x128xf32, #tpu.memory_space<vmem>>, vector<16xf32>,
        %parallel_loop3A_356 = arith.constant 160 : i32
        %parallel_loop3A_357 = vector.broadcast %parallel_loop3A_356 : i32 to vector<16xi32>
        %parallel_loop3A_358 = arith.addi %iota3A, %parallel_loop3A_357 : vector<16xi32>
        %parallel_loop3A_359 = arith.constant 1 : i32
        %parallel_loop3A_360 = arith.constant 0 : i32
        %parallel_loop3A_361 = arith.constant 0 : i32
        %parallel_loop3A_362 = tpu.memref_slice %arg5[%parallel_loop3A_359, %parallel_loop3A_360, %parallel_loop3A_361] : memref<2x256x65xf32, #tpu.memory_space<vmem>> -> memref<1x256x65xf32, #tpu.memory_space<vmem>>
        %parallel_loop3A_363 = tpu.memref_squeeze %parallel_loop3A_362 : memref<1x256x65xf32, #tpu.memory_space<vmem>> -> memref<256x65xf32, #tpu.memory_space<vmem>>
        tpu.vector_store_idx %parallel_loop3A_363[%parallel_loop3A_358, %parallel_loop3A_183], %parallel_loop3A_355 : memref<256x65xf32, #tpu.memory_space<vmem>>[vector<16xi32>, vector<16xi32>], vector<16xf32>,
        %parallel_loop3A_364 = arith.constant 1 : i32
        %parallel_loop3A_365 = arith.constant 1 : i32
        %parallel_loop3A_366 = arith.index_cast %parallel_loop3A_364 : i32 to index
        %parallel_loop3A_367 = arith.index_cast %parallel_loop3A_185 : i32 to index
        %parallel_loop3A_368 = arith.index_cast %parallel_loop3A_365 : i32 to index
        %parallel_loop3A_369 = arith.index_cast %parallel_loop3A_187 : i32 to index
        %parallel_loop3A_370 = arith.constant 48 : index
        %parallel_loop3A_371 = tpu.vector_load %arg4[%parallel_loop3A_366, %parallel_loop3A_367, %parallel_loop3A_368, %parallel_loop3A_369, %parallel_loop3A_370] {strides = array<i32>} : memref<2x8x2x8x128xf32, #tpu.memory_space<vmem>>, vector<16xf32>,
        %parallel_loop3A_372 = arith.constant 176 : i32
        %parallel_loop3A_373 = vector.broadcast %parallel_loop3A_372 : i32 to vector<16xi32>
        %parallel_loop3A_374 = arith.addi %iota3A, %parallel_loop3A_373 : vector<16xi32>
        %parallel_loop3A_375 = arith.constant 1 : i32
        %parallel_loop3A_376 = arith.constant 0 : i32
        %parallel_loop3A_377 = arith.constant 0 : i32
        %parallel_loop3A_378 = tpu.memref_slice %arg5[%parallel_loop3A_375, %parallel_loop3A_376, %parallel_loop3A_377] : memref<2x256x65xf32, #tpu.memory_space<vmem>> -> memref<1x256x65xf32, #tpu.memory_space<vmem>>
        %parallel_loop3A_379 = tpu.memref_squeeze %parallel_loop3A_378 : memref<1x256x65xf32, #tpu.memory_space<vmem>> -> memref<256x65xf32, #tpu.memory_space<vmem>>
        tpu.vector_store_idx %parallel_loop3A_379[%parallel_loop3A_374, %parallel_loop3A_183], %parallel_loop3A_371 : memref<256x65xf32, #tpu.memory_space<vmem>>[vector<16xi32>, vector<16xi32>], vector<16xf32>,
        %parallel_loop3A_380 = arith.constant 1 : i32
        %parallel_loop3A_381 = arith.constant 1 : i32
        %parallel_loop3A_382 = arith.index_cast %parallel_loop3A_380 : i32 to index
        %parallel_loop3A_383 = arith.index_cast %parallel_loop3A_185 : i32 to index
        %parallel_loop3A_384 = arith.index_cast %parallel_loop3A_381 : i32 to index
        %parallel_loop3A_385 = arith.index_cast %parallel_loop3A_187 : i32 to index
        %parallel_loop3A_386 = arith.constant 64 : index
        %parallel_loop3A_387 = tpu.vector_load %arg4[%parallel_loop3A_382, %parallel_loop3A_383, %parallel_loop3A_384, %parallel_loop3A_385, %parallel_loop3A_386] {strides = array<i32>} : memref<2x8x2x8x128xf32, #tpu.memory_space<vmem>>, vector<16xf32>,
        %parallel_loop3A_388 = arith.constant 192 : i32
        %parallel_loop3A_389 = vector.broadcast %parallel_loop3A_388 : i32 to vector<16xi32>
        %parallel_loop3A_390 = arith.addi %iota3A, %parallel_loop3A_389 : vector<16xi32>
        %parallel_loop3A_391 = arith.constant 1 : i32
        %parallel_loop3A_392 = arith.constant 0 : i32
        %parallel_loop3A_393 = arith.constant 0 : i32
        %parallel_loop3A_394 = tpu.memref_slice %arg5[%parallel_loop3A_391, %parallel_loop3A_392, %parallel_loop3A_393] : memref<2x256x65xf32, #tpu.memory_space<vmem>> -> memref<1x256x65xf32, #tpu.memory_space<vmem>>
        %parallel_loop3A_395 = tpu.memref_squeeze %parallel_loop3A_394 : memref<1x256x65xf32, #tpu.memory_space<vmem>> -> memref<256x65xf32, #tpu.memory_space<vmem>>
        tpu.vector_store_idx %parallel_loop3A_395[%parallel_loop3A_390, %parallel_loop3A_183], %parallel_loop3A_387 : memref<256x65xf32, #tpu.memory_space<vmem>>[vector<16xi32>, vector<16xi32>], vector<16xf32>,
        %parallel_loop3A_396 = arith.constant 1 : i32
        %parallel_loop3A_397 = arith.constant 1 : i32
        %parallel_loop3A_398 = arith.index_cast %parallel_loop3A_396 : i32 to index
        %parallel_loop3A_399 = arith.index_cast %parallel_loop3A_185 : i32 to index
        %parallel_loop3A_400 = arith.index_cast %parallel_loop3A_397 : i32 to index
        %parallel_loop3A_401 = arith.index_cast %parallel_loop3A_187 : i32 to index
        %parallel_loop3A_402 = arith.constant 80 : index
        %parallel_loop3A_403 = tpu.vector_load %arg4[%parallel_loop3A_398, %parallel_loop3A_399, %parallel_loop3A_400, %parallel_loop3A_401, %parallel_loop3A_402] {strides = array<i32>} : memref<2x8x2x8x128xf32, #tpu.memory_space<vmem>>, vector<16xf32>,
        %parallel_loop3A_404 = arith.constant 208 : i32
        %parallel_loop3A_405 = vector.broadcast %parallel_loop3A_404 : i32 to vector<16xi32>
        %parallel_loop3A_406 = arith.addi %iota3A, %parallel_loop3A_405 : vector<16xi32>
        %parallel_loop3A_407 = arith.constant 1 : i32
        %parallel_loop3A_408 = arith.constant 0 : i32
        %parallel_loop3A_409 = arith.constant 0 : i32
        %parallel_loop3A_410 = tpu.memref_slice %arg5[%parallel_loop3A_407, %parallel_loop3A_408, %parallel_loop3A_409] : memref<2x256x65xf32, #tpu.memory_space<vmem>> -> memref<1x256x65xf32, #tpu.memory_space<vmem>>
        %parallel_loop3A_411 = tpu.memref_squeeze %parallel_loop3A_410 : memref<1x256x65xf32, #tpu.memory_space<vmem>> -> memref<256x65xf32, #tpu.memory_space<vmem>>
        tpu.vector_store_idx %parallel_loop3A_411[%parallel_loop3A_406, %parallel_loop3A_183], %parallel_loop3A_403 : memref<256x65xf32, #tpu.memory_space<vmem>>[vector<16xi32>, vector<16xi32>], vector<16xf32>,
        %parallel_loop3A_412 = arith.constant 1 : i32
        %parallel_loop3A_413 = arith.constant 1 : i32
        %parallel_loop3A_414 = arith.index_cast %parallel_loop3A_412 : i32 to index
        %parallel_loop3A_415 = arith.index_cast %parallel_loop3A_185 : i32 to index
        %parallel_loop3A_416 = arith.index_cast %parallel_loop3A_413 : i32 to index
        %parallel_loop3A_417 = arith.index_cast %parallel_loop3A_187 : i32 to index
        %parallel_loop3A_418 = arith.constant 96 : index
        %parallel_loop3A_419 = tpu.vector_load %arg4[%parallel_loop3A_414, %parallel_loop3A_415, %parallel_loop3A_416, %parallel_loop3A_417, %parallel_loop3A_418] {strides = array<i32>} : memref<2x8x2x8x128xf32, #tpu.memory_space<vmem>>, vector<16xf32>,
        %parallel_loop3A_420 = arith.constant 224 : i32
        %parallel_loop3A_421 = vector.broadcast %parallel_loop3A_420 : i32 to vector<16xi32>
        %parallel_loop3A_422 = arith.addi %iota3A, %parallel_loop3A_421 : vector<16xi32>
        %parallel_loop3A_423 = arith.constant 1 : i32
        %parallel_loop3A_424 = arith.constant 0 : i32
        %parallel_loop3A_425 = arith.constant 0 : i32
        %parallel_loop3A_426 = tpu.memref_slice %arg5[%parallel_loop3A_423, %parallel_loop3A_424, %parallel_loop3A_425] : memref<2x256x65xf32, #tpu.memory_space<vmem>> -> memref<1x256x65xf32, #tpu.memory_space<vmem>>
        %parallel_loop3A_427 = tpu.memref_squeeze %parallel_loop3A_426 : memref<1x256x65xf32, #tpu.memory_space<vmem>> -> memref<256x65xf32, #tpu.memory_space<vmem>>
        tpu.vector_store_idx %parallel_loop3A_427[%parallel_loop3A_422, %parallel_loop3A_183], %parallel_loop3A_419 : memref<256x65xf32, #tpu.memory_space<vmem>>[vector<16xi32>, vector<16xi32>], vector<16xf32>,
        %parallel_loop3A_428 = arith.constant 1 : i32
        %parallel_loop3A_429 = arith.constant 1 : i32
        %parallel_loop3A_430 = arith.index_cast %parallel_loop3A_428 : i32 to index
        %parallel_loop3A_431 = arith.index_cast %parallel_loop3A_185 : i32 to index
        %parallel_loop3A_432 = arith.index_cast %parallel_loop3A_429 : i32 to index
        %parallel_loop3A_433 = arith.index_cast %parallel_loop3A_187 : i32 to index
        %parallel_loop3A_434 = arith.constant 112 : index
        %parallel_loop3A_435 = tpu.vector_load %arg4[%parallel_loop3A_430, %parallel_loop3A_431, %parallel_loop3A_432, %parallel_loop3A_433, %parallel_loop3A_434] {strides = array<i32>} : memref<2x8x2x8x128xf32, #tpu.memory_space<vmem>>, vector<16xf32>,
        %parallel_loop3A_436 = arith.constant 240 : i32
        %parallel_loop3A_437 = vector.broadcast %parallel_loop3A_436 : i32 to vector<16xi32>
        %parallel_loop3A_438 = arith.addi %iota3A, %parallel_loop3A_437 : vector<16xi32>
        %parallel_loop3A_439 = arith.constant 1 : i32
        %parallel_loop3A_440 = arith.constant 0 : i32
        %parallel_loop3A_441 = arith.constant 0 : i32
        %parallel_loop3A_442 = tpu.memref_slice %arg5[%parallel_loop3A_439, %parallel_loop3A_440, %parallel_loop3A_441] : memref<2x256x65xf32, #tpu.memory_space<vmem>> -> memref<1x256x65xf32, #tpu.memory_space<vmem>>
        %parallel_loop3A_443 = tpu.memref_squeeze %parallel_loop3A_442 : memref<1x256x65xf32, #tpu.memory_space<vmem>> -> memref<256x65xf32, #tpu.memory_space<vmem>>
        tpu.vector_store_idx %parallel_loop3A_443[%parallel_loop3A_438, %parallel_loop3A_183], %parallel_loop3A_435 : memref<256x65xf32, #tpu.memory_space<vmem>>[vector<16xi32>, vector<16xi32>], vector<16xf32>,
      } {sc.loop_unroll_factor = 4 : i64, sc.parallel_access}
      %add3A_162 = arith.addi %mul3A_2, %add3A_122 : i32
      %mul3A_163 = arith.constant 256 : i32
      %mul3A_164 = arith.muli %add3A_162, %mul3A_163 : i32
      %dma_start3A_165 = arith.constant 1 : i32
      %dma_start3A_166 = arith.constant 0 : i32
      %dma_start3A_167 = arith.constant 0 : i32
      %dma_start3A_168 = tpu.memref_slice %arg5[%dma_start3A_165, %dma_start3A_166, %dma_start3A_167] : memref<2x256x65xf32, #tpu.memory_space<vmem>> -> memref<1x256x64xf32, #tpu.memory_space<vmem>>
      %dma_start3A_169 = tpu.memref_squeeze %dma_start3A_168 : memref<1x256x64xf32, #tpu.memory_space<vmem>> -> memref<256x64xf32, #tpu.memory_space<vmem>>
      %dma_start3A_170 = arith.constant 0 : i32
      %dma_start3A_171 = tpu.memref_slice %arg3[%mul3A_164, %dma_start3A_170] : memref<1015808x64xf32, #tpu.memory_space<hbm>> -> memref<256x64xf32, #tpu.memory_space<hbm>>
      %dma_start3A_172 = arith.constant 0 : i32
      %dma_start3A_173 = tpu.memref_slice %arg3[%mul3A_164, %dma_start3A_172] : memref<1015808x64xf32, #tpu.memory_space<hbm>> -> memref<256x64xf32, #tpu.memory_space<hbm>>
      %dma_start3A_174 = arith.constant 0 : i32
      %dma_start3A_175 = arith.constant 0 : i32
      %dma_start3A_176 = tpu.memref_slice %arg5[%dma_start3A_165, %dma_start3A_174, %dma_start3A_175] : memref<2x256x65xf32, #tpu.memory_space<vmem>> -> memref<1x256x64xf32, #tpu.memory_space<vmem>>
      %dma_start3A_177 = tpu.memref_squeeze %dma_start3A_176 : memref<1x256x64xf32, #tpu.memory_space<vmem>> -> memref<256x64xf32, #tpu.memory_space<vmem>>
      tpu.enqueue_dma source(%dma_start3A_177 : memref<256x64xf32, #tpu.memory_space<vmem>>) target(%dma_start3A_173 : memref<256x64xf32, #tpu.memory_space<hbm>>) target_semaphore(%arg9 : memref<!tpu.dma_semaphore, #tpu.memory_space<semaphore_mem>>)
    }
    %scan3A_30 = arith.constant 62 : i32
    %add3A_31 = arith.constant 122 : i32
    %add3A_32 = arith.addi %mul3A_2, %add3A_31 : i32
    %mul3A_33 = arith.constant 256 : i32
    %mul3A_34 = arith.muli %add3A_32, %mul3A_33 : i32
    %dma_wait3A = arith.constant 0 : i32
    %dma_wait3A_35 = arith.constant 0 : i32
    %dma_wait3A_36 = arith.constant 0 : i32
    %dma_wait3A_37 = tpu.memref_slice %arg5[%dma_wait3A, %dma_wait3A_35, %dma_wait3A_36] : memref<2x256x65xf32, #tpu.memory_space<vmem>> -> memref<1x256x64xf32, #tpu.memory_space<vmem>>
    %dma_wait3A_38 = tpu.memref_squeeze %dma_wait3A_37 : memref<1x256x64xf32, #tpu.memory_space<vmem>> -> memref<256x64xf32, #tpu.memory_space<vmem>>
    %dma_wait3A_39 = arith.constant 0 : i32
    %dma_wait3A_40 = tpu.memref_slice %arg3[%mul3A_34, %dma_wait3A_39] : memref<1015808x64xf32, #tpu.memory_space<hbm>> -> memref<256x64xf32, #tpu.memory_space<hbm>>
    %dma_wait3A_41 = arith.constant 0 : i32
    %dma_wait3A_42 = tpu.memref_slice %arg3[%mul3A_34, %dma_wait3A_41] : memref<1015808x64xf32, #tpu.memory_space<hbm>> -> memref<256x64xf32, #tpu.memory_space<hbm>>
    %dma_wait3A_43 = arith.constant 0 : i32
    %dma_wait3A_44 = arith.constant 0 : i32
    %dma_wait3A_45 = tpu.memref_slice %arg5[%dma_wait3A, %dma_wait3A_43, %dma_wait3A_44] : memref<2x256x65xf32, #tpu.memory_space<vmem>> -> memref<1x256x64xf32, #tpu.memory_space<vmem>>
    %dma_wait3A_46 = tpu.memref_squeeze %dma_wait3A_45 : memref<1x256x64xf32, #tpu.memory_space<vmem>> -> memref<256x64xf32, #tpu.memory_space<vmem>>
    tpu.wait_dma2 semaphore(%arg8 : memref<!tpu.dma_semaphore, #tpu.memory_space<semaphore_mem>>) src(%dma_wait3A_46 : memref<256x64xf32, #tpu.memory_space<vmem>>) dst(%dma_wait3A_42 : memref<256x64xf32, #tpu.memory_space<hbm>>)
    %add3A_47 = arith.constant 123 : i32
    %add3A_48 = arith.addi %mul3A_2, %add3A_47 : i32
    %mul3A_49 = arith.constant 256 : i32
    %mul3A_50 = arith.muli %add3A_48, %mul3A_49 : i32
    %dma_wait3A_51 = arith.constant 1 : i32
    %dma_wait3A_52 = arith.constant 0 : i32
    %dma_wait3A_53 = arith.constant 0 : i32
    %dma_wait3A_54 = tpu.memref_slice %arg5[%dma_wait3A_51, %dma_wait3A_52, %dma_wait3A_53] : memref<2x256x65xf32, #tpu.memory_space<vmem>> -> memref<1x256x64xf32, #tpu.memory_space<vmem>>
    %dma_wait3A_55 = tpu.memref_squeeze %dma_wait3A_54 : memref<1x256x64xf32, #tpu.memory_space<vmem>> -> memref<256x64xf32, #tpu.memory_space<vmem>>
    %dma_wait3A_56 = arith.constant 0 : i32
    %dma_wait3A_57 = tpu.memref_slice %arg3[%mul3A_50, %dma_wait3A_56] : memref<1015808x64xf32, #tpu.memory_space<hbm>> -> memref<256x64xf32, #tpu.memory_space<hbm>>
    %dma_wait3A_58 = arith.constant 0 : i32
    %dma_wait3A_59 = tpu.memref_slice %arg3[%mul3A_50, %dma_wait3A_58] : memref<1015808x64xf32, #tpu.memory_space<hbm>> -> memref<256x64xf32, #tpu.memory_space<hbm>>
    %dma_wait3A_60 = arith.constant 0 : i32
    %dma_wait3A_61 = arith.constant 0 : i32
    %dma_wait3A_62 = tpu.memref_slice %arg5[%dma_wait3A_51, %dma_wait3A_60, %dma_wait3A_61] : memref<2x256x65xf32, #tpu.memory_space<vmem>> -> memref<1x256x64xf32, #tpu.memory_space<vmem>>
    %dma_wait3A_63 = tpu.memref_squeeze %dma_wait3A_62 : memref<1x256x64xf32, #tpu.memory_space<vmem>> -> memref<256x64xf32, #tpu.memory_space<vmem>>
    tpu.wait_dma2 semaphore(%arg9 : memref<!tpu.dma_semaphore, #tpu.memory_space<semaphore_mem>>) src(%dma_wait3A_63 : memref<256x64xf32, #tpu.memory_space<vmem>>) dst(%dma_wait3A_59 : memref<256x64xf32, #tpu.memory_space<hbm>>)
    return
  }
}

#map = affine_map<(d0, d1) -> (0, 0)>
#map1 = affine_map<(d0, d1) -> (0, 0, 0, 0, 0)>
module attributes {stable_mosaic.version = 14 : i64} {
  func.func @_body(%arg0: i32, %arg1: i32, %arg2: memref<200x4096xi32, #tpu.memory_space<hbm>>, %arg3: memref<1015808x64xf32, #tpu.memory_space<hbm>>, %arg4: memref<200x64xf32, #tpu.memory_space<hbm>>, %arg5: memref<200x8x32x8x128xf32, #tpu.memory_space<hbm>>, %arg6: memref<200x64xf32, #tpu.memory_space<vmem>>, %arg7: memref<2x2x128xi32, #tpu.memory_space<vmem>>, %arg8: memref<2x2x128x64xf32, #tpu.memory_space<vmem>>, %arg9: memref<2x2x8x8x129xf32, #tpu.memory_space<vmem>>, %arg10: memref<!tpu.dma_semaphore, #tpu.memory_space<semaphore_mem>>, %arg11: memref<!tpu.dma_semaphore, #tpu.memory_space<semaphore_mem>>, %arg12: memref<!tpu.dma_semaphore, #tpu.memory_space<semaphore_mem>>, %arg13: memref<!tpu.dma_semaphore, #tpu.memory_space<semaphore_mem>>, %arg14: memref<!tpu.dma_semaphore, #tpu.memory_space<semaphore_mem>>, %arg15: memref<!tpu.dma_semaphore, #tpu.memory_space<semaphore_mem>>) attributes {dimension_semantics = [#tpu.dimension_semantics<core_parallel>, #tpu.dimension_semantics<subcore_parallel>], iteration_bounds = array<i64: 2, 16>, scalar_prefetch = 0 : i64, scratch_operands = 10 : i64, tpu.core_type = #tpu.core_type<sc_vector_subcore>, window_params = [{transform_indices = #map}, {transform_indices = #map}, {transform_indices = #map}, {transform_indices = #map1}]} {
    %mul3A = arith.constant 2 : i32
    %mul3A_0 = arith.muli %arg1, %mul3A : i32
    %add3A = arith.addi %mul3A_0, %arg0 : i32
    %mul3A_1 = arith.constant 128 : i32
    %mul3A_2 = arith.muli %add3A, %mul3A_1 : i32
    "tpu.region"() ({
      %run_scoped3A = tpu.sem_alloc : memref<!tpu.dma_semaphore, #tpu.memory_space<semaphore_mem>>
      tpu.enqueue_dma source(%arg4 : memref<200x64xf32, #tpu.memory_space<hbm>>) target(%arg6 : memref<200x64xf32, #tpu.memory_space<vmem>>) target_semaphore(%run_scoped3A : memref<!tpu.dma_semaphore, #tpu.memory_space<semaphore_mem>>)
      tpu.wait_dma2 semaphore(%run_scoped3A : memref<!tpu.dma_semaphore, #tpu.memory_space<semaphore_mem>>) src(%arg4 : memref<200x64xf32, #tpu.memory_space<hbm>>) dst(%arg6 : memref<200x64xf32, #tpu.memory_space<vmem>>)
      tpu.yield
    }) : () -> ()
    %iota3A = tpu.iota {dimensions = array<i32: 0>} : vector<16xi32>
    %dma_start3A = arith.constant 0 : i32
    %dma_start3A_3 = arith.constant 0 : i32
    %dma_start3A_4 = arith.constant 0 : i32
    %dma_start3A_5 = tpu.memref_slice %arg7[%dma_start3A, %dma_start3A_3, %dma_start3A_4] : memref<2x2x128xi32, #tpu.memory_space<vmem>> -> memref<1x2x128xi32, #tpu.memory_space<vmem>>
    %dma_start3A_6 = tpu.memref_squeeze %dma_start3A_5 : memref<1x2x128xi32, #tpu.memory_space<vmem>> -> memref<2x128xi32, #tpu.memory_space<vmem>>
    %dma_start3A_7 = arith.constant 0 : i32
    %dma_start3A_8 = tpu.memref_slice %arg2[%dma_start3A_7, %mul3A_2] : memref<200x4096xi32, #tpu.memory_space<hbm>> -> memref<2x128xi32, #tpu.memory_space<hbm>>
    %dma_start3A_9 = arith.constant 0 : i32
    %dma_start3A_10 = arith.constant 0 : i32
    %dma_start3A_11 = tpu.memref_slice %arg7[%dma_start3A, %dma_start3A_9, %dma_start3A_10] : memref<2x2x128xi32, #tpu.memory_space<vmem>> -> memref<1x2x128xi32, #tpu.memory_space<vmem>>
    %dma_start3A_12 = tpu.memref_squeeze %dma_start3A_11 : memref<1x2x128xi32, #tpu.memory_space<vmem>> -> memref<2x128xi32, #tpu.memory_space<vmem>>
    %dma_start3A_13 = arith.constant 0 : i32
    %dma_start3A_14 = tpu.memref_slice %arg2[%dma_start3A_13, %mul3A_2] : memref<200x4096xi32, #tpu.memory_space<hbm>> -> memref<2x128xi32, #tpu.memory_space<hbm>>
    tpu.enqueue_dma source(%dma_start3A_14 : memref<2x128xi32, #tpu.memory_space<hbm>>) target(%dma_start3A_12 : memref<2x128xi32, #tpu.memory_space<vmem>>) target_semaphore(%arg10 : memref<!tpu.dma_semaphore, #tpu.memory_space<semaphore_mem>>)
    %dma_start3A_15 = arith.constant 1 : i32
    %dma_start3A_16 = arith.constant 0 : i32
    %dma_start3A_17 = arith.constant 0 : i32
    %dma_start3A_18 = tpu.memref_slice %arg7[%dma_start3A_15, %dma_start3A_16, %dma_start3A_17] : memref<2x2x128xi32, #tpu.memory_space<vmem>> -> memref<1x2x128xi32, #tpu.memory_space<vmem>>
    %dma_start3A_19 = tpu.memref_squeeze %dma_start3A_18 : memref<1x2x128xi32, #tpu.memory_space<vmem>> -> memref<2x128xi32, #tpu.memory_space<vmem>>
    %dma_start3A_20 = arith.constant 2 : i32
    %dma_start3A_21 = tpu.memref_slice %arg2[%dma_start3A_20, %mul3A_2] : memref<200x4096xi32, #tpu.memory_space<hbm>> -> memref<2x128xi32, #tpu.memory_space<hbm>>
    %dma_start3A_22 = arith.constant 0 : i32
    %dma_start3A_23 = arith.constant 0 : i32
    %dma_start3A_24 = tpu.memref_slice %arg7[%dma_start3A_15, %dma_start3A_22, %dma_start3A_23] : memref<2x2x128xi32, #tpu.memory_space<vmem>> -> memref<1x2x128xi32, #tpu.memory_space<vmem>>
    %dma_start3A_25 = tpu.memref_squeeze %dma_start3A_24 : memref<1x2x128xi32, #tpu.memory_space<vmem>> -> memref<2x128xi32, #tpu.memory_space<vmem>>
    %dma_start3A_26 = arith.constant 2 : i32
    %dma_start3A_27 = tpu.memref_slice %arg2[%dma_start3A_26, %mul3A_2] : memref<200x4096xi32, #tpu.memory_space<hbm>> -> memref<2x128xi32, #tpu.memory_space<hbm>>
    tpu.enqueue_dma source(%dma_start3A_27 : memref<2x128xi32, #tpu.memory_space<hbm>>) target(%dma_start3A_25 : memref<2x128xi32, #tpu.memory_space<vmem>>) target_semaphore(%arg11 : memref<!tpu.dma_semaphore, #tpu.memory_space<semaphore_mem>>)
    %dma_wait3A = arith.constant 0 : i32
    %dma_wait3A_28 = arith.constant 0 : i32
    %dma_wait3A_29 = arith.constant 0 : i32
    %dma_wait3A_30 = tpu.memref_slice %arg7[%dma_wait3A, %dma_wait3A_28, %dma_wait3A_29] : memref<2x2x128xi32, #tpu.memory_space<vmem>> -> memref<1x2x128xi32, #tpu.memory_space<vmem>>
    %dma_wait3A_31 = tpu.memref_squeeze %dma_wait3A_30 : memref<1x2x128xi32, #tpu.memory_space<vmem>> -> memref<2x128xi32, #tpu.memory_space<vmem>>
    %dma_wait3A_32 = arith.constant 0 : i32
    %dma_wait3A_33 = tpu.memref_slice %arg2[%dma_wait3A_32, %mul3A_2] : memref<200x4096xi32, #tpu.memory_space<hbm>> -> memref<2x128xi32, #tpu.memory_space<hbm>>
    %dma_wait3A_34 = arith.constant 0 : i32
    %dma_wait3A_35 = arith.constant 0 : i32
    %dma_wait3A_36 = tpu.memref_slice %arg7[%dma_wait3A, %dma_wait3A_34, %dma_wait3A_35] : memref<2x2x128xi32, #tpu.memory_space<vmem>> -> memref<1x2x128xi32, #tpu.memory_space<vmem>>
    %dma_wait3A_37 = tpu.memref_squeeze %dma_wait3A_36 : memref<1x2x128xi32, #tpu.memory_space<vmem>> -> memref<2x128xi32, #tpu.memory_space<vmem>>
    %dma_wait3A_38 = arith.constant 0 : i32
    %dma_wait3A_39 = tpu.memref_slice %arg2[%dma_wait3A_38, %mul3A_2] : memref<200x4096xi32, #tpu.memory_space<hbm>> -> memref<2x128xi32, #tpu.memory_space<hbm>>
    tpu.wait_dma2 semaphore(%arg10 : memref<!tpu.dma_semaphore, #tpu.memory_space<semaphore_mem>>) src(%dma_wait3A_39 : memref<2x128xi32, #tpu.memory_space<hbm>>) dst(%dma_wait3A_37 : memref<2x128xi32, #tpu.memory_space<vmem>>)
    %dma_start3A_40 = arith.constant 0 : i32
    %dma_start3A_41 = arith.constant 0 : i32
    %dma_start3A_42 = arith.constant 0 : i32
    %dma_start3A_43 = arith.constant 0 : i32
    %dma_start3A_44 = arith.constant 0 : i32
    %dma_start3A_45 = arith.constant 0 : i32
    %dma_start3A_46 = tpu.memref_slice %arg8[%dma_start3A_42, %dma_start3A_43, %dma_start3A_44, %dma_start3A_45] : memref<2x2x128x64xf32, #tpu.memory_space<vmem>> -> memref<1x1x128x64xf32, #tpu.memory_space<vmem>>
    %dma_start3A_47 = tpu.memref_squeeze %dma_start3A_46 : memref<1x1x128x64xf32, #tpu.memory_space<vmem>> -> memref<128x64xf32, #tpu.memory_space<vmem>>
    %dma_start3A_48 = arith.constant 0 : i32
    %dma_start3A_49 = tpu.memref_slice %arg7[%dma_start3A_40, %dma_start3A_41, %dma_start3A_48] : memref<2x2x128xi32, #tpu.memory_space<vmem>> -> memref<1x1x128xi32, #tpu.memory_space<vmem>>
    %dma_start3A_50 = tpu.memref_squeeze %dma_start3A_49 : memref<1x1x128xi32, #tpu.memory_space<vmem>> -> memref<128xi32, #tpu.memory_space<vmem>>
    %dma_start3A_51 = arith.constant 0 : i32
    %dma_start3A_52 = arith.constant 0 : i32
    %dma_start3A_53 = tpu.memref_slice %arg3[%dma_start3A_51, %dma_start3A_52] : memref<1015808x64xf32, #tpu.memory_space<hbm>> -> memref<1015808x64xf32, #tpu.memory_space<hbm>>
    tpu.enqueue_indirect_dma source(%dma_start3A_53 : memref<1015808x64xf32, #tpu.memory_space<hbm>>) target(%dma_start3A_47 : memref<128x64xf32, #tpu.memory_space<vmem>>) offsets(%dma_start3A_50 : memref<128xi32, #tpu.memory_space<vmem>>) semaphore(%arg12 : memref<!tpu.dma_semaphore, #tpu.memory_space<semaphore_mem>>)
    %dma_start3A_54 = arith.constant 0 : i32
    %dma_start3A_55 = arith.constant 1 : i32
    %dma_start3A_56 = arith.constant 0 : i32
    %dma_start3A_57 = arith.constant 1 : i32
    %dma_start3A_58 = arith.constant 0 : i32
    %dma_start3A_59 = arith.constant 0 : i32
    %dma_start3A_60 = tpu.memref_slice %arg8[%dma_start3A_56, %dma_start3A_57, %dma_start3A_58, %dma_start3A_59] : memref<2x2x128x64xf32, #tpu.memory_space<vmem>> -> memref<1x1x128x64xf32, #tpu.memory_space<vmem>>
    %dma_start3A_61 = tpu.memref_squeeze %dma_start3A_60 : memref<1x1x128x64xf32, #tpu.memory_space<vmem>> -> memref<128x64xf32, #tpu.memory_space<vmem>>
    %dma_start3A_62 = arith.constant 0 : i32
    %dma_start3A_63 = tpu.memref_slice %arg7[%dma_start3A_54, %dma_start3A_55, %dma_start3A_62] : memref<2x2x128xi32, #tpu.memory_space<vmem>> -> memref<1x1x128xi32, #tpu.memory_space<vmem>>
    %dma_start3A_64 = tpu.memref_squeeze %dma_start3A_63 : memref<1x1x128xi32, #tpu.memory_space<vmem>> -> memref<128xi32, #tpu.memory_space<vmem>>
    %dma_start3A_65 = arith.constant 0 : i32
    %dma_start3A_66 = arith.constant 0 : i32
    %dma_start3A_67 = tpu.memref_slice %arg3[%dma_start3A_65, %dma_start3A_66] : memref<1015808x64xf32, #tpu.memory_space<hbm>> -> memref<1015808x64xf32, #tpu.memory_space<hbm>>
    tpu.enqueue_indirect_dma source(%dma_start3A_67 : memref<1015808x64xf32, #tpu.memory_space<hbm>>) target(%dma_start3A_61 : memref<128x64xf32, #tpu.memory_space<vmem>>) offsets(%dma_start3A_64 : memref<128xi32, #tpu.memory_space<vmem>>) semaphore(%arg12 : memref<!tpu.dma_semaphore, #tpu.memory_space<semaphore_mem>>)
    %scan3A = arith.constant 0 : i32
    %scan3A_68 = arith.constant 50 : i32
    %scan3A_69 = arith.addi %scan3A, %scan3A_68 : i32
    %scan3A_70 = arith.constant 1 : i32
    scf.for %scan3A_122 = %scan3A to %scan3A_69 step %scan3A_70  : i32 {
      %mul3A_123 = arith.constant 2 : i32
      %mul3A_124 = arith.muli %scan3A_122, %mul3A_123 : i32
      %add3A_125 = arith.constant 0 : i32
      %add3A_126 = arith.addi %add3A_125, %mul3A_124 : i32
      %add3A_127 = arith.constant 0 : i32
      %add3A_128 = arith.addi %add3A_126, %add3A_127 : i32
      %add3A_129 = arith.constant 1 : i32
      %add3A_130 = arith.addi %add3A_128, %add3A_129 : i32
      %lt3A = arith.constant 100 : i32
      %lt3A_131 = arith.cmpi slt, %add3A_130, %lt3A : i32
      %convert_element_type3A = arith.extui %lt3A_131 : i1 to i32
      %cond3A = arith.constant 0 : i32
      %cond3A_132 = arith.cmpi ne, %convert_element_type3A, %cond3A : i32
      scf.if %cond3A_132 {
        %add3A_415 = arith.constant 1 : i32
        %add3A_416 = arith.addi %add3A_128, %add3A_415 : i32
        %mul3A_417 = arith.constant 2 : i32
        %mul3A_418 = arith.muli %add3A_416, %mul3A_417 : i32
        %dma_wait3A_419 = arith.constant 1 : i32
        %dma_wait3A_420 = arith.constant 0 : i32
        %dma_wait3A_421 = arith.constant 0 : i32
        %dma_wait3A_422 = tpu.memref_slice %arg7[%dma_wait3A_419, %dma_wait3A_420, %dma_wait3A_421] : memref<2x2x128xi32, #tpu.memory_space<vmem>> -> memref<1x2x128xi32, #tpu.memory_space<vmem>>
        %dma_wait3A_423 = tpu.memref_squeeze %dma_wait3A_422 : memref<1x2x128xi32, #tpu.memory_space<vmem>> -> memref<2x128xi32, #tpu.memory_space<vmem>>
        %dma_wait3A_424 = tpu.memref_slice %arg2[%mul3A_418, %mul3A_2] : memref<200x4096xi32, #tpu.memory_space<hbm>> -> memref<2x128xi32, #tpu.memory_space<hbm>>
        %dma_wait3A_425 = arith.constant 0 : i32
        %dma_wait3A_426 = arith.constant 0 : i32
        %dma_wait3A_427 = tpu.memref_slice %arg7[%dma_wait3A_419, %dma_wait3A_425, %dma_wait3A_426] : memref<2x2x128xi32, #tpu.memory_space<vmem>> -> memref<1x2x128xi32, #tpu.memory_space<vmem>>
        %dma_wait3A_428 = tpu.memref_squeeze %dma_wait3A_427 : memref<1x2x128xi32, #tpu.memory_space<vmem>> -> memref<2x128xi32, #tpu.memory_space<vmem>>
        %dma_wait3A_429 = tpu.memref_slice %arg2[%mul3A_418, %mul3A_2] : memref<200x4096xi32, #tpu.memory_space<hbm>> -> memref<2x128xi32, #tpu.memory_space<hbm>>
        tpu.wait_dma2 semaphore(%arg11 : memref<!tpu.dma_semaphore, #tpu.memory_space<semaphore_mem>>) src(%dma_wait3A_429 : memref<2x128xi32, #tpu.memory_space<hbm>>) dst(%dma_wait3A_428 : memref<2x128xi32, #tpu.memory_space<vmem>>)
        %add3A_430 = arith.constant 1 : i32
        %add3A_431 = arith.addi %add3A_128, %add3A_430 : i32
        %dma_start3A_432 = arith.constant 1 : i32
        %dma_start3A_433 = arith.constant 0 : i32
        %dma_start3A_434 = arith.constant 1 : i32
        %dma_start3A_435 = arith.constant 0 : i32
        %dma_start3A_436 = arith.constant 0 : i32
        %dma_start3A_437 = arith.constant 0 : i32
        %dma_start3A_438 = tpu.memref_slice %arg8[%dma_start3A_434, %dma_start3A_435, %dma_start3A_436, %dma_start3A_437] : memref<2x2x128x64xf32, #tpu.memory_space<vmem>> -> memref<1x1x128x64xf32, #tpu.memory_space<vmem>>
        %dma_start3A_439 = tpu.memref_squeeze %dma_start3A_438 : memref<1x1x128x64xf32, #tpu.memory_space<vmem>> -> memref<128x64xf32, #tpu.memory_space<vmem>>
        %dma_start3A_440 = arith.constant 0 : i32
        %dma_start3A_441 = tpu.memref_slice %arg7[%dma_start3A_432, %dma_start3A_433, %dma_start3A_440] : memref<2x2x128xi32, #tpu.memory_space<vmem>> -> memref<1x1x128xi32, #tpu.memory_space<vmem>>
        %dma_start3A_442 = tpu.memref_squeeze %dma_start3A_441 : memref<1x1x128xi32, #tpu.memory_space<vmem>> -> memref<128xi32, #tpu.memory_space<vmem>>
        %dma_start3A_443 = arith.constant 0 : i32
        %dma_start3A_444 = arith.constant 0 : i32
        %dma_start3A_445 = tpu.memref_slice %arg3[%dma_start3A_443, %dma_start3A_444] : memref<1015808x64xf32, #tpu.memory_space<hbm>> -> memref<1015808x64xf32, #tpu.memory_space<hbm>>
        tpu.enqueue_indirect_dma source(%dma_start3A_445 : memref<1015808x64xf32, #tpu.memory_space<hbm>>) target(%dma_start3A_439 : memref<128x64xf32, #tpu.memory_space<vmem>>) offsets(%dma_start3A_442 : memref<128xi32, #tpu.memory_space<vmem>>) semaphore(%arg13 : memref<!tpu.dma_semaphore, #tpu.memory_space<semaphore_mem>>)
        %dma_start3A_446 = arith.constant 1 : i32
        %dma_start3A_447 = arith.constant 1 : i32
        %dma_start3A_448 = arith.constant 1 : i32
        %dma_start3A_449 = arith.constant 1 : i32
        %dma_start3A_450 = arith.constant 0 : i32
        %dma_start3A_451 = arith.constant 0 : i32
        %dma_start3A_452 = tpu.memref_slice %arg8[%dma_start3A_448, %dma_start3A_449, %dma_start3A_450, %dma_start3A_451] : memref<2x2x128x64xf32, #tpu.memory_space<vmem>> -> memref<1x1x128x64xf32, #tpu.memory_space<vmem>>
        %dma_start3A_453 = tpu.memref_squeeze %dma_start3A_452 : memref<1x1x128x64xf32, #tpu.memory_space<vmem>> -> memref<128x64xf32, #tpu.memory_space<vmem>>
        %dma_start3A_454 = arith.constant 0 : i32
        %dma_start3A_455 = tpu.memref_slice %arg7[%dma_start3A_446, %dma_start3A_447, %dma_start3A_454] : memref<2x2x128xi32, #tpu.memory_space<vmem>> -> memref<1x1x128xi32, #tpu.memory_space<vmem>>
        %dma_start3A_456 = tpu.memref_squeeze %dma_start3A_455 : memref<1x1x128xi32, #tpu.memory_space<vmem>> -> memref<128xi32, #tpu.memory_space<vmem>>
        %dma_start3A_457 = arith.constant 0 : i32
        %dma_start3A_458 = arith.constant 0 : i32
        %dma_start3A_459 = tpu.memref_slice %arg3[%dma_start3A_457, %dma_start3A_458] : memref<1015808x64xf32, #tpu.memory_space<hbm>> -> memref<1015808x64xf32, #tpu.memory_space<hbm>>
        tpu.enqueue_indirect_dma source(%dma_start3A_459 : memref<1015808x64xf32, #tpu.memory_space<hbm>>) target(%dma_start3A_453 : memref<128x64xf32, #tpu.memory_space<vmem>>) offsets(%dma_start3A_456 : memref<128xi32, #tpu.memory_space<vmem>>) semaphore(%arg13 : memref<!tpu.dma_semaphore, #tpu.memory_space<semaphore_mem>>)
      } else {
      }
      %ge3A = arith.constant 2 : i32
      %ge3A_133 = arith.cmpi sge, %add3A_128, %ge3A : i32
      %convert_element_type3A_134 = arith.extui %ge3A_133 : i1 to i32
      %cond3A_135 = arith.constant 0 : i32
      %cond3A_136 = arith.cmpi ne, %convert_element_type3A_134, %cond3A_135 : i32
      scf.if %cond3A_136 {
        %sub3A = arith.constant 2 : i32
        %sub3A_415 = arith.subi %add3A_128, %sub3A : i32
        %mul3A_416 = arith.constant 2 : i32
        %mul3A_417 = arith.muli %sub3A_415, %mul3A_416 : i32
        %dma_wait3A_418 = arith.constant 0 : i32
        %dma_wait3A_419 = arith.constant 0 : i32
        %dma_wait3A_420 = arith.constant 0 : i32
        %dma_wait3A_421 = arith.constant 0 : i32
        %dma_wait3A_422 = arith.constant 0 : i32
        %dma_wait3A_423 = tpu.memref_slice %arg9[%dma_wait3A_418, %dma_wait3A_419, %dma_wait3A_420, %dma_wait3A_421, %dma_wait3A_422] : memref<2x2x8x8x129xf32, #tpu.memory_space<vmem>> -> memref<1x2x8x8x128xf32, #tpu.memory_space<vmem>>
        %dma_wait3A_424 = tpu.memref_squeeze %dma_wait3A_423 : memref<1x2x8x8x128xf32, #tpu.memory_space<vmem>> -> memref<2x8x8x128xf32, #tpu.memory_space<vmem>>
        %dma_wait3A_425 = arith.constant 0 : i32
        %dma_wait3A_426 = arith.constant 0 : i32
        %dma_wait3A_427 = arith.constant 0 : i32
        %dma_wait3A_428 = tpu.memref_slice %arg5[%mul3A_417, %dma_wait3A_425, %add3A, %dma_wait3A_426, %dma_wait3A_427] : memref<200x8x32x8x128xf32, #tpu.memory_space<hbm>> -> memref<2x8x1x8x128xf32, #tpu.memory_space<hbm>>
        %dma_wait3A_429 = tpu.memref_squeeze %dma_wait3A_428 : memref<2x8x1x8x128xf32, #tpu.memory_space<hbm>> -> memref<2x8x8x128xf32, #tpu.memory_space<hbm>>
        %dma_wait3A_430 = arith.constant 0 : i32
        %dma_wait3A_431 = arith.constant 0 : i32
        %dma_wait3A_432 = arith.constant 0 : i32
        %dma_wait3A_433 = tpu.memref_slice %arg5[%mul3A_417, %dma_wait3A_430, %add3A, %dma_wait3A_431, %dma_wait3A_432] : memref<200x8x32x8x128xf32, #tpu.memory_space<hbm>> -> memref<2x8x1x8x128xf32, #tpu.memory_space<hbm>>
        %dma_wait3A_434 = tpu.memref_squeeze %dma_wait3A_433 : memref<2x8x1x8x128xf32, #tpu.memory_space<hbm>> -> memref<2x8x8x128xf32, #tpu.memory_space<hbm>>
        %dma_wait3A_435 = arith.constant 0 : i32
        %dma_wait3A_436 = arith.constant 0 : i32
        %dma_wait3A_437 = arith.constant 0 : i32
        %dma_wait3A_438 = arith.constant 0 : i32
        %dma_wait3A_439 = tpu.memref_slice %arg9[%dma_wait3A_418, %dma_wait3A_435, %dma_wait3A_436, %dma_wait3A_437, %dma_wait3A_438] : memref<2x2x8x8x129xf32, #tpu.memory_space<vmem>> -> memref<1x2x8x8x128xf32, #tpu.memory_space<vmem>>
        %dma_wait3A_440 = tpu.memref_squeeze %dma_wait3A_439 : memref<1x2x8x8x128xf32, #tpu.memory_space<vmem>> -> memref<2x8x8x128xf32, #tpu.memory_space<vmem>>
        tpu.wait_dma2 semaphore(%arg14 : memref<!tpu.dma_semaphore, #tpu.memory_space<semaphore_mem>>) src(%dma_wait3A_440 : memref<2x8x8x128xf32, #tpu.memory_space<vmem>>) dst(%dma_wait3A_434 : memref<2x8x8x128xf32, #tpu.memory_space<hbm>>)
      } else {
      }
      %dma_wait3A_137 = arith.constant 0 : i32
      %dma_wait3A_138 = arith.constant 0 : i32
      %dma_wait3A_139 = arith.constant 0 : i32
      %dma_wait3A_140 = arith.constant 0 : i32
      %dma_wait3A_141 = arith.constant 0 : i32
      %dma_wait3A_142 = arith.constant 0 : i32
      %dma_wait3A_143 = tpu.memref_slice %arg8[%dma_wait3A_139, %dma_wait3A_140, %dma_wait3A_141, %dma_wait3A_142] : memref<2x2x128x64xf32, #tpu.memory_space<vmem>> -> memref<1x1x128x64xf32, #tpu.memory_space<vmem>>
      %dma_wait3A_144 = tpu.memref_squeeze %dma_wait3A_143 : memref<1x1x128x64xf32, #tpu.memory_space<vmem>> -> memref<128x64xf32, #tpu.memory_space<vmem>>
      %dma_wait3A_145 = arith.constant 0 : i32
      %dma_wait3A_146 = tpu.memref_slice %arg7[%dma_wait3A_137, %dma_wait3A_138, %dma_wait3A_145] : memref<2x2x128xi32, #tpu.memory_space<vmem>> -> memref<1x1x128xi32, #tpu.memory_space<vmem>>
      %dma_wait3A_147 = tpu.memref_squeeze %dma_wait3A_146 : memref<1x1x128xi32, #tpu.memory_space<vmem>> -> memref<128xi32, #tpu.memory_space<vmem>>
      %dma_wait3A_148 = arith.constant 0 : i32
      %dma_wait3A_149 = arith.constant 0 : i32
      %dma_wait3A_150 = tpu.memref_slice %arg3[%dma_wait3A_148, %dma_wait3A_149] : memref<1015808x64xf32, #tpu.memory_space<hbm>> -> memref<1015808x64xf32, #tpu.memory_space<hbm>>
      tpu.wait_indirect_dma semaphore(%arg12 : memref<!tpu.dma_semaphore, #tpu.memory_space<semaphore_mem>>) src(%dma_wait3A_150 : memref<1015808x64xf32, #tpu.memory_space<hbm>>) dst(%dma_wait3A_144 : memref<128x64xf32, #tpu.memory_space<vmem>>)
      %dma_wait3A_151 = arith.constant 0 : i32
      %dma_wait3A_152 = arith.constant 1 : i32
      %dma_wait3A_153 = arith.constant 0 : i32
      %dma_wait3A_154 = arith.constant 1 : i32
      %dma_wait3A_155 = arith.constant 0 : i32
      %dma_wait3A_156 = arith.constant 0 : i32
      %dma_wait3A_157 = tpu.memref_slice %arg8[%dma_wait3A_153, %dma_wait3A_154, %dma_wait3A_155, %dma_wait3A_156] : memref<2x2x128x64xf32, #tpu.memory_space<vmem>> -> memref<1x1x128x64xf32, #tpu.memory_space<vmem>>
      %dma_wait3A_158 = tpu.memref_squeeze %dma_wait3A_157 : memref<1x1x128x64xf32, #tpu.memory_space<vmem>> -> memref<128x64xf32, #tpu.memory_space<vmem>>
      %dma_wait3A_159 = arith.constant 0 : i32
      %dma_wait3A_160 = tpu.memref_slice %arg7[%dma_wait3A_151, %dma_wait3A_152, %dma_wait3A_159] : memref<2x2x128xi32, #tpu.memory_space<vmem>> -> memref<1x1x128xi32, #tpu.memory_space<vmem>>
      %dma_wait3A_161 = tpu.memref_squeeze %dma_wait3A_160 : memref<1x1x128xi32, #tpu.memory_space<vmem>> -> memref<128xi32, #tpu.memory_space<vmem>>
      %dma_wait3A_162 = arith.constant 0 : i32
      %dma_wait3A_163 = arith.constant 0 : i32
      %dma_wait3A_164 = tpu.memref_slice %arg3[%dma_wait3A_162, %dma_wait3A_163] : memref<1015808x64xf32, #tpu.memory_space<hbm>> -> memref<1015808x64xf32, #tpu.memory_space<hbm>>
      tpu.wait_indirect_dma semaphore(%arg12 : memref<!tpu.dma_semaphore, #tpu.memory_space<semaphore_mem>>) src(%dma_wait3A_164 : memref<1015808x64xf32, #tpu.memory_space<hbm>>) dst(%dma_wait3A_158 : memref<128x64xf32, #tpu.memory_space<vmem>>)
      %add3A_165 = arith.constant 2 : i32
      %add3A_166 = arith.addi %add3A_128, %add3A_165 : i32
      %lt3A_167 = arith.constant 100 : i32
      %lt3A_168 = arith.cmpi slt, %add3A_166, %lt3A_167 : i32
      %convert_element_type3A_169 = arith.extui %lt3A_168 : i1 to i32
      %cond3A_170 = arith.constant 0 : i32
      %cond3A_171 = arith.cmpi ne, %convert_element_type3A_169, %cond3A_170 : i32
      scf.if %cond3A_171 {
        %add3A_415 = arith.constant 2 : i32
        %add3A_416 = arith.addi %add3A_128, %add3A_415 : i32
        %mul3A_417 = arith.constant 2 : i32
        %mul3A_418 = arith.muli %add3A_416, %mul3A_417 : i32
        %dma_start3A_419 = arith.constant 0 : i32
        %dma_start3A_420 = arith.constant 0 : i32
        %dma_start3A_421 = arith.constant 0 : i32
        %dma_start3A_422 = tpu.memref_slice %arg7[%dma_start3A_419, %dma_start3A_420, %dma_start3A_421] : memref<2x2x128xi32, #tpu.memory_space<vmem>> -> memref<1x2x128xi32, #tpu.memory_space<vmem>>
        %dma_start3A_423 = tpu.memref_squeeze %dma_start3A_422 : memref<1x2x128xi32, #tpu.memory_space<vmem>> -> memref<2x128xi32, #tpu.memory_space<vmem>>
        %dma_start3A_424 = tpu.memref_slice %arg2[%mul3A_418, %mul3A_2] : memref<200x4096xi32, #tpu.memory_space<hbm>> -> memref<2x128xi32, #tpu.memory_space<hbm>>
        %dma_start3A_425 = arith.constant 0 : i32
        %dma_start3A_426 = arith.constant 0 : i32
        %dma_start3A_427 = tpu.memref_slice %arg7[%dma_start3A_419, %dma_start3A_425, %dma_start3A_426] : memref<2x2x128xi32, #tpu.memory_space<vmem>> -> memref<1x2x128xi32, #tpu.memory_space<vmem>>
        %dma_start3A_428 = tpu.memref_squeeze %dma_start3A_427 : memref<1x2x128xi32, #tpu.memory_space<vmem>> -> memref<2x128xi32, #tpu.memory_space<vmem>>
        %dma_start3A_429 = tpu.memref_slice %arg2[%mul3A_418, %mul3A_2] : memref<200x4096xi32, #tpu.memory_space<hbm>> -> memref<2x128xi32, #tpu.memory_space<hbm>>
        tpu.enqueue_dma source(%dma_start3A_429 : memref<2x128xi32, #tpu.memory_space<hbm>>) target(%dma_start3A_428 : memref<2x128xi32, #tpu.memory_space<vmem>>) target_semaphore(%arg10 : memref<!tpu.dma_semaphore, #tpu.memory_space<semaphore_mem>>)
      } else {
      }
      %add3A_172 = arith.constant 0 : i32
      %add3A_173 = vector.broadcast %add3A_172 : i32 to vector<16xi32>
      %add3A_174 = arith.addi %iota3A, %add3A_173 : vector<16xi32>
      %shift_right_arithmetic3A = arith.constant 3 : i32
      %shift_right_arithmetic3A_175 = vector.broadcast %shift_right_arithmetic3A : i32 to vector<16xi32>
      %shift_right_arithmetic3A_176 = arith.shrsi %add3A_174, %shift_right_arithmetic3A_175 : vector<16xi32>
      %add3A_177 = arith.constant 16 : i32
      %add3A_178 = vector.broadcast %add3A_177 : i32 to vector<16xi32>
      %add3A_179 = arith.addi %iota3A, %add3A_178 : vector<16xi32>
      %shift_right_arithmetic3A_180 = arith.constant 3 : i32
      %shift_right_arithmetic3A_181 = vector.broadcast %shift_right_arithmetic3A_180 : i32 to vector<16xi32>
      %shift_right_arithmetic3A_182 = arith.shrsi %add3A_179, %shift_right_arithmetic3A_181 : vector<16xi32>
      %add3A_183 = arith.constant 32 : i32
      %add3A_184 = vector.broadcast %add3A_183 : i32 to vector<16xi32>
      %add3A_185 = arith.addi %iota3A, %add3A_184 : vector<16xi32>
      %shift_right_arithmetic3A_186 = arith.constant 3 : i32
      %shift_right_arithmetic3A_187 = vector.broadcast %shift_right_arithmetic3A_186 : i32 to vector<16xi32>
      %shift_right_arithmetic3A_188 = arith.shrsi %add3A_185, %shift_right_arithmetic3A_187 : vector<16xi32>
      %add3A_189 = arith.constant 48 : i32
      %add3A_190 = vector.broadcast %add3A_189 : i32 to vector<16xi32>
      %add3A_191 = arith.addi %iota3A, %add3A_190 : vector<16xi32>
      %shift_right_arithmetic3A_192 = arith.constant 3 : i32
      %shift_right_arithmetic3A_193 = vector.broadcast %shift_right_arithmetic3A_192 : i32 to vector<16xi32>
      %shift_right_arithmetic3A_194 = arith.shrsi %add3A_191, %shift_right_arithmetic3A_193 : vector<16xi32>
      %and3A = arith.constant 7 : i32
      %and3A_195 = vector.broadcast %and3A : i32 to vector<16xi32>
      %and3A_196 = arith.andi %iota3A, %and3A_195 : vector<16xi32>
      %and3A_197 = arith.constant 7 : i32
      %and3A_198 = vector.broadcast %and3A_197 : i32 to vector<16xi32>
      %and3A_199 = arith.andi %iota3A, %and3A_198 : vector<16xi32>
      %and3A_200 = arith.constant 7 : i32
      %and3A_201 = vector.broadcast %and3A_200 : i32 to vector<16xi32>
      %and3A_202 = arith.andi %iota3A, %and3A_201 : vector<16xi32>
      %and3A_203 = arith.constant 7 : i32
      %and3A_204 = vector.broadcast %and3A_203 : i32 to vector<16xi32>
      %and3A_205 = arith.andi %iota3A, %and3A_204 : vector<16xi32>
      %mul3A_206 = arith.constant 2 : i32
      %mul3A_207 = arith.muli %add3A_128, %mul3A_206 : i32
      %add3A_208 = arith.constant 0 : i32
      %add3A_209 = arith.addi %mul3A_207, %add3A_208 : i32
      %get3A = arith.index_cast %add3A_209 : i32 to index
      %get3A_210 = arith.constant 0 : index
      %get3A_211 = tpu.vector_load %arg6[%get3A, %get3A_210] {strides = array<i32>} : memref<200x64xf32, #tpu.memory_space<vmem>>, vector<16xf32>,
      %get3A_212 = arith.index_cast %add3A_209 : i32 to index
      %get3A_213 = arith.constant 16 : index
      %get3A_214 = tpu.vector_load %arg6[%get3A_212, %get3A_213] {strides = array<i32>} : memref<200x64xf32, #tpu.memory_space<vmem>>, vector<16xf32>,
      %get3A_215 = arith.index_cast %add3A_209 : i32 to index
      %get3A_216 = arith.constant 32 : index
      %get3A_217 = tpu.vector_load %arg6[%get3A_215, %get3A_216] {strides = array<i32>} : memref<200x64xf32, #tpu.memory_space<vmem>>, vector<16xf32>,
      %get3A_218 = arith.index_cast %add3A_209 : i32 to index
      %get3A_219 = arith.constant 48 : index
      %get3A_220 = tpu.vector_load %arg6[%get3A_218, %get3A_219] {strides = array<i32>} : memref<200x64xf32, #tpu.memory_space<vmem>>, vector<16xf32>,
      %parallel_loop3A = arith.constant 0 : i32
      %parallel_loop3A_221 = arith.constant 128 : i32
      %parallel_loop3A_222 = arith.constant 1 : i32
      scf.for %parallel_loop3A_415 = %parallel_loop3A to %parallel_loop3A_221 step %parallel_loop3A_222  : i32 {
        %parallel_loop3A_416 = arith.constant 0 : i32
        %parallel_loop3A_417 = vector.broadcast %parallel_loop3A_416 : i32 to vector<16xi32>
        %parallel_loop3A_418 = arith.muli %iota3A, %parallel_loop3A_417 : vector<16xi32>
        %parallel_loop3A_419 = vector.broadcast %parallel_loop3A_415 : i32 to vector<16xi32>
        %parallel_loop3A_420 = arith.addi %parallel_loop3A_418, %parallel_loop3A_419 : vector<16xi32>
        %parallel_loop3A_421 = arith.constant 0 : i32
        %parallel_loop3A_422 = arith.constant 0 : i32
        %parallel_loop3A_423 = arith.index_cast %parallel_loop3A_421 : i32 to index
        %parallel_loop3A_424 = arith.index_cast %parallel_loop3A_422 : i32 to index
        %parallel_loop3A_425 = arith.index_cast %parallel_loop3A_415 : i32 to index
        %parallel_loop3A_426 = arith.constant 0 : index
        %parallel_loop3A_427 = tpu.vector_load %arg8[%parallel_loop3A_423, %parallel_loop3A_424, %parallel_loop3A_425, %parallel_loop3A_426] {strides = array<i32>} : memref<2x2x128x64xf32, #tpu.memory_space<vmem>>, vector<16xf32>,
        %parallel_loop3A_428 = arith.addf %parallel_loop3A_427, %get3A_211 : vector<16xf32>
        %parallel_loop3A_429 = arith.constant 0 : i32
        %parallel_loop3A_430 = arith.constant 0 : i32
        %parallel_loop3A_431 = arith.constant 0 : i32
        %parallel_loop3A_432 = arith.constant 0 : i32
        %parallel_loop3A_433 = arith.constant 0 : i32
        %parallel_loop3A_434 = tpu.memref_slice %arg9[%parallel_loop3A_429, %parallel_loop3A_430, %parallel_loop3A_431, %parallel_loop3A_432, %parallel_loop3A_433] : memref<2x2x8x8x129xf32, #tpu.memory_space<vmem>> -> memref<1x1x8x8x129xf32, #tpu.memory_space<vmem>>
        %parallel_loop3A_435 = tpu.memref_squeeze %parallel_loop3A_434 : memref<1x1x8x8x129xf32, #tpu.memory_space<vmem>> -> memref<8x8x129xf32, #tpu.memory_space<vmem>>
        tpu.vector_store_idx %parallel_loop3A_435[%shift_right_arithmetic3A_176, %and3A_196, %parallel_loop3A_420], %parallel_loop3A_428 : memref<8x8x129xf32, #tpu.memory_space<vmem>>[vector<16xi32>, vector<16xi32>, vector<16xi32>], vector<16xf32>,
        %parallel_loop3A_436 = arith.constant 0 : i32
        %parallel_loop3A_437 = arith.constant 0 : i32
        %parallel_loop3A_438 = arith.index_cast %parallel_loop3A_436 : i32 to index
        %parallel_loop3A_439 = arith.index_cast %parallel_loop3A_437 : i32 to index
        %parallel_loop3A_440 = arith.index_cast %parallel_loop3A_415 : i32 to index
        %parallel_loop3A_441 = arith.constant 16 : index
        %parallel_loop3A_442 = tpu.vector_load %arg8[%parallel_loop3A_438, %parallel_loop3A_439, %parallel_loop3A_440, %parallel_loop3A_441] {strides = array<i32>} : memref<2x2x128x64xf32, #tpu.memory_space<vmem>>, vector<16xf32>,
        %parallel_loop3A_443 = arith.addf %parallel_loop3A_442, %get3A_214 : vector<16xf32>
        %parallel_loop3A_444 = arith.constant 0 : i32
        %parallel_loop3A_445 = arith.constant 0 : i32
        %parallel_loop3A_446 = arith.constant 0 : i32
        %parallel_loop3A_447 = arith.constant 0 : i32
        %parallel_loop3A_448 = arith.constant 0 : i32
        %parallel_loop3A_449 = tpu.memref_slice %arg9[%parallel_loop3A_444, %parallel_loop3A_445, %parallel_loop3A_446, %parallel_loop3A_447, %parallel_loop3A_448] : memref<2x2x8x8x129xf32, #tpu.memory_space<vmem>> -> memref<1x1x8x8x129xf32, #tpu.memory_space<vmem>>
        %parallel_loop3A_450 = tpu.memref_squeeze %parallel_loop3A_449 : memref<1x1x8x8x129xf32, #tpu.memory_space<vmem>> -> memref<8x8x129xf32, #tpu.memory_space<vmem>>
        tpu.vector_store_idx %parallel_loop3A_450[%shift_right_arithmetic3A_182, %and3A_199, %parallel_loop3A_420], %parallel_loop3A_443 : memref<8x8x129xf32, #tpu.memory_space<vmem>>[vector<16xi32>, vector<16xi32>, vector<16xi32>], vector<16xf32>,
        %parallel_loop3A_451 = arith.constant 0 : i32
        %parallel_loop3A_452 = arith.constant 0 : i32
        %parallel_loop3A_453 = arith.index_cast %parallel_loop3A_451 : i32 to index
        %parallel_loop3A_454 = arith.index_cast %parallel_loop3A_452 : i32 to index
        %parallel_loop3A_455 = arith.index_cast %parallel_loop3A_415 : i32 to index
        %parallel_loop3A_456 = arith.constant 32 : index
        %parallel_loop3A_457 = tpu.vector_load %arg8[%parallel_loop3A_453, %parallel_loop3A_454, %parallel_loop3A_455, %parallel_loop3A_456] {strides = array<i32>} : memref<2x2x128x64xf32, #tpu.memory_space<vmem>>, vector<16xf32>,
        %parallel_loop3A_458 = arith.addf %parallel_loop3A_457, %get3A_217 : vector<16xf32>
        %parallel_loop3A_459 = arith.constant 0 : i32
        %parallel_loop3A_460 = arith.constant 0 : i32
        %parallel_loop3A_461 = arith.constant 0 : i32
        %parallel_loop3A_462 = arith.constant 0 : i32
        %parallel_loop3A_463 = arith.constant 0 : i32
        %parallel_loop3A_464 = tpu.memref_slice %arg9[%parallel_loop3A_459, %parallel_loop3A_460, %parallel_loop3A_461, %parallel_loop3A_462, %parallel_loop3A_463] : memref<2x2x8x8x129xf32, #tpu.memory_space<vmem>> -> memref<1x1x8x8x129xf32, #tpu.memory_space<vmem>>
        %parallel_loop3A_465 = tpu.memref_squeeze %parallel_loop3A_464 : memref<1x1x8x8x129xf32, #tpu.memory_space<vmem>> -> memref<8x8x129xf32, #tpu.memory_space<vmem>>
        tpu.vector_store_idx %parallel_loop3A_465[%shift_right_arithmetic3A_188, %and3A_202, %parallel_loop3A_420], %parallel_loop3A_458 : memref<8x8x129xf32, #tpu.memory_space<vmem>>[vector<16xi32>, vector<16xi32>, vector<16xi32>], vector<16xf32>,
        %parallel_loop3A_466 = arith.constant 0 : i32
        %parallel_loop3A_467 = arith.constant 0 : i32
        %parallel_loop3A_468 = arith.index_cast %parallel_loop3A_466 : i32 to index
        %parallel_loop3A_469 = arith.index_cast %parallel_loop3A_467 : i32 to index
        %parallel_loop3A_470 = arith.index_cast %parallel_loop3A_415 : i32 to index
        %parallel_loop3A_471 = arith.constant 48 : index
        %parallel_loop3A_472 = tpu.vector_load %arg8[%parallel_loop3A_468, %parallel_loop3A_469, %parallel_loop3A_470, %parallel_loop3A_471] {strides = array<i32>} : memref<2x2x128x64xf32, #tpu.memory_space<vmem>>, vector<16xf32>,
        %parallel_loop3A_473 = arith.addf %parallel_loop3A_472, %get3A_220 : vector<16xf32>
        %parallel_loop3A_474 = arith.constant 0 : i32
        %parallel_loop3A_475 = arith.constant 0 : i32
        %parallel_loop3A_476 = arith.constant 0 : i32
        %parallel_loop3A_477 = arith.constant 0 : i32
        %parallel_loop3A_478 = arith.constant 0 : i32
        %parallel_loop3A_479 = tpu.memref_slice %arg9[%parallel_loop3A_474, %parallel_loop3A_475, %parallel_loop3A_476, %parallel_loop3A_477, %parallel_loop3A_478] : memref<2x2x8x8x129xf32, #tpu.memory_space<vmem>> -> memref<1x1x8x8x129xf32, #tpu.memory_space<vmem>>
        %parallel_loop3A_480 = tpu.memref_squeeze %parallel_loop3A_479 : memref<1x1x8x8x129xf32, #tpu.memory_space<vmem>> -> memref<8x8x129xf32, #tpu.memory_space<vmem>>
        tpu.vector_store_idx %parallel_loop3A_480[%shift_right_arithmetic3A_194, %and3A_205, %parallel_loop3A_420], %parallel_loop3A_473 : memref<8x8x129xf32, #tpu.memory_space<vmem>>[vector<16xi32>, vector<16xi32>, vector<16xi32>], vector<16xf32>,
      } {sc.loop_unroll_factor = 2 : i64, sc.parallel_access}
      %mul3A_223 = arith.constant 2 : i32
      %mul3A_224 = arith.muli %add3A_128, %mul3A_223 : i32
      %add3A_225 = arith.constant 1 : i32
      %add3A_226 = arith.addi %mul3A_224, %add3A_225 : i32
      %get3A_227 = arith.index_cast %add3A_226 : i32 to index
      %get3A_228 = arith.constant 0 : index
      %get3A_229 = tpu.vector_load %arg6[%get3A_227, %get3A_228] {strides = array<i32>} : memref<200x64xf32, #tpu.memory_space<vmem>>, vector<16xf32>,
      %get3A_230 = arith.index_cast %add3A_226 : i32 to index
      %get3A_231 = arith.constant 16 : index
      %get3A_232 = tpu.vector_load %arg6[%get3A_230, %get3A_231] {strides = array<i32>} : memref<200x64xf32, #tpu.memory_space<vmem>>, vector<16xf32>,
      %get3A_233 = arith.index_cast %add3A_226 : i32 to index
      %get3A_234 = arith.constant 32 : index
      %get3A_235 = tpu.vector_load %arg6[%get3A_233, %get3A_234] {strides = array<i32>} : memref<200x64xf32, #tpu.memory_space<vmem>>, vector<16xf32>,
      %get3A_236 = arith.index_cast %add3A_226 : i32 to index
      %get3A_237 = arith.constant 48 : index
      %get3A_238 = tpu.vector_load %arg6[%get3A_236, %get3A_237] {strides = array<i32>} : memref<200x64xf32, #tpu.memory_space<vmem>>, vector<16xf32>,
      %parallel_loop3A_239 = arith.constant 0 : i32
      %parallel_loop3A_240 = arith.constant 128 : i32
      %parallel_loop3A_241 = arith.constant 1 : i32
      scf.for %parallel_loop3A_415 = %parallel_loop3A_239 to %parallel_loop3A_240 step %parallel_loop3A_241  : i32 {
        %parallel_loop3A_416 = arith.constant 0 : i32
        %parallel_loop3A_417 = vector.broadcast %parallel_loop3A_416 : i32 to vector<16xi32>
        %parallel_loop3A_418 = arith.muli %iota3A, %parallel_loop3A_417 : vector<16xi32>
        %parallel_loop3A_419 = vector.broadcast %parallel_loop3A_415 : i32 to vector<16xi32>
        %parallel_loop3A_420 = arith.addi %parallel_loop3A_418, %parallel_loop3A_419 : vector<16xi32>
        %parallel_loop3A_421 = arith.constant 0 : i32
        %parallel_loop3A_422 = arith.constant 1 : i32
        %parallel_loop3A_423 = arith.index_cast %parallel_loop3A_421 : i32 to index
        %parallel_loop3A_424 = arith.index_cast %parallel_loop3A_422 : i32 to index
        %parallel_loop3A_425 = arith.index_cast %parallel_loop3A_415 : i32 to index
        %parallel_loop3A_426 = arith.constant 0 : index
        %parallel_loop3A_427 = tpu.vector_load %arg8[%parallel_loop3A_423, %parallel_loop3A_424, %parallel_loop3A_425, %parallel_loop3A_426] {strides = array<i32>} : memref<2x2x128x64xf32, #tpu.memory_space<vmem>>, vector<16xf32>,
        %parallel_loop3A_428 = arith.addf %parallel_loop3A_427, %get3A_229 : vector<16xf32>
        %parallel_loop3A_429 = arith.constant 0 : i32
        %parallel_loop3A_430 = arith.constant 1 : i32
        %parallel_loop3A_431 = arith.constant 0 : i32
        %parallel_loop3A_432 = arith.constant 0 : i32
        %parallel_loop3A_433 = arith.constant 0 : i32
        %parallel_loop3A_434 = tpu.memref_slice %arg9[%parallel_loop3A_429, %parallel_loop3A_430, %parallel_loop3A_431, %parallel_loop3A_432, %parallel_loop3A_433] : memref<2x2x8x8x129xf32, #tpu.memory_space<vmem>> -> memref<1x1x8x8x129xf32, #tpu.memory_space<vmem>>
        %parallel_loop3A_435 = tpu.memref_squeeze %parallel_loop3A_434 : memref<1x1x8x8x129xf32, #tpu.memory_space<vmem>> -> memref<8x8x129xf32, #tpu.memory_space<vmem>>
        tpu.vector_store_idx %parallel_loop3A_435[%shift_right_arithmetic3A_176, %and3A_196, %parallel_loop3A_420], %parallel_loop3A_428 : memref<8x8x129xf32, #tpu.memory_space<vmem>>[vector<16xi32>, vector<16xi32>, vector<16xi32>], vector<16xf32>,
        %parallel_loop3A_436 = arith.constant 0 : i32
        %parallel_loop3A_437 = arith.constant 1 : i32
        %parallel_loop3A_438 = arith.index_cast %parallel_loop3A_436 : i32 to index
        %parallel_loop3A_439 = arith.index_cast %parallel_loop3A_437 : i32 to index
        %parallel_loop3A_440 = arith.index_cast %parallel_loop3A_415 : i32 to index
        %parallel_loop3A_441 = arith.constant 16 : index
        %parallel_loop3A_442 = tpu.vector_load %arg8[%parallel_loop3A_438, %parallel_loop3A_439, %parallel_loop3A_440, %parallel_loop3A_441] {strides = array<i32>} : memref<2x2x128x64xf32, #tpu.memory_space<vmem>>, vector<16xf32>,
        %parallel_loop3A_443 = arith.addf %parallel_loop3A_442, %get3A_232 : vector<16xf32>
        %parallel_loop3A_444 = arith.constant 0 : i32
        %parallel_loop3A_445 = arith.constant 1 : i32
        %parallel_loop3A_446 = arith.constant 0 : i32
        %parallel_loop3A_447 = arith.constant 0 : i32
        %parallel_loop3A_448 = arith.constant 0 : i32
        %parallel_loop3A_449 = tpu.memref_slice %arg9[%parallel_loop3A_444, %parallel_loop3A_445, %parallel_loop3A_446, %parallel_loop3A_447, %parallel_loop3A_448] : memref<2x2x8x8x129xf32, #tpu.memory_space<vmem>> -> memref<1x1x8x8x129xf32, #tpu.memory_space<vmem>>
        %parallel_loop3A_450 = tpu.memref_squeeze %parallel_loop3A_449 : memref<1x1x8x8x129xf32, #tpu.memory_space<vmem>> -> memref<8x8x129xf32, #tpu.memory_space<vmem>>
        tpu.vector_store_idx %parallel_loop3A_450[%shift_right_arithmetic3A_182, %and3A_199, %parallel_loop3A_420], %parallel_loop3A_443 : memref<8x8x129xf32, #tpu.memory_space<vmem>>[vector<16xi32>, vector<16xi32>, vector<16xi32>], vector<16xf32>,
        %parallel_loop3A_451 = arith.constant 0 : i32
        %parallel_loop3A_452 = arith.constant 1 : i32
        %parallel_loop3A_453 = arith.index_cast %parallel_loop3A_451 : i32 to index
        %parallel_loop3A_454 = arith.index_cast %parallel_loop3A_452 : i32 to index
        %parallel_loop3A_455 = arith.index_cast %parallel_loop3A_415 : i32 to index
        %parallel_loop3A_456 = arith.constant 32 : index
        %parallel_loop3A_457 = tpu.vector_load %arg8[%parallel_loop3A_453, %parallel_loop3A_454, %parallel_loop3A_455, %parallel_loop3A_456] {strides = array<i32>} : memref<2x2x128x64xf32, #tpu.memory_space<vmem>>, vector<16xf32>,
        %parallel_loop3A_458 = arith.addf %parallel_loop3A_457, %get3A_235 : vector<16xf32>
        %parallel_loop3A_459 = arith.constant 0 : i32
        %parallel_loop3A_460 = arith.constant 1 : i32
        %parallel_loop3A_461 = arith.constant 0 : i32
        %parallel_loop3A_462 = arith.constant 0 : i32
        %parallel_loop3A_463 = arith.constant 0 : i32
        %parallel_loop3A_464 = tpu.memref_slice %arg9[%parallel_loop3A_459, %parallel_loop3A_460, %parallel_loop3A_461, %parallel_loop3A_462, %parallel_loop3A_463] : memref<2x2x8x8x129xf32, #tpu.memory_space<vmem>> -> memref<1x1x8x8x129xf32, #tpu.memory_space<vmem>>
        %parallel_loop3A_465 = tpu.memref_squeeze %parallel_loop3A_464 : memref<1x1x8x8x129xf32, #tpu.memory_space<vmem>> -> memref<8x8x129xf32, #tpu.memory_space<vmem>>
        tpu.vector_store_idx %parallel_loop3A_465[%shift_right_arithmetic3A_188, %and3A_202, %parallel_loop3A_420], %parallel_loop3A_458 : memref<8x8x129xf32, #tpu.memory_space<vmem>>[vector<16xi32>, vector<16xi32>, vector<16xi32>], vector<16xf32>,
        %parallel_loop3A_466 = arith.constant 0 : i32
        %parallel_loop3A_467 = arith.constant 1 : i32
        %parallel_loop3A_468 = arith.index_cast %parallel_loop3A_466 : i32 to index
        %parallel_loop3A_469 = arith.index_cast %parallel_loop3A_467 : i32 to index
        %parallel_loop3A_470 = arith.index_cast %parallel_loop3A_415 : i32 to index
        %parallel_loop3A_471 = arith.constant 48 : index
        %parallel_loop3A_472 = tpu.vector_load %arg8[%parallel_loop3A_468, %parallel_loop3A_469, %parallel_loop3A_470, %parallel_loop3A_471] {strides = array<i32>} : memref<2x2x128x64xf32, #tpu.memory_space<vmem>>, vector<16xf32>,
        %parallel_loop3A_473 = arith.addf %parallel_loop3A_472, %get3A_238 : vector<16xf32>
        %parallel_loop3A_474 = arith.constant 0 : i32
        %parallel_loop3A_475 = arith.constant 1 : i32
        %parallel_loop3A_476 = arith.constant 0 : i32
        %parallel_loop3A_477 = arith.constant 0 : i32
        %parallel_loop3A_478 = arith.constant 0 : i32
        %parallel_loop3A_479 = tpu.memref_slice %arg9[%parallel_loop3A_474, %parallel_loop3A_475, %parallel_loop3A_476, %parallel_loop3A_477, %parallel_loop3A_478] : memref<2x2x8x8x129xf32, #tpu.memory_space<vmem>> -> memref<1x1x8x8x129xf32, #tpu.memory_space<vmem>>
        %parallel_loop3A_480 = tpu.memref_squeeze %parallel_loop3A_479 : memref<1x1x8x8x129xf32, #tpu.memory_space<vmem>> -> memref<8x8x129xf32, #tpu.memory_space<vmem>>
        tpu.vector_store_idx %parallel_loop3A_480[%shift_right_arithmetic3A_194, %and3A_205, %parallel_loop3A_420], %parallel_loop3A_473 : memref<8x8x129xf32, #tpu.memory_space<vmem>>[vector<16xi32>, vector<16xi32>, vector<16xi32>], vector<16xf32>,
      } {sc.loop_unroll_factor = 2 : i64, sc.parallel_access}
      %mul3A_242 = arith.constant 2 : i32
      %mul3A_243 = arith.muli %add3A_128, %mul3A_242 : i32
      %dma_start3A_244 = arith.constant 0 : i32
      %dma_start3A_245 = arith.constant 0 : i32
      %dma_start3A_246 = arith.constant 0 : i32
      %dma_start3A_247 = arith.constant 0 : i32
      %dma_start3A_248 = arith.constant 0 : i32
      %dma_start3A_249 = tpu.memref_slice %arg9[%dma_start3A_244, %dma_start3A_245, %dma_start3A_246, %dma_start3A_247, %dma_start3A_248] : memref<2x2x8x8x129xf32, #tpu.memory_space<vmem>> -> memref<1x2x8x8x128xf32, #tpu.memory_space<vmem>>
      %dma_start3A_250 = tpu.memref_squeeze %dma_start3A_249 : memref<1x2x8x8x128xf32, #tpu.memory_space<vmem>> -> memref<2x8x8x128xf32, #tpu.memory_space<vmem>>
      %dma_start3A_251 = arith.constant 0 : i32
      %dma_start3A_252 = arith.constant 0 : i32
      %dma_start3A_253 = arith.constant 0 : i32
      %dma_start3A_254 = tpu.memref_slice %arg5[%mul3A_243, %dma_start3A_251, %add3A, %dma_start3A_252, %dma_start3A_253] : memref<200x8x32x8x128xf32, #tpu.memory_space<hbm>> -> memref<2x8x1x8x128xf32, #tpu.memory_space<hbm>>
      %dma_start3A_255 = tpu.memref_squeeze %dma_start3A_254 : memref<2x8x1x8x128xf32, #tpu.memory_space<hbm>> -> memref<2x8x8x128xf32, #tpu.memory_space<hbm>>
      %dma_start3A_256 = arith.constant 0 : i32
      %dma_start3A_257 = arith.constant 0 : i32
      %dma_start3A_258 = arith.constant 0 : i32
      %dma_start3A_259 = tpu.memref_slice %arg5[%mul3A_243, %dma_start3A_256, %add3A, %dma_start3A_257, %dma_start3A_258] : memref<200x8x32x8x128xf32, #tpu.memory_space<hbm>> -> memref<2x8x1x8x128xf32, #tpu.memory_space<hbm>>
      %dma_start3A_260 = tpu.memref_squeeze %dma_start3A_259 : memref<2x8x1x8x128xf32, #tpu.memory_space<hbm>> -> memref<2x8x8x128xf32, #tpu.memory_space<hbm>>
      %dma_start3A_261 = arith.constant 0 : i32
      %dma_start3A_262 = arith.constant 0 : i32
      %dma_start3A_263 = arith.constant 0 : i32
      %dma_start3A_264 = arith.constant 0 : i32
      %dma_start3A_265 = tpu.memref_slice %arg9[%dma_start3A_244, %dma_start3A_261, %dma_start3A_262, %dma_start3A_263, %dma_start3A_264] : memref<2x2x8x8x129xf32, #tpu.memory_space<vmem>> -> memref<1x2x8x8x128xf32, #tpu.memory_space<vmem>>
      %dma_start3A_266 = tpu.memref_squeeze %dma_start3A_265 : memref<1x2x8x8x128xf32, #tpu.memory_space<vmem>> -> memref<2x8x8x128xf32, #tpu.memory_space<vmem>>
      tpu.enqueue_dma source(%dma_start3A_266 : memref<2x8x8x128xf32, #tpu.memory_space<vmem>>) target(%dma_start3A_260 : memref<2x8x8x128xf32, #tpu.memory_space<hbm>>) target_semaphore(%arg14 : memref<!tpu.dma_semaphore, #tpu.memory_space<semaphore_mem>>)
      %add3A_267 = arith.constant 1 : i32
      %add3A_268 = arith.addi %add3A_126, %add3A_267 : i32
      %add3A_269 = arith.constant 1 : i32
      %add3A_270 = arith.addi %add3A_268, %add3A_269 : i32
      %lt3A_271 = arith.constant 100 : i32
      %lt3A_272 = arith.cmpi slt, %add3A_270, %lt3A_271 : i32
      %convert_element_type3A_273 = arith.extui %lt3A_272 : i1 to i32
      %cond3A_274 = arith.constant 0 : i32
      %cond3A_275 = arith.cmpi ne, %convert_element_type3A_273, %cond3A_274 : i32
      scf.if %cond3A_275 {
        %add3A_415 = arith.constant 1 : i32
        %add3A_416 = arith.addi %add3A_268, %add3A_415 : i32
        %mul3A_417 = arith.constant 2 : i32
        %mul3A_418 = arith.muli %add3A_416, %mul3A_417 : i32
        %dma_wait3A_419 = arith.constant 0 : i32
        %dma_wait3A_420 = arith.constant 0 : i32
        %dma_wait3A_421 = arith.constant 0 : i32
        %dma_wait3A_422 = tpu.memref_slice %arg7[%dma_wait3A_419, %dma_wait3A_420, %dma_wait3A_421] : memref<2x2x128xi32, #tpu.memory_space<vmem>> -> memref<1x2x128xi32, #tpu.memory_space<vmem>>
        %dma_wait3A_423 = tpu.memref_squeeze %dma_wait3A_422 : memref<1x2x128xi32, #tpu.memory_space<vmem>> -> memref<2x128xi32, #tpu.memory_space<vmem>>
        %dma_wait3A_424 = tpu.memref_slice %arg2[%mul3A_418, %mul3A_2] : memref<200x4096xi32, #tpu.memory_space<hbm>> -> memref<2x128xi32, #tpu.memory_space<hbm>>
        %dma_wait3A_425 = arith.constant 0 : i32
        %dma_wait3A_426 = arith.constant 0 : i32
        %dma_wait3A_427 = tpu.memref_slice %arg7[%dma_wait3A_419, %dma_wait3A_425, %dma_wait3A_426] : memref<2x2x128xi32, #tpu.memory_space<vmem>> -> memref<1x2x128xi32, #tpu.memory_space<vmem>>
        %dma_wait3A_428 = tpu.memref_squeeze %dma_wait3A_427 : memref<1x2x128xi32, #tpu.memory_space<vmem>> -> memref<2x128xi32, #tpu.memory_space<vmem>>
        %dma_wait3A_429 = tpu.memref_slice %arg2[%mul3A_418, %mul3A_2] : memref<200x4096xi32, #tpu.memory_space<hbm>> -> memref<2x128xi32, #tpu.memory_space<hbm>>
        tpu.wait_dma2 semaphore(%arg10 : memref<!tpu.dma_semaphore, #tpu.memory_space<semaphore_mem>>) src(%dma_wait3A_429 : memref<2x128xi32, #tpu.memory_space<hbm>>) dst(%dma_wait3A_428 : memref<2x128xi32, #tpu.memory_space<vmem>>)
        %add3A_430 = arith.constant 1 : i32
        %add3A_431 = arith.addi %add3A_268, %add3A_430 : i32
        %dma_start3A_432 = arith.constant 0 : i32
        %dma_start3A_433 = arith.constant 0 : i32
        %dma_start3A_434 = arith.constant 0 : i32
        %dma_start3A_435 = arith.constant 0 : i32
        %dma_start3A_436 = arith.constant 0 : i32
        %dma_start3A_437 = arith.constant 0 : i32
        %dma_start3A_438 = tpu.memref_slice %arg8[%dma_start3A_434, %dma_start3A_435, %dma_start3A_436, %dma_start3A_437] : memref<2x2x128x64xf32, #tpu.memory_space<vmem>> -> memref<1x1x128x64xf32, #tpu.memory_space<vmem>>
        %dma_start3A_439 = tpu.memref_squeeze %dma_start3A_438 : memref<1x1x128x64xf32, #tpu.memory_space<vmem>> -> memref<128x64xf32, #tpu.memory_space<vmem>>
        %dma_start3A_440 = arith.constant 0 : i32
        %dma_start3A_441 = tpu.memref_slice %arg7[%dma_start3A_432, %dma_start3A_433, %dma_start3A_440] : memref<2x2x128xi32, #tpu.memory_space<vmem>> -> memref<1x1x128xi32, #tpu.memory_space<vmem>>
        %dma_start3A_442 = tpu.memref_squeeze %dma_start3A_441 : memref<1x1x128xi32, #tpu.memory_space<vmem>> -> memref<128xi32, #tpu.memory_space<vmem>>
        %dma_start3A_443 = arith.constant 0 : i32
        %dma_start3A_444 = arith.constant 0 : i32
        %dma_start3A_445 = tpu.memref_slice %arg3[%dma_start3A_443, %dma_start3A_444] : memref<1015808x64xf32, #tpu.memory_space<hbm>> -> memref<1015808x64xf32, #tpu.memory_space<hbm>>
        tpu.enqueue_indirect_dma source(%dma_start3A_445 : memref<1015808x64xf32, #tpu.memory_space<hbm>>) target(%dma_start3A_439 : memref<128x64xf32, #tpu.memory_space<vmem>>) offsets(%dma_start3A_442 : memref<128xi32, #tpu.memory_space<vmem>>) semaphore(%arg12 : memref<!tpu.dma_semaphore, #tpu.memory_space<semaphore_mem>>)
        %dma_start3A_446 = arith.constant 0 : i32
        %dma_start3A_447 = arith.constant 1 : i32
        %dma_start3A_448 = arith.constant 0 : i32
        %dma_start3A_449 = arith.constant 1 : i32
        %dma_start3A_450 = arith.constant 0 : i32
        %dma_start3A_451 = arith.constant 0 : i32
        %dma_start3A_452 = tpu.memref_slice %arg8[%dma_start3A_448, %dma_start3A_449, %dma_start3A_450, %dma_start3A_451] : memref<2x2x128x64xf32, #tpu.memory_space<vmem>> -> memref<1x1x128x64xf32, #tpu.memory_space<vmem>>
        %dma_start3A_453 = tpu.memref_squeeze %dma_start3A_452 : memref<1x1x128x64xf32, #tpu.memory_space<vmem>> -> memref<128x64xf32, #tpu.memory_space<vmem>>
        %dma_start3A_454 = arith.constant 0 : i32
        %dma_start3A_455 = tpu.memref_slice %arg7[%dma_start3A_446, %dma_start3A_447, %dma_start3A_454] : memref<2x2x128xi32, #tpu.memory_space<vmem>> -> memref<1x1x128xi32, #tpu.memory_space<vmem>>
        %dma_start3A_456 = tpu.memref_squeeze %dma_start3A_455 : memref<1x1x128xi32, #tpu.memory_space<vmem>> -> memref<128xi32, #tpu.memory_space<vmem>>
        %dma_start3A_457 = arith.constant 0 : i32
        %dma_start3A_458 = arith.constant 0 : i32
        %dma_start3A_459 = tpu.memref_slice %arg3[%dma_start3A_457, %dma_start3A_458] : memref<1015808x64xf32, #tpu.memory_space<hbm>> -> memref<1015808x64xf32, #tpu.memory_space<hbm>>
        tpu.enqueue_indirect_dma source(%dma_start3A_459 : memref<1015808x64xf32, #tpu.memory_space<hbm>>) target(%dma_start3A_453 : memref<128x64xf32, #tpu.memory_space<vmem>>) offsets(%dma_start3A_456 : memref<128xi32, #tpu.memory_space<vmem>>) semaphore(%arg12 : memref<!tpu.dma_semaphore, #tpu.memory_space<semaphore_mem>>)
      } else {
      }
      %ge3A_276 = arith.constant 2 : i32
      %ge3A_277 = arith.cmpi sge, %add3A_268, %ge3A_276 : i32
      %convert_element_type3A_278 = arith.extui %ge3A_277 : i1 to i32
      %cond3A_279 = arith.constant 0 : i32
      %cond3A_280 = arith.cmpi ne, %convert_element_type3A_278, %cond3A_279 : i32
      scf.if %cond3A_280 {
        %sub3A = arith.constant 2 : i32
        %sub3A_415 = arith.subi %add3A_268, %sub3A : i32
        %mul3A_416 = arith.constant 2 : i32
        %mul3A_417 = arith.muli %sub3A_415, %mul3A_416 : i32
        %dma_wait3A_418 = arith.constant 1 : i32
        %dma_wait3A_419 = arith.constant 0 : i32
        %dma_wait3A_420 = arith.constant 0 : i32
        %dma_wait3A_421 = arith.constant 0 : i32
        %dma_wait3A_422 = arith.constant 0 : i32
        %dma_wait3A_423 = tpu.memref_slice %arg9[%dma_wait3A_418, %dma_wait3A_419, %dma_wait3A_420, %dma_wait3A_421, %dma_wait3A_422] : memref<2x2x8x8x129xf32, #tpu.memory_space<vmem>> -> memref<1x2x8x8x128xf32, #tpu.memory_space<vmem>>
        %dma_wait3A_424 = tpu.memref_squeeze %dma_wait3A_423 : memref<1x2x8x8x128xf32, #tpu.memory_space<vmem>> -> memref<2x8x8x128xf32, #tpu.memory_space<vmem>>
        %dma_wait3A_425 = arith.constant 0 : i32
        %dma_wait3A_426 = arith.constant 0 : i32
        %dma_wait3A_427 = arith.constant 0 : i32
        %dma_wait3A_428 = tpu.memref_slice %arg5[%mul3A_417, %dma_wait3A_425, %add3A, %dma_wait3A_426, %dma_wait3A_427] : memref<200x8x32x8x128xf32, #tpu.memory_space<hbm>> -> memref<2x8x1x8x128xf32, #tpu.memory_space<hbm>>
        %dma_wait3A_429 = tpu.memref_squeeze %dma_wait3A_428 : memref<2x8x1x8x128xf32, #tpu.memory_space<hbm>> -> memref<2x8x8x128xf32, #tpu.memory_space<hbm>>
        %dma_wait3A_430 = arith.constant 0 : i32
        %dma_wait3A_431 = arith.constant 0 : i32
        %dma_wait3A_432 = arith.constant 0 : i32
        %dma_wait3A_433 = tpu.memref_slice %arg5[%mul3A_417, %dma_wait3A_430, %add3A, %dma_wait3A_431, %dma_wait3A_432] : memref<200x8x32x8x128xf32, #tpu.memory_space<hbm>> -> memref<2x8x1x8x128xf32, #tpu.memory_space<hbm>>
        %dma_wait3A_434 = tpu.memref_squeeze %dma_wait3A_433 : memref<2x8x1x8x128xf32, #tpu.memory_space<hbm>> -> memref<2x8x8x128xf32, #tpu.memory_space<hbm>>
        %dma_wait3A_435 = arith.constant 0 : i32
        %dma_wait3A_436 = arith.constant 0 : i32
        %dma_wait3A_437 = arith.constant 0 : i32
        %dma_wait3A_438 = arith.constant 0 : i32
        %dma_wait3A_439 = tpu.memref_slice %arg9[%dma_wait3A_418, %dma_wait3A_435, %dma_wait3A_436, %dma_wait3A_437, %dma_wait3A_438] : memref<2x2x8x8x129xf32, #tpu.memory_space<vmem>> -> memref<1x2x8x8x128xf32, #tpu.memory_space<vmem>>
        %dma_wait3A_440 = tpu.memref_squeeze %dma_wait3A_439 : memref<1x2x8x8x128xf32, #tpu.memory_space<vmem>> -> memref<2x8x8x128xf32, #tpu.memory_space<vmem>>
        tpu.wait_dma2 semaphore(%arg15 : memref<!tpu.dma_semaphore, #tpu.memory_space<semaphore_mem>>) src(%dma_wait3A_440 : memref<2x8x8x128xf32, #tpu.memory_space<vmem>>) dst(%dma_wait3A_434 : memref<2x8x8x128xf32, #tpu.memory_space<hbm>>)
      } else {
      }
      %dma_wait3A_281 = arith.constant 1 : i32
      %dma_wait3A_282 = arith.constant 0 : i32
      %dma_wait3A_283 = arith.constant 1 : i32
      %dma_wait3A_284 = arith.constant 0 : i32
      %dma_wait3A_285 = arith.constant 0 : i32
      %dma_wait3A_286 = arith.constant 0 : i32
      %dma_wait3A_287 = tpu.memref_slice %arg8[%dma_wait3A_283, %dma_wait3A_284, %dma_wait3A_285, %dma_wait3A_286] : memref<2x2x128x64xf32, #tpu.memory_space<vmem>> -> memref<1x1x128x64xf32, #tpu.memory_space<vmem>>
      %dma_wait3A_288 = tpu.memref_squeeze %dma_wait3A_287 : memref<1x1x128x64xf32, #tpu.memory_space<vmem>> -> memref<128x64xf32, #tpu.memory_space<vmem>>
      %dma_wait3A_289 = arith.constant 0 : i32
      %dma_wait3A_290 = tpu.memref_slice %arg7[%dma_wait3A_281, %dma_wait3A_282, %dma_wait3A_289] : memref<2x2x128xi32, #tpu.memory_space<vmem>> -> memref<1x1x128xi32, #tpu.memory_space<vmem>>
      %dma_wait3A_291 = tpu.memref_squeeze %dma_wait3A_290 : memref<1x1x128xi32, #tpu.memory_space<vmem>> -> memref<128xi32, #tpu.memory_space<vmem>>
      %dma_wait3A_292 = arith.constant 0 : i32
      %dma_wait3A_293 = arith.constant 0 : i32
      %dma_wait3A_294 = tpu.memref_slice %arg3[%dma_wait3A_292, %dma_wait3A_293] : memref<1015808x64xf32, #tpu.memory_space<hbm>> -> memref<1015808x64xf32, #tpu.memory_space<hbm>>
      tpu.wait_indirect_dma semaphore(%arg13 : memref<!tpu.dma_semaphore, #tpu.memory_space<semaphore_mem>>) src(%dma_wait3A_294 : memref<1015808x64xf32, #tpu.memory_space<hbm>>) dst(%dma_wait3A_288 : memref<128x64xf32, #tpu.memory_space<vmem>>)
      %dma_wait3A_295 = arith.constant 1 : i32
      %dma_wait3A_296 = arith.constant 1 : i32
      %dma_wait3A_297 = arith.constant 1 : i32
      %dma_wait3A_298 = arith.constant 1 : i32
      %dma_wait3A_299 = arith.constant 0 : i32
      %dma_wait3A_300 = arith.constant 0 : i32
      %dma_wait3A_301 = tpu.memref_slice %arg8[%dma_wait3A_297, %dma_wait3A_298, %dma_wait3A_299, %dma_wait3A_300] : memref<2x2x128x64xf32, #tpu.memory_space<vmem>> -> memref<1x1x128x64xf32, #tpu.memory_space<vmem>>
      %dma_wait3A_302 = tpu.memref_squeeze %dma_wait3A_301 : memref<1x1x128x64xf32, #tpu.memory_space<vmem>> -> memref<128x64xf32, #tpu.memory_space<vmem>>
      %dma_wait3A_303 = arith.constant 0 : i32
      %dma_wait3A_304 = tpu.memref_slice %arg7[%dma_wait3A_295, %dma_wait3A_296, %dma_wait3A_303] : memref<2x2x128xi32, #tpu.memory_space<vmem>> -> memref<1x1x128xi32, #tpu.memory_space<vmem>>
      %dma_wait3A_305 = tpu.memref_squeeze %dma_wait3A_304 : memref<1x1x128xi32, #tpu.memory_space<vmem>> -> memref<128xi32, #tpu.memory_space<vmem>>
      %dma_wait3A_306 = arith.constant 0 : i32
      %dma_wait3A_307 = arith.constant 0 : i32
      %dma_wait3A_308 = tpu.memref_slice %arg3[%dma_wait3A_306, %dma_wait3A_307] : memref<1015808x64xf32, #tpu.memory_space<hbm>> -> memref<1015808x64xf32, #tpu.memory_space<hbm>>
      tpu.wait_indirect_dma semaphore(%arg13 : memref<!tpu.dma_semaphore, #tpu.memory_space<semaphore_mem>>) src(%dma_wait3A_308 : memref<1015808x64xf32, #tpu.memory_space<hbm>>) dst(%dma_wait3A_302 : memref<128x64xf32, #tpu.memory_space<vmem>>)
      %add3A_309 = arith.constant 2 : i32
      %add3A_310 = arith.addi %add3A_268, %add3A_309 : i32
      %lt3A_311 = arith.constant 100 : i32
      %lt3A_312 = arith.cmpi slt, %add3A_310, %lt3A_311 : i32
      %convert_element_type3A_313 = arith.extui %lt3A_312 : i1 to i32
      %cond3A_314 = arith.constant 0 : i32
      %cond3A_315 = arith.cmpi ne, %convert_element_type3A_313, %cond3A_314 : i32
      scf.if %cond3A_315 {
        %add3A_415 = arith.constant 2 : i32
        %add3A_416 = arith.addi %add3A_268, %add3A_415 : i32
        %mul3A_417 = arith.constant 2 : i32
        %mul3A_418 = arith.muli %add3A_416, %mul3A_417 : i32
        %dma_start3A_419 = arith.constant 1 : i32
        %dma_start3A_420 = arith.constant 0 : i32
        %dma_start3A_421 = arith.constant 0 : i32
        %dma_start3A_422 = tpu.memref_slice %arg7[%dma_start3A_419, %dma_start3A_420, %dma_start3A_421] : memref<2x2x128xi32, #tpu.memory_space<vmem>> -> memref<1x2x128xi32, #tpu.memory_space<vmem>>
        %dma_start3A_423 = tpu.memref_squeeze %dma_start3A_422 : memref<1x2x128xi32, #tpu.memory_space<vmem>> -> memref<2x128xi32, #tpu.memory_space<vmem>>
        %dma_start3A_424 = tpu.memref_slice %arg2[%mul3A_418, %mul3A_2] : memref<200x4096xi32, #tpu.memory_space<hbm>> -> memref<2x128xi32, #tpu.memory_space<hbm>>
        %dma_start3A_425 = arith.constant 0 : i32
        %dma_start3A_426 = arith.constant 0 : i32
        %dma_start3A_427 = tpu.memref_slice %arg7[%dma_start3A_419, %dma_start3A_425, %dma_start3A_426] : memref<2x2x128xi32, #tpu.memory_space<vmem>> -> memref<1x2x128xi32, #tpu.memory_space<vmem>>
        %dma_start3A_428 = tpu.memref_squeeze %dma_start3A_427 : memref<1x2x128xi32, #tpu.memory_space<vmem>> -> memref<2x128xi32, #tpu.memory_space<vmem>>
        %dma_start3A_429 = tpu.memref_slice %arg2[%mul3A_418, %mul3A_2] : memref<200x4096xi32, #tpu.memory_space<hbm>> -> memref<2x128xi32, #tpu.memory_space<hbm>>
        tpu.enqueue_dma source(%dma_start3A_429 : memref<2x128xi32, #tpu.memory_space<hbm>>) target(%dma_start3A_428 : memref<2x128xi32, #tpu.memory_space<vmem>>) target_semaphore(%arg11 : memref<!tpu.dma_semaphore, #tpu.memory_space<semaphore_mem>>)
      } else {
      }
      %add3A_316 = arith.constant 0 : i32
      %add3A_317 = vector.broadcast %add3A_316 : i32 to vector<16xi32>
      %add3A_318 = arith.addi %iota3A, %add3A_317 : vector<16xi32>
      %shift_right_arithmetic3A_319 = arith.constant 3 : i32
      %shift_right_arithmetic3A_320 = vector.broadcast %shift_right_arithmetic3A_319 : i32 to vector<16xi32>
      %shift_right_arithmetic3A_321 = arith.shrsi %add3A_318, %shift_right_arithmetic3A_320 : vector<16xi32>
      %add3A_322 = arith.constant 16 : i32
      %add3A_323 = vector.broadcast %add3A_322 : i32 to vector<16xi32>
      %add3A_324 = arith.addi %iota3A, %add3A_323 : vector<16xi32>
      %shift_right_arithmetic3A_325 = arith.constant 3 : i32
      %shift_right_arithmetic3A_326 = vector.broadcast %shift_right_arithmetic3A_325 : i32 to vector<16xi32>
      %shift_right_arithmetic3A_327 = arith.shrsi %add3A_324, %shift_right_arithmetic3A_326 : vector<16xi32>
      %add3A_328 = arith.constant 32 : i32
      %add3A_329 = vector.broadcast %add3A_328 : i32 to vector<16xi32>
      %add3A_330 = arith.addi %iota3A, %add3A_329 : vector<16xi32>
      %shift_right_arithmetic3A_331 = arith.constant 3 : i32
      %shift_right_arithmetic3A_332 = vector.broadcast %shift_right_arithmetic3A_331 : i32 to vector<16xi32>
      %shift_right_arithmetic3A_333 = arith.shrsi %add3A_330, %shift_right_arithmetic3A_332 : vector<16xi32>
      %add3A_334 = arith.constant 48 : i32
      %add3A_335 = vector.broadcast %add3A_334 : i32 to vector<16xi32>
      %add3A_336 = arith.addi %iota3A, %add3A_335 : vector<16xi32>
      %shift_right_arithmetic3A_337 = arith.constant 3 : i32
      %shift_right_arithmetic3A_338 = vector.broadcast %shift_right_arithmetic3A_337 : i32 to vector<16xi32>
      %shift_right_arithmetic3A_339 = arith.shrsi %add3A_336, %shift_right_arithmetic3A_338 : vector<16xi32>
      %and3A_340 = arith.constant 7 : i32
      %and3A_341 = vector.broadcast %and3A_340 : i32 to vector<16xi32>
      %and3A_342 = arith.andi %iota3A, %and3A_341 : vector<16xi32>
      %and3A_343 = arith.constant 7 : i32
      %and3A_344 = vector.broadcast %and3A_343 : i32 to vector<16xi32>
      %and3A_345 = arith.andi %iota3A, %and3A_344 : vector<16xi32>
      %and3A_346 = arith.constant 7 : i32
      %and3A_347 = vector.broadcast %and3A_346 : i32 to vector<16xi32>
      %and3A_348 = arith.andi %iota3A, %and3A_347 : vector<16xi32>
      %and3A_349 = arith.constant 7 : i32
      %and3A_350 = vector.broadcast %and3A_349 : i32 to vector<16xi32>
      %and3A_351 = arith.andi %iota3A, %and3A_350 : vector<16xi32>
      %mul3A_352 = arith.constant 2 : i32
      %mul3A_353 = arith.muli %add3A_268, %mul3A_352 : i32
      %add3A_354 = arith.constant 0 : i32
      %add3A_355 = arith.addi %mul3A_353, %add3A_354 : i32
      %get3A_356 = arith.index_cast %add3A_355 : i32 to index
      %get3A_357 = arith.constant 0 : index
      %get3A_358 = tpu.vector_load %arg6[%get3A_356, %get3A_357] {strides = array<i32>} : memref<200x64xf32, #tpu.memory_space<vmem>>, vector<16xf32>,
      %get3A_359 = arith.index_cast %add3A_355 : i32 to index
      %get3A_360 = arith.constant 16 : index
      %get3A_361 = tpu.vector_load %arg6[%get3A_359, %get3A_360] {strides = array<i32>} : memref<200x64xf32, #tpu.memory_space<vmem>>, vector<16xf32>,
      %get3A_362 = arith.index_cast %add3A_355 : i32 to index
      %get3A_363 = arith.constant 32 : index
      %get3A_364 = tpu.vector_load %arg6[%get3A_362, %get3A_363] {strides = array<i32>} : memref<200x64xf32, #tpu.memory_space<vmem>>, vector<16xf32>,
      %get3A_365 = arith.index_cast %add3A_355 : i32 to index
      %get3A_366 = arith.constant 48 : index
      %get3A_367 = tpu.vector_load %arg6[%get3A_365, %get3A_366] {strides = array<i32>} : memref<200x64xf32, #tpu.memory_space<vmem>>, vector<16xf32>,
      %parallel_loop3A_368 = arith.constant 0 : i32
      %parallel_loop3A_369 = arith.constant 128 : i32
      %parallel_loop3A_370 = arith.constant 1 : i32
      scf.for %parallel_loop3A_415 = %parallel_loop3A_368 to %parallel_loop3A_369 step %parallel_loop3A_370  : i32 {
        %parallel_loop3A_416 = arith.constant 0 : i32
        %parallel_loop3A_417 = vector.broadcast %parallel_loop3A_416 : i32 to vector<16xi32>
        %parallel_loop3A_418 = arith.muli %iota3A, %parallel_loop3A_417 : vector<16xi32>
        %parallel_loop3A_419 = vector.broadcast %parallel_loop3A_415 : i32 to vector<16xi32>
        %parallel_loop3A_420 = arith.addi %parallel_loop3A_418, %parallel_loop3A_419 : vector<16xi32>
        %parallel_loop3A_421 = arith.constant 1 : i32
        %parallel_loop3A_422 = arith.constant 0 : i32
        %parallel_loop3A_423 = arith.index_cast %parallel_loop3A_421 : i32 to index
        %parallel_loop3A_424 = arith.index_cast %parallel_loop3A_422 : i32 to index
        %parallel_loop3A_425 = arith.index_cast %parallel_loop3A_415 : i32 to index
        %parallel_loop3A_426 = arith.constant 0 : index
        %parallel_loop3A_427 = tpu.vector_load %arg8[%parallel_loop3A_423, %parallel_loop3A_424, %parallel_loop3A_425, %parallel_loop3A_426] {strides = array<i32>} : memref<2x2x128x64xf32, #tpu.memory_space<vmem>>, vector<16xf32>,
        %parallel_loop3A_428 = arith.addf %parallel_loop3A_427, %get3A_358 : vector<16xf32>
        %parallel_loop3A_429 = arith.constant 1 : i32
        %parallel_loop3A_430 = arith.constant 0 : i32
        %parallel_loop3A_431 = arith.constant 0 : i32
        %parallel_loop3A_432 = arith.constant 0 : i32
        %parallel_loop3A_433 = arith.constant 0 : i32
        %parallel_loop3A_434 = tpu.memref_slice %arg9[%parallel_loop3A_429, %parallel_loop3A_430, %parallel_loop3A_431, %parallel_loop3A_432, %parallel_loop3A_433] : memref<2x2x8x8x129xf32, #tpu.memory_space<vmem>> -> memref<1x1x8x8x129xf32, #tpu.memory_space<vmem>>
        %parallel_loop3A_435 = tpu.memref_squeeze %parallel_loop3A_434 : memref<1x1x8x8x129xf32, #tpu.memory_space<vmem>> -> memref<8x8x129xf32, #tpu.memory_space<vmem>>
        tpu.vector_store_idx %parallel_loop3A_435[%shift_right_arithmetic3A_321, %and3A_342, %parallel_loop3A_420], %parallel_loop3A_428 : memref<8x8x129xf32, #tpu.memory_space<vmem>>[vector<16xi32>, vector<16xi32>, vector<16xi32>], vector<16xf32>,
        %parallel_loop3A_436 = arith.constant 1 : i32
        %parallel_loop3A_437 = arith.constant 0 : i32
        %parallel_loop3A_438 = arith.index_cast %parallel_loop3A_436 : i32 to index
        %parallel_loop3A_439 = arith.index_cast %parallel_loop3A_437 : i32 to index
        %parallel_loop3A_440 = arith.index_cast %parallel_loop3A_415 : i32 to index
        %parallel_loop3A_441 = arith.constant 16 : index
        %parallel_loop3A_442 = tpu.vector_load %arg8[%parallel_loop3A_438, %parallel_loop3A_439, %parallel_loop3A_440, %parallel_loop3A_441] {strides = array<i32>} : memref<2x2x128x64xf32, #tpu.memory_space<vmem>>, vector<16xf32>,
        %parallel_loop3A_443 = arith.addf %parallel_loop3A_442, %get3A_361 : vector<16xf32>
        %parallel_loop3A_444 = arith.constant 1 : i32
        %parallel_loop3A_445 = arith.constant 0 : i32
        %parallel_loop3A_446 = arith.constant 0 : i32
        %parallel_loop3A_447 = arith.constant 0 : i32
        %parallel_loop3A_448 = arith.constant 0 : i32
        %parallel_loop3A_449 = tpu.memref_slice %arg9[%parallel_loop3A_444, %parallel_loop3A_445, %parallel_loop3A_446, %parallel_loop3A_447, %parallel_loop3A_448] : memref<2x2x8x8x129xf32, #tpu.memory_space<vmem>> -> memref<1x1x8x8x129xf32, #tpu.memory_space<vmem>>
        %parallel_loop3A_450 = tpu.memref_squeeze %parallel_loop3A_449 : memref<1x1x8x8x129xf32, #tpu.memory_space<vmem>> -> memref<8x8x129xf32, #tpu.memory_space<vmem>>
        tpu.vector_store_idx %parallel_loop3A_450[%shift_right_arithmetic3A_327, %and3A_345, %parallel_loop3A_420], %parallel_loop3A_443 : memref<8x8x129xf32, #tpu.memory_space<vmem>>[vector<16xi32>, vector<16xi32>, vector<16xi32>], vector<16xf32>,
        %parallel_loop3A_451 = arith.constant 1 : i32
        %parallel_loop3A_452 = arith.constant 0 : i32
        %parallel_loop3A_453 = arith.index_cast %parallel_loop3A_451 : i32 to index
        %parallel_loop3A_454 = arith.index_cast %parallel_loop3A_452 : i32 to index
        %parallel_loop3A_455 = arith.index_cast %parallel_loop3A_415 : i32 to index
        %parallel_loop3A_456 = arith.constant 32 : index
        %parallel_loop3A_457 = tpu.vector_load %arg8[%parallel_loop3A_453, %parallel_loop3A_454, %parallel_loop3A_455, %parallel_loop3A_456] {strides = array<i32>} : memref<2x2x128x64xf32, #tpu.memory_space<vmem>>, vector<16xf32>,
        %parallel_loop3A_458 = arith.addf %parallel_loop3A_457, %get3A_364 : vector<16xf32>
        %parallel_loop3A_459 = arith.constant 1 : i32
        %parallel_loop3A_460 = arith.constant 0 : i32
        %parallel_loop3A_461 = arith.constant 0 : i32
        %parallel_loop3A_462 = arith.constant 0 : i32
        %parallel_loop3A_463 = arith.constant 0 : i32
        %parallel_loop3A_464 = tpu.memref_slice %arg9[%parallel_loop3A_459, %parallel_loop3A_460, %parallel_loop3A_461, %parallel_loop3A_462, %parallel_loop3A_463] : memref<2x2x8x8x129xf32, #tpu.memory_space<vmem>> -> memref<1x1x8x8x129xf32, #tpu.memory_space<vmem>>
        %parallel_loop3A_465 = tpu.memref_squeeze %parallel_loop3A_464 : memref<1x1x8x8x129xf32, #tpu.memory_space<vmem>> -> memref<8x8x129xf32, #tpu.memory_space<vmem>>
        tpu.vector_store_idx %parallel_loop3A_465[%shift_right_arithmetic3A_333, %and3A_348, %parallel_loop3A_420], %parallel_loop3A_458 : memref<8x8x129xf32, #tpu.memory_space<vmem>>[vector<16xi32>, vector<16xi32>, vector<16xi32>], vector<16xf32>,
        %parallel_loop3A_466 = arith.constant 1 : i32
        %parallel_loop3A_467 = arith.constant 0 : i32
        %parallel_loop3A_468 = arith.index_cast %parallel_loop3A_466 : i32 to index
        %parallel_loop3A_469 = arith.index_cast %parallel_loop3A_467 : i32 to index
        %parallel_loop3A_470 = arith.index_cast %parallel_loop3A_415 : i32 to index
        %parallel_loop3A_471 = arith.constant 48 : index
        %parallel_loop3A_472 = tpu.vector_load %arg8[%parallel_loop3A_468, %parallel_loop3A_469, %parallel_loop3A_470, %parallel_loop3A_471] {strides = array<i32>} : memref<2x2x128x64xf32, #tpu.memory_space<vmem>>, vector<16xf32>,
        %parallel_loop3A_473 = arith.addf %parallel_loop3A_472, %get3A_367 : vector<16xf32>
        %parallel_loop3A_474 = arith.constant 1 : i32
        %parallel_loop3A_475 = arith.constant 0 : i32
        %parallel_loop3A_476 = arith.constant 0 : i32
        %parallel_loop3A_477 = arith.constant 0 : i32
        %parallel_loop3A_478 = arith.constant 0 : i32
        %parallel_loop3A_479 = tpu.memref_slice %arg9[%parallel_loop3A_474, %parallel_loop3A_475, %parallel_loop3A_476, %parallel_loop3A_477, %parallel_loop3A_478] : memref<2x2x8x8x129xf32, #tpu.memory_space<vmem>> -> memref<1x1x8x8x129xf32, #tpu.memory_space<vmem>>
        %parallel_loop3A_480 = tpu.memref_squeeze %parallel_loop3A_479 : memref<1x1x8x8x129xf32, #tpu.memory_space<vmem>> -> memref<8x8x129xf32, #tpu.memory_space<vmem>>
        tpu.vector_store_idx %parallel_loop3A_480[%shift_right_arithmetic3A_339, %and3A_351, %parallel_loop3A_420], %parallel_loop3A_473 : memref<8x8x129xf32, #tpu.memory_space<vmem>>[vector<16xi32>, vector<16xi32>, vector<16xi32>], vector<16xf32>,
      } {sc.loop_unroll_factor = 2 : i64, sc.parallel_access}
      %mul3A_371 = arith.constant 2 : i32
      %mul3A_372 = arith.muli %add3A_268, %mul3A_371 : i32
      %add3A_373 = arith.constant 1 : i32
      %add3A_374 = arith.addi %mul3A_372, %add3A_373 : i32
      %get3A_375 = arith.index_cast %add3A_374 : i32 to index
      %get3A_376 = arith.constant 0 : index
      %get3A_377 = tpu.vector_load %arg6[%get3A_375, %get3A_376] {strides = array<i32>} : memref<200x64xf32, #tpu.memory_space<vmem>>, vector<16xf32>,
      %get3A_378 = arith.index_cast %add3A_374 : i32 to index
      %get3A_379 = arith.constant 16 : index
      %get3A_380 = tpu.vector_load %arg6[%get3A_378, %get3A_379] {strides = array<i32>} : memref<200x64xf32, #tpu.memory_space<vmem>>, vector<16xf32>,
      %get3A_381 = arith.index_cast %add3A_374 : i32 to index
      %get3A_382 = arith.constant 32 : index
      %get3A_383 = tpu.vector_load %arg6[%get3A_381, %get3A_382] {strides = array<i32>} : memref<200x64xf32, #tpu.memory_space<vmem>>, vector<16xf32>,
      %get3A_384 = arith.index_cast %add3A_374 : i32 to index
      %get3A_385 = arith.constant 48 : index
      %get3A_386 = tpu.vector_load %arg6[%get3A_384, %get3A_385] {strides = array<i32>} : memref<200x64xf32, #tpu.memory_space<vmem>>, vector<16xf32>,
      %parallel_loop3A_387 = arith.constant 0 : i32
      %parallel_loop3A_388 = arith.constant 128 : i32
      %parallel_loop3A_389 = arith.constant 1 : i32
      scf.for %parallel_loop3A_415 = %parallel_loop3A_387 to %parallel_loop3A_388 step %parallel_loop3A_389  : i32 {
        %parallel_loop3A_416 = arith.constant 0 : i32
        %parallel_loop3A_417 = vector.broadcast %parallel_loop3A_416 : i32 to vector<16xi32>
        %parallel_loop3A_418 = arith.muli %iota3A, %parallel_loop3A_417 : vector<16xi32>
        %parallel_loop3A_419 = vector.broadcast %parallel_loop3A_415 : i32 to vector<16xi32>
        %parallel_loop3A_420 = arith.addi %parallel_loop3A_418, %parallel_loop3A_419 : vector<16xi32>
        %parallel_loop3A_421 = arith.constant 1 : i32
        %parallel_loop3A_422 = arith.constant 1 : i32
        %parallel_loop3A_423 = arith.index_cast %parallel_loop3A_421 : i32 to index
        %parallel_loop3A_424 = arith.index_cast %parallel_loop3A_422 : i32 to index
        %parallel_loop3A_425 = arith.index_cast %parallel_loop3A_415 : i32 to index
        %parallel_loop3A_426 = arith.constant 0 : index
        %parallel_loop3A_427 = tpu.vector_load %arg8[%parallel_loop3A_423, %parallel_loop3A_424, %parallel_loop3A_425, %parallel_loop3A_426] {strides = array<i32>} : memref<2x2x128x64xf32, #tpu.memory_space<vmem>>, vector<16xf32>,
        %parallel_loop3A_428 = arith.addf %parallel_loop3A_427, %get3A_377 : vector<16xf32>
        %parallel_loop3A_429 = arith.constant 1 : i32
        %parallel_loop3A_430 = arith.constant 1 : i32
        %parallel_loop3A_431 = arith.constant 0 : i32
        %parallel_loop3A_432 = arith.constant 0 : i32
        %parallel_loop3A_433 = arith.constant 0 : i32
        %parallel_loop3A_434 = tpu.memref_slice %arg9[%parallel_loop3A_429, %parallel_loop3A_430, %parallel_loop3A_431, %parallel_loop3A_432, %parallel_loop3A_433] : memref<2x2x8x8x129xf32, #tpu.memory_space<vmem>> -> memref<1x1x8x8x129xf32, #tpu.memory_space<vmem>>
        %parallel_loop3A_435 = tpu.memref_squeeze %parallel_loop3A_434 : memref<1x1x8x8x129xf32, #tpu.memory_space<vmem>> -> memref<8x8x129xf32, #tpu.memory_space<vmem>>
        tpu.vector_store_idx %parallel_loop3A_435[%shift_right_arithmetic3A_321, %and3A_342, %parallel_loop3A_420], %parallel_loop3A_428 : memref<8x8x129xf32, #tpu.memory_space<vmem>>[vector<16xi32>, vector<16xi32>, vector<16xi32>], vector<16xf32>,
        %parallel_loop3A_436 = arith.constant 1 : i32
        %parallel_loop3A_437 = arith.constant 1 : i32
        %parallel_loop3A_438 = arith.index_cast %parallel_loop3A_436 : i32 to index
        %parallel_loop3A_439 = arith.index_cast %parallel_loop3A_437 : i32 to index
        %parallel_loop3A_440 = arith.index_cast %parallel_loop3A_415 : i32 to index
        %parallel_loop3A_441 = arith.constant 16 : index
        %parallel_loop3A_442 = tpu.vector_load %arg8[%parallel_loop3A_438, %parallel_loop3A_439, %parallel_loop3A_440, %parallel_loop3A_441] {strides = array<i32>} : memref<2x2x128x64xf32, #tpu.memory_space<vmem>>, vector<16xf32>,
        %parallel_loop3A_443 = arith.addf %parallel_loop3A_442, %get3A_380 : vector<16xf32>
        %parallel_loop3A_444 = arith.constant 1 : i32
        %parallel_loop3A_445 = arith.constant 1 : i32
        %parallel_loop3A_446 = arith.constant 0 : i32
        %parallel_loop3A_447 = arith.constant 0 : i32
        %parallel_loop3A_448 = arith.constant 0 : i32
        %parallel_loop3A_449 = tpu.memref_slice %arg9[%parallel_loop3A_444, %parallel_loop3A_445, %parallel_loop3A_446, %parallel_loop3A_447, %parallel_loop3A_448] : memref<2x2x8x8x129xf32, #tpu.memory_space<vmem>> -> memref<1x1x8x8x129xf32, #tpu.memory_space<vmem>>
        %parallel_loop3A_450 = tpu.memref_squeeze %parallel_loop3A_449 : memref<1x1x8x8x129xf32, #tpu.memory_space<vmem>> -> memref<8x8x129xf32, #tpu.memory_space<vmem>>
        tpu.vector_store_idx %parallel_loop3A_450[%shift_right_arithmetic3A_327, %and3A_345, %parallel_loop3A_420], %parallel_loop3A_443 : memref<8x8x129xf32, #tpu.memory_space<vmem>>[vector<16xi32>, vector<16xi32>, vector<16xi32>], vector<16xf32>,
        %parallel_loop3A_451 = arith.constant 1 : i32
        %parallel_loop3A_452 = arith.constant 1 : i32
        %parallel_loop3A_453 = arith.index_cast %parallel_loop3A_451 : i32 to index
        %parallel_loop3A_454 = arith.index_cast %parallel_loop3A_452 : i32 to index
        %parallel_loop3A_455 = arith.index_cast %parallel_loop3A_415 : i32 to index
        %parallel_loop3A_456 = arith.constant 32 : index
        %parallel_loop3A_457 = tpu.vector_load %arg8[%parallel_loop3A_453, %parallel_loop3A_454, %parallel_loop3A_455, %parallel_loop3A_456] {strides = array<i32>} : memref<2x2x128x64xf32, #tpu.memory_space<vmem>>, vector<16xf32>,
        %parallel_loop3A_458 = arith.addf %parallel_loop3A_457, %get3A_383 : vector<16xf32>
        %parallel_loop3A_459 = arith.constant 1 : i32
        %parallel_loop3A_460 = arith.constant 1 : i32
        %parallel_loop3A_461 = arith.constant 0 : i32
        %parallel_loop3A_462 = arith.constant 0 : i32
        %parallel_loop3A_463 = arith.constant 0 : i32
        %parallel_loop3A_464 = tpu.memref_slice %arg9[%parallel_loop3A_459, %parallel_loop3A_460, %parallel_loop3A_461, %parallel_loop3A_462, %parallel_loop3A_463] : memref<2x2x8x8x129xf32, #tpu.memory_space<vmem>> -> memref<1x1x8x8x129xf32, #tpu.memory_space<vmem>>
        %parallel_loop3A_465 = tpu.memref_squeeze %parallel_loop3A_464 : memref<1x1x8x8x129xf32, #tpu.memory_space<vmem>> -> memref<8x8x129xf32, #tpu.memory_space<vmem>>
        tpu.vector_store_idx %parallel_loop3A_465[%shift_right_arithmetic3A_333, %and3A_348, %parallel_loop3A_420], %parallel_loop3A_458 : memref<8x8x129xf32, #tpu.memory_space<vmem>>[vector<16xi32>, vector<16xi32>, vector<16xi32>], vector<16xf32>,
        %parallel_loop3A_466 = arith.constant 1 : i32
        %parallel_loop3A_467 = arith.constant 1 : i32
        %parallel_loop3A_468 = arith.index_cast %parallel_loop3A_466 : i32 to index
        %parallel_loop3A_469 = arith.index_cast %parallel_loop3A_467 : i32 to index
        %parallel_loop3A_470 = arith.index_cast %parallel_loop3A_415 : i32 to index
        %parallel_loop3A_471 = arith.constant 48 : index
        %parallel_loop3A_472 = tpu.vector_load %arg8[%parallel_loop3A_468, %parallel_loop3A_469, %parallel_loop3A_470, %parallel_loop3A_471] {strides = array<i32>} : memref<2x2x128x64xf32, #tpu.memory_space<vmem>>, vector<16xf32>,
        %parallel_loop3A_473 = arith.addf %parallel_loop3A_472, %get3A_386 : vector<16xf32>
        %parallel_loop3A_474 = arith.constant 1 : i32
        %parallel_loop3A_475 = arith.constant 1 : i32
        %parallel_loop3A_476 = arith.constant 0 : i32
        %parallel_loop3A_477 = arith.constant 0 : i32
        %parallel_loop3A_478 = arith.constant 0 : i32
        %parallel_loop3A_479 = tpu.memref_slice %arg9[%parallel_loop3A_474, %parallel_loop3A_475, %parallel_loop3A_476, %parallel_loop3A_477, %parallel_loop3A_478] : memref<2x2x8x8x129xf32, #tpu.memory_space<vmem>> -> memref<1x1x8x8x129xf32, #tpu.memory_space<vmem>>
        %parallel_loop3A_480 = tpu.memref_squeeze %parallel_loop3A_479 : memref<1x1x8x8x129xf32, #tpu.memory_space<vmem>> -> memref<8x8x129xf32, #tpu.memory_space<vmem>>
        tpu.vector_store_idx %parallel_loop3A_480[%shift_right_arithmetic3A_339, %and3A_351, %parallel_loop3A_420], %parallel_loop3A_473 : memref<8x8x129xf32, #tpu.memory_space<vmem>>[vector<16xi32>, vector<16xi32>, vector<16xi32>], vector<16xf32>,
      } {sc.loop_unroll_factor = 2 : i64, sc.parallel_access}
      %mul3A_390 = arith.constant 2 : i32
      %mul3A_391 = arith.muli %add3A_268, %mul3A_390 : i32
      %dma_start3A_392 = arith.constant 1 : i32
      %dma_start3A_393 = arith.constant 0 : i32
      %dma_start3A_394 = arith.constant 0 : i32
      %dma_start3A_395 = arith.constant 0 : i32
      %dma_start3A_396 = arith.constant 0 : i32
      %dma_start3A_397 = tpu.memref_slice %arg9[%dma_start3A_392, %dma_start3A_393, %dma_start3A_394, %dma_start3A_395, %dma_start3A_396] : memref<2x2x8x8x129xf32, #tpu.memory_space<vmem>> -> memref<1x2x8x8x128xf32, #tpu.memory_space<vmem>>
      %dma_start3A_398 = tpu.memref_squeeze %dma_start3A_397 : memref<1x2x8x8x128xf32, #tpu.memory_space<vmem>> -> memref<2x8x8x128xf32, #tpu.memory_space<vmem>>
      %dma_start3A_399 = arith.constant 0 : i32
      %dma_start3A_400 = arith.constant 0 : i32
      %dma_start3A_401 = arith.constant 0 : i32
      %dma_start3A_402 = tpu.memref_slice %arg5[%mul3A_391, %dma_start3A_399, %add3A, %dma_start3A_400, %dma_start3A_401] : memref<200x8x32x8x128xf32, #tpu.memory_space<hbm>> -> memref<2x8x1x8x128xf32, #tpu.memory_space<hbm>>
      %dma_start3A_403 = tpu.memref_squeeze %dma_start3A_402 : memref<2x8x1x8x128xf32, #tpu.memory_space<hbm>> -> memref<2x8x8x128xf32, #tpu.memory_space<hbm>>
      %dma_start3A_404 = arith.constant 0 : i32
      %dma_start3A_405 = arith.constant 0 : i32
      %dma_start3A_406 = arith.constant 0 : i32
      %dma_start3A_407 = tpu.memref_slice %arg5[%mul3A_391, %dma_start3A_404, %add3A, %dma_start3A_405, %dma_start3A_406] : memref<200x8x32x8x128xf32, #tpu.memory_space<hbm>> -> memref<2x8x1x8x128xf32, #tpu.memory_space<hbm>>
      %dma_start3A_408 = tpu.memref_squeeze %dma_start3A_407 : memref<2x8x1x8x128xf32, #tpu.memory_space<hbm>> -> memref<2x8x8x128xf32, #tpu.memory_space<hbm>>
      %dma_start3A_409 = arith.constant 0 : i32
      %dma_start3A_410 = arith.constant 0 : i32
      %dma_start3A_411 = arith.constant 0 : i32
      %dma_start3A_412 = arith.constant 0 : i32
      %dma_start3A_413 = tpu.memref_slice %arg9[%dma_start3A_392, %dma_start3A_409, %dma_start3A_410, %dma_start3A_411, %dma_start3A_412] : memref<2x2x8x8x129xf32, #tpu.memory_space<vmem>> -> memref<1x2x8x8x128xf32, #tpu.memory_space<vmem>>
      %dma_start3A_414 = tpu.memref_squeeze %dma_start3A_413 : memref<1x2x8x8x128xf32, #tpu.memory_space<vmem>> -> memref<2x8x8x128xf32, #tpu.memory_space<vmem>>
      tpu.enqueue_dma source(%dma_start3A_414 : memref<2x8x8x128xf32, #tpu.memory_space<vmem>>) target(%dma_start3A_408 : memref<2x8x8x128xf32, #tpu.memory_space<hbm>>) target_semaphore(%arg15 : memref<!tpu.dma_semaphore, #tpu.memory_space<semaphore_mem>>)
    }
    %scan3A_71 = arith.constant 50 : i32
    %dma_wait3A_72 = arith.constant 0 : i32
    %dma_wait3A_73 = arith.constant 0 : i32
    %dma_wait3A_74 = arith.constant 0 : i32
    %dma_wait3A_75 = arith.constant 0 : i32
    %dma_wait3A_76 = arith.constant 0 : i32
    %dma_wait3A_77 = tpu.memref_slice %arg9[%dma_wait3A_72, %dma_wait3A_73, %dma_wait3A_74, %dma_wait3A_75, %dma_wait3A_76] : memref<2x2x8x8x129xf32, #tpu.memory_space<vmem>> -> memref<1x2x8x8x128xf32, #tpu.memory_space<vmem>>
    %dma_wait3A_78 = tpu.memref_squeeze %dma_wait3A_77 : memref<1x2x8x8x128xf32, #tpu.memory_space<vmem>> -> memref<2x8x8x128xf32, #tpu.memory_space<vmem>>
    %dma_wait3A_79 = arith.constant 196 : i32
    %dma_wait3A_80 = arith.constant 0 : i32
    %dma_wait3A_81 = arith.constant 0 : i32
    %dma_wait3A_82 = arith.constant 0 : i32
    %dma_wait3A_83 = tpu.memref_slice %arg5[%dma_wait3A_79, %dma_wait3A_80, %add3A, %dma_wait3A_81, %dma_wait3A_82] : memref<200x8x32x8x128xf32, #tpu.memory_space<hbm>> -> memref<2x8x1x8x128xf32, #tpu.memory_space<hbm>>
    %dma_wait3A_84 = tpu.memref_squeeze %dma_wait3A_83 : memref<2x8x1x8x128xf32, #tpu.memory_space<hbm>> -> memref<2x8x8x128xf32, #tpu.memory_space<hbm>>
    %dma_wait3A_85 = arith.constant 196 : i32
    %dma_wait3A_86 = arith.constant 0 : i32
    %dma_wait3A_87 = arith.constant 0 : i32
    %dma_wait3A_88 = arith.constant 0 : i32
    %dma_wait3A_89 = tpu.memref_slice %arg5[%dma_wait3A_85, %dma_wait3A_86, %add3A, %dma_wait3A_87, %dma_wait3A_88] : memref<200x8x32x8x128xf32, #tpu.memory_space<hbm>> -> memref<2x8x1x8x128xf32, #tpu.memory_space<hbm>>
    %dma_wait3A_90 = tpu.memref_squeeze %dma_wait3A_89 : memref<2x8x1x8x128xf32, #tpu.memory_space<hbm>> -> memref<2x8x8x128xf32, #tpu.memory_space<hbm>>
    %dma_wait3A_91 = arith.constant 0 : i32
    %dma_wait3A_92 = arith.constant 0 : i32
    %dma_wait3A_93 = arith.constant 0 : i32
    %dma_wait3A_94 = arith.constant 0 : i32
    %dma_wait3A_95 = tpu.memref_slice %arg9[%dma_wait3A_72, %dma_wait3A_91, %dma_wait3A_92, %dma_wait3A_93, %dma_wait3A_94] : memref<2x2x8x8x129xf32, #tpu.memory_space<vmem>> -> memref<1x2x8x8x128xf32, #tpu.memory_space<vmem>>
    %dma_wait3A_96 = tpu.memref_squeeze %dma_wait3A_95 : memref<1x2x8x8x128xf32, #tpu.memory_space<vmem>> -> memref<2x8x8x128xf32, #tpu.memory_space<vmem>>
    tpu.wait_dma2 semaphore(%arg14 : memref<!tpu.dma_semaphore, #tpu.memory_space<semaphore_mem>>) src(%dma_wait3A_96 : memref<2x8x8x128xf32, #tpu.memory_space<vmem>>) dst(%dma_wait3A_90 : memref<2x8x8x128xf32, #tpu.memory_space<hbm>>)
    %dma_wait3A_97 = arith.constant 1 : i32
    %dma_wait3A_98 = arith.constant 0 : i32
    %dma_wait3A_99 = arith.constant 0 : i32
    %dma_wait3A_100 = arith.constant 0 : i32
    %dma_wait3A_101 = arith.constant 0 : i32
    %dma_wait3A_102 = tpu.memref_slice %arg9[%dma_wait3A_97, %dma_wait3A_98, %dma_wait3A_99, %dma_wait3A_100, %dma_wait3A_101] : memref<2x2x8x8x129xf32, #tpu.memory_space<vmem>> -> memref<1x2x8x8x128xf32, #tpu.memory_space<vmem>>
    %dma_wait3A_103 = tpu.memref_squeeze %dma_wait3A_102 : memref<1x2x8x8x128xf32, #tpu.memory_space<vmem>> -> memref<2x8x8x128xf32, #tpu.memory_space<vmem>>
    %dma_wait3A_104 = arith.constant 198 : i32
    %dma_wait3A_105 = arith.constant 0 : i32
    %dma_wait3A_106 = arith.constant 0 : i32
    %dma_wait3A_107 = arith.constant 0 : i32
    %dma_wait3A_108 = tpu.memref_slice %arg5[%dma_wait3A_104, %dma_wait3A_105, %add3A, %dma_wait3A_106, %dma_wait3A_107] : memref<200x8x32x8x128xf32, #tpu.memory_space<hbm>> -> memref<2x8x1x8x128xf32, #tpu.memory_space<hbm>>
    %dma_wait3A_109 = tpu.memref_squeeze %dma_wait3A_108 : memref<2x8x1x8x128xf32, #tpu.memory_space<hbm>> -> memref<2x8x8x128xf32, #tpu.memory_space<hbm>>
    %dma_wait3A_110 = arith.constant 198 : i32
    %dma_wait3A_111 = arith.constant 0 : i32
    %dma_wait3A_112 = arith.constant 0 : i32
    %dma_wait3A_113 = arith.constant 0 : i32
    %dma_wait3A_114 = tpu.memref_slice %arg5[%dma_wait3A_110, %dma_wait3A_111, %add3A, %dma_wait3A_112, %dma_wait3A_113] : memref<200x8x32x8x128xf32, #tpu.memory_space<hbm>> -> memref<2x8x1x8x128xf32, #tpu.memory_space<hbm>>
    %dma_wait3A_115 = tpu.memref_squeeze %dma_wait3A_114 : memref<2x8x1x8x128xf32, #tpu.memory_space<hbm>> -> memref<2x8x8x128xf32, #tpu.memory_space<hbm>>
    %dma_wait3A_116 = arith.constant 0 : i32
    %dma_wait3A_117 = arith.constant 0 : i32
    %dma_wait3A_118 = arith.constant 0 : i32
    %dma_wait3A_119 = arith.constant 0 : i32
    %dma_wait3A_120 = tpu.memref_slice %arg9[%dma_wait3A_97, %dma_wait3A_116, %dma_wait3A_117, %dma_wait3A_118, %dma_wait3A_119] : memref<2x2x8x8x129xf32, #tpu.memory_space<vmem>> -> memref<1x2x8x8x128xf32, #tpu.memory_space<vmem>>
    %dma_wait3A_121 = tpu.memref_squeeze %dma_wait3A_120 : memref<1x2x8x8x128xf32, #tpu.memory_space<vmem>> -> memref<2x8x8x128xf32, #tpu.memory_space<vmem>>
    tpu.wait_dma2 semaphore(%arg15 : memref<!tpu.dma_semaphore, #tpu.memory_space<semaphore_mem>>) src(%dma_wait3A_121 : memref<2x8x8x128xf32, #tpu.memory_space<vmem>>) dst(%dma_wait3A_115 : memref<2x8x8x128xf32, #tpu.memory_space<hbm>>)
    return
  }
}

</mosaic_0001>

<sc_bundles>
// kernel: kernel.4.cloned.1.call-start
scs
__scs_entry_jumppad:
0x0: {  	(pc) =	sbr.rel $0x88, $3  }
0x1: {  	(tag) =	ssettag $0x0;
	lr =	simm.s32 $0x1  }
0x2: {  	[smem:$0x3F9E] =	sst lr;
	_ =	strace $0xD0000000  }
0x3: {  	_ = 	snop  }
0x4: {  	_ = 	snop  }
0x5: {  	_ = 	snop  }
0x6: {  	_ = 	snop  }
0x7: {  	_ = 	snop  }
__scs_overlays_trampoline_lowered:
0x8: {  	[smem:$0x3FAD] =	sst s0  }
0x9: {  	[smem:$0x3FAE] =	sst s1  }
0xa: {  	[smem:$0x3FAF] =	sst s2  }
0xb: {  	[smem:$0x3FB0] =	sst s3  }
0xc: {  	[smem:$0x3FB1] =	sst s4  }
0xd: {  	[smem:$0x3FB2] =	sst s5  }
0xe: {  	[smem:$0x3FB3] =	sst s6  }
0xf: {  	[smem:$0x3FB4] =	sst s7  }
0x10: {  	[smem:$0x3FB5] =	sst s8  }
0x11: {  	[smem:$0x3FB6] =	sst s9;
	s0 =	simm.s32 @!p0 $0x0  }
0x12: {  	s1 =	sld [smem:$0x3F9C];
	s0 =	simm.s32 @p0 $0x1  }
0x13: {  	[smem:$0x3FB7] =	sst s0;
	s0 =	simm.s32 @!p1 $0x0  }
0x14: {  	s2 =	sld [smem:$0x3F9B];
	s0 =	simm.s32 @p1 $0x1  }
0x15: {  	[smem:$0x3FB8] =	sst s0;
	s0 =	simm.s32 @!p2 $0x0  }
0x16: {  	s3 =	sld [smem:$0x3FDB];
	s0 =	simm.s32 @p2 $0x1  }
0x17: {  	s4 =	simm.s32 $0x1BF5;
	[smem:$0x3FBA] =	sst s0  }
0x18: {  	s0 =	sld [smem:$0x3F9D];
	_ =	swait.ge [sflag:s4], $0x0  }
0x19: {  	s7 =	sld [smem:$0x3F9E]  }
0x1a: {  	s8 =	sadd.s32 $0xFFFFE003, lr  }
0x1b: {  	s9 =	sadd.s32 $0xFFFFFEF7, lr;
	s5 =	simm.s32 $0xFFFFFFFF;
	p2 =	slt.u32 s8, $0xFFFFF086  }
0x1c: {  	p1 =	slt.u32 s9, $0xF7A;
	s5 =	simm.s32 @!p2 $0x0  }
0x1d: {  	s5 =	simm.s32 @p1 $0x1;
	p0 =	seq.s32 s7, s2  }
0x1e: {  	s7 =	smul.u32 @!p0 $0xF7A, s2;
	p2 =	seq.s32 @!p0 s5, $0x0  }
0x1f: {  	s9 =	smul.u32 $0xF7A, s1;
	s8 =	simm.s32 @!p0 $0x1BF5;
	p2 =	por !p2, p0  }
0x20: {  	[sflag:s8] =	ssyncset.s32 @!p0 $0xFFFFF086;
	s6 =	sadd.s32 @!p0 s3, s7;
	s7 =	simm.s32 @!p0 $0x108  }
0x21: {  	s3 =	sadd.s32 s3, s9;
	s6 =	sadd.s32 @!p0 $0x88, s6;
	s7 =	simm.s32 @p2 $0x1082  }
0x22: {  	[simem:s7], [sflag:s8] =	dma.local @!p0 [hbm:s6], $0xF7A  }
0x23: {  	s9 =	sor.u32 $0xD0000000, s2;
	s6 =	simm.s32 $0x108;
	_ =	swait.ge @!p0 [sflag:s8], $0x0  }
0x24: {  	s3 =	sadd.s32 $0x88, s3;
	s6 =	simm.s32 @!p1 $0x1082;
	[sflag:s4] =	ssyncset.s32 $0xFFFFF086  }
0x25: {  	[simem:s6], [sflag:s4] =	dma.local [hbm:s3], $0xF7A  }
0x26: {  	[smem:$0x3F9E] =	sst s1;
	(tag) =	ssettag s2;
	_ =	strace s9  }
0x27: {  	s1 =	sld [smem:$0x3FAE]  }
0x28: {  	s2 =	sld [smem:$0x3FAF]  }
0x29: {  	s4 =	sld [smem:$0x3FB1]  }
0x2a: {  	p0 =	seq.s32 s5, $0x0;
	s5 =	sld [smem:$0x3FB2]  }
0x2b: {  	s6 =	sld [smem:$0x3FB3]  }
0x2c: {  	s7 =	sld [smem:$0x3FB4]  }
0x2d: {  	s3 =	simm.s32 $0x108;
	s8 =	sld [smem:$0x3FB5]  }
0x2e: {  	s3 =	simm.s32 @!p0 $0x1082;
	s9 =	sld [smem:$0x3FB6]  }
0x2f: {  	lr =	sadd.s32 s0, s3;
	s0 =	sld [smem:$0x3FAD]  }
0x30: {  	s3 =	sld [smem:$0x3FB0]  }
0x31: {  	[smem:$0x3FB9] =	sst s10  }
0x32: {  	s10 =	sld [smem:$0x3FB7];
	_ =	sdelay $0x3  }
0x33: {  	p0 =	seq.s32 s10, $0x1;
	s10 =	sld [smem:$0x3FB9];
	_ =	sdelay $0x3  }
0x34: {  	[smem:$0x3FB9] =	sst s10  }
0x35: {  	s10 =	sld [smem:$0x3FB8];
	_ =	sdelay $0x3  }
0x36: {  	p1 =	seq.s32 s10, $0x1;
	s10 =	sld [smem:$0x3FB9];
	_ =	sdelay $0x3  }
0x37: {  	[smem:$0x3FB9] =	sst s10  }
0x38: {  	s10 =	sld [smem:$0x3FBA]  }
0x39: {  	_ = 	snop;
	(pc) =	sbr.ind lr, $3  }
0x3a: {  	_ = 	snop  }
0x3b: {  	_ = 	snop  }
0x3c: {  	p2 =	seq.s32 s10, $0x1;
	s10 =	sld [smem:$0x3FB9]  }
0x3d: {  	_ =	shalt  }
0x3e: {  	_ =	shalt  }
0x3f: {  	_ =	shalt  }
0x40: {  	_ =	shalt  }
0x41: {  	_ =	shalt  }
0x42: {  	_ =	shalt  }
0x43: {  	_ =	shalt  }
0x44: {  	_ =	shalt  }
0x45: {  	_ =	shalt  }
0x46: {  	_ =	shalt  }
0x47: {  	_ =	shalt  }
0x48: {  	_ =	shalt  }
0x49: {  	_ =	shalt  }
0x4a: {  	_ =	shalt  }
0x4b: {  	_ =	shalt  }
0x4c: {  	_ =	shalt  }
0x4d: {  	_ =	shalt  }
0x4e: {  	_ =	shalt  }
0x4f: {  	_ =	shalt  }
0x50: {  	_ =	shalt  }
0x51: {  	_ =	shalt  }
0x52: {  	_ =	shalt  }
0x53: {  	_ =	shalt  }
0x54: {  	_ =	shalt  }
0x55: {  	_ =	shalt  }
0x56: {  	_ =	shalt  }
0x57: {  	_ =	shalt  }
0x58: {  	_ =	shalt  }
0x59: {  	_ =	shalt  }
0x5a: {  	_ =	shalt  }
0x5b: {  	_ =	shalt  }
0x5c: {  	_ =	shalt  }
0x5d: {  	_ =	shalt  }
0x5e: {  	_ =	shalt  }
0x5f: {  	_ =	shalt  }
0x60: {  	_ =	shalt  }
0x61: {  	_ =	shalt  }
0x62: {  	_ =	shalt  }
0x63: {  	_ =	shalt  }
0x64: {  	_ =	shalt  }
0x65: {  	_ =	shalt  }
0x66: {  	_ =	shalt  }
0x67: {  	_ =	shalt  }
0x68: {  	_ =	shalt  }
0x69: {  	_ =	shalt  }
0x6a: {  	_ =	shalt  }
0x6b: {  	_ =	shalt  }
0x6c: {  	_ =	shalt  }
0x6d: {  	_ =	shalt  }
0x6e: {  	_ =	shalt  }
0x6f: {  	_ =	shalt  }
0x70: {  	_ =	shalt  }
0x71: {  	_ =	shalt  }
0x72: {  	_ =	shalt  }
0x73: {  	_ =	shalt  }
0x74: {  	_ =	shalt  }
0x75: {  	_ =	shalt  }
0x76: {  	_ =	shalt  }
0x77: {  	_ =	shalt  }
0x78: {  	_ =	shalt  }
0x79: {  	_ =	shalt  }
0x7a: {  	_ =	shalt  }
0x7b: {  	_ =	shalt  }
0x7c: {  	_ =	shalt  }
0x7d: {  	_ =	shalt  }
0x7e: {  	_ =	shalt  }
0x7f: {  	_ =	shalt  }
0x80: {  	_ =	shalt  }
0x81: {  	_ =	shalt  }
0x82: {  	_ =	shalt  }
0x83: {  	_ =	shalt  }
0x84: {  	_ =	shalt  }
0x85: {  	_ =	shalt  }
0x86: {  	_ =	shalt  }
0x87: {  	_ =	shalt  }
.Lfunc_end0:
.L_simem_size_0:
called_computation_lowered:
.L_overlay_start_0:
0x88: {  	s2 =	sld [smem:$0x3FD9]  }
0x89: {  	s3 =	sld [smem:$0x3FFE];
	_ =	sdelay $0x1  }
0x8a: {  	s1 =	srdreg.scid  }
0x8b: {  	s0 =	sand.u32 $0x1, s1  }
0x8c: {  	s16 =	sshll.u32 s0, $0xA;
	s2 =	sadd.s32 s3, s2  }
0x8d: {  	s2 =	sadd.s32 s2, s16  }
0x8e: {  	[smem:$0x3FC5] =	sst s2  }
0x8f: {  	_ = 	snop  }
0x90: {  	(tm) =	ssettm $0x1  }
0x91: {  	s17 =	sld [smem:$0x3FFB];
	_ =	sdelay $0x3  }
0x92: {  	_ =	strace s17  }
0x93: {  	s2 =	sld [smem:$0x3FFC];
	_ =	sdelay $0x3  }
0x94: {  	_ =	strace s2  }
0x95: {  	s2 =	sld [smem:$0x3FFD];
	_ =	sdelay $0x3  }
0x96: {  	_ =	strace s2  }
0x97: {  	_ =	strace $0x8FFFFFFF  }
0x98: {  	s18 =	sld [smem:$0x3FDB];
	_ =	sdelay $0x1  }
0x99: {  	s19 =	simm.s32 $_scs_section_size  }
0x9a: {  	s4 =	simm.s32 $_size__tile_overlayer_lowered;
	s5 =	simm.s32 $_tile_overlayer_lowered  }
0x9b: {  	s22 =	simm.s32 $0x1BFF;
	s21 =	sshll.u32 s5, $0x1;
	s2 =	sadd.s32 s19, s18  }
0x9c: {  	s6 =	simm.s32 $0x0;
	s20 =	sshll.u32 s4, $0x1;
	s4 =	sadd.s32 s21, s2  }
0x9d: {  	[timem:s6], [sflag:s22] =	dma.local [hbm:s4], s20  }
0x9e: {  	_ =	swait.ge [sflag:s22], s20  }
0x9f: {  	s3 =	ssub.s32 $0x0, s20;
	[sflag:s22] =	ssyncset.done $0x0  }
0xa0: {  	[sflag:s22] =	ssyncadd.s32 s3;
	_ =	sdelay $0x1  }
0xa1: {  	s23 =	simm.s32 $0x1B8B  }
0xa2: {  	_ =	swait.ge [sflag:s23], $0x1  }
0xa3: {  	[sflag:s23] =	ssyncset.done $0x0  }
0xa4: {  	s25 =	simm.s32 $0x1B8E;
	s24 =	sld [smem:$0x3FFE];
	[sflag:s23] =	ssyncadd.s32 $0xFFFFFFFF  }
0xa5: {  	s26 =	simm.s32 $execute0_lowered;
	[smem:$0x3FD2] =	sst s25  }
0xa6: {  	s4 =	sshll.u32 s26, $0x1;
	_ =	strace $0x80000046;
	[dreg:$0x1] =	wrdreg $0xFFFFFFFF  }
0xa7: {  	s28 =	simm.s32 $_size_execute0_lowered;
	s2 =	sadd.s32 s2, s4;
	[dreg:$0x0] =	wrdreg $0x0  }
0xa8: {  	s4 =	sshll.u32 s28, $0x1;
	[dreg:$0x2] =	wrdreg s2  }
0xa9: {  	[dreg:$0x3] =	wrdreg s4  }
0xaa: {  	[dreg:$0x4] =	wrdreg $0xC0  }
0xab: {  	_ =	task [dreg:s6], $0x5FFFF  }
0xac: {  	[dreg:$0x1] =	wrdreg $0xFFFFFFFF  }
0xad: {  	[dreg:$0x0] =	wrdreg $0x60  }
0xae: {  	[dreg:$0x2] =	wrdreg s24  }
0xaf: {  	[dreg:$0x3] =	wrdreg $0x9  }
0xb0: {  	_ =	task.clear_ibuf [dreg:s6], $0x4FFFF;
	_ =	strace $0x90000046  }
0xb1: {  	s29 =	simm.s32 $0x9;
	_ =	strace $0x80000048  }
0xb2: {  	_ =	swait.ge [sflag:s29], $0x1  }
0xb3: {  	[sflag:s29] =	ssyncadd.s32 $0xFFFFFFFF  }
0xb4: {  	_ =	strace $0x90000048  }
0xb5: {  	_ =	sfence  }
0xb6: {  	s30 =	sld [smem:$0x0];
	_ =	sdelay $0x2  }
0xb7: {  	s31 =	sshll.u32 s1, $0xD;
	s1 =	sshrl.u32 s1, $0x2  }
0xb8: {  	s3 =	sand.u32 $0x4000, s31;
	s1 =	sadd.s32 s1, s30  }
0xb9: {  	s0 =	sor.u32 s3, s0;
	s1 =	sshll.u32 s1, $0x11  }
0xba: {  	s0 =	sor.u32 s1, s0  }
0xbb: {  	s0 =	sadd.s32 $0x8F2B, s0  }
0xbc: {  	[sflag:s0] =	ssyncadd.remote.s32 $0x1  }
0xbd: {  	_ =	sfence.sel $0xFFFF  }
0xbe: {  	[dreg:$0x0] =	wrdreg $0xFFFFFFFF;
	(pc) =	sbr.abs _section_cstart, $3  }
0xbf: {  	[dreg:$0x1] =	wrdreg $0xFFFFFFFF  }
0xc0: {  	_ =	task.clear_ibuf [dreg:s6], $0x2FFFF;
	_ =	strace $0x9FFFFFFF  }
0xc1: {  	(tm) =	ssettm $0x7FFFFFFF  }
tec
execute0_lowered:
.L_overlay_start_1:
0x0: {  	(tag) =	ssettag $0x1  }
0x1: {  	s0 =	rddreg [dreg:$0x0]  }
0x2: {  	s1 =	srdreg.scid;
	s2 =	stileid.u32  }
0x3: {  	s19 =	simm.s32 $0x0;
	s1 =	sand.u32 $0x1, s1;
	s2 =	sshll.u32 s2, $0x1  }
0x4: {  	v0 =	vlaneseq.u32;
	[smem:$0x7FF] =	sst s19;
	s2 =	sor.u32 s1, s2  }
0x5: {  	v0 =	vmul.u32 $0x48, v0;
	s20 =	sadd.s32 $0xC00, s0;
	s25 =	sadd.s32 $0x7C0C00, s0;
	s3 =	smul.u32 $0x7C00, s2  }
0x6: {  	_ =	strace $0x80000047;
	[dreg:$0x12] =	wrdreg s20;
	s24 =	smul.u32 $0x7C, s2  }
0x7: {  	s1 =	ssub.s32 $0x2, s1;
	[dreg:$0x14] =	wrdreg s25;
	v1 =	vadd.s32 $0x480, v0;
	v2 =	vadd.s32 $0x900, v0;
	v3 =	vadd.s32 $0xD80, v0  }
0x8: {  	s4 =	sshrl.u32 s1, $0x1;
	v4 =	vadd.s32 $0x1200, v0;
	v5 =	vadd.s32 $0x1680, v0;
	v6 =	vadd.s32 $0x1B00, v0;
	s30 =	sadd.s32 s20, s3;
	[dreg:$0x13] =	wrdreg s24  }
0x9: {  	v7 =	vadd.s32 $0x1F80, v0;
	v8 =	vadd.s32 $0x2400, v0;
	v9 =	vadd.s32 $0x2880, v0;
	s29 =	ssub.s32 s1, s4;
	s31 =	sor.u32 $0x2, s24;
	[dreg:$0x15] =	wrdreg s30  }
0xa: {  	s13 =	simm.s32 $0x8000;
	v10 =	vadd.s32 $0x2D00, v0;
	v11 =	vadd.s32 $0x3180, v0;
	v12 =	vadd.s32 $0x3600, v0;
	s0 =	smax.u32 s29, $0x1;
	[dreg:$0x16] =	wrdreg s31  }
0xb: {  	s15 =	simm.s32 $0xC800;
	v13 =	vadd.s32 $0x3A80, v0;
	v14 =	vadd.s32 $0x3F00, v0;
	v15 =	vadd.s32 $0x4380, v0;
	s2 =	simm.s32 $0x0;
	[dreg:$0x17] =	wrdreg s0  }
.LBB2_1:
0xc: {  	[dreg:$0x18] =	wrdreg s2  }
0xd: {  	s0 =	rddreg [dreg:$0x15]  }
0xe: {  	s1 =	simm.s32 $0x800;
	s31 =	simm.s32 $0x7C0000;
	s26 =	simm.s32 $0x0  }
0xf: {  	[tilespmem:s19], [sflag:$0x1] =	stream.strided.gather [hbm4b:s0+s1], $0x4000, s31, s1, $0x38;
	[tilespmem:$0x11000] =	vst v63  }
.LBB2_2:
0x10: {  	s0 =	sshll.u32 s26, $0x1  }
0x11: {  	[dreg:$0x1b] =	wrdreg s0;
	s0 =	sadd.s32 s0, s24  }
0x12: {  	s0 =	sadd.s32 $0x1, s0  }
0x13: {  	[dreg:$0x1a] =	wrdreg s0;
	s0 =	sshll.u32 s0, $0x8  }
0x14: {  	s1 =	simm.s32 $0x800;
	s2 =	simm.s32 $0x7C0000;
	s0 =	sand.u32 $0x1FFFFF00, s0  }
0x15: {  	s3 =	simm.s32 $0x4000;
	p0 =	seq.s32 s26, $0x0;
	s0 =	sadd.s32 s20, s0  }
0x16: {  	[tilespmem:s3], [sflag:$0x2] =	stream.strided.gather [hbm4b:s0+s1], $0x4000, s2, s1, $0x38;
	[tilespmem:$0x11000] =	vst v63  }
0x17: {  	[dreg:$0x19] =	wrdreg s26;
	s0 =	simm.s32 @!p0 $0x3  }
0x18: {  	s22 =	simm.s32 $0x1;
	_ =	swait.ge @!p0 [sflag:s0], $0x4000  }
0x19: {  	s23 =	simm.s32 $0x180;
	s25 =	simm.s32 $0x3;
	[sflag:s0] =	ssyncset.done @!p0 $0x0  }
0x1a: {  	s28 =	simm.s32 $0x0;
	s31 =	simm.s32 $0x1;
	[sflag:s0] =	ssyncadd.s32 @!p0 $0xFFFFC000  }
0x1b: {  	s6 =	simm.s32 $0x80;
	s24 =	simm.s32 $0x0;
	_ =	swait.ge [sflag:s22], $0x4000  }
0x1c: {  	v16 =	vmov s25;
	s5 =	sand.u32 $0x3800, s24;
	s0 =	sand.u32 $0x380, s23;
	[sflag:s22] =	ssyncset.done $0x0  }
0x1d: {  	v23 =	vand.u32 $0x3F, v16;
	v18 =	vmov s24;
	s26 =	sor.u32 s0, s5;
	s0 =	sand.u32 $0x200, s28;
	[sflag:s22] =	ssyncadd.s32 $0xFFFFC000  }
0x1e: {  	s7 =	sand.u32 $0x280, s6;
	v17 =	vadd.s32 v0, v23;
	v22 =	vand.u32 $0x3C, v18;
	v18 =	vmov s31;
	s4 =	sor.u32 s0, s5;
	v16 =	vld [tilespmem:s26+$0x0]  }
0x1f: {  	s8 =	sor.u32 s7, s5;
	v24 =	vadd.s32 v0, v22;
	v21 =	vand.u32 $0x3D, v18;
	v20 =	vld [tilespmem:s4+$0x0]  }
0x20: {  	v25 =	vadd.s32 v0, v21;
	v18 =	vld [tilespmem:s8+$0x0];
	_ =	sdelay $0x2  }
0x21: {  	[tilespmem:v17+s13+$0x0] =	vst.idx.msk $0xffff, v16  }
0x22: {  	s9 =	simm.s32 $0x100;
	v26 =	vadd.s32 v1, v23;
	s0 =	simm.s32 $0x2;
	[tilespmem:v24+s13+$0x0] =	vst.idx.msk $0xffff, v20;
	v17 =	vld [tilespmem:s26+$0x10]  }
0x23: {  	s6 =	sand.u32 $0x300, s9;
	v16 =	vmov s0;
	v24 =	vadd.s32 v1, v22;
	[tilespmem:v25+s13+$0x0] =	vst.idx.msk $0xffff, v18;
	v20 =	vld [tilespmem:s4+$0x10]  }
0x24: {  	s5 =	sor.u32 s6, s5;
	v25 =	vadd.s32 v1, v21;
	v19 =	vand.u32 $0x3E, v16;
	v18 =	vld [tilespmem:s8+$0x10]  }
0x25: {  	v16 =	vld [tilespmem:s5+$0x0];
	v27 =	vadd.s32 v0, v19;
	_ =	sdelay $0x1  }
0x26: {  	[tilespmem:v26+s13+$0x0] =	vst.idx.msk $0xffff, v17  }
0x27: {  	v26 =	vadd.s32 v2, v23;
	[tilespmem:v24+s13+$0x0] =	vst.idx.msk $0xffff, v20;
	v17 =	vld [tilespmem:s26+$0x20]  }
0x28: {  	v24 =	vadd.s32 v2, v22;
	[tilespmem:v25+s13+$0x0] =	vst.idx.msk $0xffff, v18;
	v20 =	vld [tilespmem:s4+$0x20]  }
0x29: {  	v25 =	vadd.s32 v2, v21;
	[tilespmem:v27+s13+$0x0] =	vst.idx.msk $0xffff, v16;
	v18 =	vld [tilespmem:s8+$0x20]  }
0x2a: {  	v27 =	vadd.s32 v1, v19;
	v16 =	vld [tilespmem:s5+$0x10];
	_ =	sdelay $0x1  }
0x2b: {  	[tilespmem:v26+s13+$0x0] =	vst.idx.msk $0xffff, v17  }
0x2c: {  	v26 =	vadd.s32 v3, v23;
	[tilespmem:v24+s13+$0x0] =	vst.idx.msk $0xffff, v20;
	v17 =	vld [tilespmem:s26+$0x30]  }
0x2d: {  	v24 =	vadd.s32 v3, v22;
	[tilespmem:v25+s13+$0x0] =	vst.idx.msk $0xffff, v18;
	v20 =	vld [tilespmem:s4+$0x30]  }
0x2e: {  	v25 =	vadd.s32 v3, v21;
	[tilespmem:v27+s13+$0x0] =	vst.idx.msk $0xffff, v16;
	v18 =	vld [tilespmem:s8+$0x30]  }
0x2f: {  	v27 =	vadd.s32 v2, v19;
	v16 =	vld [tilespmem:s5+$0x20];
	_ =	sdelay $0x1  }
0x30: {  	[tilespmem:v26+s13+$0x0] =	vst.idx.msk $0xffff, v17  }
0x31: {  	v26 =	vadd.s32 v4, v23;
	[tilespmem:v24+s13+$0x0] =	vst.idx.msk $0xffff, v20;
	v17 =	vld [tilespmem:s26+$0x40]  }
0x32: {  	v24 =	vadd.s32 v4, v22;
	[tilespmem:v25+s13+$0x0] =	vst.idx.msk $0xffff, v18;
	v20 =	vld [tilespmem:s4+$0x40]  }
0x33: {  	v25 =	vadd.s32 v4, v21;
	[tilespmem:v27+s13+$0x0] =	vst.idx.msk $0xffff, v16;
	v18 =	vld [tilespmem:s8+$0x40]  }
0x34: {  	v27 =	vadd.s32 v3, v19;
	v16 =	vld [tilespmem:s5+$0x30];
	_ =	sdelay $0x1  }
0x35: {  	[tilespmem:v26+s13+$0x0] =	vst.idx.msk $0xffff, v17  }
0x36: {  	v26 =	vadd.s32 v5, v23;
	[tilespmem:v24+s13+$0x0] =	vst.idx.msk $0xffff, v20;
	v17 =	vld [tilespmem:s26+$0x50]  }
0x37: {  	v24 =	vadd.s32 v5, v22;
	[tilespmem:v25+s13+$0x0] =	vst.idx.msk $0xffff, v18;
	v20 =	vld [tilespmem:s4+$0x50]  }
0x38: {  	v25 =	vadd.s32 v5, v21;
	[tilespmem:v27+s13+$0x0] =	vst.idx.msk $0xffff, v16;
	v18 =	vld [tilespmem:s8+$0x50]  }
0x39: {  	v27 =	vadd.s32 v4, v19;
	v16 =	vld [tilespmem:s5+$0x40];
	_ =	sdelay $0x1  }
0x3a: {  	[tilespmem:v26+s13+$0x0] =	vst.idx.msk $0xffff, v17  }
0x3b: {  	v26 =	vadd.s32 v6, v23;
	[tilespmem:v24+s13+$0x0] =	vst.idx.msk $0xffff, v20;
	v17 =	vld [tilespmem:s26+$0x60]  }
0x3c: {  	v24 =	vadd.s32 v6, v22;
	[tilespmem:v25+s13+$0x0] =	vst.idx.msk $0xffff, v18;
	v20 =	vld [tilespmem:s4+$0x60]  }
0x3d: {  	v25 =	vadd.s32 v6, v21;
	[tilespmem:v27+s13+$0x0] =	vst.idx.msk $0xffff, v16;
	v18 =	vld [tilespmem:s8+$0x60]  }
0x3e: {  	v27 =	vadd.s32 v5, v19;
	v16 =	vld [tilespmem:s5+$0x50];
	_ =	sdelay $0x1  }
0x3f: {  	[tilespmem:v26+s13+$0x0] =	vst.idx.msk $0xffff, v17  }
0x40: {  	v26 =	vadd.s32 v7, v23;
	[tilespmem:v24+s13+$0x0] =	vst.idx.msk $0xffff, v20;
	v17 =	vld [tilespmem:s26+$0x70]  }
0x41: {  	s10 =	sand.u32 $0x7, s24;
	v24 =	vadd.s32 v7, v22;
	[tilespmem:v25+s13+$0x0] =	vst.idx.msk $0xffff, v18;
	v20 =	vld [tilespmem:s4+$0x70]  }
0x42: {  	s3 =	sshll.u32 s10, $0x7;
	p0 =	por $0x0, $0x0;
	s6 =	simm.s32 $0x1;
	v25 =	vadd.s32 v7, v21;
	[tilespmem:v27+s13+$0x0] =	vst.idx.msk $0xffff, v16;
	v18 =	vld [tilespmem:s8+$0x70]  }
0x43: {  	s3 =	sadd.s32 $0x0, s3;
	s6 =	simm.s32 @!p0 $0x0;
	v27 =	vadd.s32 v6, v19;
	v16 =	vld [tilespmem:s5+$0x60]  }
0x44: {  	s6 =	sshll.u32 s6, $0x9;
	s4 =	sadd.s32 $0x180, s3  }
0x45: {  	s2 =	sadd.s32 $0x0, s6;
	s11 =	sor.u32 $0x400, s4;
	[tilespmem:v26+s13+$0x0] =	vst.idx.msk $0xffff, v17  }
0x46: {  	s1 =	sadd.s32 $0x80, s3;
	s6 =	sor.u32 $0x400, s2;
	v26 =	vadd.s32 v8, v23;
	[tilespmem:v24+s13+$0x0] =	vst.idx.msk $0xffff, v20;
	v17 =	vld [tilespmem:s11+$0x0]  }
0x47: {  	s16 =	sor.u32 $0x400, s1;
	v24 =	vadd.s32 v8, v22;
	[tilespmem:v25+s13+$0x0] =	vst.idx.msk $0xffff, v18;
	v20 =	vld [tilespmem:s6+$0x0]  }
0x48: {  	v25 =	vadd.s32 v8, v21;
	[tilespmem:v27+s13+$0x0] =	vst.idx.msk $0xffff, v16;
	v18 =	vld [tilespmem:s16+$0x0]  }
0x49: {  	v27 =	vadd.s32 v7, v19;
	v16 =	vld [tilespmem:s5+$0x70]  }
0x4a: {  	s12 =	sand.u32 $0x3, s24  }
0x4b: {  	s14 =	sshll.u32 s12, $0x8;
	s17 =	sor.u32 $0x410, s4;
	[tilespmem:v26+s13+$0x0] =	vst.idx.msk $0xffff, v17  }
0x4c: {  	s19 =	sor.u32 $0x410, s2;
	s3 =	sadd.s32 $0x0, s14;
	v26 =	vadd.s32 v9, v23;
	[tilespmem:v24+s13+$0x0] =	vst.idx.msk $0xffff, v20;
	v17 =	vld [tilespmem:s17+$0x0]  }
0x4d: {  	s20 =	sor.u32 $0x410, s1;
	s3 =	sadd.s32 $0x100, s3;
	v24 =	vadd.s32 v9, v22;
	[tilespmem:v25+s13+$0x0] =	vst.idx.msk $0xffff, v18;
	v20 =	vld [tilespmem:s19+$0x0]  }
0x4e: {  	s18 =	sor.u32 $0x400, s3;
	v25 =	vadd.s32 v9, v21;
	[tilespmem:v27+s13+$0x0] =	vst.idx.msk $0xffff, v16;
	v18 =	vld [tilespmem:s20+$0x0]  }
0x4f: {  	v27 =	vadd.s32 v8, v19;
	v16 =	vld [tilespmem:s18+$0x0];
	_ =	sdelay $0x1  }
0x50: {  	s7 =	simm.s32 $0x7;
	s23 =	simm.s32 $0x380;
	s8 =	simm.s32 $0x400;
	[tilespmem:v26+s13+$0x0] =	vst.idx.msk $0xffff, v17  }
0x51: {  	v28 =	vmov s7;
	s21 =	sor.u32 $0x420, s4;
	s10 =	sand.u32 $0x3800, s8;
	s5 =	sand.u32 $0x380, s23;
	[tilespmem:v24+s13+$0x0] =	vst.idx.msk $0xffff, v20  }
0x52: {  	s5 =	sor.u32 s5, s10;
	v26 =	vadd.s32 v10, v23;
	v20 =	vand.u32 $0x3F, v28;
	[tilespmem:v25+s13+$0x0] =	vst.idx.msk $0xffff, v18;
	v17 =	vld [tilespmem:s21+$0x0]  }
0x53: {  	s22 =	sor.u32 $0x410, s3;
	v25 =	vld [tilespmem:s5+$0x0];
	[tilespmem:v27+s13+$0x0] =	vst.idx.msk $0xffff, v16;
	v29 =	vadd.s32 v0, v20  }
0x54: {  	v27 =	vadd.s32 v9, v19;
	v16 =	vld [tilespmem:s22+$0x0]  }
0x55: {  	s9 =	sor.u32 $0x420, s2  }
0x56: {  	s24 =	sor.u32 $0x420, s1;
	s28 =	simm.s32 $0x200;
	v28 =	vadd.s32 v10, v22;
	v24 =	vld [tilespmem:s9+$0x0];
	s22 =	simm.s32 $0x4  }
0x57: {  	v31 =	vadd.s32 v10, v21;
	s8 =	sand.u32 $0x200, s28;
	s12 =	sor.u32 $0x430, s4;
	v30 =	vld [tilespmem:s24+$0x0];
	v18 =	vmov s22;
	[tilespmem:v26+s13+$0x0] =	vst.idx.msk $0xffff, v17  }
0x58: {  	s25 =	simm.s32 $0x5;
	v32 =	vadd.s32 v11, v23;
	s11 =	simm.s32 $0x280;
	s6 =	sor.u32 s8, s10;
	v17 =	vand.u32 $0x3C, v18;
	[tilespmem:v29+s13+$0x0] =	vst.idx.msk $0xffff, v25;
	v26 =	vld [tilespmem:s12+$0x0]  }
0x59: {  	s26 =	simm.s32 $0x6;
	s14 =	simm.s32 $0x300;
	s11 =	sand.u32 $0x280, s11;
	v18 =	vmov s25;
	[tilespmem:v27+s13+$0x0] =	vst.idx.msk $0xffff, v16;
	v27 =	vld [tilespmem:s6+$0x0];
	v33 =	vadd.s32 v0, v17  }
0x5a: {  	s31 =	sand.u32 $0x300, s14;
	s8 =	sor.u32 s11, s10;
	v29 =	vadd.s32 v1, v20;
	v16 =	vand.u32 $0x3D, v18;
	v18 =	vmov s26;
	v25 =	vld [tilespmem:s5+$0x10]  }
0x5b: {  	s7 =	sor.u32 s31, s10;
	v34 =	vld [tilespmem:s8+$0x0];
	[tilespmem:v28+s13+$0x0] =	vst.idx.msk $0xffff, v24;
	v35 =	vadd.s32 v0, v16;
	v18 =	vand.u32 $0x3E, v18  }
0x5c: {  	s11 =	sor.u32 $0x420, s3;
	v24 =	vld [tilespmem:s7+$0x0];
	[tilespmem:v31+s13+$0x0] =	vst.idx.msk $0xffff, v30;
	v28 =	vadd.s32 v0, v18  }
0x5d: {  	v31 =	vadd.s32 v10, v19;
	s12 =	sor.u32 $0x440, s4;
	v30 =	vld [tilespmem:s11+$0x0];
	[tilespmem:v32+s13+$0x0] =	vst.idx.msk $0xffff, v26  }
0x5e: {  	[tilespmem:v33+s13+$0x0] =	vst.idx.msk $0xffff, v27;
	v27 =	vadd.s32 v12, v23;
	v26 =	vld [tilespmem:s12+$0x0]  }
0x5f: {  	v46 =	vadd.s32 v1, v17;
	[tilespmem:v29+s13+$0x0] =	vst.idx.msk $0xffff, v25;
	v45 =	vld [tilespmem:s6+$0x10]  }
0x60: {  	v29 =	vadd.s32 v2, v20;
	[tilespmem:v35+s13+$0x0] =	vst.idx.msk $0xffff, v34;
	v25 =	vld [tilespmem:s5+$0x20]  }
0x61: {  	v47 =	vadd.s32 v1, v16;
	v34 =	vld [tilespmem:s8+$0x10];
	[tilespmem:v28+s13+$0x0] =	vst.idx.msk $0xffff, v24  }
0x62: {  	s14 =	sor.u32 $0x430, s2;
	[tilespmem:v31+s13+$0x0] =	vst.idx.msk $0xffff, v30;
	v28 =	vadd.s32 v1, v18;
	v24 =	vld [tilespmem:s7+$0x10]  }
0x63: {  	s16 =	sor.u32 $0x450, s4;
	v30 =	vld [tilespmem:s14+$0x0];
	v31 =	vadd.s32 v11, v22;
	[tilespmem:v27+s13+$0x0] =	vst.idx.msk $0xffff, v26  }
0x64: {  	[tilespmem:v46+s13+$0x0] =	vst.idx.msk $0xffff, v45;
	v27 =	vadd.s32 v13, v23;
	v26 =	vld [tilespmem:s16+$0x0]  }
0x65: {  	v48 =	vadd.s32 v2, v17;
	[tilespmem:v29+s13+$0x0] =	vst.idx.msk $0xffff, v25;
	v32 =	vld [tilespmem:s6+$0x20]  }
0x66: {  	v29 =	vadd.s32 v3, v20;
	[tilespmem:v47+s13+$0x0] =	vst.idx.msk $0xffff, v34;
	v25 =	vld [tilespmem:s5+$0x30]  }
0x67: {  	v49 =	vadd.s32 v2, v16;
	v34 =	vld [tilespmem:s8+$0x20];
	[tilespmem:v28+s13+$0x0] =	vst.idx.msk $0xffff, v24  }
0x68: {  	s17 =	sor.u32 $0x430, s1;
	[tilespmem:v31+s13+$0x0] =	vst.idx.msk $0xffff, v30;
	v28 =	vadd.s32 v2, v18;
	v24 =	vld [tilespmem:s7+$0x20]  }
0x69: {  	s18 =	sor.u32 $0x460, s4;
	v30 =	vld [tilespmem:s17+$0x0];
	v31 =	vadd.s32 v11, v21;
	[tilespmem:v27+s13+$0x0] =	vst.idx.msk $0xffff, v26  }
0x6a: {  	[tilespmem:v48+s13+$0x0] =	vst.idx.msk $0xffff, v32;
	v27 =	vadd.s32 v14, v23;
	v26 =	vld [tilespmem:s18+$0x0]  }
0x6b: {  	v50 =	vadd.s32 v3, v17;
	[tilespmem:v29+s13+$0x0] =	vst.idx.msk $0xffff, v25;
	v32 =	vld [tilespmem:s6+$0x30]  }
0x6c: {  	v29 =	vadd.s32 v4, v20;
	[tilespmem:v49+s13+$0x0] =	vst.idx.msk $0xffff, v34;
	v25 =	vld [tilespmem:s5+$0x40]  }
0x6d: {  	v51 =	vadd.s32 v3, v16;
	v34 =	vld [tilespmem:s8+$0x30];
	[tilespmem:v28+s13+$0x0] =	vst.idx.msk $0xffff, v24  }
0x6e: {  	s19 =	sor.u32 $0x430, s3;
	[tilespmem:v31+s13+$0x0] =	vst.idx.msk $0xffff, v30;
	v28 =	vadd.s32 v3, v18;
	v24 =	vld [tilespmem:s7+$0x30]  }
0x6f: {  	s4 =	sor.u32 $0x470, s4;
	v30 =	vld [tilespmem:s19+$0x0];
	v31 =	vadd.s32 v11, v19;
	[tilespmem:v27+s13+$0x0] =	vst.idx.msk $0xffff, v26  }
0x70: {  	v23 =	vadd.s32 v15, v23;
	[tilespmem:v50+s13+$0x0] =	vst.idx.msk $0xffff, v32;
	v26 =	vld [tilespmem:s4+$0x0]  }
0x71: {  	v52 =	vadd.s32 v4, v17;
	[tilespmem:v29+s13+$0x0] =	vst.idx.msk $0xffff, v25;
	v27 =	vld [tilespmem:s6+$0x40]  }
0x72: {  	v29 =	vadd.s32 v5, v20;
	[tilespmem:v51+s13+$0x0] =	vst.idx.msk $0xffff, v34;
	v25 =	vld [tilespmem:s5+$0x50]  }
0x73: {  	v54 =	vadd.s32 v4, v16;
	v53 =	vld [tilespmem:s8+$0x40];
	[tilespmem:v28+s13+$0x0] =	vst.idx.msk $0xffff, v24  }
0x74: {  	s20 =	sor.u32 $0x440, s2;
	[tilespmem:v31+s13+$0x0] =	vst.idx.msk $0xffff, v30;
	v28 =	vadd.s32 v4, v18;
	v24 =	vld [tilespmem:s7+$0x40]  }
0x75: {  	s21 =	sor.u32 $0x440, s1;
	v30 =	vld [tilespmem:s20+$0x0];
	v31 =	vadd.s32 v12, v22;
	[tilespmem:v23+s13+$0x0] =	vst.idx.msk $0xffff, v26  }
0x76: {  	[tilespmem:v52+s13+$0x0] =	vst.idx.msk $0xffff, v27;
	v23 =	vld [tilespmem:s21+$0x0];
	v26 =	vadd.s32 v12, v21  }
0x77: {  	v55 =	vadd.s32 v5, v17;
	[tilespmem:v29+s13+$0x0] =	vst.idx.msk $0xffff, v25;
	v27 =	vld [tilespmem:s6+$0x50]  }
0x78: {  	v29 =	vadd.s32 v6, v20;
	[tilespmem:v54+s13+$0x0] =	vst.idx.msk $0xffff, v53;
	v25 =	vld [tilespmem:s5+$0x60]  }
0x79: {  	v56 =	vadd.s32 v5, v16;
	v33 =	vld [tilespmem:s8+$0x50];
	[tilespmem:v28+s13+$0x0] =	vst.idx.msk $0xffff, v24  }
0x7a: {  	s23 =	sor.u32 $0x440, s3;
	[tilespmem:v31+s13+$0x0] =	vst.idx.msk $0xffff, v30;
	v28 =	vadd.s32 v5, v18;
	v24 =	vld [tilespmem:s7+$0x50]  }
0x7b: {  	s24 =	sor.u32 $0x450, s2;
	[tilespmem:v26+s13+$0x0] =	vst.idx.msk $0xffff, v23;
	v23 =	vld [tilespmem:s23+$0x0];
	v26 =	vadd.s32 v12, v19  }
0x7c: {  	v30 =	vadd.s32 v13, v22;
	[tilespmem:v55+s13+$0x0] =	vst.idx.msk $0xffff, v27;
	v27 =	vld [tilespmem:s24+$0x0]  }
0x7d: {  	v57 =	vadd.s32 v6, v17;
	[tilespmem:v29+s13+$0x0] =	vst.idx.msk $0xffff, v25;
	v31 =	vld [tilespmem:s6+$0x60]  }
0x7e: {  	v29 =	vadd.s32 v7, v20;
	[tilespmem:v56+s13+$0x0] =	vst.idx.msk $0xffff, v33;
	v25 =	vld [tilespmem:s5+$0x70]  }
0x7f: {  	v58 =	vadd.s32 v6, v16;
	v33 =	vld [tilespmem:s8+$0x60];
	[tilespmem:v28+s13+$0x0] =	vst.idx.msk $0xffff, v24  }
0x80: {  	s28 =	sor.u32 $0x450, s1;
	s12 =	sand.u32 $0x7, s22;
	v28 =	vadd.s32 v6, v18;
	v24 =	vld [tilespmem:s7+$0x60];
	[tilespmem:v26+s13+$0x0] =	vst.idx.msk $0xffff, v23  }
0x81: {  	s25 =	sor.u32 $0x450, s3;
	s5 =	sshll.u32 s12, $0x7;
	v23 =	vld [tilespmem:s28+$0x0];
	v26 =	vadd.s32 v13, v21;
	[tilespmem:v30+s13+$0x0] =	vst.idx.msk $0xffff, v27  }
0x82: {  	p0 =	por !p0, !p0;
	s9 =	sor.u32 $0x470, s2;
	s5 =	sadd.s32 $0x400, s5;
	v27 =	vld [tilespmem:s25+$0x0];
	v30 =	vadd.s32 v13, v19;
	[tilespmem:v57+s13+$0x0] =	vst.idx.msk $0xffff, v31  }
0x83: {  	s26 =	sor.u32 $0x460, s2;
	s2 =	simm.s32 $0x1;
	s16 =	sadd.s32 $0x180, s5;
	[tilespmem:v29+s13+$0x0] =	vst.idx.msk $0xffff, v25  }
0x84: {  	v59 =	vadd.s32 v7, v17;
	s2 =	simm.s32 @!p0 $0x0;
	s18 =	sor.u32 $0x400, s16;
	v31 =	vld [tilespmem:s6+$0x70];
	[tilespmem:v58+s13+$0x0] =	vst.idx.msk $0xffff, v33  }
0x85: {  	s0 =	sand.u32 $0x3, s0;
	s2 =	sshll.u32 s2, $0x9;
	v25 =	vld [tilespmem:s18+$0x0];
	[tilespmem:v28+s13+$0x0] =	vst.idx.msk $0xffff, v24  }
0x86: {  	s0 =	sshll.u32 s0, $0x8;
	s2 =	sadd.s32 $0x400, s2;
	v33 =	vld [tilespmem:s8+$0x70];
	[tilespmem:v26+s13+$0x0] =	vst.idx.msk $0xffff, v23  }
0x87: {  	s0 =	sadd.s32 $0x400, s0;
	v60 =	vadd.s32 v7, v16;
	s21 =	sor.u32 $0x430, s2;
	v24 =	vld [tilespmem:s7+$0x70];
	[tilespmem:v30+s13+$0x0] =	vst.idx.msk $0xffff, v27  }
0x88: {  	s14 =	sadd.s32 $0x100, s0;
	v23 =	vld [tilespmem:s26+$0x0];
	[dreg:$0x6] =	wrdreg s21  }
0x89: {  	s31 =	sor.u32 $0x460, s1;
	s23 =	sor.u32 $0x430, s14;
	[tilespmem:v59+s13+$0x0] =	vst.idx.msk $0xffff, v31  }
0x8a: {  	s24 =	sor.u32 $0x440, s14;
	v28 =	vadd.s32 v7, v18;
	v27 =	vld [tilespmem:s31+$0x0];
	[dreg:$0x5] =	wrdreg s23  }
0x8b: {  	v26 =	vadd.s32 v14, v22;
	[dreg:$0x2] =	wrdreg s24  }
0x8c: {  	p0 =	por !p0, !p0;
	s19 =	sor.u32 $0x400, s2;
	s28 =	sor.u32 $0x440, s2;
	v29 =	vadd.s32 v8, v20;
	[tilespmem:v60+s13+$0x0] =	vst.idx.msk $0xffff, v33  }
0x8d: {  	s5 =	sadd.s32 $0x80, s5;
	s31 =	sor.u32 $0x450, s2;
	v31 =	vld [tilespmem:s19+$0x0];
	[dreg:$0x4] =	wrdreg s28  }
0x8e: {  	s10 =	sor.u32 $0x410, s2;
	s25 =	sor.u32 $0x400, s5;
	v30 =	vadd.s32 v14, v21;
	[dreg:$0x3] =	wrdreg s31  }
0x8f: {  	v61 =	vadd.s32 v8, v17;
	s0 =	sor.u32 $0x470, s1;
	s1 =	simm.s32 $0xA;
	s4 =	sor.u32 $0x460, s3;
	v33 =	vld [tilespmem:s25+$0x0];
	[tilespmem:v28+s13+$0x0] =	vst.idx.msk $0xffff, v24  }
0x90: {  	v62 =	vadd.s32 v8, v16;
	s29 =	sor.u32 $0x450, s14;
	s11 =	sor.u32 $0x460, s14;
	s20 =	sor.u32 $0x400, s14;
	[tilespmem:v26+s13+$0x0] =	vst.idx.msk $0xffff, v23;
	v23 =	vld [tilespmem:s4+$0x0]  }
0x91: {  	s17 =	sor.u32 $0x470, s3;
	s3 =	sor.u32 $0x410, s16;
	[tilespmem:v29+s13+$0x0] =	vst.idx.msk $0xffff, v25;
	v24 =	vld [tilespmem:s20+$0x0];
	s20 =	sor.u32 $0x440, s5  }
0x92: {  	s12 =	sor.u32 $0x430, s5;
	s30 =	sor.u32 $0x450, s5;
	v28 =	vadd.s32 v8, v18;
	v25 =	vld [tilespmem:s3+$0x0];
	[dreg:$0x7] =	wrdreg s20  }
0x93: {  	s18 =	sor.u32 $0x410, s14;
	s6 =	simm.s32 $0x9;
	s8 =	sor.u32 $0x410, s5;
	v26 =	vadd.s32 v14, v19;
	[tilespmem:v30+s13+$0x0] =	vst.idx.msk $0xffff, v27  }
0x94: {  	s7 =	sor.u32 $0x420, s2;
	s26 =	sor.u32 $0x420, s14;
	s23 =	sor.u32 $0x470, s14;
	v29 =	vadd.s32 v9, v20;
	v63 =	vld [tilespmem:s9+$0x0];
	[tilespmem:v61+s13+$0x0] =	vst.idx.msk $0xffff, v31  }
0x95: {  	v22 =	vadd.s32 v15, v22;
	s14 =	simm.s32 $0x4;
	s24 =	sor.u32 $0x460, s5;
	s28 =	sor.u32 $0x470, s5;
	v31 =	vld [tilespmem:s10+$0x0];
	[tilespmem:v62+s13+$0x0] =	vst.idx.msk $0xffff, v33  }
0x96: {  	s19 =	sor.u32 $0x470, s2;
	s21 =	sand.u32 $0x3, s14;
	v27 =	vld [tilespmem:s8+$0x0];
	[dreg:$0x8] =	wrdreg s28  }
0x97: {  	s21 =	sshll.u32 s21, $0x8;
	s31 =	sor.u32 $0x420, s16;
	s4 =	simm.s32 $0x1;
	[tilespmem:v28+s13+$0x0] =	vst.idx.msk $0xffff, v24  }
0x98: {  	s25 =	sor.u32 $0x460, s2;
	s2 =	sor.u32 $0x420, s5;
	s4 =	simm.s32 @!p0 $0x0;
	v33 =	vadd.s32 v9, v16;
	[tilespmem:v26+s13+$0x0] =	vst.idx.msk $0xffff, v23;
	v26 =	vld [tilespmem:s0+$0x0]  }
0x99: {  	v32 =	vadd.s32 v9, v18;
	v34 =	vadd.s32 v9, v17;
	s3 =	simm.s32 $0x580;
	s5 =	simm.s32 $0xC;
	s20 =	sshll.u32 s4, $0x9;
	[tilespmem:v29+s13+$0x0] =	vst.idx.msk $0xffff, v25;
	v28 =	vld [tilespmem:s18+$0x0]  }
0x9a: {  	s4 =	simm.s32 $0x8;
	v30 =	vadd.s32 v10, v20;
	s9 =	simm.s32 $0x800;
	v29 =	vadd.s32 v15, v21;
	s0 =	simm.s32 $0xB;
	v25 =	vld [tilespmem:s31+$0x0];
	[tilespmem:v22+s13+$0x0] =	vst.idx.msk $0xffff, v63  }
.LBB2_3:
0x9b: {  	s8 =	sand.u32 $0x3800, s9;
	v21 =	vmov s0;
	s28 =	sand.u32 $0x380, s3  }
0x9c: {  	[dreg:$0xa] =	wrdreg s24;
	s24 =	smov.u32 s29;
	s29 =	sor.u32 s28, s8;
	v23 =	vand.u32 $0x3F, v21  }
0x9d: {  	[tilespmem:v33+s13+$0x0] =	vst.idx.msk $0xffff, v27;
	v27 =	vld [tilespmem:s29+$0x0];
	v37 =	vadd.s32 v0, v23  }
0x9e: {  	v24 =	vld [tilespmem:s17+$0x0];
	[tilespmem:v34+s13+$0x0] =	vst.idx.msk $0xffff, v31;
	v31 =	vadd.s32 v15, v19  }
0x9f: {  	[dreg:$0x10] =	wrdreg s11;
	s31 =	sadd.s32 $0xFFFFFE80, s3;
	v38 =	vadd.s32 v10, v16;
	[tilespmem:v32+s13+$0x0] =	vst.idx.msk $0xffff, v28;
	v28 =	vld [tilespmem:s2+$0x0]  }
0xa0: {  	[dreg:$0xe] =	wrdreg s25;
	v35 =	vadd.s32 v10, v17;
	s10 =	sand.u32 $0x200, s31;
	s28 =	sor.u32 $0x430, s16;
	v19 =	vmov v18;
	v18 =	vmov s4;
	[tilespmem:v30+s13+$0x0] =	vst.idx.msk $0xffff, v25;
	v34 =	vld [tilespmem:s7+$0x0]  }
0xa1: {  	[dreg:$0xc] =	wrdreg s19;
	s18 =	sadd.s32 $0xFFFFFF00, s3;
	s25 =	sor.u32 s10, s8;
	v30 =	vadd.s32 v11, v20;
	[tilespmem:v29+s13+$0x0] =	vst.idx.msk $0xffff, v26;
	v22 =	vand.u32 $0x3C, v18;
	v25 =	vld [tilespmem:s28+$0x0]  }
0xa2: {  	s11 =	sand.u32 $0x280, s18;
	s18 =	sadd.s32 $0xFFFFFF80, s3;
	s31 =	sadd.s32 s9, s21;
	v18 =	vmov s6;
	v26 =	vld [tilespmem:s25+$0x0];
	v29 =	vadd.s32 v0, v22;
	[tilespmem:v37+s13+$0x0] =	vst.idx.msk $0xffff, v27  }
0xa3: {  	s21 =	smov.u32 s30;
	s19 =	sand.u32 $0x300, s18;
	s30 =	sor.u32 s11, s8;
	v41 =	vadd.s32 v1, v23;
	v21 =	vand.u32 $0x3D, v18;
	v18 =	vmov s1;
	v27 =	vld [tilespmem:s29+$0x10];
	[tilespmem:v31+s13+$0x0] =	vst.idx.msk $0xffff, v24  }
0xa4: {  	s2 =	sor.u32 s19, s8;
	v18 =	vand.u32 $0x3E, v18;
	v24 =	vld [tilespmem:s30+$0x0];
	v31 =	vadd.s32 v0, v21;
	[tilespmem:v38+s13+$0x0] =	vst.idx.msk $0xffff, v28  }
0xa5: {  	s19 =	sadd.s32 $0x100, s31;
	v40 =	vadd.s32 v0, v18;
	[tilespmem:v35+s13+$0x0] =	vst.idx.msk $0xffff, v34;
	v39 =	vld [tilespmem:s2+$0x0]  }
0xa6: {  	s10 =	smov.u32 s23;
	s23 =	sor.u32 $0x440, s16;
	s11 =	sor.u32 $0x400, s19;
	v42 =	vadd.s32 v10, v19;
	v28 =	vld [tilespmem:s26+$0x0];
	[tilespmem:v30+s13+$0x0] =	vst.idx.msk $0xffff, v25  }
0xa7: {  	[dreg:$0x11] =	wrdreg s11;
	s11 =	sor.u32 $0x420, s19;
	[tilespmem:v29+s13+$0x0] =	vst.idx.msk $0xffff, v26;
	v25 =	vld [tilespmem:s23+$0x0];
	v26 =	vadd.s32 v12, v20  }
0xa8: {  	v30 =	vadd.s32 v1, v22;
	s26 =	smov.u32 s11;
	s11 =	rddreg [dreg:$0x8];
	v29 =	vld [tilespmem:s25+$0x10];
	[tilespmem:v41+s13+$0x0] =	vst.idx.msk $0xffff, v27  }
0xa9: {  	v44 =	vadd.s32 v2, v23;
	s23 =	smov.u32 s11;
	[tilespmem:v31+s13+$0x0] =	vst.idx.msk $0xffff, v24;
	v27 =	vld [tilespmem:s29+$0x20]  }
0xaa: {  	[dreg:$0xf] =	wrdreg s23;
	v31 =	vadd.s32 v1, v21;
	v24 =	vld [tilespmem:s30+$0x10];
	[tilespmem:v40+s13+$0x0] =	vst.idx.msk $0xffff, v39  }
0xab: {  	v43 =	vadd.s32 v1, v18;
	s23 =	rddreg [dreg:$0x6];
	v34 =	vld [tilespmem:s2+$0x10];
	[tilespmem:v42+s13+$0x0] =	vst.idx.msk $0xffff, v28  }
0xac: {  	v45 =	vadd.s32 v11, v17;
	s11 =	sor.u32 $0x450, s16;
	v28 =	vld [tilespmem:s23+$0x0];
	[tilespmem:v26+s13+$0x0] =	vst.idx.msk $0xffff, v25  }
0xad: {  	v26 =	vadd.s32 v13, v20;
	[tilespmem:v30+s13+$0x0] =	vst.idx.msk $0xffff, v29;
	v25 =	vld [tilespmem:s11+$0x0]  }
0xae: {  	v30 =	vadd.s32 v2, v22;
	v29 =	vld [tilespmem:s25+$0x20];
	[tilespmem:v44+s13+$0x0] =	vst.idx.msk $0xffff, v27  }
0xaf: {  	v47 =	vadd.s32 v3, v23;
	s4 =	sadd.s32 s20, s9;
	[tilespmem:v31+s13+$0x0] =	vst.idx.msk $0xffff, v24;
	v27 =	vld [tilespmem:s29+$0x30]  }
0xb0: {  	[dreg:$0xb] =	wrdreg s10;
	s10 =	sor.u32 $0x430, s4;
	v31 =	vadd.s32 v2, v21;
	v24 =	vld [tilespmem:s30+$0x20];
	[tilespmem:v43+s13+$0x0] =	vst.idx.msk $0xffff, v34  }
0xb1: {  	v46 =	vadd.s32 v2, v18;
	s23 =	smov.u32 s10;
	[tilespmem:v45+s13+$0x0] =	vst.idx.msk $0xffff, v28;
	v34 =	vld [tilespmem:s2+$0x20]  }
0xb2: {  	v48 =	vadd.s32 v11, v16;
	[dreg:$0x6] =	wrdreg s23;
	s23 =	sor.u32 $0x460, s16;
	v28 =	vld [tilespmem:s12+$0x0];
	[tilespmem:v26+s13+$0x0] =	vst.idx.msk $0xffff, v25  }
0xb3: {  	v26 =	vadd.s32 v14, v20;
	[tilespmem:v30+s13+$0x0] =	vst.idx.msk $0xffff, v29;
	v25 =	vld [tilespmem:s23+$0x0]  }
0xb4: {  	v30 =	vadd.s32 v3, v22;
	v29 =	vld [tilespmem:s25+$0x30];
	[tilespmem:v47+s13+$0x0] =	vst.idx.msk $0xffff, v27  }
0xb5: {  	v50 =	vadd.s32 v4, v23;
	[tilespmem:v31+s13+$0x0] =	vst.idx.msk $0xffff, v24;
	v27 =	vld [tilespmem:s29+$0x40]  }
0xb6: {  	v31 =	vadd.s32 v3, v21;
	v24 =	vld [tilespmem:s30+$0x30];
	[tilespmem:v46+s13+$0x0] =	vst.idx.msk $0xffff, v34  }
0xb7: {  	v49 =	vadd.s32 v3, v18;
	s11 =	rddreg [dreg:$0x5];
	[tilespmem:v48+s13+$0x0] =	vst.idx.msk $0xffff, v28;
	v34 =	vld [tilespmem:s2+$0x30]  }
0xb8: {  	v51 =	vadd.s32 v11, v19;
	s12 =	sor.u32 $0x470, s16;
	v28 =	vld [tilespmem:s11+$0x0];
	[tilespmem:v26+s13+$0x0] =	vst.idx.msk $0xffff, v25  }
0xb9: {  	v26 =	vadd.s32 v15, v20;
	[tilespmem:v30+s13+$0x0] =	vst.idx.msk $0xffff, v29;
	v25 =	vld [tilespmem:s12+$0x0]  }
0xba: {  	v20 =	vmov v23;
	v29 =	vadd.s32 v4, v22;
	v23 =	vld [tilespmem:s25+$0x40];
	[tilespmem:v50+s13+$0x0] =	vst.idx.msk $0xffff, v27  }
0xbb: {  	s18 =	sor.u32 $0x410, s4;
	v53 =	vadd.s32 v5, v20;
	[tilespmem:v31+s13+$0x0] =	vst.idx.msk $0xffff, v24;
	v27 =	vld [tilespmem:s29+$0x50]  }
0xbc: {  	[dreg:$0xd] =	wrdreg s18;
	s18 =	sor.u32 $0x430, s19;
	v30 =	vadd.s32 v4, v21;
	v24 =	vld [tilespmem:s30+$0x40];
	[tilespmem:v49+s13+$0x0] =	vst.idx.msk $0xffff, v34  }
0xbd: {  	v52 =	vadd.s32 v4, v18;
	s16 =	smov.u32 s18;
	s18 =	rddreg [dreg:$0x4];
	v31 =	vld [tilespmem:s2+$0x40];
	[tilespmem:v51+s13+$0x0] =	vst.idx.msk $0xffff, v28  }
0xbe: {  	v54 =	vadd.s32 v12, v17;
	s11 =	rddreg [dreg:$0x7];
	v28 =	vld [tilespmem:s18+$0x0];
	[tilespmem:v26+s13+$0x0] =	vst.idx.msk $0xffff, v25  }
0xbf: {  	v25 =	vadd.s32 v12, v16;
	[tilespmem:v29+s13+$0x0] =	vst.idx.msk $0xffff, v23;
	v23 =	vld [tilespmem:s11+$0x0]  }
0xc0: {  	v29 =	vadd.s32 v5, v22;
	v26 =	vld [tilespmem:s25+$0x50];
	[tilespmem:v53+s13+$0x0] =	vst.idx.msk $0xffff, v27  }
0xc1: {  	[tilespmem:v30+s13+$0x0] =	vst.idx.msk $0xffff, v24  }
0xc2: {  	v56 =	vadd.s32 v6, v20;
	v27 =	vld [tilespmem:s29+$0x60];
	[tilespmem:v52+s13+$0x0] =	vst.idx.msk $0xffff, v31  }
0xc3: {  	v30 =	vadd.s32 v5, v21;
	v24 =	vld [tilespmem:s30+$0x50];
	[tilespmem:v54+s13+$0x0] =	vst.idx.msk $0xffff, v28  }
0xc4: {  	v55 =	vadd.s32 v5, v18;
	s12 =	rddreg [dreg:$0x2];
	v31 =	vld [tilespmem:s2+$0x50];
	[tilespmem:v25+s13+$0x0] =	vst.idx.msk $0xffff, v23  }
0xc5: {  	s18 =	rddreg [dreg:$0x3];
	v23 =	vld [tilespmem:s12+$0x0];
	v25 =	vadd.s32 v12, v19;
	[tilespmem:v29+s13+$0x0] =	vst.idx.msk $0xffff, v26  }
0xc6: {  	v28 =	vadd.s32 v13, v17;
	v26 =	vld [tilespmem:s18+$0x0]  }
0xc7: {  	v57 =	vadd.s32 v6, v22;
	v29 =	vld [tilespmem:s25+$0x60];
	[tilespmem:v56+s13+$0x0] =	vst.idx.msk $0xffff, v27  }
0xc8: {  	s22 =	sadd.s32 $0x4, s22;
	s17 =	sor.u32 $0x410, s19;
	s8 =	sor.u32 $0x440, s4;
	v59 =	vadd.s32 v7, v20;
	[tilespmem:v30+s13+$0x0] =	vst.idx.msk $0xffff, v24;
	v27 =	vld [tilespmem:s29+$0x70]  }
0xc9: {  	s1 =	sor.u32 $0x440, s19;
	s23 =	smov.u32 s8;
	s8 =	sand.u32 $0x7, s22;
	v30 =	vadd.s32 v6, v21;
	v24 =	vld [tilespmem:s30+$0x60];
	[tilespmem:v55+s13+$0x0] =	vst.idx.msk $0xffff, v31  }
0xca: {  	v58 =	vadd.s32 v6, v18;
	[dreg:$0x5] =	wrdreg s16;
	s16 =	smov.u32 s1;
	s1 =	sshll.u32 s8, $0x7;
	v31 =	vld [tilespmem:s2+$0x60];
	[tilespmem:v25+s13+$0x0] =	vst.idx.msk $0xffff, v23  }
0xcb: {  	p1 =	slt.u32 s5, $0x3C;
	[dreg:$0x9] =	wrdreg s17;
	s10 =	sadd.s32 s9, s1;
	v23 =	vld [tilespmem:s21+$0x0];
	v25 =	vadd.s32 v13, v16;
	[tilespmem:v28+s13+$0x0] =	vst.idx.msk $0xffff, v26  }
0xcc: {  	s14 =	sadd.s32 $0x2, s14;
	[dreg:$0x2] =	wrdreg s16;
	s16 =	sadd.s32 $0x180, s10;
	v26 =	vld [tilespmem:s24+$0x0];
	v28 =	vadd.s32 v13, v19;
	[tilespmem:v57+s13+$0x0] =	vst.idx.msk $0xffff, v29  }
0xcd: {  	s6 =	sor.u32 $0x450, s4;
	v60 =	vadd.s32 v7, v22;
	[dreg:$0x4] =	wrdreg s23;
	s18 =	sor.u32 $0x400, s16;
	v29 =	vld [tilespmem:s25+$0x70];
	[tilespmem:v59+s13+$0x0] =	vst.idx.msk $0xffff, v27  }
0xce: {  	p0 =	por !p0, !p0;
	s23 =	smov.u32 s6;
	s6 =	rddreg [dreg:$0x10];
	v62 =	vadd.s32 v8, v20;
	[tilespmem:v30+s13+$0x0] =	vst.idx.msk $0xffff, v24;
	v27 =	vld [tilespmem:s18+$0x0]  }
0xcf: {  	s3 =	sadd.s32 $0x200, s3;
	s20 =	sor.u32 $0x400, s4;
	s24 =	rddreg [dreg:$0xe];
	v30 =	vadd.s32 v7, v21;
	v24 =	vld [tilespmem:s30+$0x70];
	[tilespmem:v58+s13+$0x0] =	vst.idx.msk $0xffff, v31  }
0xd0: {  	s7 =	sor.u32 $0x420, s4;
	s1 =	sadd.s32 $0x80, s10;
	[dreg:$0x3] =	wrdreg s23;
	[tilespmem:v25+s13+$0x0] =	vst.idx.msk $0xffff, v23;
	v23 =	vld [tilespmem:s24+$0x0];
	v25 =	vadd.s32 v14, v17  }
0xd1: {  	v61 =	vadd.s32 v7, v18;
	s8 =	sor.u32 $0x410, s1;
	s23 =	sor.u32 $0x460, s1;
	s25 =	rddreg [dreg:$0xa];
	v31 =	vld [tilespmem:s2+$0x70];
	[tilespmem:v28+s13+$0x0] =	vst.idx.msk $0xffff, v26  }
0xd2: {  	s11 =	sor.u32 $0x400, s1;
	s12 =	sor.u32 $0x430, s1;
	s21 =	sor.u32 $0x440, s1;
	v26 =	vld [tilespmem:s25+$0x0];
	v28 =	vadd.s32 v14, v16;
	[tilespmem:v60+s13+$0x0] =	vst.idx.msk $0xffff, v29  }
0xd3: {  	v63 =	vadd.s32 v8, v22;
	s30 =	sor.u32 $0x450, s1;
	s2 =	sor.u32 $0x420, s1;
	s1 =	sor.u32 $0x470, s1;
	v29 =	vld [tilespmem:s20+$0x0];
	[tilespmem:v62+s13+$0x0] =	vst.idx.msk $0xffff, v27  }
0xd4: {  	s0 =	sor.u32 $0x450, s19;
	[dreg:$0x8] =	wrdreg s1;
	s1 =	sor.u32 $0x410, s16;
	[tilespmem:v30+s13+$0x0] =	vst.idx.msk $0xffff, v24  }
0xd5: {  	s31 =	sor.u32 $0x460, s4;
	s28 =	sor.u32 $0x460, s19;
	v38 =	vadd.s32 v9, v20;
	s10 =	rddreg [dreg:$0xc];
	v37 =	vld [tilespmem:s1+$0x0];
	[tilespmem:v25+s13+$0x0] =	vst.idx.msk $0xffff, v23  }
0xd6: {  	s17 =	sor.u32 $0x470, s4;
	s25 =	smov.u32 s31;
	s31 =	rddreg [dreg:$0x11];
	v30 =	vadd.s32 v8, v21;
	v24 =	vld [tilespmem:s11+$0x0];
	[tilespmem:v61+s13+$0x0] =	vst.idx.msk $0xffff, v31  }
0xd7: {  	s19 =	sor.u32 $0x470, s19;
	s4 =	smov.u32 s5;
	v36 =	vadd.s32 v8, v18;
	[dreg:$0x7] =	wrdreg s21;
	[tilespmem:v28+s13+$0x0] =	vst.idx.msk $0xffff, v26;
	v35 =	vld [tilespmem:s31+$0x0]  }
0xd8: {  	s9 =	sadd.s32 $0x400, s9;
	s29 =	smov.u32 s0;
	s21 =	rddreg [dreg:$0x9];
	v26 =	vadd.s32 v14, v19;
	v23 =	vld [tilespmem:s6+$0x0];
	[tilespmem:v63+s13+$0x0] =	vst.idx.msk $0xffff, v29  }
0xd9: {  	v39 =	vadd.s32 v15, v17;
	s0 =	sadd.s32 $0x3, s4;
	s18 =	rddreg [dreg:$0xd];
	s24 =	smov.u32 s23;
	v29 =	vld [tilespmem:s10+$0x0]  }
.Ltmp0:
0xda: {  	s11 =	smov.u32 s28;
	s28 =	sor.u32 $0x420, s16;
	v31 =	vld [tilespmem:s18+$0x0];
	[tilespmem:v38+s13+$0x0] =	vst.idx.msk $0xffff, v37;
	(pc) =	sbr.rel @p1 .LBB2_3-.Ltmp0, $4  }
0xdb: {  	s23 =	smov.u32 s19;
	s19 =	smov.u32 s17;
	s17 =	rddreg [dreg:$0xb];
	[tilespmem:v30+s13+$0x0] =	vst.idx.msk $0xffff, v24;
	v25 =	vld [tilespmem:s28+$0x0]  }
0xdc: {  	v33 =	vadd.s32 v9, v21;
	v17 =	vmov v22;
	s20 =	sand.u32 $0x3, s14;
	s1 =	sadd.s32 $0x2, s5;
	v27 =	vld [tilespmem:s8+$0x0];
	[tilespmem:v36+s13+$0x0] =	vst.idx.msk $0xffff, v35;
	s8 =	simm.s32 $0x1  }
0xdd: {  	v32 =	vadd.s32 v9, v18;
	v34 =	vadd.s32 v9, v17;
	s6 =	sadd.s32 $0x1, s5;
	s31 =	rddreg [dreg:$0xf];
	s8 =	simm.s32 @!p0 $0x0;
	v28 =	vld [tilespmem:s21+$0x0];
	[tilespmem:v26+s13+$0x0] =	vst.idx.msk $0xffff, v23  }
0xde: {  	s5 =	sadd.s32 $0x4, s5;
	v30 =	vadd.s32 v10, v20;
	s21 =	sshll.u32 s20, $0x8;
	v26 =	vld [tilespmem:s31+$0x0];
	s20 =	sshll.u32 s8, $0x9;
	[tilespmem:v39+s13+$0x0] =	vst.idx.msk $0xffff, v29;
	v29 =	vadd.s32 v15, v16;
	v16 =	vmov v21  }
0xdf: {  	v21 =	vmov s0;
	s5 =	sand.u32 $0x3800, s9;
	s31 =	sand.u32 $0x380, s3;
	s8 =	sadd.s32 $0xFFFFFE80, s3  }
0xe0: {  	v22 =	vmov s4;
	s14 =	sadd.s32 $0xFFFFFF00, s3;
	s0 =	sor.u32 s31, s5;
	v21 =	vand.u32 $0x3F, v21;
	s10 =	sand.u32 $0x200, s8  }
0xe1: {  	v23 =	vmov s6;
	s28 =	sadd.s32 $0xFFFFFF80, s3;
	s18 =	sand.u32 $0x280, s14;
	v22 =	vand.u32 $0x3C, v22;
	v35 =	vld [tilespmem:s0+$0x0];
	v36 =	vadd.s32 v0, v21;
	s31 =	sor.u32 s10, s5  }
0xe2: {  	v24 =	vmov s1;
	s4 =	sand.u32 $0x300, s28;
	v23 =	vand.u32 $0x3D, v23;
	s6 =	sor.u32 s18, s5;
	v38 =	vadd.s32 v0, v22;
	v37 =	vld [tilespmem:s31+$0x0]  }
0xe3: {  	v24 =	vand.u32 $0x3E, v24;
	s1 =	sor.u32 s4, s5;
	v40 =	vadd.s32 v0, v23;
	v39 =	vld [tilespmem:s6+$0x0]  }
0xe4: {  	v42 =	vadd.s32 v0, v24;
	v41 =	vld [tilespmem:s1+$0x0];
	_ =	sdelay $0x1  }
0xe5: {  	[tilespmem:v36+s13+$0x0] =	vst.idx.msk $0xffff, v35  }
0xe6: {  	v60 =	vadd.s32 v1, v21;
	v35 =	vld [tilespmem:s0+$0x10];
	[tilespmem:v38+s13+$0x0] =	vst.idx.msk $0xffff, v37  }
0xe7: {  	v61 =	vadd.s32 v1, v22;
	[tilespmem:v40+s13+$0x0] =	vst.idx.msk $0xffff, v39;
	v37 =	vld [tilespmem:s31+$0x10]  }
0xe8: {  	v62 =	vadd.s32 v1, v23;
	[tilespmem:v42+s13+$0x0] =	vst.idx.msk $0xffff, v41;
	v39 =	vld [tilespmem:s6+$0x10]  }
0xe9: {  	[tilespmem:v34+s13+$0x0] =	vst.idx.msk $0xffff, v31;
	v63 =	vadd.s32 v1, v24;
	v41 =	vld [tilespmem:s1+$0x10]  }
0xea: {  	[tilespmem:v30+s13+$0x0] =	vst.idx.msk $0xffff, v25  }
0xeb: {  	[tilespmem:v60+s13+$0x0] =	vst.idx.msk $0xffff, v35  }
0xec: {  	v44 =	vadd.s32 v2, v21;
	[tilespmem:v61+s13+$0x0] =	vst.idx.msk $0xffff, v37;
	v43 =	vld [tilespmem:s0+$0x20]  }
0xed: {  	v46 =	vadd.s32 v2, v22;
	[tilespmem:v62+s13+$0x0] =	vst.idx.msk $0xffff, v39;
	v45 =	vld [tilespmem:s31+$0x20]  }
0xee: {  	v48 =	vadd.s32 v2, v23;
	[tilespmem:v63+s13+$0x0] =	vst.idx.msk $0xffff, v41;
	v47 =	vld [tilespmem:s6+$0x20]  }
0xef: {  	[tilespmem:v33+s13+$0x0] =	vst.idx.msk $0xffff, v27;
	v50 =	vadd.s32 v2, v24;
	v49 =	vld [tilespmem:s1+$0x20]  }
0xf0: {  	[tilespmem:v32+s13+$0x0] =	vst.idx.msk $0xffff, v28  }
0xf1: {  	v59 =	vld [tilespmem:s17+$0x0];
	v19 =	vadd.s32 v15, v19;
	[tilespmem:v44+s13+$0x0] =	vst.idx.msk $0xffff, v43  }
0xf2: {  	v52 =	vadd.s32 v3, v21;
	v51 =	vld [tilespmem:s0+$0x30];
	[tilespmem:v46+s13+$0x0] =	vst.idx.msk $0xffff, v45  }
0xf3: {  	v54 =	vadd.s32 v3, v22;
	[tilespmem:v48+s13+$0x0] =	vst.idx.msk $0xffff, v47;
	v53 =	vld [tilespmem:s31+$0x30]  }
0xf4: {  	v56 =	vadd.s32 v3, v23;
	[tilespmem:v50+s13+$0x0] =	vst.idx.msk $0xffff, v49;
	v55 =	vld [tilespmem:s6+$0x30]  }
0xf5: {  	v58 =	vadd.s32 v3, v24;
	[tilespmem:v29+s13+$0x0] =	vst.idx.msk $0xffff, v26;
	v57 =	vld [tilespmem:s1+$0x30]  }
0xf6: {  	[tilespmem:v19+s13+$0x0] =	vst.idx.msk $0xffff, v59;
	v60 =	vld [tilespmem:s7+$0x0];
	v61 =	vadd.s32 v10, v17  }
0xf7: {  	v40 =	vadd.s32 v10, v16;
	v39 =	vld [tilespmem:s2+$0x0];
	[tilespmem:v52+s13+$0x0] =	vst.idx.msk $0xffff, v51  }
0xf8: {  	v62 =	vadd.s32 v4, v21;
	v28 =	vld [tilespmem:s0+$0x40];
	[tilespmem:v54+s13+$0x0] =	vst.idx.msk $0xffff, v53  }
0xf9: {  	v63 =	vadd.s32 v4, v22;
	[tilespmem:v56+s13+$0x0] =	vst.idx.msk $0xffff, v55;
	v32 =	vld [tilespmem:s31+$0x40]  }
0xfa: {  	v36 =	vadd.s32 v4, v23;
	[tilespmem:v58+s13+$0x0] =	vst.idx.msk $0xffff, v57;
	v27 =	vld [tilespmem:s6+$0x40]  }
0xfb: {  	v38 =	vadd.s32 v4, v24;
	s7 =	sor.u32 $0x430, s16;
	[tilespmem:v61+s13+$0x0] =	vst.idx.msk $0xffff, v60;
	v37 =	vld [tilespmem:s1+$0x40]  }
0xfc: {  	v42 =	vadd.s32 v11, v20;
	v41 =	vld [tilespmem:s7+$0x0];
	[tilespmem:v40+s13+$0x0] =	vst.idx.msk $0xffff, v39  }
0xfd: {  	v47 =	vld [tilespmem:s26+$0x0];
	v48 =	vadd.s32 v10, v18;
	[tilespmem:v62+s13+$0x0] =	vst.idx.msk $0xffff, v28  }
0xfe: {  	v43 =	vadd.s32 v5, v21;
	v28 =	vld [tilespmem:s0+$0x50];
	[tilespmem:v63+s13+$0x0] =	vst.idx.msk $0xffff, v32  }
0xff: {  	v44 =	vadd.s32 v5, v22;
	[tilespmem:v36+s13+$0x0] =	vst.idx.msk $0xffff, v27;
	v32 =	vld [tilespmem:s31+$0x50]  }
0x100: {  	v45 =	vadd.s32 v5, v23;
	[tilespmem:v38+s13+$0x0] =	vst.idx.msk $0xffff, v37;
	v27 =	vld [tilespmem:s6+$0x50]  }
0x101: {  	s8 =	sor.u32 $0x440, s16;
	[tilespmem:v42+s13+$0x0] =	vst.idx.msk $0xffff, v41;
	v46 =	vadd.s32 v5, v24;
	v19 =	vld [tilespmem:s1+$0x50]  }
0x102: {  	v26 =	vld [tilespmem:s8+$0x0];
	v49 =	vadd.s32 v12, v20;
	[tilespmem:v48+s13+$0x0] =	vst.idx.msk $0xffff, v47  }
0x103: {  	v61 =	vld [tilespmem:s12+$0x0];
	v62 =	vadd.s32 v11, v16;
	[tilespmem:v43+s13+$0x0] =	vst.idx.msk $0xffff, v28  }
0x104: {  	v50 =	vadd.s32 v6, v21;
	v28 =	vld [tilespmem:s0+$0x60];
	[tilespmem:v44+s13+$0x0] =	vst.idx.msk $0xffff, v32  }
0x105: {  	v51 =	vadd.s32 v6, v22;
	[tilespmem:v45+s13+$0x0] =	vst.idx.msk $0xffff, v27;
	v32 =	vld [tilespmem:s31+$0x60]  }
0x106: {  	v52 =	vadd.s32 v6, v23;
	[tilespmem:v46+s13+$0x0] =	vst.idx.msk $0xffff, v19;
	v27 =	vld [tilespmem:s6+$0x60]  }
0x107: {  	v53 =	vadd.s32 v6, v24;
	v19 =	vld [tilespmem:s1+$0x60];
	s10 =	rddreg [dreg:$0x6];
	[tilespmem:v49+s13+$0x0] =	vst.idx.msk $0xffff, v26  }
0x108: {  	s14 =	sor.u32 $0x450, s16;
	v55 =	vadd.s32 v11, v17;
	[tilespmem:v62+s13+$0x0] =	vst.idx.msk $0xffff, v61;
	v54 =	vld [tilespmem:s10+$0x0]  }
0x109: {  	v56 =	vadd.s32 v13, v20;
	v26 =	vld [tilespmem:s14+$0x0];
	[tilespmem:v50+s13+$0x0] =	vst.idx.msk $0xffff, v28  }
0x10a: {  	s17 =	sadd.s32 $0x4, s22;
	v57 =	vadd.s32 v7, v21;
	v28 =	vld [tilespmem:s0+$0x70];
	[tilespmem:v51+s13+$0x0] =	vst.idx.msk $0xffff, v32  }
0x10b: {  	v58 =	vadd.s32 v7, v22;
	s0 =	sand.u32 $0x7, s17;
	[tilespmem:v52+s13+$0x0] =	vst.idx.msk $0xffff, v27;
	v32 =	vld [tilespmem:s31+$0x70]  }
0x10c: {  	v59 =	vadd.s32 v7, v23;
	[tilespmem:v53+s13+$0x0] =	vst.idx.msk $0xffff, v19;
	v27 =	vld [tilespmem:s6+$0x70];
	s0 =	sshll.u32 s0, $0x7  }
0x10d: {  	v60 =	vadd.s32 v7, v24;
	[tilespmem:v55+s13+$0x0] =	vst.idx.msk $0xffff, v54;
	v19 =	vld [tilespmem:s1+$0x70];
	s18 =	sadd.s32 s9, s0  }
0x10e: {  	s22 =	sor.u32 $0x460, s16;
	[tilespmem:v56+s13+$0x0] =	vst.idx.msk $0xffff, v26;
	s2 =	sadd.s32 $0x180, s18  }
0x10f: {  	v63 =	vadd.s32 v14, v20;
	s0 =	sadd.s32 s20, s9;
	v26 =	vld [tilespmem:s22+$0x0];
	s26 =	sor.u32 $0x400, s2;
	[tilespmem:v57+s13+$0x0] =	vst.idx.msk $0xffff, v28  }
0x110: {  	s28 =	sadd.s32 s9, s21;
	v36 =	vadd.s32 v8, v21;
	s31 =	sor.u32 $0x400, s0;
	s4 =	sadd.s32 $0x80, s18;
	v28 =	vld [tilespmem:s26+$0x0];
	[tilespmem:v58+s13+$0x0] =	vst.idx.msk $0xffff, v32  }
0x111: {  	s3 =	sadd.s32 $0x100, s28;
	v37 =	vadd.s32 v8, v22;
	s6 =	sor.u32 $0x400, s4;
	[tilespmem:v59+s13+$0x0] =	vst.idx.msk $0xffff, v27;
	v32 =	vld [tilespmem:s31+$0x0]  }
0x112: {  	s7 =	sor.u32 $0x400, s3;
	v38 =	vadd.s32 v8, v23;
	[tilespmem:v60+s13+$0x0] =	vst.idx.msk $0xffff, v19;
	v27 =	vld [tilespmem:s6+$0x0]  }
0x113: {  	v39 =	vadd.s32 v8, v24;
	v19 =	vld [tilespmem:s7+$0x0];
	s8 =	rddreg [dreg:$0x5]  }
0x114: {  	v41 =	vadd.s32 v11, v18;
	[tilespmem:v63+s13+$0x0] =	vst.idx.msk $0xffff, v26;
	v40 =	vld [tilespmem:s8+$0x0]  }
0x115: {  	s9 =	sor.u32 $0x470, s16;
	[tilespmem:v36+s13+$0x0] =	vst.idx.msk $0xffff, v28  }
0x116: {  	v42 =	vadd.s32 v15, v20;
	s10 =	sor.u32 $0x410, s2;
	v26 =	vld [tilespmem:s9+$0x0];
	[tilespmem:v37+s13+$0x0] =	vst.idx.msk $0xffff, v32  }
0x117: {  	v43 =	vadd.s32 v9, v21;
	s12 =	sor.u32 $0x410, s0;
	v28 =	vld [tilespmem:s10+$0x0];
	[tilespmem:v38+s13+$0x0] =	vst.idx.msk $0xffff, v27  }
0x118: {  	v45 =	vadd.s32 v9, v22;
	s14 =	sor.u32 $0x410, s4;
	[tilespmem:v39+s13+$0x0] =	vst.idx.msk $0xffff, v19;
	v44 =	vld [tilespmem:s12+$0x0]  }
0x119: {  	v46 =	vadd.s32 v9, v23;
	s16 =	sor.u32 $0x410, s3;
	v27 =	vld [tilespmem:s14+$0x0];
	[tilespmem:v41+s13+$0x0] =	vst.idx.msk $0xffff, v40  }
0x11a: {  	v47 =	vadd.s32 v9, v24;
	v19 =	vld [tilespmem:s16+$0x0];
	s17 =	rddreg [dreg:$0x4]  }
0x11b: {  	v49 =	vadd.s32 v12, v17;
	[tilespmem:v42+s13+$0x0] =	vst.idx.msk $0xffff, v26;
	v48 =	vld [tilespmem:s17+$0x0]  }
0x11c: {  	s18 =	rddreg [dreg:$0x7];
	[tilespmem:v43+s13+$0x0] =	vst.idx.msk $0xffff, v28  }
0x11d: {  	v51 =	vadd.s32 v12, v16;
	s20 =	sor.u32 $0x420, s2;
	v50 =	vld [tilespmem:s18+$0x0];
	[tilespmem:v45+s13+$0x0] =	vst.idx.msk $0xffff, v44  }
0x11e: {  	v52 =	vadd.s32 v10, v21;
	s21 =	sor.u32 $0x420, s0;
	v28 =	vld [tilespmem:s20+$0x0];
	[tilespmem:v46+s13+$0x0] =	vst.idx.msk $0xffff, v27  }
0x11f: {  	v53 =	vadd.s32 v10, v22;
	s22 =	sor.u32 $0x420, s4;
	[tilespmem:v47+s13+$0x0] =	vst.idx.msk $0xffff, v19;
	v31 =	vld [tilespmem:s21+$0x0]  }
0x120: {  	v54 =	vadd.s32 v10, v23;
	s26 =	sor.u32 $0x420, s3;
	v27 =	vld [tilespmem:s22+$0x0];
	[tilespmem:v49+s13+$0x0] =	vst.idx.msk $0xffff, v48  }
0x121: {  	v55 =	vadd.s32 v10, v24;
	v25 =	vld [tilespmem:s26+$0x0];
	s28 =	rddreg [dreg:$0x2]  }
0x122: {  	v57 =	vadd.s32 v12, v18;
	[tilespmem:v51+s13+$0x0] =	vst.idx.msk $0xffff, v50;
	v56 =	vld [tilespmem:s28+$0x0]  }
0x123: {  	s5 =	sor.u32 $0x430, s2;
	v37 =	vadd.s32 v13, v16;
	s31 =	rddreg [dreg:$0x3];
	v36 =	vld [tilespmem:s30+$0x0];
	[tilespmem:v52+s13+$0x0] =	vst.idx.msk $0xffff, v28  }
0x124: {  	v60 =	vadd.s32 v11, v21;
	s6 =	sor.u32 $0x430, s0;
	v28 =	vld [tilespmem:s5+$0x0];
	[tilespmem:v53+s13+$0x0] =	vst.idx.msk $0xffff, v31  }
0x125: {  	v61 =	vadd.s32 v11, v22;
	s7 =	sor.u32 $0x430, s4;
	[tilespmem:v54+s13+$0x0] =	vst.idx.msk $0xffff, v27;
	v31 =	vld [tilespmem:s6+$0x0]  }
0x126: {  	v62 =	vadd.s32 v11, v23;
	s8 =	sor.u32 $0x430, s3;
	[tilespmem:v55+s13+$0x0] =	vst.idx.msk $0xffff, v25;
	v27 =	vld [tilespmem:s7+$0x0]  }
0x127: {  	v63 =	vadd.s32 v11, v24;
	v30 =	vld [tilespmem:s8+$0x0];
	[tilespmem:v57+s13+$0x0] =	vst.idx.msk $0xffff, v56  }
0x128: {  	v59 =	vadd.s32 v13, v17;
	v58 =	vld [tilespmem:s31+$0x0];
	[tilespmem:v37+s13+$0x0] =	vst.idx.msk $0xffff, v36  }
0x129: {  	s9 =	sor.u32 $0x440, s2;
	v38 =	vadd.s32 v13, v18;
	v33 =	vld [tilespmem:s29+$0x0];
	[tilespmem:v60+s13+$0x0] =	vst.idx.msk $0xffff, v28  }
0x12a: {  	s10 =	sor.u32 $0x440, s0;
	v39 =	vadd.s32 v12, v21;
	v28 =	vld [tilespmem:s9+$0x0];
	[tilespmem:v61+s13+$0x0] =	vst.idx.msk $0xffff, v31  }
0x12b: {  	s12 =	sor.u32 $0x440, s4;
	v40 =	vadd.s32 v12, v22;
	[tilespmem:v62+s13+$0x0] =	vst.idx.msk $0xffff, v27;
	v19 =	vld [tilespmem:s10+$0x0]  }
0x12c: {  	s14 =	sor.u32 $0x440, s3;
	v41 =	vadd.s32 v12, v23;
	[tilespmem:v63+s13+$0x0] =	vst.idx.msk $0xffff, v30;
	v27 =	vld [tilespmem:s12+$0x0]  }
0x12d: {  	v42 =	vadd.s32 v12, v24;
	[tilespmem:v59+s13+$0x0] =	vst.idx.msk $0xffff, v58;
	v30 =	vld [tilespmem:s14+$0x0]  }
0x12e: {  	v46 =	vadd.s32 v14, v16;
	v45 =	vld [tilespmem:s24+$0x0];
	[tilespmem:v38+s13+$0x0] =	vst.idx.msk $0xffff, v33  }
0x12f: {  	s16 =	sor.u32 $0x450, s2;
	v44 =	vadd.s32 v14, v17;
	v43 =	vld [tilespmem:s25+$0x0];
	[tilespmem:v39+s13+$0x0] =	vst.idx.msk $0xffff, v28  }
0x130: {  	s17 =	sor.u32 $0x450, s0;
	v47 =	vadd.s32 v13, v21;
	v28 =	vld [tilespmem:s16+$0x0];
	[tilespmem:v40+s13+$0x0] =	vst.idx.msk $0xffff, v19  }
0x131: {  	s18 =	sor.u32 $0x450, s4;
	v48 =	vadd.s32 v13, v22;
	[tilespmem:v41+s13+$0x0] =	vst.idx.msk $0xffff, v27;
	v19 =	vld [tilespmem:s17+$0x0]  }
0x132: {  	s20 =	sor.u32 $0x450, s3;
	v50 =	vadd.s32 v13, v23;
	[tilespmem:v42+s13+$0x0] =	vst.idx.msk $0xffff, v30;
	v49 =	vld [tilespmem:s18+$0x0]  }
0x133: {  	v52 =	vadd.s32 v13, v24;
	[tilespmem:v46+s13+$0x0] =	vst.idx.msk $0xffff, v45;
	v51 =	vld [tilespmem:s20+$0x0]  }
0x134: {  	v54 =	vadd.s32 v14, v18;
	[tilespmem:v44+s13+$0x0] =	vst.idx.msk $0xffff, v43;
	v53 =	vld [tilespmem:s11+$0x0]  }
0x135: {  	v17 =	vadd.s32 v15, v17;
	s21 =	sor.u32 $0x460, s2;
	v55 =	vld [tilespmem:s19+$0x0];
	[tilespmem:v47+s13+$0x0] =	vst.idx.msk $0xffff, v28  }
0x136: {  	s22 =	sor.u32 $0x460, s0;
	v56 =	vadd.s32 v14, v21;
	v28 =	vld [tilespmem:s21+$0x0];
	[tilespmem:v48+s13+$0x0] =	vst.idx.msk $0xffff, v19  }
0x137: {  	v57 =	vadd.s32 v14, v22;
	s24 =	sor.u32 $0x460, s4;
	[tilespmem:v50+s13+$0x0] =	vst.idx.msk $0xffff, v49;
	v19 =	vld [tilespmem:s22+$0x0]  }
0x138: {  	v58 =	vadd.s32 v14, v23;
	s25 =	sor.u32 $0x460, s3;
	[tilespmem:v52+s13+$0x0] =	vst.idx.msk $0xffff, v51;
	v25 =	vld [tilespmem:s24+$0x0]  }
0x139: {  	v59 =	vadd.s32 v14, v24;
	[tilespmem:v54+s13+$0x0] =	vst.idx.msk $0xffff, v53;
	v27 =	vld [tilespmem:s25+$0x0]  }
0x13a: {  	v61 =	vadd.s32 v15, v18;
	s26 =	rddreg [dreg:$0x8];
	[tilespmem:v17+s13+$0x0] =	vst.idx.msk $0xffff, v55;
	v17 =	vld [tilespmem:s23+$0x0]  }
0x13b: {  	v16 =	vadd.s32 v15, v16;
	s28 =	sor.u32 $0x470, s2;
	v60 =	vld [tilespmem:s26+$0x0];
	[tilespmem:v56+s13+$0x0] =	vst.idx.msk $0xffff, v28  }
0x13c: {  	v21 =	vadd.s32 v15, v21;
	v28 =	vld [tilespmem:s28+$0x0];
	[tilespmem:v57+s13+$0x0] =	vst.idx.msk $0xffff, v19  }
0x13d: {  	s0 =	sor.u32 $0x470, s0;
	[tilespmem:v58+s13+$0x0] =	vst.idx.msk $0xffff, v25  }
0x13e: {  	s29 =	sor.u32 $0x470, s4;
	v62 =	vadd.s32 v15, v22;
	[tilespmem:v59+s13+$0x0] =	vst.idx.msk $0xffff, v27;
	v19 =	vld [tilespmem:s0+$0x0]  }
0x13f: {  	v23 =	vadd.s32 v15, v23;
	[tilespmem:v61+s13+$0x0] =	vst.idx.msk $0xffff, v17;
	v63 =	vld [tilespmem:s29+$0x0]  }
0x140: {  	[tilespmem:v16+s13+$0x0] =	vst.idx.msk $0xffff, v60  }
0x141: {  	s30 =	sor.u32 $0x470, s3;
	[tilespmem:v21+s13+$0x0] =	vst.idx.msk $0xffff, v28  }
0x142: {  	v24 =	vadd.s32 v15, v24;
	v16 =	vld [tilespmem:s30+$0x0];
	s24 =	rddreg [dreg:$0x13]  }
0x143: {  	s5 =	rddreg [dreg:$0x1b];
	[tilespmem:v62+s13+$0x0] =	vst.idx.msk $0xffff, v19  }
0x144: {  	[tilespmem:v23+s13+$0x0] =	vst.idx.msk $0xffff, v63;
	s31 =	sadd.s32 s24, s5  }
0x145: {  	s25 =	rddreg [dreg:$0x14];
	s0 =	sshll.u32 s31, $0xB  }
0x146: {  	s1 =	simm.s32 $0x8000;
	s2 =	simm.s32 $0x8;
	s0 =	sadd.s32 s25, s0  }
0x147: {  	s3 =	simm.s32 $0x8048;
	s19 =	simm.s32 $0x0;
	[tilespmem:v24+s13+$0x0] =	vst.idx.msk $0xffff, v16;
	s4 =	sadd.s32 $0x0, s0  }
.LBB2_5:
0x148: {  	[hbm4b:s4+s19] =	stream.linear.scatter [tilespmem:s1], [sflag:$0x3], $0x40, $0x38;
	[tilespmem:$0x11000] =	vst v63  }
0x149: {  	s4 =	smov.u32 s2;
	s1 =	smov.u32 s3;
	p0 =	sne.s32 s2, $0x7F8  }
.Ltmp1:
0x14a: {  	s2 =	sadd.s32 $0x8, s2;
	(pc) =	sbr.rel @p0 .LBB2_5-.Ltmp1, $2  }
0x14b: {  	_ =	sdelay $0x2  }
0x14c: {  	s3 =	sadd.s32 $0x48, s3;
	s4 =	sadd.s32 s4, s0  }
0x14d: {  	[hbm4b:s4+s19] =	stream.linear.scatter [tilespmem:s1], [sflag:$0x3], $0x40, $0x38;
	[tilespmem:$0x11000] =	vst v63  }
0x14e: {  	s26 =	rddreg [dreg:$0x19]  }
0x14f: {  	s0 =	rddreg [dreg:$0x16];
	p0 =	seq.s32 s26, $0x3D  }
0x150: {  	s0 =	sadd.s32 @!p0 s5, s0  }
0x151: {  	s20 =	rddreg [dreg:$0x12];
	s0 =	sshll.u32 @!p0 s0, $0x8  }
0x152: {  	p1 =	seq.s32 @!p0 s26, $0x0;
	s1 =	simm.s32 @!p0 $0x800;
	s0 =	sand.u32 @!p0 $0x1FFFFE00, s0  }
0x153: {  	s2 =	simm.s32 @!p0 $0x7C0000;
	s3 =	simm.s32 @!p0 $0x0;
	s0 =	sadd.s32 @!p0 s20, s0  }
0x154: {  	[tilespmem:s3], [sflag:$0x1] =	stream.strided.gather @!p0 [hbm4b:s0+s1], $0x4000, s2, s1, $0x38;
	[tilespmem:$0x11000] =	vst v63  }
0x155: {  	p0 =	por p0, !p1  }
0x156: {  	s0 =	simm.s32 @p0 $0x4  }
0x157: {  	_ =	swait.ge @p0 [sflag:s0], $0x4000  }
0x158: {  	[sflag:s0] =	ssyncset.done @p0 $0x0  }
0x159: {  	s12 =	simm.s32 $0x2;
	s14 =	simm.s32 $0x180;
	[sflag:s0] =	ssyncadd.s32 @p0 $0xFFFFC000  }
0x15a: {  	s16 =	simm.s32 $0x0;
	s17 =	simm.s32 $0x3;
	_ =	swait.ge [sflag:s12], $0x4000  }
0x15b: {  	s18 =	sand.u32 $0x3800, s16;
	v16 =	vmov s17;
	s1 =	sand.u32 $0x380, s14;
	[sflag:s12] =	ssyncset.done $0x0  }
0x15c: {  	v23 =	vand.u32 $0x3F, v16;
	s21 =	sor.u32 s1, s18;
	[sflag:s12] =	ssyncadd.s32 $0xFFFFC000  }
0x15d: {  	s22 =	simm.s32 $0x0;
	v17 =	vadd.s32 v0, v23;
	v16 =	vld [tilespmem:s21+$0x4000]  }
0x15e: {  	v18 =	vmov s16;
	s1 =	sand.u32 $0x200, s22  }
0x15f: {  	s23 =	simm.s32 $0x1;
	s6 =	simm.s32 $0x80;
	v22 =	vand.u32 $0x3C, v18;
	s28 =	sor.u32 s1, s18  }
0x160: {  	s29 =	sand.u32 $0x280, s6;
	v18 =	vmov s23;
	v20 =	vadd.s32 v0, v22;
	v19 =	vld [tilespmem:s28+$0x4000]  }
0x161: {  	s30 =	sor.u32 s29, s18;
	v21 =	vand.u32 $0x3D, v18  }
0x162: {  	s31 =	simm.s32 $0x2;
	s8 =	simm.s32 $0x100;
	v25 =	vadd.s32 v0, v21;
	v24 =	vld [tilespmem:s30+$0x4000];
	[tilespmem:v17+s15+$0x0] =	vst.idx.msk $0xffff, v16  }
0x163: {  	s6 =	sand.u32 $0x300, s8;
	v26 =	vadd.s32 v1, v23;
	v16 =	vmov s31;
	v17 =	vld [tilespmem:s21+$0x4010]  }
0x164: {  	s5 =	sor.u32 s6, s18;
	v18 =	vand.u32 $0x3E, v16  }
0x165: {  	[tilespmem:v20+s15+$0x0] =	vst.idx.msk $0xffff, v19;
	v16 =	vld [tilespmem:s5+$0x4000];
	v27 =	vadd.s32 v0, v18  }
0x166: {  	v20 =	vadd.s32 v1, v22;
	v19 =	vld [tilespmem:s28+$0x4010]  }
0x167: {  	[tilespmem:v25+s15+$0x0] =	vst.idx.msk $0xffff, v24  }
0x168: {  	v25 =	vadd.s32 v1, v21;
	v24 =	vld [tilespmem:s30+$0x4010];
	[tilespmem:v26+s15+$0x0] =	vst.idx.msk $0xffff, v17  }
0x169: {  	v26 =	vadd.s32 v2, v23;
	v17 =	vld [tilespmem:s21+$0x4020]  }
0x16a: {  	[tilespmem:v27+s15+$0x0] =	vst.idx.msk $0xffff, v16  }
0x16b: {  	[tilespmem:v20+s15+$0x0] =	vst.idx.msk $0xffff, v19;
	v27 =	vadd.s32 v1, v18;
	v16 =	vld [tilespmem:s5+$0x4010]  }
0x16c: {  	v20 =	vadd.s32 v2, v22;
	v19 =	vld [tilespmem:s28+$0x4020]  }
0x16d: {  	[tilespmem:v25+s15+$0x0] =	vst.idx.msk $0xffff, v24  }
0x16e: {  	v25 =	vadd.s32 v2, v21;
	v24 =	vld [tilespmem:s30+$0x4020];
	[tilespmem:v26+s15+$0x0] =	vst.idx.msk $0xffff, v17  }
0x16f: {  	v26 =	vadd.s32 v3, v23;
	v17 =	vld [tilespmem:s21+$0x4030]  }
0x170: {  	[tilespmem:v27+s15+$0x0] =	vst.idx.msk $0xffff, v16  }
0x171: {  	[tilespmem:v20+s15+$0x0] =	vst.idx.msk $0xffff, v19;
	v27 =	vadd.s32 v2, v18;
	v16 =	vld [tilespmem:s5+$0x4020]  }
0x172: {  	v20 =	vadd.s32 v3, v22;
	v19 =	vld [tilespmem:s28+$0x4030]  }
0x173: {  	[tilespmem:v25+s15+$0x0] =	vst.idx.msk $0xffff, v24  }
0x174: {  	v25 =	vadd.s32 v3, v21;
	v24 =	vld [tilespmem:s30+$0x4030];
	[tilespmem:v26+s15+$0x0] =	vst.idx.msk $0xffff, v17  }
0x175: {  	v26 =	vadd.s32 v4, v23;
	v17 =	vld [tilespmem:s21+$0x4040]  }
0x176: {  	[tilespmem:v27+s15+$0x0] =	vst.idx.msk $0xffff, v16  }
0x177: {  	[tilespmem:v20+s15+$0x0] =	vst.idx.msk $0xffff, v19;
	v27 =	vadd.s32 v3, v18;
	v16 =	vld [tilespmem:s5+$0x4030]  }
0x178: {  	v20 =	vadd.s32 v4, v22;
	v19 =	vld [tilespmem:s28+$0x4040]  }
0x179: {  	[tilespmem:v25+s15+$0x0] =	vst.idx.msk $0xffff, v24  }
0x17a: {  	v25 =	vadd.s32 v4, v21;
	v24 =	vld [tilespmem:s30+$0x4040];
	[tilespmem:v26+s15+$0x0] =	vst.idx.msk $0xffff, v17  }
0x17b: {  	v26 =	vadd.s32 v5, v23;
	v17 =	vld [tilespmem:s21+$0x4050]  }
0x17c: {  	[tilespmem:v27+s15+$0x0] =	vst.idx.msk $0xffff, v16  }
0x17d: {  	[tilespmem:v20+s15+$0x0] =	vst.idx.msk $0xffff, v19;
	v27 =	vadd.s32 v4, v18;
	v16 =	vld [tilespmem:s5+$0x4040]  }
0x17e: {  	v20 =	vadd.s32 v5, v22;
	v19 =	vld [tilespmem:s28+$0x4050]  }
0x17f: {  	[tilespmem:v25+s15+$0x0] =	vst.idx.msk $0xffff, v24  }
0x180: {  	v25 =	vadd.s32 v5, v21;
	v24 =	vld [tilespmem:s30+$0x4050];
	[tilespmem:v26+s15+$0x0] =	vst.idx.msk $0xffff, v17  }
0x181: {  	v26 =	vadd.s32 v6, v23;
	v17 =	vld [tilespmem:s21+$0x4060]  }
0x182: {  	[tilespmem:v27+s15+$0x0] =	vst.idx.msk $0xffff, v16  }
0x183: {  	[tilespmem:v20+s15+$0x0] =	vst.idx.msk $0xffff, v19;
	v27 =	vadd.s32 v5, v18;
	v16 =	vld [tilespmem:s5+$0x4050]  }
0x184: {  	v20 =	vadd.s32 v6, v22;
	v19 =	vld [tilespmem:s28+$0x4060]  }
0x185: {  	[tilespmem:v25+s15+$0x0] =	vst.idx.msk $0xffff, v24  }
0x186: {  	v25 =	vadd.s32 v6, v21;
	v24 =	vld [tilespmem:s30+$0x4060];
	[tilespmem:v26+s15+$0x0] =	vst.idx.msk $0xffff, v17  }
0x187: {  	v26 =	vadd.s32 v7, v23;
	v17 =	vld [tilespmem:s21+$0x4070]  }
0x188: {  	s9 =	sand.u32 $0x7, s16;
	[tilespmem:v27+s15+$0x0] =	vst.idx.msk $0xffff, v16  }
0x189: {  	s3 =	sshll.u32 s9, $0x7;
	[tilespmem:v20+s15+$0x0] =	vst.idx.msk $0xffff, v19;
	v27 =	vadd.s32 v6, v18;
	v16 =	vld [tilespmem:s5+$0x4060]  }
0x18a: {  	s10 =	sadd.s32 $0x0, s3;
	v20 =	vadd.s32 v7, v22;
	v19 =	vld [tilespmem:s28+$0x4070]  }
0x18b: {  	s3 =	simm.s32 $0x1;
	s11 =	sadd.s32 $0x180, s10;
	p0 =	por $0x0, $0x0;
	[tilespmem:v25+s15+$0x0] =	vst.idx.msk $0xffff, v24  }
0x18c: {  	s3 =	simm.s32 @!p0 $0x0;
	s12 =	sor.u32 $0x4400, s11;
	v25 =	vadd.s32 v7, v21;
	v24 =	vld [tilespmem:s30+$0x4070];
	[tilespmem:v26+s15+$0x0] =	vst.idx.msk $0xffff, v17  }
0x18d: {  	s3 =	sshll.u32 s3, $0x9;
	v26 =	vadd.s32 v8, v23;
	v17 =	vld [tilespmem:s12+$0x0]  }
0x18e: {  	s3 =	sadd.s32 $0x0, s3;
	[tilespmem:v27+s15+$0x0] =	vst.idx.msk $0xffff, v16  }
0x18f: {  	s3 =	sor.u32 $0x4400, s3;
	[tilespmem:v20+s15+$0x0] =	vst.idx.msk $0xffff, v19;
	v27 =	vadd.s32 v7, v18;
	v16 =	vld [tilespmem:s5+$0x4070]  }
0x190: {  	s14 =	sadd.s32 $0x80, s10;
	s0 =	sand.u32 $0x3, s16;
	v20 =	vadd.s32 v8, v22;
	v19 =	vld [tilespmem:s3+$0x0]  }
0x191: {  	s4 =	sor.u32 $0x4400, s14;
	s0 =	sshll.u32 s0, $0x8;
	[tilespmem:v25+s15+$0x0] =	vst.idx.msk $0xffff, v24  }
0x192: {  	s0 =	sadd.s32 $0x0, s0;
	v25 =	vadd.s32 v8, v21;
	v24 =	vld [tilespmem:s4+$0x0];
	[tilespmem:v26+s15+$0x0] =	vst.idx.msk $0xffff, v17  }
0x193: {  	s0 =	sadd.s32 $0x100, s0;
	v26 =	vadd.s32 v9, v23;
	v17 =	vld [tilespmem:s12+$0x10]  }
0x194: {  	s0 =	sor.u32 $0x4400, s0;
	[tilespmem:v27+s15+$0x0] =	vst.idx.msk $0xffff, v16  }
0x195: {  	[tilespmem:v20+s15+$0x0] =	vst.idx.msk $0xffff, v19;
	v27 =	vadd.s32 v8, v18;
	v16 =	vld [tilespmem:s0+$0x0]  }
0x196: {  	v20 =	vadd.s32 v9, v22;
	v19 =	vld [tilespmem:s3+$0x10]  }
0x197: {  	[tilespmem:v25+s15+$0x0] =	vst.idx.msk $0xffff, v24  }
0x198: {  	v25 =	vadd.s32 v9, v21;
	v24 =	vld [tilespmem:s4+$0x10];
	[tilespmem:v26+s15+$0x0] =	vst.idx.msk $0xffff, v17  }
0x199: {  	v26 =	vadd.s32 v10, v23;
	v17 =	vld [tilespmem:s12+$0x20]  }
0x19a: {  	s7 =	simm.s32 $0x400;
	s17 =	simm.s32 $0x7;
	s16 =	simm.s32 $0x380;
	[tilespmem:v27+s15+$0x0] =	vst.idx.msk $0xffff, v16  }
0x19b: {  	s8 =	sand.u32 $0x3800, s7;
	v28 =	vmov s17;
	s5 =	sand.u32 $0x380, s16;
	[tilespmem:v20+s15+$0x0] =	vst.idx.msk $0xffff, v19;
	v27 =	vadd.s32 v9, v18;
	v16 =	vld [tilespmem:s0+$0x10]  }
0x19c: {  	v29 =	vadd.s32 v10, v22;
	s5 =	sor.u32 s5, s8;
	v20 =	vand.u32 $0x3F, v28;
	v28 =	vld [tilespmem:s3+$0x20]  }
0x19d: {  	s9 =	simm.s32 $0x6;
	s22 =	simm.s32 $0x200;
	s21 =	simm.s32 $0x4;
	[tilespmem:v25+s15+$0x0] =	vst.idx.msk $0xffff, v24;
	v24 =	vld [tilespmem:s5+$0x4000];
	v25 =	vadd.s32 v0, v20  }
0x19e: {  	v31 =	vadd.s32 v10, v21;
	s18 =	simm.s32 $0x5;
	s10 =	simm.s32 $0x280;
	s6 =	sand.u32 $0x200, s22;
	v19 =	vmov s21;
	v30 =	vld [tilespmem:s4+$0x20];
	[tilespmem:v26+s15+$0x0] =	vst.idx.msk $0xffff, v17  }
0x19f: {  	v32 =	vadd.s32 v11, v23;
	s10 =	sand.u32 $0x280, s10;
	s6 =	sor.u32 s6, s8;
	s11 =	simm.s32 $0x300;
	v17 =	vand.u32 $0x3C, v19;
	v19 =	vmov s18;
	v26 =	vld [tilespmem:s12+$0x30]  }
0x1a0: {  	s23 =	sor.u32 s10, s8;
	s28 =	sand.u32 $0x300, s11;
	[tilespmem:v27+s15+$0x0] =	vst.idx.msk $0xffff, v16;
	v27 =	vld [tilespmem:s6+$0x4000];
	v33 =	vadd.s32 v0, v17;
	v16 =	vand.u32 $0x3D, v19;
	v19 =	vmov s9  }
0x1a1: {  	v34 =	vld [tilespmem:s23+$0x4000];
	s8 =	sor.u32 s28, s8;
	[tilespmem:v29+s15+$0x0] =	vst.idx.msk $0xffff, v28;
	v35 =	vadd.s32 v0, v16;
	v19 =	vand.u32 $0x3E, v19  }
0x1a2: {  	v28 =	vld [tilespmem:s8+$0x4000];
	[tilespmem:v25+s15+$0x0] =	vst.idx.msk $0xffff, v24;
	v29 =	vadd.s32 v0, v19  }
0x1a3: {  	v25 =	vadd.s32 v1, v20;
	[tilespmem:v31+s15+$0x0] =	vst.idx.msk $0xffff, v30;
	v24 =	vld [tilespmem:s5+$0x4010]  }
0x1a4: {  	v31 =	vadd.s32 v10, v18;
	v30 =	vld [tilespmem:s0+$0x20];
	[tilespmem:v32+s15+$0x0] =	vst.idx.msk $0xffff, v26  }
0x1a5: {  	[tilespmem:v33+s15+$0x0] =	vst.idx.msk $0xffff, v27;
	v27 =	vadd.s32 v12, v23;
	v26 =	vld [tilespmem:s12+$0x40]  }
0x1a6: {  	v47 =	vadd.s32 v1, v17;
	v46 =	vld [tilespmem:s6+$0x4010];
	[tilespmem:v35+s15+$0x0] =	vst.idx.msk $0xffff, v34  }
0x1a7: {  	v48 =	vadd.s32 v1, v16;
	v34 =	vld [tilespmem:s23+$0x4010];
	[tilespmem:v29+s15+$0x0] =	vst.idx.msk $0xffff, v28  }
0x1a8: {  	[tilespmem:v25+s15+$0x0] =	vst.idx.msk $0xffff, v24;
	v29 =	vadd.s32 v1, v19;
	v28 =	vld [tilespmem:s8+$0x4010]  }
0x1a9: {  	v25 =	vadd.s32 v2, v20;
	v24 =	vld [tilespmem:s5+$0x4020];
	[tilespmem:v31+s15+$0x0] =	vst.idx.msk $0xffff, v30  }
0x1aa: {  	v30 =	vld [tilespmem:s3+$0x30];
	v31 =	vadd.s32 v11, v22;
	[tilespmem:v27+s15+$0x0] =	vst.idx.msk $0xffff, v26  }
0x1ab: {  	[tilespmem:v47+s15+$0x0] =	vst.idx.msk $0xffff, v46;
	v27 =	vadd.s32 v13, v23;
	v26 =	vld [tilespmem:s12+$0x50]  }
0x1ac: {  	v49 =	vadd.s32 v2, v17;
	v32 =	vld [tilespmem:s6+$0x4020];
	[tilespmem:v48+s15+$0x0] =	vst.idx.msk $0xffff, v34  }
0x1ad: {  	v50 =	vadd.s32 v2, v16;
	v34 =	vld [tilespmem:s23+$0x4020];
	[tilespmem:v29+s15+$0x0] =	vst.idx.msk $0xffff, v28  }
0x1ae: {  	[tilespmem:v25+s15+$0x0] =	vst.idx.msk $0xffff, v24;
	v29 =	vadd.s32 v2, v19;
	v28 =	vld [tilespmem:s8+$0x4020]  }
0x1af: {  	v25 =	vadd.s32 v3, v20;
	[tilespmem:v31+s15+$0x0] =	vst.idx.msk $0xffff, v30;
	v24 =	vld [tilespmem:s5+$0x4030]  }
0x1b0: {  	v30 =	vld [tilespmem:s4+$0x30];
	v31 =	vadd.s32 v11, v21;
	[tilespmem:v27+s15+$0x0] =	vst.idx.msk $0xffff, v26  }
0x1b1: {  	[tilespmem:v49+s15+$0x0] =	vst.idx.msk $0xffff, v32;
	v27 =	vadd.s32 v14, v23;
	v26 =	vld [tilespmem:s12+$0x60]  }
0x1b2: {  	v51 =	vadd.s32 v3, v17;
	v32 =	vld [tilespmem:s6+$0x4030];
	[tilespmem:v50+s15+$0x0] =	vst.idx.msk $0xffff, v34  }
0x1b3: {  	v52 =	vadd.s32 v3, v16;
	v34 =	vld [tilespmem:s23+$0x4030];
	[tilespmem:v29+s15+$0x0] =	vst.idx.msk $0xffff, v28  }
0x1b4: {  	[tilespmem:v25+s15+$0x0] =	vst.idx.msk $0xffff, v24;
	v29 =	vadd.s32 v3, v19;
	v28 =	vld [tilespmem:s8+$0x4030]  }
0x1b5: {  	[tilespmem:v31+s15+$0x0] =	vst.idx.msk $0xffff, v30;
	v25 =	vadd.s32 v4, v20;
	v24 =	vld [tilespmem:s5+$0x4040]  }
0x1b6: {  	v30 =	vld [tilespmem:s0+$0x30];
	v31 =	vadd.s32 v11, v18;
	[tilespmem:v27+s15+$0x0] =	vst.idx.msk $0xffff, v26  }
0x1b7: {  	v23 =	vadd.s32 v15, v23;
	[tilespmem:v51+s15+$0x0] =	vst.idx.msk $0xffff, v32;
	v26 =	vld [tilespmem:s12+$0x70]  }
0x1b8: {  	v53 =	vadd.s32 v4, v17;
	v27 =	vld [tilespmem:s6+$0x4040];
	[tilespmem:v52+s15+$0x0] =	vst.idx.msk $0xffff, v34  }
0x1b9: {  	v55 =	vadd.s32 v4, v16;
	v54 =	vld [tilespmem:s23+$0x4040];
	[tilespmem:v29+s15+$0x0] =	vst.idx.msk $0xffff, v28  }
0x1ba: {  	[tilespmem:v25+s15+$0x0] =	vst.idx.msk $0xffff, v24;
	v29 =	vadd.s32 v4, v19;
	v28 =	vld [tilespmem:s8+$0x4040]  }
0x1bb: {  	[tilespmem:v31+s15+$0x0] =	vst.idx.msk $0xffff, v30;
	v25 =	vadd.s32 v5, v20;
	v24 =	vld [tilespmem:s5+$0x4050]  }
0x1bc: {  	v30 =	vld [tilespmem:s3+$0x40];
	v31 =	vadd.s32 v12, v22;
	[tilespmem:v23+s15+$0x0] =	vst.idx.msk $0xffff, v26  }
0x1bd: {  	[tilespmem:v53+s15+$0x0] =	vst.idx.msk $0xffff, v27;
	v23 =	vld [tilespmem:s4+$0x40];
	v26 =	vadd.s32 v12, v21  }
0x1be: {  	v56 =	vadd.s32 v5, v17;
	v27 =	vld [tilespmem:s6+$0x4050];
	[tilespmem:v55+s15+$0x0] =	vst.idx.msk $0xffff, v54  }
0x1bf: {  	v57 =	vadd.s32 v5, v16;
	v33 =	vld [tilespmem:s23+$0x4050];
	[tilespmem:v29+s15+$0x0] =	vst.idx.msk $0xffff, v28  }
0x1c0: {  	[tilespmem:v25+s15+$0x0] =	vst.idx.msk $0xffff, v24;
	v29 =	vadd.s32 v5, v19;
	v28 =	vld [tilespmem:s8+$0x4050]  }
0x1c1: {  	[tilespmem:v31+s15+$0x0] =	vst.idx.msk $0xffff, v30;
	v25 =	vadd.s32 v6, v20;
	v24 =	vld [tilespmem:s5+$0x4060]  }
0x1c2: {  	[tilespmem:v26+s15+$0x0] =	vst.idx.msk $0xffff, v23;
	v23 =	vld [tilespmem:s0+$0x40];
	v26 =	vadd.s32 v12, v18  }
0x1c3: {  	v30 =	vadd.s32 v13, v22;
	[tilespmem:v56+s15+$0x0] =	vst.idx.msk $0xffff, v27;
	v27 =	vld [tilespmem:s3+$0x50]  }
0x1c4: {  	v58 =	vadd.s32 v6, v17;
	v31 =	vld [tilespmem:s6+$0x4060];
	[tilespmem:v57+s15+$0x0] =	vst.idx.msk $0xffff, v33  }
0x1c5: {  	v59 =	vadd.s32 v6, v16;
	v33 =	vld [tilespmem:s23+$0x4060];
	[tilespmem:v29+s15+$0x0] =	vst.idx.msk $0xffff, v28  }
0x1c6: {  	[tilespmem:v25+s15+$0x0] =	vst.idx.msk $0xffff, v24;
	v29 =	vadd.s32 v6, v19;
	v28 =	vld [tilespmem:s8+$0x4060]  }
0x1c7: {  	v25 =	vadd.s32 v7, v20;
	v24 =	vld [tilespmem:s5+$0x4070];
	[tilespmem:v26+s15+$0x0] =	vst.idx.msk $0xffff, v23  }
0x1c8: {  	s29 =	sand.u32 $0x7, s21;
	v23 =	vld [tilespmem:s4+$0x50];
	v26 =	vadd.s32 v13, v21;
	[tilespmem:v30+s15+$0x0] =	vst.idx.msk $0xffff, v27  }
0x1c9: {  	s2 =	sshll.u32 s29, $0x7;
	v27 =	vld [tilespmem:s0+$0x50];
	v30 =	vadd.s32 v13, v18;
	[tilespmem:v58+s15+$0x0] =	vst.idx.msk $0xffff, v31  }
0x1ca: {  	s2 =	sadd.s32 $0x400, s2;
	v60 =	vadd.s32 v7, v17;
	v31 =	vld [tilespmem:s6+$0x4070];
	[tilespmem:v59+s15+$0x0] =	vst.idx.msk $0xffff, v33  }
0x1cb: {  	p0 =	por !p0, !p0;
	s30 =	sadd.s32 $0x180, s2;
	v61 =	vadd.s32 v7, v16;
	s5 =	simm.s32 $0x1;
	v33 =	vld [tilespmem:s23+$0x4070];
	[tilespmem:v29+s15+$0x0] =	vst.idx.msk $0xffff, v28  }
0x1cc: {  	s5 =	simm.s32 @!p0 $0x0;
	[tilespmem:v25+s15+$0x0] =	vst.idx.msk $0xffff, v24;
	v29 =	vadd.s32 v7, v19;
	v28 =	vld [tilespmem:s8+$0x4070];
	s8 =	sor.u32 $0x4400, s30  }
0x1cd: {  	s1 =	sand.u32 $0x3, s31;
	s5 =	sshll.u32 s5, $0x9;
	v25 =	vadd.s32 v8, v20;
	[tilespmem:v26+s15+$0x0] =	vst.idx.msk $0xffff, v23;
	v24 =	vld [tilespmem:s8+$0x0]  }
0x1ce: {  	s1 =	sshll.u32 s1, $0x8;
	s5 =	sadd.s32 $0x400, s5;
	v23 =	vld [tilespmem:s3+$0x60];
	v26 =	vadd.s32 v14, v22;
	[tilespmem:v30+s15+$0x0] =	vst.idx.msk $0xffff, v27  }
0x1cf: {  	s1 =	sadd.s32 $0x400, s1;
	s2 =	sadd.s32 $0x80, s2;
	s23 =	sor.u32 $0x4400, s5;
	v27 =	vld [tilespmem:s4+$0x60];
	v30 =	vadd.s32 v14, v21;
	[tilespmem:v60+s15+$0x0] =	vst.idx.msk $0xffff, v31  }
0x1d0: {  	s1 =	sadd.s32 $0x100, s1;
	v62 =	vadd.s32 v8, v17;
	s6 =	sor.u32 $0x4400, s2;
	v31 =	vld [tilespmem:s23+$0x0];
	[tilespmem:v61+s15+$0x0] =	vst.idx.msk $0xffff, v33  }
0x1d1: {  	s22 =	sor.u32 $0x4400, s1;
	v63 =	vadd.s32 v8, v16;
	v34 =	vld [tilespmem:s6+$0x0];
	[tilespmem:v29+s15+$0x0] =	vst.idx.msk $0xffff, v28  }
0x1d2: {  	v29 =	vadd.s32 v8, v19;
	v28 =	vld [tilespmem:s22+$0x0];
	[tilespmem:v25+s15+$0x0] =	vst.idx.msk $0xffff, v24  }
0x1d3: {  	v36 =	vadd.s32 v9, v20;
	[tilespmem:v26+s15+$0x0] =	vst.idx.msk $0xffff, v23;
	v24 =	vld [tilespmem:s8+$0x10]  }
0x1d4: {  	v23 =	vld [tilespmem:s0+$0x60];
	[tilespmem:v30+s15+$0x0] =	vst.idx.msk $0xffff, v27;
	v27 =	vadd.s32 v14, v18  }
0x1d5: {  	v22 =	vadd.s32 v15, v22;
	v37 =	vld [tilespmem:s3+$0x70];
	[tilespmem:v62+s15+$0x0] =	vst.idx.msk $0xffff, v31  }
0x1d6: {  	s7 =	simm.s32 $0xC;
	s17 =	simm.s32 $0xA;
	v33 =	vld [tilespmem:s23+$0x10];
	[tilespmem:v63+s15+$0x0] =	vst.idx.msk $0xffff, v34;
	v34 =	vadd.s32 v9, v17  }
0x1d7: {  	s1 =	simm.s32 $0x1;
	s11 =	simm.s32 $0xB;
	p0 =	por !p0, !p0;
	v31 =	vadd.s32 v9, v16;
	v25 =	vld [tilespmem:s6+$0x10];
	[tilespmem:v29+s15+$0x0] =	vst.idx.msk $0xffff, v28  }
0x1d8: {  	s16 =	simm.s32 $0x9;
	v32 =	vadd.s32 v9, v19;
	s1 =	simm.s32 @!p0 $0x0;
	s3 =	simm.s32 $0x4;
	v30 =	vld [tilespmem:s22+$0x10];
	[tilespmem:v36+s15+$0x0] =	vst.idx.msk $0xffff, v24  }
0x1d9: {  	s9 =	simm.s32 $0x8;
	s10 =	sshll.u32 s1, $0x9;
	s31 =	sand.u32 $0x3, s3;
	[tilespmem:v27+s15+$0x0] =	vst.idx.msk $0xffff, v23;
	v28 =	vadd.s32 v10, v20;
	v26 =	vld [tilespmem:s8+$0x20]  }
0x1da: {  	s1 =	simm.s32 $0x800;
	s5 =	simm.s32 $0x580;
	s2 =	sshll.u32 s31, $0x8;
	[tilespmem:v22+s15+$0x0] =	vst.idx.msk $0xffff, v37;
	v27 =	vld [tilespmem:s4+$0x70];
	v29 =	vadd.s32 v15, v21  }
.LBB2_7:
0x1db: {  	p1 =	slt.u32 s7, $0x3C;
	s4 =	sand.u32 $0x3800, s1;
	v21 =	vmov s11;
	s11 =	sand.u32 $0x380, s5;
	[tilespmem:v34+s15+$0x0] =	vst.idx.msk $0xffff, v33;
	v24 =	vld [tilespmem:s0+$0x70];
	v33 =	vadd.s32 v15, v18;
	v18 =	vmov v19  }
0x1dc: {  	s0 =	sadd.s32 $0xFFFFFE80, s5;
	s12 =	sadd.s32 $0xFFFFFF00, s5;
	v35 =	vadd.s32 v10, v17;
	s14 =	sor.u32 s11, s4;
	v23 =	vand.u32 $0x3F, v21;
	v34 =	vld [tilespmem:s23+$0x20];
	[tilespmem:v31+s15+$0x0] =	vst.idx.msk $0xffff, v25  }
0x1dd: {  	s18 =	sadd.s32 $0xFFFFFF80, s5;
	s0 =	sand.u32 $0x200, s0;
	s11 =	sand.u32 $0x280, s12;
	v25 =	vld [tilespmem:s14+$0x4000];
	v31 =	vadd.s32 v0, v23;
	[tilespmem:v32+s15+$0x0] =	vst.idx.msk $0xffff, v30  }
0x1de: {  	v19 =	vmov s9;
	s12 =	sor.u32 s0, s4;
	s11 =	sor.u32 s11, s4;
	s0 =	sand.u32 $0x300, s18;
	v32 =	vadd.s32 v10, v16;
	v30 =	vld [tilespmem:s6+$0x20];
	[tilespmem:v28+s15+$0x0] =	vst.idx.msk $0xffff, v26  }
0x1df: {  	s9 =	sadd.s32 s1, s2;
	s2 =	sadd.s32 s10, s1;
	v22 =	vand.u32 $0x3C, v19;
	v19 =	vmov s16;
	s10 =	sor.u32 s0, s4;
	v28 =	vadd.s32 v11, v20;
	v26 =	vld [tilespmem:s8+$0x30];
	[tilespmem:v29+s15+$0x0] =	vst.idx.msk $0xffff, v27  }
0x1e0: {  	s2 =	sor.u32 $0x4400, s2;
	v21 =	vand.u32 $0x3D, v19;
	v19 =	vmov s17;
	s4 =	sadd.s32 $0x100, s9;
	s0 =	smov.u32 s22;
	v29 =	vadd.s32 v0, v22;
	v27 =	vld [tilespmem:s12+$0x4000];
	[tilespmem:v33+s15+$0x0] =	vst.idx.msk $0xffff, v24  }
0x1e1: {  	v19 =	vand.u32 $0x3E, v19;
	s9 =	smov.u32 s7;
	s22 =	sor.u32 $0x4400, s4;
	s4 =	smov.u32 s6;
	v33 =	vadd.s32 v0, v21;
	v24 =	vld [tilespmem:s11+$0x4000];
	[tilespmem:v35+s15+$0x0] =	vst.idx.msk $0xffff, v34  }
0x1e2: {  	v35 =	vadd.s32 v0, v19;
	v34 =	vld [tilespmem:s10+$0x4000];
	[tilespmem:v31+s15+$0x0] =	vst.idx.msk $0xffff, v25  }
0x1e3: {  	v31 =	vadd.s32 v1, v23;
	v25 =	vld [tilespmem:s14+$0x4010];
	[tilespmem:v32+s15+$0x0] =	vst.idx.msk $0xffff, v30  }
0x1e4: {  	v32 =	vadd.s32 v10, v18;
	v30 =	vld [tilespmem:s0+$0x20];
	[tilespmem:v28+s15+$0x0] =	vst.idx.msk $0xffff, v26  }
0x1e5: {  	[tilespmem:v29+s15+$0x0] =	vst.idx.msk $0xffff, v27;
	v26 =	vld [tilespmem:s8+$0x40];
	v27 =	vadd.s32 v12, v20  }
0x1e6: {  	v29 =	vadd.s32 v1, v22;
	v28 =	vld [tilespmem:s12+$0x4010];
	[tilespmem:v33+s15+$0x0] =	vst.idx.msk $0xffff, v24  }
0x1e7: {  	v33 =	vadd.s32 v1, v21;
	v24 =	vld [tilespmem:s11+$0x4010];
	[tilespmem:v35+s15+$0x0] =	vst.idx.msk $0xffff, v34  }
0x1e8: {  	v35 =	vadd.s32 v1, v19;
	v34 =	vld [tilespmem:s10+$0x4010];
	[tilespmem:v31+s15+$0x0] =	vst.idx.msk $0xffff, v25  }
0x1e9: {  	v31 =	vadd.s32 v2, v23;
	v25 =	vld [tilespmem:s14+$0x4020];
	[tilespmem:v32+s15+$0x0] =	vst.idx.msk $0xffff, v30  }
0x1ea: {  	v32 =	vadd.s32 v11, v17;
	v30 =	vld [tilespmem:s23+$0x30];
	[tilespmem:v27+s15+$0x0] =	vst.idx.msk $0xffff, v26  }
0x1eb: {  	v27 =	vadd.s32 v13, v20;
	[tilespmem:v29+s15+$0x0] =	vst.idx.msk $0xffff, v28;
	v26 =	vld [tilespmem:s8+$0x50]  }
0x1ec: {  	v29 =	vadd.s32 v2, v22;
	v28 =	vld [tilespmem:s12+$0x4020];
	[tilespmem:v33+s15+$0x0] =	vst.idx.msk $0xffff, v24  }
0x1ed: {  	v33 =	vadd.s32 v2, v21;
	v24 =	vld [tilespmem:s11+$0x4020];
	[tilespmem:v35+s15+$0x0] =	vst.idx.msk $0xffff, v34  }
0x1ee: {  	v35 =	vadd.s32 v2, v19;
	v34 =	vld [tilespmem:s10+$0x4020];
	[tilespmem:v31+s15+$0x0] =	vst.idx.msk $0xffff, v25  }
0x1ef: {  	v31 =	vadd.s32 v3, v23;
	v25 =	vld [tilespmem:s14+$0x4030];
	[tilespmem:v32+s15+$0x0] =	vst.idx.msk $0xffff, v30  }
0x1f0: {  	v32 =	vadd.s32 v11, v16;
	v30 =	vld [tilespmem:s4+$0x30];
	[tilespmem:v27+s15+$0x0] =	vst.idx.msk $0xffff, v26  }
0x1f1: {  	v27 =	vadd.s32 v14, v20;
	[tilespmem:v29+s15+$0x0] =	vst.idx.msk $0xffff, v28;
	v26 =	vld [tilespmem:s8+$0x60]  }
0x1f2: {  	v29 =	vadd.s32 v3, v22;
	v28 =	vld [tilespmem:s12+$0x4030];
	[tilespmem:v33+s15+$0x0] =	vst.idx.msk $0xffff, v24  }
0x1f3: {  	v33 =	vadd.s32 v3, v21;
	v24 =	vld [tilespmem:s11+$0x4030];
	[tilespmem:v35+s15+$0x0] =	vst.idx.msk $0xffff, v34  }
0x1f4: {  	v35 =	vadd.s32 v3, v19;
	v34 =	vld [tilespmem:s10+$0x4030];
	[tilespmem:v31+s15+$0x0] =	vst.idx.msk $0xffff, v25  }
0x1f5: {  	v31 =	vadd.s32 v4, v23;
	v25 =	vld [tilespmem:s14+$0x4040];
	[tilespmem:v32+s15+$0x0] =	vst.idx.msk $0xffff, v30  }
0x1f6: {  	v32 =	vadd.s32 v11, v18;
	v30 =	vld [tilespmem:s0+$0x30];
	[tilespmem:v27+s15+$0x0] =	vst.idx.msk $0xffff, v26  }
0x1f7: {  	v27 =	vadd.s32 v15, v20;
	v20 =	vmov v23;
	[tilespmem:v29+s15+$0x0] =	vst.idx.msk $0xffff, v28;
	v26 =	vld [tilespmem:s8+$0x70]  }
0x1f8: {  	v28 =	vadd.s32 v4, v22;
	v23 =	vld [tilespmem:s12+$0x4040];
	[tilespmem:v33+s15+$0x0] =	vst.idx.msk $0xffff, v24  }
0x1f9: {  	v29 =	vadd.s32 v4, v21;
	v24 =	vld [tilespmem:s11+$0x4040];
	[tilespmem:v35+s15+$0x0] =	vst.idx.msk $0xffff, v34  }
0x1fa: {  	v34 =	vadd.s32 v4, v19;
	v33 =	vld [tilespmem:s10+$0x4040];
	[tilespmem:v31+s15+$0x0] =	vst.idx.msk $0xffff, v25  }
0x1fb: {  	v31 =	vadd.s32 v5, v20;
	v25 =	vld [tilespmem:s14+$0x4050];
	[tilespmem:v32+s15+$0x0] =	vst.idx.msk $0xffff, v30  }
0x1fc: {  	v32 =	vadd.s32 v12, v17;
	v30 =	vld [tilespmem:s23+$0x40];
	[tilespmem:v27+s15+$0x0] =	vst.idx.msk $0xffff, v26  }
0x1fd: {  	v26 =	vadd.s32 v12, v16;
	[tilespmem:v28+s15+$0x0] =	vst.idx.msk $0xffff, v23;
	v23 =	vld [tilespmem:s4+$0x40]  }
0x1fe: {  	v28 =	vadd.s32 v5, v22;
	v27 =	vld [tilespmem:s12+$0x4050];
	[tilespmem:v29+s15+$0x0] =	vst.idx.msk $0xffff, v24  }
0x1ff: {  	v29 =	vadd.s32 v5, v21;
	v24 =	vld [tilespmem:s11+$0x4050];
	[tilespmem:v34+s15+$0x0] =	vst.idx.msk $0xffff, v33  }
0x200: {  	v34 =	vadd.s32 v5, v19;
	v33 =	vld [tilespmem:s10+$0x4050];
	[tilespmem:v31+s15+$0x0] =	vst.idx.msk $0xffff, v25  }
0x201: {  	v31 =	vadd.s32 v6, v20;
	v25 =	vld [tilespmem:s14+$0x4060];
	[tilespmem:v32+s15+$0x0] =	vst.idx.msk $0xffff, v30  }
0x202: {  	[tilespmem:v26+s15+$0x0] =	vst.idx.msk $0xffff, v23;
	v23 =	vld [tilespmem:s0+$0x40];
	v26 =	vadd.s32 v12, v18  }
0x203: {  	[tilespmem:v28+s15+$0x0] =	vst.idx.msk $0xffff, v27;
	v27 =	vld [tilespmem:s23+$0x50];
	v28 =	vadd.s32 v13, v17  }
0x204: {  	v32 =	vadd.s32 v6, v22;
	v30 =	vld [tilespmem:s12+$0x4060];
	[tilespmem:v29+s15+$0x0] =	vst.idx.msk $0xffff, v24  }
0x205: {  	v29 =	vadd.s32 v6, v21;
	v24 =	vld [tilespmem:s11+$0x4060];
	[tilespmem:v34+s15+$0x0] =	vst.idx.msk $0xffff, v33  }
0x206: {  	v34 =	vadd.s32 v6, v19;
	v33 =	vld [tilespmem:s10+$0x4060];
	[tilespmem:v31+s15+$0x0] =	vst.idx.msk $0xffff, v25  }
0x207: {  	s21 =	sadd.s32 $0x4, s21;
	v31 =	vadd.s32 v7, v20;
	v25 =	vld [tilespmem:s14+$0x4070];
	[tilespmem:v26+s15+$0x0] =	vst.idx.msk $0xffff, v23  }
0x208: {  	s6 =	sand.u32 $0x7, s21;
	v26 =	vadd.s32 v13, v16;
	[tilespmem:v28+s15+$0x0] =	vst.idx.msk $0xffff, v27;
	v23 =	vld [tilespmem:s4+$0x50]  }
0x209: {  	s6 =	sshll.u32 s6, $0x7;
	v28 =	vadd.s32 v13, v18;
	[tilespmem:v32+s15+$0x0] =	vst.idx.msk $0xffff, v30;
	v27 =	vld [tilespmem:s0+$0x50]  }
0x20a: {  	s6 =	sadd.s32 s1, s6;
	v32 =	vadd.s32 v7, v22;
	v30 =	vld [tilespmem:s12+$0x4070];
	[tilespmem:v29+s15+$0x0] =	vst.idx.msk $0xffff, v24  }
0x20b: {  	s8 =	sadd.s32 $0x80, s6;
	v29 =	vadd.s32 v7, v21;
	v24 =	vld [tilespmem:s11+$0x4070];
	[tilespmem:v34+s15+$0x0] =	vst.idx.msk $0xffff, v33;
	s11 =	sadd.s32 $0x180, s6  }
0x20c: {  	s6 =	sor.u32 $0x4400, s8;
	v34 =	vadd.s32 v7, v19;
	v33 =	vld [tilespmem:s10+$0x4070];
	[tilespmem:v31+s15+$0x0] =	vst.idx.msk $0xffff, v25;
	s8 =	sor.u32 $0x4400, s11  }
0x20d: {  	v31 =	vadd.s32 v8, v20;
	v25 =	vld [tilespmem:s8+$0x0];
	[tilespmem:v26+s15+$0x0] =	vst.idx.msk $0xffff, v23  }
0x20e: {  	v26 =	vadd.s32 v14, v17;
	v23 =	vld [tilespmem:s23+$0x60];
	[tilespmem:v28+s15+$0x0] =	vst.idx.msk $0xffff, v27  }
0x20f: {  	v28 =	vadd.s32 v14, v16;
	[tilespmem:v32+s15+$0x0] =	vst.idx.msk $0xffff, v30;
	v27 =	vld [tilespmem:s4+$0x60]  }
0x210: {  	v32 =	vadd.s32 v8, v22;
	v30 =	vld [tilespmem:s2+$0x0];
	[tilespmem:v29+s15+$0x0] =	vst.idx.msk $0xffff, v24  }
0x211: {  	v29 =	vadd.s32 v8, v21;
	v24 =	vld [tilespmem:s6+$0x0];
	[tilespmem:v34+s15+$0x0] =	vst.idx.msk $0xffff, v33  }
0x212: {  	v36 =	vadd.s32 v8, v19;
	v35 =	vld [tilespmem:s22+$0x0];
	[tilespmem:v31+s15+$0x0] =	vst.idx.msk $0xffff, v25  }
0x213: {  	v38 =	vadd.s32 v9, v20;
	v37 =	vld [tilespmem:s8+$0x10];
	[tilespmem:v26+s15+$0x0] =	vst.idx.msk $0xffff, v23  }
0x214: {  	[tilespmem:v28+s15+$0x0] =	vst.idx.msk $0xffff, v27;
	v23 =	vld [tilespmem:s0+$0x60];
	v27 =	vadd.s32 v14, v18  }
0x215: {  	v40 =	vadd.s32 v15, v17;
	v17 =	vmov v22;
	[tilespmem:v32+s15+$0x0] =	vst.idx.msk $0xffff, v30;
	v39 =	vld [tilespmem:s23+$0x70];
	s23 =	smov.u32 s2  }
.Ltmp2:
0x216: {  	s3 =	sadd.s32 $0x2, s3;
	v34 =	vadd.s32 v9, v17;
	v33 =	vld [tilespmem:s23+$0x10];
	[tilespmem:v29+s15+$0x0] =	vst.idx.msk $0xffff, v24;
	(pc) =	sbr.rel @p1 .LBB2_7-.Ltmp2, $4  }
0x217: {  	p0 =	por !p0, !p0;
	s16 =	sadd.s32 $0x1, s7;
	s10 =	simm.s32 $0x1;
	v31 =	vadd.s32 v9, v21;
	v25 =	vld [tilespmem:s6+$0x10];
	[tilespmem:v36+s15+$0x0] =	vst.idx.msk $0xffff, v35  }
0x218: {  	s17 =	sadd.s32 $0x2, s7;
	s10 =	simm.s32 @!p0 $0x0;
	s2 =	sand.u32 $0x3, s3;
	v32 =	vadd.s32 v9, v19;
	v30 =	vld [tilespmem:s22+$0x10];
	[tilespmem:v38+s15+$0x0] =	vst.idx.msk $0xffff, v37  }
0x219: {  	s5 =	sadd.s32 $0x200, s5;
	s10 =	sshll.u32 s10, $0x9;
	v28 =	vadd.s32 v10, v20;
	s2 =	sshll.u32 s2, $0x8;
	v26 =	vld [tilespmem:s8+$0x20];
	[tilespmem:v27+s15+$0x0] =	vst.idx.msk $0xffff, v23  }
0x21a: {  	s7 =	sadd.s32 $0x4, s7;
	s1 =	sadd.s32 $0x400, s1;
	s11 =	sadd.s32 $0x3, s9;
	v29 =	vadd.s32 v15, v16;
	v16 =	vmov v21;
	[tilespmem:v40+s15+$0x0] =	vst.idx.msk $0xffff, v39;
	v27 =	vld [tilespmem:s4+$0x70]  }
0x21b: {  	s7 =	sand.u32 $0x3800, s1;
	v21 =	vmov s11;
	s3 =	sand.u32 $0x380, s5  }
0x21c: {  	s3 =	sor.u32 s3, s7;
	v21 =	vand.u32 $0x3F, v21  }
0x21d: {  	s4 =	sadd.s32 $0xFFFFFE80, s5;
	v35 =	vld [tilespmem:s3+$0x4000];
	v36 =	vadd.s32 v0, v21  }
0x21e: {  	v22 =	vmov s9;
	s18 =	sadd.s32 $0xFFFFFF00, s5;
	s4 =	sand.u32 $0x200, s4  }
0x21f: {  	s28 =	sadd.s32 $0xFFFFFF80, s5;
	v23 =	vmov s16;
	s9 =	sand.u32 $0x280, s18;
	v22 =	vand.u32 $0x3C, v22;
	s29 =	sor.u32 s4, s7  }
0x220: {  	v24 =	vmov s17;
	s31 =	sand.u32 $0x300, s28;
	v23 =	vand.u32 $0x3D, v23;
	s30 =	sor.u32 s9, s7;
	v38 =	vadd.s32 v0, v22;
	v37 =	vld [tilespmem:s29+$0x4000]  }
0x221: {  	v24 =	vand.u32 $0x3E, v24;
	s7 =	sor.u32 s31, s7;
	v40 =	vadd.s32 v0, v23;
	v39 =	vld [tilespmem:s30+$0x4000]  }
0x222: {  	v42 =	vadd.s32 v0, v24;
	v41 =	vld [tilespmem:s7+$0x4000];
	[tilespmem:v36+s15+$0x0] =	vst.idx.msk $0xffff, v35  }
0x223: {  	v57 =	vadd.s32 v1, v21;
	v35 =	vld [tilespmem:s3+$0x4010]  }
0x224: {  	[tilespmem:v34+s15+$0x0] =	vst.idx.msk $0xffff, v33  }
0x225: {  	[tilespmem:v38+s15+$0x0] =	vst.idx.msk $0xffff, v37  }
0x226: {  	v58 =	vadd.s32 v1, v22;
	[tilespmem:v40+s15+$0x0] =	vst.idx.msk $0xffff, v39;
	v37 =	vld [tilespmem:s29+$0x4010]  }
0x227: {  	v59 =	vadd.s32 v1, v23;
	[tilespmem:v42+s15+$0x0] =	vst.idx.msk $0xffff, v41;
	v39 =	vld [tilespmem:s30+$0x4010]  }
0x228: {  	v60 =	vadd.s32 v1, v24;
	v41 =	vld [tilespmem:s7+$0x4010];
	[tilespmem:v57+s15+$0x0] =	vst.idx.msk $0xffff, v35  }
0x229: {  	[tilespmem:v31+s15+$0x0] =	vst.idx.msk $0xffff, v25;
	v62 =	vadd.s32 v2, v21;
	v61 =	vld [tilespmem:s3+$0x4020]  }
0x22a: {  	[tilespmem:v32+s15+$0x0] =	vst.idx.msk $0xffff, v30  }
0x22b: {  	[tilespmem:v58+s15+$0x0] =	vst.idx.msk $0xffff, v37  }
0x22c: {  	v40 =	vadd.s32 v2, v22;
	[tilespmem:v59+s15+$0x0] =	vst.idx.msk $0xffff, v39;
	v63 =	vld [tilespmem:s29+$0x4020]  }
0x22d: {  	v44 =	vadd.s32 v2, v23;
	[tilespmem:v60+s15+$0x0] =	vst.idx.msk $0xffff, v41;
	v43 =	vld [tilespmem:s30+$0x4020]  }
0x22e: {  	v46 =	vadd.s32 v2, v24;
	v45 =	vld [tilespmem:s7+$0x4020];
	[tilespmem:v62+s15+$0x0] =	vst.idx.msk $0xffff, v61  }
0x22f: {  	v48 =	vadd.s32 v3, v21;
	[tilespmem:v28+s15+$0x0] =	vst.idx.msk $0xffff, v26;
	v47 =	vld [tilespmem:s3+$0x4030]  }
0x230: {  	v55 =	vld [tilespmem:s0+$0x70];
	v18 =	vadd.s32 v15, v18;
	[tilespmem:v29+s15+$0x0] =	vst.idx.msk $0xffff, v27  }
0x231: {  	v56 =	vld [tilespmem:s23+$0x20];
	v57 =	vadd.s32 v10, v17;
	[tilespmem:v40+s15+$0x0] =	vst.idx.msk $0xffff, v63  }
0x232: {  	v50 =	vadd.s32 v3, v22;
	[tilespmem:v44+s15+$0x0] =	vst.idx.msk $0xffff, v43;
	v49 =	vld [tilespmem:s29+$0x4030]  }
0x233: {  	v52 =	vadd.s32 v3, v23;
	[tilespmem:v46+s15+$0x0] =	vst.idx.msk $0xffff, v45;
	v51 =	vld [tilespmem:s30+$0x4030]  }
0x234: {  	v54 =	vadd.s32 v3, v24;
	v53 =	vld [tilespmem:s7+$0x4030];
	[tilespmem:v48+s15+$0x0] =	vst.idx.msk $0xffff, v47  }
0x235: {  	[tilespmem:v18+s15+$0x0] =	vst.idx.msk $0xffff, v55;
	v58 =	vadd.s32 v4, v21;
	v30 =	vld [tilespmem:s3+$0x4040]  }
0x236: {  	v38 =	vadd.s32 v11, v20;
	v37 =	vld [tilespmem:s8+$0x30];
	[tilespmem:v57+s15+$0x0] =	vst.idx.msk $0xffff, v56  }
0x237: {  	v36 =	vadd.s32 v10, v16;
	v63 =	vld [tilespmem:s6+$0x20];
	[tilespmem:v50+s15+$0x0] =	vst.idx.msk $0xffff, v49  }
0x238: {  	v59 =	vadd.s32 v4, v22;
	[tilespmem:v52+s15+$0x0] =	vst.idx.msk $0xffff, v51;
	v33 =	vld [tilespmem:s29+$0x4040]  }
0x239: {  	v60 =	vadd.s32 v4, v23;
	[tilespmem:v54+s15+$0x0] =	vst.idx.msk $0xffff, v53;
	v25 =	vld [tilespmem:s30+$0x4040]  }
0x23a: {  	v62 =	vadd.s32 v4, v24;
	v61 =	vld [tilespmem:s7+$0x4040];
	[tilespmem:v58+s15+$0x0] =	vst.idx.msk $0xffff, v30  }
0x23b: {  	v39 =	vadd.s32 v5, v21;
	[tilespmem:v38+s15+$0x0] =	vst.idx.msk $0xffff, v37;
	v30 =	vld [tilespmem:s3+$0x4050]  }
0x23c: {  	v43 =	vld [tilespmem:s22+$0x20];
	v44 =	vadd.s32 v10, v19;
	[tilespmem:v36+s15+$0x0] =	vst.idx.msk $0xffff, v63  }
0x23d: {  	v27 =	vld [tilespmem:s8+$0x40];
	v45 =	vadd.s32 v12, v20;
	[tilespmem:v59+s15+$0x0] =	vst.idx.msk $0xffff, v33  }
0x23e: {  	v40 =	vadd.s32 v5, v22;
	[tilespmem:v60+s15+$0x0] =	vst.idx.msk $0xffff, v25;
	v33 =	vld [tilespmem:s29+$0x4050]  }
0x23f: {  	v41 =	vadd.s32 v5, v23;
	[tilespmem:v62+s15+$0x0] =	vst.idx.msk $0xffff, v61;
	v25 =	vld [tilespmem:s30+$0x4050]  }
0x240: {  	v42 =	vadd.s32 v5, v24;
	v18 =	vld [tilespmem:s7+$0x4050];
	[tilespmem:v39+s15+$0x0] =	vst.idx.msk $0xffff, v30  }
0x241: {  	v46 =	vadd.s32 v6, v21;
	[tilespmem:v44+s15+$0x0] =	vst.idx.msk $0xffff, v43;
	v30 =	vld [tilespmem:s3+$0x4060]  }
0x242: {  	[tilespmem:v45+s15+$0x0] =	vst.idx.msk $0xffff, v27;
	v50 =	vld [tilespmem:s23+$0x30];
	v51 =	vadd.s32 v11, v17  }
0x243: {  	v27 =	vld [tilespmem:s8+$0x50];
	v52 =	vadd.s32 v13, v20;
	[tilespmem:v40+s15+$0x0] =	vst.idx.msk $0xffff, v33  }
0x244: {  	v47 =	vadd.s32 v6, v22;
	[tilespmem:v41+s15+$0x0] =	vst.idx.msk $0xffff, v25;
	v33 =	vld [tilespmem:s29+$0x4060]  }
0x245: {  	v48 =	vadd.s32 v6, v23;
	[tilespmem:v42+s15+$0x0] =	vst.idx.msk $0xffff, v18;
	v25 =	vld [tilespmem:s30+$0x4060]  }
0x246: {  	v49 =	vadd.s32 v6, v24;
	v18 =	vld [tilespmem:s7+$0x4060];
	[tilespmem:v46+s15+$0x0] =	vst.idx.msk $0xffff, v30  }
0x247: {  	s11 =	sadd.s32 $0x4, s21;
	v53 =	vadd.s32 v7, v21;
	[tilespmem:v51+s15+$0x0] =	vst.idx.msk $0xffff, v50;
	v30 =	vld [tilespmem:s3+$0x4070]  }
0x248: {  	s0 =	sand.u32 $0x7, s11;
	v37 =	vadd.s32 v11, v19;
	v36 =	vld [tilespmem:s22+$0x30];
	[tilespmem:v52+s15+$0x0] =	vst.idx.msk $0xffff, v27  }
0x249: {  	s0 =	sshll.u32 s0, $0x7;
	v27 =	vld [tilespmem:s8+$0x60];
	v59 =	vadd.s32 v14, v20;
	[tilespmem:v47+s15+$0x0] =	vst.idx.msk $0xffff, v33  }
0x24a: {  	s12 =	sadd.s32 s1, s0;
	v54 =	vadd.s32 v7, v22;
	[tilespmem:v48+s15+$0x0] =	vst.idx.msk $0xffff, v25;
	v33 =	vld [tilespmem:s29+$0x4070]  }
0x24b: {  	s0 =	sadd.s32 $0x180, s12;
	v55 =	vadd.s32 v7, v23;
	[tilespmem:v49+s15+$0x0] =	vst.idx.msk $0xffff, v18;
	v25 =	vld [tilespmem:s30+$0x4070]  }
0x24c: {  	s16 =	sor.u32 $0x4400, s0;
	v56 =	vadd.s32 v7, v24;
	v18 =	vld [tilespmem:s7+$0x4070];
	[tilespmem:v53+s15+$0x0] =	vst.idx.msk $0xffff, v30  }
0x24d: {  	[tilespmem:v37+s15+$0x0] =	vst.idx.msk $0xffff, v36;
	v60 =	vadd.s32 v8, v21;
	v30 =	vld [tilespmem:s16+$0x0]  }
0x24e: {  	s14 =	sadd.s32 s10, s1;
	v57 =	vld [tilespmem:s6+$0x30];
	v58 =	vadd.s32 v11, v16;
	[tilespmem:v59+s15+$0x0] =	vst.idx.msk $0xffff, v27  }
0x24f: {  	s17 =	sadd.s32 s1, s2;
	s18 =	sor.u32 $0x4400, s14;
	s21 =	sadd.s32 $0x80, s12;
	v38 =	vadd.s32 v15, v20;
	v27 =	vld [tilespmem:s8+$0x70];
	[tilespmem:v54+s15+$0x0] =	vst.idx.msk $0xffff, v33  }
0x250: {  	s28 =	sadd.s32 $0x100, s17;
	v61 =	vadd.s32 v8, v22;
	s29 =	sor.u32 $0x4400, s21;
	[tilespmem:v55+s15+$0x0] =	vst.idx.msk $0xffff, v25;
	v33 =	vld [tilespmem:s18+$0x0]  }
0x251: {  	v62 =	vadd.s32 v8, v23;
	s30 =	sor.u32 $0x4400, s28;
	[tilespmem:v56+s15+$0x0] =	vst.idx.msk $0xffff, v18;
	v25 =	vld [tilespmem:s29+$0x0]  }
0x252: {  	v63 =	vadd.s32 v8, v24;
	v18 =	vld [tilespmem:s30+$0x0];
	[tilespmem:v60+s15+$0x0] =	vst.idx.msk $0xffff, v30  }
0x253: {  	[tilespmem:v58+s15+$0x0] =	vst.idx.msk $0xffff, v57;
	v40 =	vadd.s32 v9, v21;
	v39 =	vld [tilespmem:s16+$0x10]  }
0x254: {  	v45 =	vld [tilespmem:s23+$0x40];
	v46 =	vadd.s32 v12, v17;
	[tilespmem:v38+s15+$0x0] =	vst.idx.msk $0xffff, v27  }
0x255: {  	v47 =	vld [tilespmem:s6+$0x40];
	v48 =	vadd.s32 v12, v16;
	[tilespmem:v61+s15+$0x0] =	vst.idx.msk $0xffff, v33  }
0x256: {  	v42 =	vadd.s32 v9, v22;
	[tilespmem:v62+s15+$0x0] =	vst.idx.msk $0xffff, v25;
	v41 =	vld [tilespmem:s18+$0x10]  }
0x257: {  	v43 =	vadd.s32 v9, v23;
	[tilespmem:v63+s15+$0x0] =	vst.idx.msk $0xffff, v18;
	v25 =	vld [tilespmem:s29+$0x10]  }
0x258: {  	v44 =	vadd.s32 v9, v24;
	v18 =	vld [tilespmem:s30+$0x10];
	[tilespmem:v40+s15+$0x0] =	vst.idx.msk $0xffff, v39  }
0x259: {  	v49 =	vadd.s32 v10, v21;
	[tilespmem:v46+s15+$0x0] =	vst.idx.msk $0xffff, v45;
	v29 =	vld [tilespmem:s16+$0x20]  }
0x25a: {  	[tilespmem:v48+s15+$0x0] =	vst.idx.msk $0xffff, v47;
	v54 =	vld [tilespmem:s22+$0x40];
	v55 =	vadd.s32 v12, v19  }
0x25b: {  	v31 =	vld [tilespmem:s23+$0x50];
	v56 =	vadd.s32 v13, v17;
	[tilespmem:v42+s15+$0x0] =	vst.idx.msk $0xffff, v41  }
0x25c: {  	v50 =	vadd.s32 v10, v22;
	[tilespmem:v43+s15+$0x0] =	vst.idx.msk $0xffff, v25;
	v32 =	vld [tilespmem:s18+$0x20]  }
0x25d: {  	v52 =	vadd.s32 v10, v23;
	[tilespmem:v44+s15+$0x0] =	vst.idx.msk $0xffff, v18;
	v51 =	vld [tilespmem:s29+$0x20]  }
0x25e: {  	v53 =	vadd.s32 v10, v24;
	v26 =	vld [tilespmem:s30+$0x20];
	[tilespmem:v49+s15+$0x0] =	vst.idx.msk $0xffff, v29  }
0x25f: {  	v57 =	vadd.s32 v11, v21;
	[tilespmem:v55+s15+$0x0] =	vst.idx.msk $0xffff, v54;
	v29 =	vld [tilespmem:s16+$0x30]  }
0x260: {  	v37 =	vadd.s32 v13, v16;
	v36 =	vld [tilespmem:s6+$0x50];
	[tilespmem:v56+s15+$0x0] =	vst.idx.msk $0xffff, v31  }
0x261: {  	v46 =	vadd.s32 v14, v17;
	v45 =	vld [tilespmem:s23+$0x60];
	[tilespmem:v50+s15+$0x0] =	vst.idx.msk $0xffff, v32  }
0x262: {  	v59 =	vadd.s32 v11, v22;
	[tilespmem:v52+s15+$0x0] =	vst.idx.msk $0xffff, v51;
	v58 =	vld [tilespmem:s18+$0x30]  }
0x263: {  	v61 =	vadd.s32 v11, v23;
	[tilespmem:v53+s15+$0x0] =	vst.idx.msk $0xffff, v26;
	v60 =	vld [tilespmem:s29+$0x30]  }
0x264: {  	v63 =	vadd.s32 v11, v24;
	v62 =	vld [tilespmem:s30+$0x30];
	[tilespmem:v57+s15+$0x0] =	vst.idx.msk $0xffff, v29  }
0x265: {  	[tilespmem:v37+s15+$0x0] =	vst.idx.msk $0xffff, v36;
	v40 =	vadd.s32 v12, v21;
	v29 =	vld [tilespmem:s16+$0x40]  }
0x266: {  	v48 =	vadd.s32 v14, v16;
	v47 =	vld [tilespmem:s6+$0x60];
	[tilespmem:v46+s15+$0x0] =	vst.idx.msk $0xffff, v45  }
0x267: {  	v38 =	vld [tilespmem:s22+$0x50];
	v39 =	vadd.s32 v13, v19;
	[tilespmem:v59+s15+$0x0] =	vst.idx.msk $0xffff, v58  }
0x268: {  	v41 =	vadd.s32 v12, v22;
	[tilespmem:v61+s15+$0x0] =	vst.idx.msk $0xffff, v60;
	v18 =	vld [tilespmem:s18+$0x40]  }
0x269: {  	v43 =	vadd.s32 v12, v23;
	[tilespmem:v63+s15+$0x0] =	vst.idx.msk $0xffff, v62;
	v42 =	vld [tilespmem:s29+$0x40]  }
0x26a: {  	v44 =	vadd.s32 v12, v24;
	v27 =	vld [tilespmem:s30+$0x40];
	[tilespmem:v40+s15+$0x0] =	vst.idx.msk $0xffff, v29  }
0x26b: {  	[tilespmem:v48+s15+$0x0] =	vst.idx.msk $0xffff, v47;
	v49 =	vadd.s32 v13, v21;
	v29 =	vld [tilespmem:s16+$0x50]  }
0x26c: {  	v17 =	vadd.s32 v15, v17;
	v56 =	vld [tilespmem:s23+$0x70];
	[tilespmem:v39+s15+$0x0] =	vst.idx.msk $0xffff, v38  }
0x26d: {  	v55 =	vadd.s32 v14, v19;
	v54 =	vld [tilespmem:s22+$0x60];
	[tilespmem:v41+s15+$0x0] =	vst.idx.msk $0xffff, v18  }
0x26e: {  	v50 =	vadd.s32 v13, v22;
	[tilespmem:v43+s15+$0x0] =	vst.idx.msk $0xffff, v42;
	v18 =	vld [tilespmem:s18+$0x50]  }
0x26f: {  	v52 =	vadd.s32 v13, v23;
	[tilespmem:v44+s15+$0x0] =	vst.idx.msk $0xffff, v27;
	v51 =	vld [tilespmem:s29+$0x50]  }
0x270: {  	v53 =	vadd.s32 v13, v24;
	v27 =	vld [tilespmem:s30+$0x50];
	[tilespmem:v49+s15+$0x0] =	vst.idx.msk $0xffff, v29  }
0x271: {  	[tilespmem:v17+s15+$0x0] =	vst.idx.msk $0xffff, v56;
	v57 =	vadd.s32 v14, v21;
	v29 =	vld [tilespmem:s16+$0x60]  }
0x272: {  	v16 =	vadd.s32 v15, v16;
	v17 =	vld [tilespmem:s6+$0x70];
	[tilespmem:v55+s15+$0x0] =	vst.idx.msk $0xffff, v54  }
0x273: {  	v31 =	vld [tilespmem:s22+$0x70];
	v61 =	vadd.s32 v15, v19;
	[tilespmem:v50+s15+$0x0] =	vst.idx.msk $0xffff, v18  }
0x274: {  	v58 =	vadd.s32 v14, v22;
	[tilespmem:v52+s15+$0x0] =	vst.idx.msk $0xffff, v51;
	v18 =	vld [tilespmem:s18+$0x60]  }
0x275: {  	v59 =	vadd.s32 v14, v23;
	[tilespmem:v53+s15+$0x0] =	vst.idx.msk $0xffff, v27;
	v25 =	vld [tilespmem:s29+$0x60]  }
0x276: {  	v60 =	vadd.s32 v14, v24;
	v27 =	vld [tilespmem:s30+$0x60];
	[tilespmem:v57+s15+$0x0] =	vst.idx.msk $0xffff, v29  }
0x277: {  	[tilespmem:v16+s15+$0x0] =	vst.idx.msk $0xffff, v17;
	v21 =	vadd.s32 v15, v21;
	v29 =	vld [tilespmem:s16+$0x70]  }
0x278: {  	[tilespmem:v61+s15+$0x0] =	vst.idx.msk $0xffff, v31  }
0x279: {  	[tilespmem:v58+s15+$0x0] =	vst.idx.msk $0xffff, v18  }
0x27a: {  	v62 =	vadd.s32 v15, v22;
	[tilespmem:v59+s15+$0x0] =	vst.idx.msk $0xffff, v25;
	v18 =	vld [tilespmem:s18+$0x70]  }
0x27b: {  	v23 =	vadd.s32 v15, v23;
	[tilespmem:v60+s15+$0x0] =	vst.idx.msk $0xffff, v27;
	v63 =	vld [tilespmem:s29+$0x70]  }
0x27c: {  	v17 =	vadd.s32 v15, v24;
	v16 =	vld [tilespmem:s30+$0x70];
	[tilespmem:v21+s15+$0x0] =	vst.idx.msk $0xffff, v29  }
0x27d: {  	s31 =	rddreg [dreg:$0x1a]  }
0x27e: {  	s0 =	sshll.u32 s31, $0xB  }
0x27f: {  	[tilespmem:v62+s15+$0x0] =	vst.idx.msk $0xffff, v18;
	s0 =	sand.u32 $0x1FFFF800, s0  }
0x280: {  	s2 =	simm.s32 $0x8;
	[tilespmem:v23+s15+$0x0] =	vst.idx.msk $0xffff, v63;
	s0 =	sadd.s32 s25, s0  }
0x281: {  	s1 =	simm.s32 $0xC800;
	s3 =	simm.s32 $0xC848;
	[tilespmem:v17+s15+$0x0] =	vst.idx.msk $0xffff, v16;
	s4 =	sadd.s32 $0x0, s0  }
.LBB2_9:
0x282: {  	[hbm4b:s4+s19] =	stream.linear.scatter [tilespmem:s1], [sflag:$0x4], $0x40, $0x38;
	[tilespmem:$0x11000] =	vst v63  }
0x283: {  	s4 =	smov.u32 s2;
	s1 =	smov.u32 s3;
	p0 =	sne.s32 s2, $0x7F8  }
.Ltmp3:
0x284: {  	s2 =	sadd.s32 $0x8, s2;
	(pc) =	sbr.rel @p0 .LBB2_9-.Ltmp3, $2  }
0x285: {  	_ =	sdelay $0x2  }
0x286: {  	s3 =	sadd.s32 $0x48, s3;
	s4 =	sadd.s32 s4, s0  }
0x287: {  	s26 =	sadd.s32 $0x1, s26  }
0x288: {  	p0 =	sne.s32 s26, $0x3E  }
.Ltmp4:
0x289: {  	_ = 	snop;
	(pc) =	sbr.rel @p0 .LBB2_2-.Ltmp4, $2  }
0x28a: {  	_ =	sdelay $0x2  }
0x28b: {  	[hbm4b:s4+s19] =	stream.linear.scatter [tilespmem:s1], [sflag:$0x4], $0x40, $0x38;
	[tilespmem:$0x11000] =	vst v63  }
0x28c: {  	s0 =	simm.s32 $0x3  }
0x28d: {  	_ =	swait.ge [sflag:s0], $0x4000  }
0x28e: {  	[sflag:s0] =	ssyncset.done $0x0  }
0x28f: {  	s1 =	simm.s32 $0x4;
	[sflag:s0] =	ssyncadd.s32 $0xFFFFC000  }
0x290: {  	_ =	swait.ge [sflag:s1], $0x4000  }
0x291: {  	s2 =	rddreg [dreg:$0x18]  }
0x292: {  	s31 =	rddreg [dreg:$0x17];
	s2 =	sadd.s32 $0x1, s2  }
0x293: {  	p0 =	sne.s32 s2, s31  }
.Ltmp5:
0x294: {  	_ = 	snop;
	(pc) =	sbr.rel @p0 .LBB2_1-.Ltmp5, $3  }
0x295: {  	_ =	sdelay $0x1  }
0x296: {  	[sflag:s1] =	ssyncset.done $0x0  }
0x297: {  	[sflag:s1] =	ssyncadd.s32 $0xFFFFC000  }
0x298: {  	_ =	sfence.sel $0x180000  }
0x299: {  	[bflag:$0x0] =	sbarrier.arrive $0xFFFF  }
0x29a: {  	_ =	strace $0x90000047  }
0x29b: {  	s0 =	stileid.u32;
	[bflag:$0x2] =	sbarrier.arrive $0xFFFF  }
0x29c: {  	p0 =	sne.s32 s0, $0x0;
	s0 =	rddreg [dreg:$0x1]  }
0x29d: {  	s0 =	sadd.s32 @!p0 $0x100000, s0  }
0x29e: {  	[sflag:s0] =	ssyncadd.tile.s32 @!p0 $0x1;
	_ =	shalt  }
.Lfunc_end2:
_tile_overlayer_lowered:
.L_overlay_start_2:
0x29f: {  	(tag) =	ssettag $0x2  }
0x2a0: {  	s0 =	rddreg [dreg:$0x0];
	s2 =	stileid.u32  }
0x2a1: {  	s1 =	rddreg [dreg:$0x1];
	p0 =	sne.s32 s2, $0x0  }
0x2a2: {  	s3 =	rddreg [dreg:$0x2];
	[bflag:$0x3] =	sbarrier.arrive $0xFFFF;
	s2 =	simm.s32 @!p0 $0x1C05  }
0x2a3: {  	[timem:s3], [sflag:s2] =	dma.local @!p0 [hbm:s0], s1  }
0x2a4: {  	s0 =	simm.s32 @!p0 $0x5  }
0x2a5: {  	_ =	swait.ge @!p0 [sflag:s0], s1  }
0x2a6: {  	s1 =	ssub.s32 @!p0 $0x0, s1;
	[sflag:s0] =	ssyncset.done @!p0 $0x0  }
0x2a7: {  	[sflag:s0] =	ssyncadd.s32 @!p0 s1  }
0x2a8: {  	[bflag:$0x3] =	sbarrier.arrive $0xFFFF  }
0x2a9: {  	_ =	shalt  }

// kernel: kernel.7.cloned.1.call-start
scs
__scs_entry_jumppad:
0x0: {  	(pc) =	sbr.rel $0x88, $3  }
0x1: {  	(tag) =	ssettag $0x0;
	lr =	simm.s32 $0x1  }
0x2: {  	[smem:$0x3F9E] =	sst lr;
	_ =	strace $0xD0000000  }
0x3: {  	_ = 	snop  }
0x4: {  	_ = 	snop  }
0x5: {  	_ = 	snop  }
0x6: {  	_ = 	snop  }
0x7: {  	_ = 	snop  }
__scs_overlays_trampoline_lowered:
0x8: {  	[smem:$0x3FAD] =	sst s0  }
0x9: {  	[smem:$0x3FAE] =	sst s1  }
0xa: {  	[smem:$0x3FAF] =	sst s2  }
0xb: {  	[smem:$0x3FB0] =	sst s3  }
0xc: {  	[smem:$0x3FB1] =	sst s4  }
0xd: {  	[smem:$0x3FB2] =	sst s5  }
0xe: {  	[smem:$0x3FB3] =	sst s6  }
0xf: {  	[smem:$0x3FB4] =	sst s7  }
0x10: {  	[smem:$0x3FB5] =	sst s8  }
0x11: {  	[smem:$0x3FB6] =	sst s9;
	s0 =	simm.s32 @!p0 $0x0  }
0x12: {  	s1 =	sld [smem:$0x3F9C];
	s0 =	simm.s32 @p0 $0x1  }
0x13: {  	[smem:$0x3FB7] =	sst s0;
	s0 =	simm.s32 @!p1 $0x0  }
0x14: {  	s2 =	sld [smem:$0x3F9B];
	s0 =	simm.s32 @p1 $0x1  }
0x15: {  	[smem:$0x3FB8] =	sst s0;
	s0 =	simm.s32 @!p2 $0x0  }
0x16: {  	s3 =	sld [smem:$0x3FDB];
	s0 =	simm.s32 @p2 $0x1  }
0x17: {  	s4 =	simm.s32 $0x1BF5;
	[smem:$0x3FBA] =	sst s0  }
0x18: {  	s0 =	sld [smem:$0x3F9D];
	_ =	swait.ge [sflag:s4], $0x0  }
0x19: {  	s7 =	sld [smem:$0x3F9E]  }
0x1a: {  	s8 =	sadd.s32 $0xFFFFE003, lr  }
0x1b: {  	s9 =	sadd.s32 $0xFFFFFEF7, lr;
	s5 =	simm.s32 $0xFFFFFFFF;
	p2 =	slt.u32 s8, $0xFFFFF086  }
0x1c: {  	p1 =	slt.u32 s9, $0xF7A;
	s5 =	simm.s32 @!p2 $0x0  }
0x1d: {  	s5 =	simm.s32 @p1 $0x1;
	p0 =	seq.s32 s7, s2  }
0x1e: {  	s7 =	smul.u32 @!p0 $0xF7A, s2;
	p2 =	seq.s32 @!p0 s5, $0x0  }
0x1f: {  	s9 =	smul.u32 $0xF7A, s1;
	s8 =	simm.s32 @!p0 $0x1BF5;
	p2 =	por !p2, p0  }
0x20: {  	[sflag:s8] =	ssyncset.s32 @!p0 $0xFFFFF086;
	s6 =	sadd.s32 @!p0 s3, s7;
	s7 =	simm.s32 @!p0 $0x108  }
0x21: {  	s3 =	sadd.s32 s3, s9;
	s6 =	sadd.s32 @!p0 $0x88, s6;
	s7 =	simm.s32 @p2 $0x1082  }
0x22: {  	[simem:s7], [sflag:s8] =	dma.local @!p0 [hbm:s6], $0xF7A  }
0x23: {  	s9 =	sor.u32 $0xD0000000, s2;
	s6 =	simm.s32 $0x108;
	_ =	swait.ge @!p0 [sflag:s8], $0x0  }
0x24: {  	s3 =	sadd.s32 $0x88, s3;
	s6 =	simm.s32 @!p1 $0x1082;
	[sflag:s4] =	ssyncset.s32 $0xFFFFF086  }
0x25: {  	[simem:s6], [sflag:s4] =	dma.local [hbm:s3], $0xF7A  }
0x26: {  	[smem:$0x3F9E] =	sst s1;
	(tag) =	ssettag s2;
	_ =	strace s9  }
0x27: {  	s1 =	sld [smem:$0x3FAE]  }
0x28: {  	s2 =	sld [smem:$0x3FAF]  }
0x29: {  	s4 =	sld [smem:$0x3FB1]  }
0x2a: {  	p0 =	seq.s32 s5, $0x0;
	s5 =	sld [smem:$0x3FB2]  }
0x2b: {  	s6 =	sld [smem:$0x3FB3]  }
0x2c: {  	s7 =	sld [smem:$0x3FB4]  }
0x2d: {  	s3 =	simm.s32 $0x108;
	s8 =	sld [smem:$0x3FB5]  }
0x2e: {  	s3 =	simm.s32 @!p0 $0x1082;
	s9 =	sld [smem:$0x3FB6]  }
0x2f: {  	lr =	sadd.s32 s0, s3;
	s0 =	sld [smem:$0x3FAD]  }
0x30: {  	s3 =	sld [smem:$0x3FB0]  }
0x31: {  	[smem:$0x3FB9] =	sst s10  }
0x32: {  	s10 =	sld [smem:$0x3FB7];
	_ =	sdelay $0x3  }
0x33: {  	p0 =	seq.s32 s10, $0x1;
	s10 =	sld [smem:$0x3FB9];
	_ =	sdelay $0x3  }
0x34: {  	[smem:$0x3FB9] =	sst s10  }
0x35: {  	s10 =	sld [smem:$0x3FB8];
	_ =	sdelay $0x3  }
0x36: {  	p1 =	seq.s32 s10, $0x1;
	s10 =	sld [smem:$0x3FB9];
	_ =	sdelay $0x3  }
0x37: {  	[smem:$0x3FB9] =	sst s10  }
0x38: {  	s10 =	sld [smem:$0x3FBA]  }
0x39: {  	_ = 	snop;
	(pc) =	sbr.ind lr, $3  }
0x3a: {  	_ = 	snop  }
0x3b: {  	_ = 	snop  }
0x3c: {  	p2 =	seq.s32 s10, $0x1;
	s10 =	sld [smem:$0x3FB9]  }
0x3d: {  	_ =	shalt  }
0x3e: {  	_ =	shalt  }
0x3f: {  	_ =	shalt  }
0x40: {  	_ =	shalt  }
0x41: {  	_ =	shalt  }
0x42: {  	_ =	shalt  }
0x43: {  	_ =	shalt  }
0x44: {  	_ =	shalt  }
0x45: {  	_ =	shalt  }
0x46: {  	_ =	shalt  }
0x47: {  	_ =	shalt  }
0x48: {  	_ =	shalt  }
0x49: {  	_ =	shalt  }
0x4a: {  	_ =	shalt  }
0x4b: {  	_ =	shalt  }
0x4c: {  	_ =	shalt  }
0x4d: {  	_ =	shalt  }
0x4e: {  	_ =	shalt  }
0x4f: {  	_ =	shalt  }
0x50: {  	_ =	shalt  }
0x51: {  	_ =	shalt  }
0x52: {  	_ =	shalt  }
0x53: {  	_ =	shalt  }
0x54: {  	_ =	shalt  }
0x55: {  	_ =	shalt  }
0x56: {  	_ =	shalt  }
0x57: {  	_ =	shalt  }
0x58: {  	_ =	shalt  }
0x59: {  	_ =	shalt  }
0x5a: {  	_ =	shalt  }
0x5b: {  	_ =	shalt  }
0x5c: {  	_ =	shalt  }
0x5d: {  	_ =	shalt  }
0x5e: {  	_ =	shalt  }
0x5f: {  	_ =	shalt  }
0x60: {  	_ =	shalt  }
0x61: {  	_ =	shalt  }
0x62: {  	_ =	shalt  }
0x63: {  	_ =	shalt  }
0x64: {  	_ =	shalt  }
0x65: {  	_ =	shalt  }
0x66: {  	_ =	shalt  }
0x67: {  	_ =	shalt  }
0x68: {  	_ =	shalt  }
0x69: {  	_ =	shalt  }
0x6a: {  	_ =	shalt  }
0x6b: {  	_ =	shalt  }
0x6c: {  	_ =	shalt  }
0x6d: {  	_ =	shalt  }
0x6e: {  	_ =	shalt  }
0x6f: {  	_ =	shalt  }
0x70: {  	_ =	shalt  }
0x71: {  	_ =	shalt  }
0x72: {  	_ =	shalt  }
0x73: {  	_ =	shalt  }
0x74: {  	_ =	shalt  }
0x75: {  	_ =	shalt  }
0x76: {  	_ =	shalt  }
0x77: {  	_ =	shalt  }
0x78: {  	_ =	shalt  }
0x79: {  	_ =	shalt  }
0x7a: {  	_ =	shalt  }
0x7b: {  	_ =	shalt  }
0x7c: {  	_ =	shalt  }
0x7d: {  	_ =	shalt  }
0x7e: {  	_ =	shalt  }
0x7f: {  	_ =	shalt  }
0x80: {  	_ =	shalt  }
0x81: {  	_ =	shalt  }
0x82: {  	_ =	shalt  }
0x83: {  	_ =	shalt  }
0x84: {  	_ =	shalt  }
0x85: {  	_ =	shalt  }
0x86: {  	_ =	shalt  }
0x87: {  	_ =	shalt  }
.Lfunc_end0:
.L_simem_size_0:
called_computation.1_lowered:
.L_overlay_start_0:
0x88: {  	s2 =	sld [smem:$0x3FD9]  }
0x89: {  	s3 =	sld [smem:$0x3FFE];
	_ =	sdelay $0x1  }
0x8a: {  	s1 =	srdreg.scid  }
0x8b: {  	s0 =	sand.u32 $0x1, s1  }
0x8c: {  	s17 =	sshll.u32 s0, $0xA;
	s2 =	sadd.s32 s3, s2  }
0x8d: {  	s2 =	sadd.s32 s2, s17  }
0x8e: {  	[smem:$0x3FC5] =	sst s2  }
0x8f: {  	_ = 	snop  }
0x90: {  	s2 =	sld [smem:$0x3FD0];
	(tm) =	ssettm $0x1  }
0x91: {  	s18 =	sld [smem:$0x3FFB];
	_ =	sdelay $0x3  }
0x92: {  	_ =	strace s18  }
0x93: {  	s3 =	sld [smem:$0x3FFC];
	_ =	sdelay $0x3  }
0x94: {  	_ =	strace s3  }
0x95: {  	s3 =	sld [smem:$0x3FFD];
	_ =	sdelay $0x3  }
0x96: {  	_ =	strace s3  }
0x97: {  	_ =	strace $0x8FFFFFFF  }
0x98: {  	s19 =	sld [smem:$0x3FDB];
	_ =	sdelay $0x1  }
0x99: {  	s4 =	simm.s32 $_scs_section_size  }
0x9a: {  	s5 =	simm.s32 $_size__tile_overlayer_lowered;
	s6 =	simm.s32 $_tile_overlayer_lowered  }
0x9b: {  	s22 =	simm.s32 $0x1BFF;
	s21 =	sshll.u32 s6, $0x1;
	s3 =	sadd.s32 s4, s19  }
0x9c: {  	s7 =	simm.s32 $0x0;
	s20 =	sshll.u32 s5, $0x1;
	s5 =	sadd.s32 s21, s3  }
0x9d: {  	[timem:s7], [sflag:s22] =	dma.local [hbm:s5], s20  }
0x9e: {  	_ =	swait.ge [sflag:s22], s20  }
0x9f: {  	s4 =	ssub.s32 $0x0, s20;
	[sflag:s22] =	ssyncset.done $0x0  }
0xa0: {  	[sflag:s22] =	ssyncadd.s32 s4;
	_ =	sdelay $0x1  }
0xa1: {  	s23 =	simm.s32 $0x1B8B  }
0xa2: {  	_ =	swait.ge [sflag:s23], $0x1  }
0xa3: {  	[sflag:s23] =	ssyncset.done $0x0  }
0xa4: {  	s25 =	simm.s32 $0x1B8E;
	s24 =	sld [smem:$0x3FFE];
	[sflag:s23] =	ssyncadd.s32 $0xFFFFFFFF  }
0xa5: {  	s26 =	simm.s32 $execute0_lowered;
	[smem:$0x3FD2] =	sst s25  }
0xa6: {  	s5 =	sshll.u32 s26, $0x1;
	_ =	strace $0x80000049;
	[dreg:$0x1] =	wrdreg $0xFFFFFFFF  }
0xa7: {  	s28 =	simm.s32 $_size_execute0_lowered;
	s3 =	sadd.s32 s3, s5;
	[dreg:$0x0] =	wrdreg $0x0  }
0xa8: {  	s5 =	sshll.u32 s28, $0x1;
	[dreg:$0x2] =	wrdreg s3  }
0xa9: {  	[dreg:$0x3] =	wrdreg s5  }
0xaa: {  	[dreg:$0x4] =	wrdreg $0xC0  }
0xab: {  	_ =	task [dreg:s7], $0x5FFFF  }
0xac: {  	[dreg:$0x1] =	wrdreg $0xFFFFFFFF  }
0xad: {  	[dreg:$0x0] =	wrdreg $0x60  }
0xae: {  	[dreg:$0x2] =	wrdreg s24  }
0xaf: {  	[dreg:$0x3] =	wrdreg s2  }
0xb0: {  	[dreg:$0x4] =	wrdreg $0x9  }
0xb1: {  	_ =	task.clear_ibuf [dreg:s7], $0x5FFFF;
	_ =	strace $0x90000049  }
0xb2: {  	s29 =	simm.s32 $0x9;
	_ =	strace $0x8000004B  }
0xb3: {  	_ =	swait.ge [sflag:s29], $0x1  }
0xb4: {  	[sflag:s29] =	ssyncadd.s32 $0xFFFFFFFF  }
0xb5: {  	_ =	strace $0x9000004B  }
0xb6: {  	_ =	sfence  }
0xb7: {  	s30 =	sld [smem:$0x0];
	_ =	sdelay $0x2  }
0xb8: {  	s31 =	sshll.u32 s1, $0xD;
	s1 =	sshrl.u32 s1, $0x2  }
0xb9: {  	s3 =	sand.u32 $0x4000, s31;
	s1 =	sadd.s32 s1, s30  }
0xba: {  	s0 =	sor.u32 s3, s0;
	s1 =	sshll.u32 s1, $0x11  }
0xbb: {  	s0 =	sor.u32 s1, s0  }
0xbc: {  	s0 =	sadd.s32 $0x8F2B, s0  }
0xbd: {  	[sflag:s0] =	ssyncadd.remote.s32 $0x1  }
0xbe: {  	_ =	sfence.sel $0xFFFF  }
0xbf: {  	[dreg:$0x0] =	wrdreg $0xFFFFFFFF;
	(pc) =	sbr.abs _section_cstart, $3  }
0xc0: {  	[dreg:$0x1] =	wrdreg $0xFFFFFFFF  }
0xc1: {  	_ =	task.clear_ibuf [dreg:s7], $0x2FFFF;
	_ =	strace $0x9FFFFFFF  }
0xc2: {  	(tm) =	ssettm $0x7FFFFFFF  }
0xc3: {  	_ =	shalt  }
tec
execute0_lowered:
.L_overlay_start_1:
0x0: {  	(tag) =	ssettag $0x1  }
0x1: {  	s0 =	rddreg [dreg:$0x0]  }
0x2: {  	s1 =	rddreg [dreg:$0x1]  }
0x3: {  	s3 =	simm.s32 $0x0;
	s2 =	srdreg.scid;
	s5 =	stileid.u32  }
0x4: {  	s14 =	simm.s32 $0x80;
	s17 =	simm.s32 $0x3300;
	s22 =	simm.s32 $0x2  }
0x5: {  	s24 =	simm.s32 $0x3380;
	s28 =	simm.s32 $0xB400;
	s29 =	simm.s32 $0xD600  }
0x6: {  	s30 =	simm.s32 $0x4;
	s31 =	simm.s32 $0xF800;
	s19 =	simm.s32 $0x6  }
0x7: {  	[smem:$0x7FF] =	sst s3;
	s4 =	sadd.s32 $0xF80C00, s0;
	s2 =	sand.u32 $0x1, s2  }
0x8: {  	s6 =	sshll.u32 s5, $0x1;
	s5 =	sadd.s32 $0x7C0C00, s0;
	s0 =	sadd.s32 $0xF99C00, s0  }
0x9: {  	_ =	strace $0x8000004A;
	s7 =	ssub.s32 $0x2, s2;
	s2 =	sor.u32 s2, s6  }
0xa: {  	[dreg:$0x3] =	wrdreg s0;
	s25 =	sshrl.u32 s7, $0x1;
	s6 =	sshll.u32 s2, $0x4  }
0xb: {  	s26 =	sshll.u32 s2, $0x7;
	s11 =	sshll.u32 s2, $0xA;
	s0 =	ssub.s32 s7, s25  }
0xc: {  	v0 =	vlaneseq.u32;
	s6 =	sadd.s32 s4, s6;
	s9 =	sor.u32 $0x4000, s26;
	s10 =	sor.u32 $0x6000, s26  }
0xd: {  	v0 =	vmul.u32 $0x88, v0;
	s25 =	simm.s32 $0x9400;
	[dreg:$0x4] =	wrdreg s6;
	s6 =	sadd.s32 $0x400, s6  }
0xe: {  	s26 =	simm.s32 $0x3;
	s0 =	smax.u32 s0, $0x1;
	[dreg:$0x5] =	wrdreg s6  }
0xf: {  	v1 =	vadd.s32 $0x880, v0;
	v2 =	vadd.s32 $0x1100, v0;
	v3 =	vadd.s32 $0x1980, v0;
	[dreg:$0x6] =	wrdreg s0;
	s0 =	simm.s32 $0x11A00;
	s6 =	simm.s32 $0x0  }
.LBB2_1:
0x10: {  	[dreg:$0x7] =	wrdreg s6  }
0x11: {  	s2 =	rddreg [dreg:$0x3];
	s12 =	simm.s32 $0x7  }
0x12: {  	[tilespmem:s3], [sflag:$0x7] =	stream.linear.gather [hbm4b:s2+s3], $0x3200, $0x38;
	[tilespmem:$0x13C00] =	vst v63  }
0x13: {  	_ =	swait.ge [sflag:s12], $0x3200  }
0x14: {  	s15 =	simm.s32 $0x1000;
	[sflag:s12] =	ssyncset.done $0x0  }
0x15: {  	s7 =	simm.s32 $0x3200;
	s13 =	rddreg [dreg:$0x4];
	[sflag:s12] =	ssyncadd.s32 $0xFFFFCE00  }
0x16: {  	[tilespmem:s7], [sflag:$0x1] =	stream.strided.gather [hbm4b:s13+s14], $0x100, s15, s14, $0x38;
	[tilespmem:$0x13C00] =	vst v63  }
0x17: {  	s18 =	simm.s32 $0x1;
	s16 =	rddreg [dreg:$0x5]  }
0x18: {  	[tilespmem:s17], [sflag:$0x2] =	stream.strided.gather [hbm4b:s16+s14], $0x100, s15, s14, $0x38;
	[tilespmem:$0x13C00] =	vst v63  }
0x19: {  	_ =	swait.ge [sflag:s18], $0x100  }
0x1a: {  	[sflag:s18] =	ssyncset.done $0x0  }
0x1b: {  	s20 =	simm.s32 $0x3400;
	[sflag:s18] =	ssyncadd.s32 $0xFFFFFF00  }
0x1c: {  	[tilespmem:s20], [sflag:$0x3] =	stream.indirect.gather [hbm4b:s5+s14], $0x40, s7, s14, $0xb8;
	[tilespmem:$0x13C00] =	vst v63  }
0x1d: {  	s21 =	simm.s32 $0x3280;
	s23 =	simm.s32 $0x5400  }
0x1e: {  	[tilespmem:s23], [sflag:$0x3] =	stream.indirect.gather [hbm4b:s5+s14], $0x40, s21, s14, $0xb8;
	[tilespmem:$0x13C00] =	vst v63  }
0x1f: {  	s21 =	simm.s32 $0x0  }
.LBB2_2:
0x20: {  	_ =	swait.ge [sflag:s22], $0x100  }
0x21: {  	[sflag:s22] =	ssyncset.done $0x0  }
0x22: {  	s2 =	simm.s32 $0x7400;
	p0 =	seq.s32 s21, $0x0;
	[sflag:s22] =	ssyncadd.s32 $0xFFFFFF00  }
0x23: {  	[tilespmem:s2], [sflag:$0x4] =	stream.indirect.gather [hbm4b:s5+s14], $0x40, s17, s14, $0xb8;
	[tilespmem:$0x13C00] =	vst v63  }
0x24: {  	s2 =	simm.s32 @!p0 $0x5  }
0x25: {  	[tilespmem:s25], [sflag:$0x4] =	stream.indirect.gather [hbm4b:s5+s14], $0x40, s24, s14, $0xb8;
	[tilespmem:$0x13C00] =	vst v63  }
0x26: {  	_ =	swait.ge @!p0 [sflag:s2], $0x4000  }
0x27: {  	[sflag:s2] =	ssyncset.done @!p0 $0x0  }
0x28: {  	[sflag:s2] =	ssyncadd.s32 @!p0 $0xFFFFC000  }
0x29: {  	_ =	swait.ge [sflag:s26], $0x2000  }
0x2a: {  	p0 =	seq.s32 s21, $0x31;
	[sflag:s26] =	ssyncset.done $0x0  }
0x2b: {  	s13 =	sshll.u32 s21, $0x8;
	s16 =	sshll.u32 @!p0 s21, $0xE;
	[sflag:s26] =	ssyncadd.s32 $0xFFFFE000  }
0x2c: {  	s6 =	simm.s32 @!p0 $0x80;
	s2 =	sadd.s32 @!p0 s9, s16;
	_ =	swait.ge [sflag:s26], $0x2000  }
0x2d: {  	s7 =	simm.s32 @!p0 $0x1000;
	s2 =	sshrl.u32 @!p0 s2, $0x3;
	[sflag:s26] =	ssyncset.done $0x0  }
0x2e: {  	s8 =	simm.s32 @!p0 $0x3200;
	s2 =	sadd.s32 @!p0 s4, s2;
	[sflag:s26] =	ssyncadd.s32 $0xFFFFE000  }
0x2f: {  	[tilespmem:s8], [sflag:$0x1] =	stream.strided.gather @!p0 [hbm4b:s2+s6], $0x100, s7, s6, $0x38;
	[tilespmem:$0x13C00] =	vst v63  }
0x30: {  	s6 =	sand.u32 $0x3FFFFF00, s13  }
0x31: {  	s15 =	simm.s32 $0x1;
	s13 =	simm.s32 $0x3440;
	v9 =	vld [tilespmem:s6+$0x0]  }
0x32: {  	v4 =	vmov s15;
	v6 =	vld [tilespmem:s13+$0x0]  }
0x33: {  	v14 =	vand.u32 $0x7F, v4  }
0x34: {  	v8 =	vadd.s32 v0, v14  }
0x35: {  	s18 =	simm.s32 $0x0;
	v7 =	vld [tilespmem:s6+$0x10]  }
0x36: {  	v4 =	vmov s18;
	v10 =	vld [tilespmem:s13+$0xFFFFFFC0]  }
0x37: {  	v18 =	vand.u32 $0x7E, v4;
	v5 =	vld [tilespmem:s6+$0x20];
	v6 =	vadd.f32 v6, v9  }
0x38: {  	s20 =	simm.s32 $0x3;
	v11 =	vadd.s32 v0, v18;
	s8 =	simm.s32 $0x34C0;
	v4 =	vld [tilespmem:s6+$0x30]  }
0x39: {  	v12 =	vld [tilespmem:s8+$0x0];
	[tilespmem:v8+s28+$0x0] =	vst.idx.msk $0xffff, v6;
	v6 =	vmov s20  }
0x3a: {  	v6 =	vand.u32 $0x7F, v6;
	v13 =	vld [tilespmem:s13+$0x10]  }
0x3b: {  	v8 =	vadd.f32 v10, v9;
	v10 =	vadd.s32 v0, v6  }
0x3c: {  	s23 =	simm.s32 $0x2;
	v15 =	vadd.s32 v1, v14  }
0x3d: {  	[tilespmem:v11+s28+$0x0] =	vst.idx.msk $0xffff, v8;
	v8 =	vmov s23;
	v11 =	vld [tilespmem:s8+$0xFFFFFFC0]  }
0x3e: {  	v12 =	vadd.f32 v12, v9;
	v8 =	vand.u32 $0x7E, v8;
	v16 =	vld [tilespmem:s13+$0xFFFFFFD0]  }
0x3f: {  	s12 =	simm.s32 $0x3540;
	s7 =	simm.s32 $0x5;
	v17 =	vadd.s32 v0, v8;
	v13 =	vadd.f32 v13, v7  }
0x40: {  	v19 =	vld [tilespmem:s12+$0x0];
	[tilespmem:v10+s28+$0x0] =	vst.idx.msk $0xffff, v12;
	v12 =	vadd.s32 v1, v18;
	v10 =	vmov s7  }
0x41: {  	[tilespmem:v15+s28+$0x0] =	vst.idx.msk $0xffff, v13;
	v10 =	vand.u32 $0x7F, v10;
	v13 =	vld [tilespmem:s8+$0x10]  }
0x42: {  	v11 =	vadd.f32 v11, v9;
	v15 =	vadd.s32 v0, v10;
	v20 =	vld [tilespmem:s13+$0x20]  }
0x43: {  	s15 =	simm.s32 $0x4;
	v21 =	vadd.s32 v1, v6;
	v16 =	vadd.f32 v16, v7  }
0x44: {  	v22 =	vadd.s32 v2, v14;
	[tilespmem:v17+s28+$0x0] =	vst.idx.msk $0xffff, v11;
	v11 =	vmov s15;
	v17 =	vld [tilespmem:s12+$0xFFFFFFC0]  }
0x45: {  	v11 =	vand.u32 $0x7E, v11;
	[tilespmem:v12+s28+$0x0] =	vst.idx.msk $0xffff, v16;
	v12 =	vadd.f32 v19, v9;
	v16 =	vld [tilespmem:s8+$0xFFFFFFD0]  }
0x46: {  	s18 =	simm.s32 $0x7;
	s7 =	simm.s32 $0x35C0;
	v19 =	vadd.s32 v0, v11;
	v13 =	vadd.f32 v13, v7;
	v23 =	vld [tilespmem:s13+$0xFFFFFFE0]  }
0x47: {  	v24 =	vld [tilespmem:s7+$0x0];
	[tilespmem:v15+s28+$0x0] =	vst.idx.msk $0xffff, v12;
	v15 =	vadd.s32 v1, v8;
	v20 =	vadd.f32 v20, v5;
	v12 =	vmov s18  }
0x48: {  	[tilespmem:v21+s28+$0x0] =	vst.idx.msk $0xffff, v13;
	v21 =	vadd.s32 v2, v18;
	v12 =	vand.u32 $0x7F, v12;
	v25 =	vld [tilespmem:s12+$0x10]  }
0x49: {  	v13 =	vadd.f32 v17, v9;
	[tilespmem:v22+s28+$0x0] =	vst.idx.msk $0xffff, v20;
	v17 =	vadd.s32 v0, v12;
	v20 =	vld [tilespmem:s8+$0x20]  }
0x4a: {  	s20 =	simm.s32 $0x6;
	v26 =	vadd.s32 v1, v10;
	v16 =	vadd.f32 v16, v7;
	v27 =	vld [tilespmem:s13+$0x30]  }
0x4b: {  	v28 =	vadd.s32 v2, v6;
	[tilespmem:v19+s28+$0x0] =	vst.idx.msk $0xffff, v13;
	v13 =	vmov s20;
	v19 =	vadd.f32 v23, v5;
	v23 =	vld [tilespmem:s7+$0xFFFFFFC0]  }
0x4c: {  	v30 =	vadd.s32 v3, v14;
	v13 =	vand.u32 $0x7E, v13;
	v29 =	vld [tilespmem:s12+$0xFFFFFFD0];
	[tilespmem:v15+s28+$0x0] =	vst.idx.msk $0xffff, v16;
	v16 =	vadd.f32 v24, v9  }
0x4d: {  	[tilespmem:v21+s28+$0x0] =	vst.idx.msk $0xffff, v19;
	v21 =	vadd.s32 v0, v13;
	v14 =	vadd.f32 v25, v7;
	v15 =	vld [tilespmem:s8+$0xFFFFFFE0]  }
0x4e: {  	s23 =	simm.s32 $0x9;
	s18 =	simm.s32 $0x3640;
	v19 =	vadd.s32 v1, v11;
	[tilespmem:v17+s28+$0x0] =	vst.idx.msk $0xffff, v16;
	v20 =	vadd.f32 v20, v5;
	v16 =	vld [tilespmem:s13+$0xFFFFFFF0]  }
0x4f: {  	v22 =	vld [tilespmem:s18+$0x0];
	v24 =	vmov s23;
	v17 =	vadd.s32 v2, v8;
	[tilespmem:v26+s28+$0x0] =	vst.idx.msk $0xffff, v14;
	v27 =	vadd.f32 v27, v4  }
0x50: {  	s2 =	simm.s32 $0xA;
	v18 =	vadd.s32 v3, v18;
	v14 =	vand.u32 $0x7F, v24;
	v26 =	vadd.f32 v23, v9;
	v23 =	vld [tilespmem:s7+$0x10];
	[tilespmem:v28+s28+$0x0] =	vst.idx.msk $0xffff, v20  }
0x51: {  	s15 =	sshllo.u32 s21, $0x1;
	s20 =	simm.s32 $0x8;
	s13 =	simm.s32 $0x3640;
	v24 =	vadd.s32 v0, v14;
	v25 =	vadd.f32 v29, v7;
	v20 =	vld [tilespmem:s12+$0x20];
	[tilespmem:v30+s28+$0x0] =	vst.idx.msk $0xffff, v27  }
.LBB2_3:
0x52: {  	p1 =	slt.u32 s2, $0x7E;
	[tilespmem:v21+s28+$0x0] =	vst.idx.msk $0xffff, v26;
	v26 =	vadd.s32 v1, v12;
	v15 =	vadd.f32 v15, v5;
	v27 =	vld [tilespmem:s8+$0x30];
	v28 =	vmov v11  }
0x53: {  	v21 =	vmov s20;
	v11 =	vmovc v13;
	s20 =	smov.u32 s2;
	v29 =	vld [tilespmem:s18+$0xFFFFFFC0];
	[tilespmem:v19+s28+$0x0] =	vst.idx.msk $0xffff, v25;
	v25 =	vadd.s32 v2, v10;
	v16 =	vadd.f32 v16, v4  }
0x54: {  	v31 =	vadd.s32 v3, v6;
	v13 =	vand.u32 $0x7E, v21;
	v19 =	vadd.f32 v22, v9;
	v30 =	vld [tilespmem:s7+$0xFFFFFFD0];
	[tilespmem:v17+s28+$0x0] =	vst.idx.msk $0xffff, v15  }
.Ltmp0:
0x55: {  	v6 =	vmov v10;
	v21 =	vadd.s32 v0, v13;
	v17 =	vadd.f32 v23, v7;
	v15 =	vld [tilespmem:s12+$0xFFFFFFE0];
	[tilespmem:v18+s28+$0x0] =	vst.idx.msk $0xffff, v16;
	(pc) =	sbr.rel @p1 .LBB2_3-.Ltmp0, $4  }
0x56: {  	s23 =	sadd.s32 $0x1, s2;
	s18 =	sadd.s32 $0x80, s18;
	v10 =	vmov v12;
	[tilespmem:v24+s28+$0x0] =	vst.idx.msk $0xffff, v19;
	v19 =	vadd.s32 v1, v11;
	v18 =	vadd.f32 v20, v5;
	v16 =	vld [tilespmem:s8+$0xFFFFFFF0];
	s8 =	smov.u32 s12  }
0x57: {  	v12 =	vmovc v14;
	v20 =	vmov s23;
	s12 =	smov.u32 s7;
	s7 =	smov.u32 s13;
	s13 =	smov.u32 s18;
	v22 =	vld [tilespmem:s18+$0x0];
	[tilespmem:v26+s28+$0x0] =	vst.idx.msk $0xffff, v17;
	v17 =	vadd.s32 v2, v28;
	v27 =	vadd.f32 v27, v4  }
0x58: {  	v14 =	vand.u32 $0x7F, v20;
	v26 =	vadd.f32 v29, v9;
	v23 =	vld [tilespmem:s7+$0x10];
	[tilespmem:v25+s28+$0x0] =	vst.idx.msk $0xffff, v18;
	v18 =	vadd.s32 v3, v8  }
0x59: {  	s2 =	sadd.s32 $0x2, s2;
	v24 =	vadd.s32 v0, v14;
	v8 =	vmov v28;
	v25 =	vadd.f32 v30, v7;
	v20 =	vld [tilespmem:s12+$0x20];
	[tilespmem:v31+s28+$0x0] =	vst.idx.msk $0xffff, v27  }
0x5a: {  	v27 =	vmov s20;
	v28 =	vld [tilespmem:s18+$0xFFFFFFC0]  }
0x5b: {  	v27 =	vand.u32 $0x7E, v27  }
0x5c: {  	v29 =	vadd.s32 v0, v27;
	_ =	sdelay $0x1  }
0x5d: {  	v22 =	vadd.f32 v22, v9  }
0x5e: {  	[tilespmem:v21+s28+$0x0] =	vst.idx.msk $0xffff, v26;
	v9 =	vadd.f32 v28, v9  }
0x5f: {  	v21 =	vld [tilespmem:s7+$0xFFFFFFD0];
	[tilespmem:v24+s28+$0x0] =	vst.idx.msk $0xffff, v22  }
0x60: {  	v22 =	vadd.s32 v1, v12;
	v24 =	vld [tilespmem:s13+$0x10];
	[tilespmem:v29+s28+$0x0] =	vst.idx.msk $0xffff, v9  }
0x61: {  	v9 =	vadd.s32 v1, v13;
	v26 =	vld [tilespmem:s13+$0xFFFFFFD0]  }
0x62: {  	v61 =	vadd.s32 v1, v14  }
0x63: {  	v62 =	vadd.s32 v1, v27;
	v23 =	vadd.f32 v23, v7  }
0x64: {  	[tilespmem:v19+s28+$0x0] =	vst.idx.msk $0xffff, v25;
	v19 =	vadd.f32 v21, v7  }
0x65: {  	v21 =	vld [tilespmem:s12+$0xFFFFFFE0];
	[tilespmem:v22+s28+$0x0] =	vst.idx.msk $0xffff, v23;
	v22 =	vadd.f32 v24, v7  }
0x66: {  	v23 =	vadd.s32 v2, v10;
	v24 =	vld [tilespmem:s7+$0x20];
	[tilespmem:v9+s28+$0x0] =	vst.idx.msk $0xffff, v19;
	v7 =	vadd.f32 v26, v7  }
0x67: {  	v9 =	vadd.f32 v15, v5;
	v15 =	vadd.s32 v2, v11;
	[tilespmem:v61+s28+$0x0] =	vst.idx.msk $0xffff, v22;
	v19 =	vld [tilespmem:s7+$0xFFFFFFE0]  }
0x68: {  	v16 =	vadd.f32 v16, v4;
	v22 =	vadd.s32 v2, v12;
	v25 =	vld [tilespmem:s13+$0x20];
	[tilespmem:v62+s28+$0x0] =	vst.idx.msk $0xffff, v7  }
0x69: {  	[tilespmem:v17+s28+$0x0] =	vst.idx.msk $0xffff, v9;
	v9 =	vadd.s32 v2, v13;
	v7 =	vadd.f32 v20, v5;
	v17 =	vld [tilespmem:s13+$0xFFFFFFE0]  }
0x6a: {  	[tilespmem:v18+s28+$0x0] =	vst.idx.msk $0xffff, v16;
	v18 =	vadd.s32 v2, v14;
	v16 =	vadd.f32 v21, v5;
	v20 =	vld [tilespmem:s8+$0x30]  }
0x6b: {  	v21 =	vld [tilespmem:s8+$0xFFFFFFF0];
	[tilespmem:v23+s28+$0x0] =	vst.idx.msk $0xffff, v7;
	v7 =	vadd.f32 v24, v5;
	v23 =	vadd.s32 v2, v27  }
0x6c: {  	v6 =	vadd.s32 v3, v6;
	[tilespmem:v15+s28+$0x0] =	vst.idx.msk $0xffff, v16;
	v24 =	vld [tilespmem:s12+$0x30];
	v15 =	vadd.f32 v19, v5  }
0x6d: {  	v8 =	vadd.s32 v3, v8;
	v16 =	vld [tilespmem:s12+$0xFFFFFFF0];
	[tilespmem:v22+s28+$0x0] =	vst.idx.msk $0xffff, v7;
	v7 =	vadd.f32 v25, v5  }
0x6e: {  	v10 =	vadd.s32 v3, v10;
	v19 =	vld [tilespmem:s7+$0x30];
	[tilespmem:v9+s28+$0x0] =	vst.idx.msk $0xffff, v15;
	v5 =	vadd.f32 v17, v5  }
0x6f: {  	v11 =	vadd.s32 v3, v11;
	v9 =	vadd.f32 v20, v4;
	v15 =	vld [tilespmem:s7+$0xFFFFFFF0];
	[tilespmem:v18+s28+$0x0] =	vst.idx.msk $0xffff, v7  }
0x70: {  	v12 =	vadd.s32 v3, v12;
	v7 =	vadd.f32 v21, v4;
	v17 =	vld [tilespmem:s13+$0x30];
	[tilespmem:v23+s28+$0x0] =	vst.idx.msk $0xffff, v5  }
0x71: {  	[tilespmem:v6+s28+$0x0] =	vst.idx.msk $0xffff, v9;
	v6 =	vadd.s32 v3, v13;
	v5 =	vadd.f32 v24, v4;
	v9 =	vld [tilespmem:s13+$0xFFFFFFF0]  }
0x72: {  	[tilespmem:v8+s28+$0x0] =	vst.idx.msk $0xffff, v7;
	v7 =	vadd.f32 v16, v4;
	v8 =	vadd.s32 v3, v14  }
0x73: {  	[tilespmem:v10+s28+$0x0] =	vst.idx.msk $0xffff, v5;
	v5 =	vadd.f32 v19, v4;
	v10 =	vadd.s32 v3, v27  }
0x74: {  	[tilespmem:v11+s28+$0x0] =	vst.idx.msk $0xffff, v7;
	v7 =	vadd.f32 v15, v4  }
0x75: {  	[tilespmem:v12+s28+$0x0] =	vst.idx.msk $0xffff, v5;
	v5 =	vadd.f32 v17, v4  }
0x76: {  	[tilespmem:v6+s28+$0x0] =	vst.idx.msk $0xffff, v7;
	v4 =	vadd.f32 v9, v4  }
0x77: {  	[tilespmem:v8+s28+$0x0] =	vst.idx.msk $0xffff, v5  }
0x78: {  	[tilespmem:v10+s28+$0x0] =	vst.idx.msk $0xffff, v4  }
0x79: {  	s2 =	simm.s32 $0x1;
	s12 =	simm.s32 $0x5470;
	v9 =	vld [tilespmem:s6+$0x40]  }
0x7a: {  	v4 =	vmov s2;
	v6 =	vld [tilespmem:s12+$0xFFFFFFD0]  }
0x7b: {  	v14 =	vand.u32 $0x7F, v4  }
0x7c: {  	v8 =	vadd.s32 v0, v14  }
0x7d: {  	s18 =	simm.s32 $0x0;
	v7 =	vld [tilespmem:s6+$0x50]  }
0x7e: {  	v4 =	vmov s18;
	v10 =	vld [tilespmem:s12+$0xFFFFFF90]  }
0x7f: {  	v5 =	vld [tilespmem:s6+$0x60];
	v18 =	vand.u32 $0x7E, v4;
	v6 =	vadd.f32 v6, v9  }
0x80: {  	s20 =	simm.s32 $0x3;
	v4 =	vld [tilespmem:s6+$0x70];
	s6 =	simm.s32 $0x54F0;
	v11 =	vadd.s32 v0, v18  }
0x81: {  	v12 =	vld [tilespmem:s6+$0xFFFFFFD0];
	[tilespmem:v8+s29+$0x0] =	vst.idx.msk $0xffff, v6;
	v6 =	vmov s20  }
0x82: {  	v6 =	vand.u32 $0x7F, v6;
	v13 =	vld [tilespmem:s12+$0xFFFFFFE0]  }
0x83: {  	v8 =	vadd.f32 v10, v9;
	v10 =	vadd.s32 v0, v6  }
0x84: {  	s23 =	simm.s32 $0x2;
	v15 =	vadd.s32 v1, v14  }
0x85: {  	[tilespmem:v11+s29+$0x0] =	vst.idx.msk $0xffff, v8;
	v8 =	vmov s23;
	v11 =	vld [tilespmem:s6+$0xFFFFFF90]  }
0x86: {  	v12 =	vadd.f32 v12, v9;
	v8 =	vand.u32 $0x7E, v8;
	v16 =	vld [tilespmem:s12+$0xFFFFFFA0]  }
0x87: {  	s8 =	simm.s32 $0x5570;
	s7 =	simm.s32 $0x5;
	v17 =	vadd.s32 v0, v8;
	v13 =	vadd.f32 v13, v7  }
0x88: {  	v19 =	vld [tilespmem:s8+$0xFFFFFFD0];
	[tilespmem:v10+s29+$0x0] =	vst.idx.msk $0xffff, v12;
	v12 =	vadd.s32 v1, v18;
	v10 =	vmov s7  }
0x89: {  	[tilespmem:v15+s29+$0x0] =	vst.idx.msk $0xffff, v13;
	v10 =	vand.u32 $0x7F, v10;
	v13 =	vld [tilespmem:s6+$0xFFFFFFE0]  }
0x8a: {  	v11 =	vadd.f32 v11, v9;
	v15 =	vadd.s32 v0, v10;
	v20 =	vld [tilespmem:s12+$0xFFFFFFF0]  }
0x8b: {  	s13 =	simm.s32 $0x4;
	v21 =	vadd.s32 v1, v6;
	v16 =	vadd.f32 v16, v7  }
0x8c: {  	v22 =	vadd.s32 v2, v14;
	[tilespmem:v17+s29+$0x0] =	vst.idx.msk $0xffff, v11;
	v11 =	vmov s13;
	v17 =	vld [tilespmem:s8+$0xFFFFFF90]  }
0x8d: {  	v11 =	vand.u32 $0x7E, v11;
	[tilespmem:v12+s29+$0x0] =	vst.idx.msk $0xffff, v16;
	v12 =	vadd.f32 v19, v9;
	v16 =	vld [tilespmem:s6+$0xFFFFFFA0]  }
0x8e: {  	s18 =	simm.s32 $0x7;
	s7 =	simm.s32 $0x55F0;
	v19 =	vadd.s32 v0, v11;
	v13 =	vadd.f32 v13, v7;
	v23 =	vld [tilespmem:s12+$0xFFFFFFB0]  }
0x8f: {  	v24 =	vld [tilespmem:s7+$0xFFFFFFD0];
	[tilespmem:v15+s29+$0x0] =	vst.idx.msk $0xffff, v12;
	v15 =	vadd.s32 v1, v8;
	v20 =	vadd.f32 v20, v5;
	v12 =	vmov s18  }
0x90: {  	[tilespmem:v21+s29+$0x0] =	vst.idx.msk $0xffff, v13;
	v21 =	vadd.s32 v2, v18;
	v12 =	vand.u32 $0x7F, v12;
	v25 =	vld [tilespmem:s8+$0xFFFFFFE0]  }
0x91: {  	v13 =	vadd.f32 v17, v9;
	[tilespmem:v22+s29+$0x0] =	vst.idx.msk $0xffff, v20;
	v17 =	vadd.s32 v0, v12;
	v20 =	vld [tilespmem:s6+$0xFFFFFFF0]  }
0x92: {  	s20 =	simm.s32 $0x6;
	v26 =	vadd.s32 v1, v10;
	v16 =	vadd.f32 v16, v7;
	v27 =	vld [tilespmem:s12+$0x0]  }
0x93: {  	v63 =	vadd.s32 v2, v6;
	[tilespmem:v19+s29+$0x0] =	vst.idx.msk $0xffff, v13;
	v13 =	vmov s20;
	v19 =	vadd.f32 v23, v5;
	v23 =	vld [tilespmem:s7+$0xFFFFFF90]  }
0x94: {  	v30 =	vadd.s32 v3, v14;
	v13 =	vand.u32 $0x7E, v13;
	v29 =	vld [tilespmem:s8+$0xFFFFFFA0];
	[tilespmem:v15+s29+$0x0] =	vst.idx.msk $0xffff, v16;
	v16 =	vadd.f32 v24, v9  }
0x95: {  	[tilespmem:v21+s29+$0x0] =	vst.idx.msk $0xffff, v19;
	v21 =	vadd.s32 v0, v13;
	v14 =	vadd.f32 v25, v7;
	v15 =	vld [tilespmem:s6+$0xFFFFFFB0]  }
0x96: {  	s23 =	simm.s32 $0x9;
	s13 =	simm.s32 $0x5670;
	v19 =	vadd.s32 v1, v11;
	[tilespmem:v17+s29+$0x0] =	vst.idx.msk $0xffff, v16;
	v20 =	vadd.f32 v20, v5;
	v16 =	vld [tilespmem:s12+$0xFFFFFFC0]  }
0x97: {  	v22 =	vld [tilespmem:s13+$0xFFFFFFD0];
	v24 =	vmov s23;
	v17 =	vadd.s32 v2, v8;
	[tilespmem:v26+s29+$0x0] =	vst.idx.msk $0xffff, v14;
	v27 =	vadd.f32 v27, v4  }
0x98: {  	v18 =	vadd.s32 v3, v18;
	v14 =	vand.u32 $0x7F, v24;
	v26 =	vadd.f32 v23, v9;
	v23 =	vld [tilespmem:s7+$0xFFFFFFE0];
	[tilespmem:v63+s29+$0x0] =	vst.idx.msk $0xffff, v20  }
0x99: {  	s2 =	simm.s32 $0xA;
	s18 =	simm.s32 $0x8;
	s12 =	simm.s32 $0x5670;
	v24 =	vadd.s32 v0, v14;
	v25 =	vadd.f32 v29, v7;
	v20 =	vld [tilespmem:s8+$0xFFFFFFF0];
	[tilespmem:v30+s29+$0x0] =	vst.idx.msk $0xffff, v27  }
.LBB2_5:
0x9a: {  	p1 =	slt.u32 s2, $0x7E;
	[tilespmem:v21+s29+$0x0] =	vst.idx.msk $0xffff, v26;
	v26 =	vadd.s32 v1, v12;
	v15 =	vadd.f32 v15, v5;
	v27 =	vld [tilespmem:s6+$0x0];
	v28 =	vmov v11  }
0x9b: {  	v21 =	vmov s18;
	v11 =	vmovc v13;
	s18 =	smov.u32 s2;
	v29 =	vld [tilespmem:s13+$0xFFFFFF90];
	[tilespmem:v19+s29+$0x0] =	vst.idx.msk $0xffff, v25;
	v25 =	vadd.s32 v2, v10;
	v16 =	vadd.f32 v16, v4  }
0x9c: {  	v31 =	vadd.s32 v3, v6;
	v13 =	vand.u32 $0x7E, v21;
	v19 =	vadd.f32 v22, v9;
	v30 =	vld [tilespmem:s7+$0xFFFFFFA0];
	[tilespmem:v17+s29+$0x0] =	vst.idx.msk $0xffff, v15  }
.Ltmp1:
0x9d: {  	v6 =	vmov v10;
	v21 =	vadd.s32 v0, v13;
	v17 =	vadd.f32 v23, v7;
	v15 =	vld [tilespmem:s8+$0xFFFFFFB0];
	[tilespmem:v18+s29+$0x0] =	vst.idx.msk $0xffff, v16;
	(pc) =	sbr.rel @p1 .LBB2_5-.Ltmp1, $4  }
0x9e: {  	s20 =	sadd.s32 $0x1, s2;
	s13 =	sadd.s32 $0x80, s13;
	v10 =	vmov v12;
	[tilespmem:v24+s29+$0x0] =	vst.idx.msk $0xffff, v19;
	v19 =	vadd.s32 v1, v11;
	v18 =	vadd.f32 v20, v5;
	v16 =	vld [tilespmem:s6+$0xFFFFFFC0];
	s6 =	smov.u32 s8  }
0x9f: {  	v12 =	vmovc v14;
	v20 =	vmov s20;
	s8 =	smov.u32 s7;
	s7 =	smov.u32 s12;
	s12 =	smov.u32 s13;
	v22 =	vld [tilespmem:s13+$0xFFFFFFD0];
	[tilespmem:v26+s29+$0x0] =	vst.idx.msk $0xffff, v17;
	v17 =	vadd.s32 v2, v28;
	v27 =	vadd.f32 v27, v4  }
0xa0: {  	v14 =	vand.u32 $0x7F, v20;
	v26 =	vadd.f32 v29, v9;
	v23 =	vld [tilespmem:s7+$0xFFFFFFE0];
	[tilespmem:v25+s29+$0x0] =	vst.idx.msk $0xffff, v18;
	v18 =	vadd.s32 v3, v8  }
0xa1: {  	s2 =	sadd.s32 $0x2, s2;
	v24 =	vadd.s32 v0, v14;
	v8 =	vmov v28;
	v25 =	vadd.f32 v30, v7;
	v20 =	vld [tilespmem:s8+$0xFFFFFFF0];
	[tilespmem:v31+s29+$0x0] =	vst.idx.msk $0xffff, v27  }
0xa2: {  	v27 =	vmov s18;
	v28 =	vld [tilespmem:s13+$0xFFFFFF90]  }
0xa3: {  	v27 =	vand.u32 $0x7E, v27  }
0xa4: {  	v29 =	vadd.s32 v0, v27;
	_ =	sdelay $0x1  }
0xa5: {  	v22 =	vadd.f32 v22, v9  }
0xa6: {  	[tilespmem:v21+s29+$0x0] =	vst.idx.msk $0xffff, v26;
	v57 =	vadd.f32 v28, v9  }
0xa7: {  	v21 =	vld [tilespmem:s7+$0xFFFFFFA0];
	[tilespmem:v24+s29+$0x0] =	vst.idx.msk $0xffff, v22  }
0xa8: {  	v58 =	vadd.s32 v1, v12;
	v24 =	vld [tilespmem:s12+$0xFFFFFFE0];
	[tilespmem:v29+s29+$0x0] =	vst.idx.msk $0xffff, v57  }
0xa9: {  	v59 =	vadd.s32 v1, v13;
	v60 =	vld [tilespmem:s12+$0xFFFFFFA0]  }
0xaa: {  	v61 =	vadd.s32 v1, v14  }
0xab: {  	v62 =	vadd.s32 v1, v27;
	v23 =	vadd.f32 v23, v7  }
0xac: {  	[tilespmem:v19+s29+$0x0] =	vst.idx.msk $0xffff, v25;
	v63 =	vadd.f32 v21, v7  }
0xad: {  	v30 =	vld [tilespmem:s8+$0xFFFFFFB0];
	[tilespmem:v58+s29+$0x0] =	vst.idx.msk $0xffff, v23;
	v31 =	vadd.f32 v24, v7  }
0xae: {  	v32 =	vadd.s32 v2, v10;
	v33 =	vld [tilespmem:s7+$0xFFFFFFF0];
	[tilespmem:v59+s29+$0x0] =	vst.idx.msk $0xffff, v63;
	v34 =	vadd.f32 v60, v7  }
0xaf: {  	v35 =	vadd.f32 v15, v5;
	v36 =	vadd.s32 v2, v11;
	v19 =	vld [tilespmem:s7+$0xFFFFFFB0];
	[tilespmem:v61+s29+$0x0] =	vst.idx.msk $0xffff, v31  }
0xb0: {  	v37 =	vadd.s32 v2, v12;
	v16 =	vadd.f32 v16, v4;
	v38 =	vld [tilespmem:s12+$0xFFFFFFF0];
	[tilespmem:v62+s29+$0x0] =	vst.idx.msk $0xffff, v34  }
0xb1: {  	v40 =	vadd.s32 v2, v13;
	[tilespmem:v17+s29+$0x0] =	vst.idx.msk $0xffff, v35;
	v39 =	vadd.f32 v20, v5;
	v41 =	vld [tilespmem:s12+$0xFFFFFFB0]  }
0xb2: {  	v42 =	vld [tilespmem:s6+$0x0];
	v44 =	vadd.s32 v2, v14;
	[tilespmem:v18+s29+$0x0] =	vst.idx.msk $0xffff, v16;
	v43 =	vadd.f32 v30, v5  }
0xb3: {  	v47 =	vadd.s32 v2, v27;
	v45 =	vld [tilespmem:s6+$0xFFFFFFC0];
	[tilespmem:v32+s29+$0x0] =	vst.idx.msk $0xffff, v39;
	v46 =	vadd.f32 v33, v5  }
0xb4: {  	v6 =	vadd.s32 v3, v6;
	v48 =	vld [tilespmem:s8+$0x0];
	[tilespmem:v36+s29+$0x0] =	vst.idx.msk $0xffff, v43;
	v49 =	vadd.f32 v19, v5  }
0xb5: {  	v8 =	vadd.s32 v3, v8;
	v16 =	vld [tilespmem:s8+$0xFFFFFFC0];
	[tilespmem:v37+s29+$0x0] =	vst.idx.msk $0xffff, v46;
	v50 =	vadd.f32 v38, v5  }
0xb6: {  	v51 =	vadd.s32 v3, v10;
	v52 =	vld [tilespmem:s7+$0x0];
	[tilespmem:v40+s29+$0x0] =	vst.idx.msk $0xffff, v49;
	v5 =	vadd.f32 v41, v5  }
0xb7: {  	v54 =	vadd.s32 v3, v11;
	v53 =	vadd.f32 v42, v4;
	v15 =	vld [tilespmem:s7+$0xFFFFFFC0];
	[tilespmem:v44+s29+$0x0] =	vst.idx.msk $0xffff, v50  }
0xb8: {  	v56 =	vadd.s32 v3, v12;
	v55 =	vadd.f32 v45, v4;
	v57 =	vld [tilespmem:s12+$0x0];
	[tilespmem:v47+s29+$0x0] =	vst.idx.msk $0xffff, v5  }
0xb9: {  	v58 =	vadd.s32 v3, v13;
	[tilespmem:v6+s29+$0x0] =	vst.idx.msk $0xffff, v53;
	v5 =	vadd.f32 v48, v4;
	v59 =	vld [tilespmem:s12+$0xFFFFFFC0]  }
0xba: {  	[tilespmem:v8+s29+$0x0] =	vst.idx.msk $0xffff, v55;
	v61 =	vadd.s32 v3, v14;
	v60 =	vadd.f32 v16, v4  }
0xbb: {  	v62 =	vadd.s32 v3, v27;
	[tilespmem:v51+s29+$0x0] =	vst.idx.msk $0xffff, v5;
	v5 =	vadd.f32 v52, v4  }
0xbc: {  	[tilespmem:v54+s29+$0x0] =	vst.idx.msk $0xffff, v60;
	v63 =	vadd.f32 v15, v4  }
0xbd: {  	s2 =	sshll.u32 s21, $0x14;
	[tilespmem:v56+s29+$0x0] =	vst.idx.msk $0xffff, v5;
	v5 =	vadd.f32 v57, v4  }
0xbe: {  	s2 =	sor.u32 s11, s2;
	[tilespmem:v58+s29+$0x0] =	vst.idx.msk $0xffff, v63;
	v4 =	vadd.f32 v59, v4  }
0xbf: {  	s2 =	sshrl.u32 s2, $0x3;
	[tilespmem:v61+s29+$0x0] =	vst.idx.msk $0xffff, v5  }
0xc0: {  	s6 =	simm.s32 $0xB400;
	s7 =	sadd.s32 s1, s2;
	[tilespmem:v62+s29+$0x0] =	vst.idx.msk $0xffff, v4  }
0xc1: {  	[hbm4b:s7+s3] =	stream.linear.scatter [tilespmem:s6], [sflag:$0x5], $0x80, $0x38;
	[tilespmem:$0x13C00] =	vst v63  }
0xc2: {  	s8 =	simm.s32 $0xB488;
	s12 =	sadd.s32 $0x10, s7  }
0xc3: {  	[hbm4b:s12+s3] =	stream.linear.scatter [tilespmem:s8], [sflag:$0x5], $0x80, $0x38;
	[tilespmem:$0x13C00] =	vst v63  }
0xc4: {  	s13 =	simm.s32 $0xB510;
	s20 =	simm.s32 $0xB598;
	s18 =	sadd.s32 $0x20, s7  }
0xc5: {  	[hbm4b:s18+s3] =	stream.linear.scatter [tilespmem:s13], [sflag:$0x5], $0x80, $0x38;
	[tilespmem:$0x13C00] =	vst v63  }
0xc6: {  	s2 =	simm.s32 $0x2200;
	s23 =	sadd.s32 $0x30, s7;
	s6 =	simm.s32 $0x440  }
0xc7: {  	[hbm4b:s23+s3] =	stream.linear.scatter [tilespmem:s20], [sflag:$0x5], $0x80, $0x38;
	[tilespmem:$0x13C00] =	vst v63  }
0xc8: {  	s8 =	simm.s32 $0xB620;
	s12 =	sadd.s32 $0x40, s7;
	s13 =	simm.s32 $0xB6A8  }
0xc9: {  	[hbm4b:s12+s3] =	stream.linear.scatter [tilespmem:s8], [sflag:$0x5], $0x80, $0x38;
	[tilespmem:$0x13C00] =	vst v63  }
0xca: {  	s18 =	sadd.s32 $0x50, s7;
	s20 =	simm.s32 $0xB730;
	s23 =	sadd.s32 $0x60, s7  }
0xcb: {  	[hbm4b:s18+s3] =	stream.linear.scatter [tilespmem:s13], [sflag:$0x5], $0x80, $0x38;
	[tilespmem:$0x13C00] =	vst v63  }
0xcc: {  	s8 =	simm.s32 $0xB7B8;
	s12 =	sadd.s32 $0x70, s7;
	s7 =	sadd.s32 $0x1000, s7  }
0xcd: {  	[hbm4b:s23+s3] =	stream.linear.scatter [tilespmem:s20], [sflag:$0x5], $0x80, $0x38;
	[tilespmem:$0x13C00] =	vst v63  }
.LBB2_7:
0xce: {  	[hbm4b:s12+s3] =	stream.linear.scatter [tilespmem:s8], [sflag:$0x5], $0x80, $0x38;
	[tilespmem:$0x13C00] =	vst v63  }
0xcf: {  	s8 =	smov.u32 s6;
	s6 =	smov.u32 s2  }
0xd0: {  	s13 =	sadd.s32 $0x1100, s2;
	s6 =	sshra.s32 s6, $0x2;
	s12 =	sadd.s32 $0xB400, s8  }
0xd1: {  	[hbm4b:s7+s3] =	stream.linear.scatter [tilespmem:s12], [sflag:$0x5], $0x80, $0x38;
	[tilespmem:$0x13C00] =	vst v63  }
0xd2: {  	p1 =	sne.s32 s2, $0xFF00;
	s2 =	sadd.s32 $0xB488, s8;
	s12 =	sadd.s32 $0x10, s7  }
0xd3: {  	[hbm4b:s12+s3] =	stream.linear.scatter [tilespmem:s2], [sflag:$0x5], $0x80, $0x38;
	[tilespmem:$0x13C00] =	vst v63  }
0xd4: {  	s2 =	sadd.s32 $0xB510, s8;
	s12 =	sadd.s32 $0x20, s7  }
0xd5: {  	[hbm4b:s12+s3] =	stream.linear.scatter [tilespmem:s2], [sflag:$0x5], $0x80, $0x38;
	[tilespmem:$0x13C00] =	vst v63  }
0xd6: {  	s2 =	sadd.s32 $0xB598, s8;
	s12 =	sadd.s32 $0x30, s7  }
0xd7: {  	[hbm4b:s12+s3] =	stream.linear.scatter [tilespmem:s2], [sflag:$0x5], $0x80, $0x38;
	[tilespmem:$0x13C00] =	vst v63  }
0xd8: {  	s2 =	sadd.s32 $0xB620, s8;
	s12 =	sadd.s32 $0x40, s7  }
0xd9: {  	[hbm4b:s12+s3] =	stream.linear.scatter [tilespmem:s2], [sflag:$0x5], $0x80, $0x38;
	[tilespmem:$0x13C00] =	vst v63  }
.Ltmp2:
0xda: {  	s2 =	sadd.s32 $0xB6A8, s8;
	s12 =	sadd.s32 $0x50, s7;
	(pc) =	sbr.rel @p1 .LBB2_7-.Ltmp2, $4  }
0xdb: {  	[hbm4b:s12+s3] =	stream.linear.scatter [tilespmem:s2], [sflag:$0x5], $0x80, $0x38;
	[tilespmem:$0x13C00] =	vst v63  }
0xdc: {  	s2 =	sadd.s32 $0xB730, s8;
	s12 =	sadd.s32 $0x60, s7;
	s8 =	sadd.s32 $0xB7B8, s8  }
0xdd: {  	[hbm4b:s12+s3] =	stream.linear.scatter [tilespmem:s2], [sflag:$0x5], $0x80, $0x38;
	[tilespmem:$0x13C00] =	vst v63  }
0xde: {  	s12 =	sadd.s32 $0x70, s7;
	s7 =	sadd.s32 $0x1000, s7;
	s2 =	smov.u32 s13  }
0xdf: {  	[hbm4b:s12+s3] =	stream.linear.scatter [tilespmem:s8], [sflag:$0x5], $0x80, $0x38;
	[tilespmem:$0x13C00] =	vst v63  }
0xe0: {  	s2 =	sadd.s32 $0xB400, s6  }
0xe1: {  	[hbm4b:s7+s3] =	stream.linear.scatter [tilespmem:s2], [sflag:$0x5], $0x80, $0x38;
	[tilespmem:$0x13C00] =	vst v63  }
0xe2: {  	s8 =	sadd.s32 $0xB488, s6;
	s12 =	sadd.s32 $0x10, s7  }
0xe3: {  	[hbm4b:s12+s3] =	stream.linear.scatter [tilespmem:s8], [sflag:$0x5], $0x80, $0x38;
	[tilespmem:$0x13C00] =	vst v63  }
0xe4: {  	s13 =	sadd.s32 $0xB510, s6;
	s18 =	sadd.s32 $0x20, s7  }
0xe5: {  	[hbm4b:s18+s3] =	stream.linear.scatter [tilespmem:s13], [sflag:$0x5], $0x80, $0x38;
	[tilespmem:$0x13C00] =	vst v63  }
0xe6: {  	s20 =	sadd.s32 $0xB598, s6;
	s23 =	sadd.s32 $0x30, s7  }
0xe7: {  	[hbm4b:s23+s3] =	stream.linear.scatter [tilespmem:s20], [sflag:$0x5], $0x80, $0x38;
	[tilespmem:$0x13C00] =	vst v63  }
0xe8: {  	s8 =	sadd.s32 $0xB620, s6;
	s12 =	sadd.s32 $0x40, s7  }
0xe9: {  	[hbm4b:s12+s3] =	stream.linear.scatter [tilespmem:s8], [sflag:$0x5], $0x80, $0x38;
	[tilespmem:$0x13C00] =	vst v63  }
0xea: {  	s13 =	sadd.s32 $0xB6A8, s6;
	s18 =	sadd.s32 $0x50, s7  }
0xeb: {  	[hbm4b:s18+s3] =	stream.linear.scatter [tilespmem:s13], [sflag:$0x5], $0x80, $0x38;
	[tilespmem:$0x13C00] =	vst v63  }
0xec: {  	s20 =	sadd.s32 $0xB730, s6;
	s23 =	sadd.s32 $0x60, s7  }
0xed: {  	[hbm4b:s23+s3] =	stream.linear.scatter [tilespmem:s20], [sflag:$0x5], $0x80, $0x38;
	[tilespmem:$0x13C00] =	vst v63  }
0xee: {  	s2 =	simm.s32 @!p0 $0x1;
	s8 =	sadd.s32 $0xB7B8, s6;
	s12 =	sadd.s32 $0x70, s7  }
0xef: {  	[hbm4b:s12+s3] =	stream.linear.scatter [tilespmem:s8], [sflag:$0x5], $0x80, $0x38;
	[tilespmem:$0x13C00] =	vst v63  }
0xf0: {  	_ =	swait.ge @!p0 [sflag:s2], $0x100  }
0xf1: {  	p1 =	seq.s32 @!p0 s21, $0x0;
	s6 =	simm.s32 @!p0 $0x3200;
	[sflag:s2] =	ssyncset.done @!p0 $0x0  }
0xf2: {  	s7 =	simm.s32 @!p0 $0x3400;
	[sflag:s2] =	ssyncadd.s32 @!p0 $0xFFFFFF00;
	s2 =	simm.s32 @!p0 $0x80  }
0xf3: {  	[tilespmem:s7], [sflag:$0x3] =	stream.indirect.gather @!p0 [hbm4b:s5+s2], $0x40, s6, s2, $0xb8;
	[tilespmem:$0x13C00] =	vst v63  }
0xf4: {  	p1 =	por p0, !p1;
	s6 =	simm.s32 @!p0 $0x3280;
	s7 =	simm.s32 @!p0 $0x5400  }
0xf5: {  	[tilespmem:s7], [sflag:$0x3] =	stream.indirect.gather @!p0 [hbm4b:s5+s2], $0x40, s6, s2, $0xb8;
	[tilespmem:$0x13C00] =	vst v63  }
0xf6: {  	_ =	swait.ge @p1 [sflag:s19], $0x4000  }
0xf7: {  	[sflag:s19] =	ssyncset.done @p1 $0x0  }
0xf8: {  	[sflag:s19] =	ssyncadd.s32 @p1 $0xFFFFC000  }
0xf9: {  	_ =	swait.ge [sflag:s30], $0x2000  }
0xfa: {  	[sflag:s30] =	ssyncset.done $0x0  }
0xfb: {  	[sflag:s30] =	ssyncadd.s32 $0xFFFFE000  }
0xfc: {  	s13 =	sshll.u32 s15, $0x7;
	s6 =	sadd.s32 @!p0 s10, s16;
	_ =	swait.ge [sflag:s30], $0x2000  }
0xfd: {  	s8 =	simm.s32 @!p0 $0x3300;
	s6 =	sshrl.u32 @!p0 s6, $0x3;
	[sflag:s30] =	ssyncset.done $0x0  }
0xfe: {  	s7 =	simm.s32 @!p0 $0x1000;
	s6 =	sadd.s32 @!p0 s4, s6;
	[sflag:s30] =	ssyncadd.s32 $0xFFFFE000  }
0xff: {  	[tilespmem:s8], [sflag:$0x2] =	stream.strided.gather @!p0 [hbm4b:s6+s2], $0x100, s7, s2, $0x38;
	[tilespmem:$0x13C00] =	vst v63  }
0x100: {  	s6 =	sand.u32 $0x3FFFFF80, s13  }
0x101: {  	s16 =	simm.s32 $0x1;
	s13 =	simm.s32 $0x7470;
	v9 =	vld [tilespmem:s6+$0x0]  }
0x102: {  	v4 =	vmov s16;
	v6 =	vld [tilespmem:s13+$0xFFFFFFD0]  }
0x103: {  	v14 =	vand.u32 $0x7F, v4  }
0x104: {  	v8 =	vadd.s32 v0, v14  }
0x105: {  	s18 =	simm.s32 $0x0;
	v7 =	vld [tilespmem:s6+$0x10]  }
0x106: {  	v4 =	vmov s18;
	v10 =	vld [tilespmem:s13+$0xFFFFFF90]  }
0x107: {  	v18 =	vand.u32 $0x7E, v4;
	v5 =	vld [tilespmem:s6+$0x20];
	v6 =	vadd.f32 v6, v9  }
0x108: {  	s20 =	simm.s32 $0x3;
	v11 =	vadd.s32 v0, v18;
	s8 =	simm.s32 $0x74F0;
	v4 =	vld [tilespmem:s6+$0x30]  }
0x109: {  	v12 =	vld [tilespmem:s8+$0xFFFFFFD0];
	[tilespmem:v8+s31+$0x0] =	vst.idx.msk $0xffff, v6;
	v6 =	vmov s20  }
0x10a: {  	v6 =	vand.u32 $0x7F, v6;
	v13 =	vld [tilespmem:s13+$0xFFFFFFE0]  }
0x10b: {  	v8 =	vadd.f32 v10, v9;
	v10 =	vadd.s32 v0, v6  }
0x10c: {  	s23 =	simm.s32 $0x2;
	v15 =	vadd.s32 v1, v14  }
0x10d: {  	[tilespmem:v11+s31+$0x0] =	vst.idx.msk $0xffff, v8;
	v8 =	vmov s23;
	v11 =	vld [tilespmem:s8+$0xFFFFFF90]  }
0x10e: {  	v12 =	vadd.f32 v12, v9;
	v8 =	vand.u32 $0x7E, v8;
	v16 =	vld [tilespmem:s13+$0xFFFFFFA0]  }
0x10f: {  	s12 =	simm.s32 $0x7570;
	s7 =	simm.s32 $0x5;
	v17 =	vadd.s32 v0, v8;
	v13 =	vadd.f32 v13, v7  }
0x110: {  	v19 =	vld [tilespmem:s12+$0xFFFFFFD0];
	[tilespmem:v10+s31+$0x0] =	vst.idx.msk $0xffff, v12;
	v12 =	vadd.s32 v1, v18;
	v10 =	vmov s7  }
0x111: {  	[tilespmem:v15+s31+$0x0] =	vst.idx.msk $0xffff, v13;
	v10 =	vand.u32 $0x7F, v10;
	v13 =	vld [tilespmem:s8+$0xFFFFFFE0]  }
0x112: {  	v11 =	vadd.f32 v11, v9;
	v15 =	vadd.s32 v0, v10;
	v20 =	vld [tilespmem:s13+$0xFFFFFFF0]  }
0x113: {  	s16 =	simm.s32 $0x4;
	v21 =	vadd.s32 v1, v6;
	v16 =	vadd.f32 v16, v7  }
0x114: {  	v22 =	vadd.s32 v2, v14;
	[tilespmem:v17+s31+$0x0] =	vst.idx.msk $0xffff, v11;
	v11 =	vmov s16;
	v17 =	vld [tilespmem:s12+$0xFFFFFF90]  }
0x115: {  	v11 =	vand.u32 $0x7E, v11;
	[tilespmem:v12+s31+$0x0] =	vst.idx.msk $0xffff, v16;
	v12 =	vadd.f32 v19, v9;
	v16 =	vld [tilespmem:s8+$0xFFFFFFA0]  }
0x116: {  	s18 =	simm.s32 $0x7;
	s7 =	simm.s32 $0x75F0;
	v19 =	vadd.s32 v0, v11;
	v13 =	vadd.f32 v13, v7;
	v23 =	vld [tilespmem:s13+$0xFFFFFFB0]  }
0x117: {  	v24 =	vld [tilespmem:s7+$0xFFFFFFD0];
	[tilespmem:v15+s31+$0x0] =	vst.idx.msk $0xffff, v12;
	v15 =	vadd.s32 v1, v8;
	v20 =	vadd.f32 v20, v5;
	v12 =	vmov s18  }
0x118: {  	[tilespmem:v21+s31+$0x0] =	vst.idx.msk $0xffff, v13;
	v21 =	vadd.s32 v2, v18;
	v12 =	vand.u32 $0x7F, v12;
	v25 =	vld [tilespmem:s12+$0xFFFFFFE0]  }
0x119: {  	v13 =	vadd.f32 v17, v9;
	[tilespmem:v22+s31+$0x0] =	vst.idx.msk $0xffff, v20;
	v17 =	vadd.s32 v0, v12;
	v20 =	vld [tilespmem:s8+$0xFFFFFFF0]  }
0x11a: {  	s20 =	simm.s32 $0x6;
	v26 =	vadd.s32 v1, v10;
	v16 =	vadd.f32 v16, v7;
	v27 =	vld [tilespmem:s13+$0x0]  }
0x11b: {  	v28 =	vadd.s32 v2, v6;
	[tilespmem:v19+s31+$0x0] =	vst.idx.msk $0xffff, v13;
	v13 =	vmov s20;
	v19 =	vadd.f32 v23, v5;
	v23 =	vld [tilespmem:s7+$0xFFFFFF90]  }
0x11c: {  	v30 =	vadd.s32 v3, v14;
	v13 =	vand.u32 $0x7E, v13;
	v29 =	vld [tilespmem:s12+$0xFFFFFFA0];
	[tilespmem:v15+s31+$0x0] =	vst.idx.msk $0xffff, v16;
	v16 =	vadd.f32 v24, v9  }
0x11d: {  	[tilespmem:v21+s31+$0x0] =	vst.idx.msk $0xffff, v19;
	v21 =	vadd.s32 v0, v13;
	v14 =	vadd.f32 v25, v7;
	v15 =	vld [tilespmem:s8+$0xFFFFFFB0]  }
0x11e: {  	s23 =	simm.s32 $0x9;
	s16 =	simm.s32 $0x7670;
	v19 =	vadd.s32 v1, v11;
	[tilespmem:v17+s31+$0x0] =	vst.idx.msk $0xffff, v16;
	v20 =	vadd.f32 v20, v5;
	v16 =	vld [tilespmem:s13+$0xFFFFFFC0]  }
0x11f: {  	v22 =	vld [tilespmem:s16+$0xFFFFFFD0];
	v24 =	vmov s23;
	v17 =	vadd.s32 v2, v8;
	[tilespmem:v26+s31+$0x0] =	vst.idx.msk $0xffff, v14;
	v27 =	vadd.f32 v27, v4  }
0x120: {  	v18 =	vadd.s32 v3, v18;
	v14 =	vand.u32 $0x7F, v24;
	v26 =	vadd.f32 v23, v9;
	v23 =	vld [tilespmem:s7+$0xFFFFFFE0];
	[tilespmem:v28+s31+$0x0] =	vst.idx.msk $0xffff, v20  }
0x121: {  	s2 =	simm.s32 $0xA;
	s18 =	simm.s32 $0x8;
	s13 =	simm.s32 $0x7670;
	v24 =	vadd.s32 v0, v14;
	v25 =	vadd.f32 v29, v7;
	v20 =	vld [tilespmem:s12+$0xFFFFFFF0];
	[tilespmem:v30+s31+$0x0] =	vst.idx.msk $0xffff, v27  }
.LBB2_9:
0x122: {  	p0 =	slt.u32 s2, $0x7E;
	[tilespmem:v21+s31+$0x0] =	vst.idx.msk $0xffff, v26;
	v26 =	vadd.s32 v1, v12;
	v15 =	vadd.f32 v15, v5;
	v27 =	vld [tilespmem:s8+$0x0];
	v28 =	vmov v11  }
0x123: {  	v21 =	vmov s18;
	v11 =	vmovc v13;
	s18 =	smov.u32 s2;
	v29 =	vld [tilespmem:s16+$0xFFFFFF90];
	[tilespmem:v19+s31+$0x0] =	vst.idx.msk $0xffff, v25;
	v25 =	vadd.s32 v2, v10;
	v16 =	vadd.f32 v16, v4  }
0x124: {  	v31 =	vadd.s32 v3, v6;
	v13 =	vand.u32 $0x7E, v21;
	v19 =	vadd.f32 v22, v9;
	v30 =	vld [tilespmem:s7+$0xFFFFFFA0];
	[tilespmem:v17+s31+$0x0] =	vst.idx.msk $0xffff, v15  }
.Ltmp3:
0x125: {  	v6 =	vmov v10;
	v21 =	vadd.s32 v0, v13;
	v17 =	vadd.f32 v23, v7;
	v15 =	vld [tilespmem:s12+$0xFFFFFFB0];
	[tilespmem:v18+s31+$0x0] =	vst.idx.msk $0xffff, v16;
	(pc) =	sbr.rel @p0 .LBB2_9-.Ltmp3, $4  }
0x126: {  	s20 =	sadd.s32 $0x1, s2;
	s16 =	sadd.s32 $0x80, s16;
	v10 =	vmov v12;
	[tilespmem:v24+s31+$0x0] =	vst.idx.msk $0xffff, v19;
	v19 =	vadd.s32 v1, v11;
	v18 =	vadd.f32 v20, v5;
	v16 =	vld [tilespmem:s8+$0xFFFFFFC0];
	s8 =	smov.u32 s12  }
0x127: {  	v12 =	vmovc v14;
	v20 =	vmov s20;
	s12 =	smov.u32 s7;
	s7 =	smov.u32 s13;
	s13 =	smov.u32 s16;
	v22 =	vld [tilespmem:s16+$0xFFFFFFD0];
	[tilespmem:v26+s31+$0x0] =	vst.idx.msk $0xffff, v17;
	v17 =	vadd.s32 v2, v28;
	v27 =	vadd.f32 v27, v4  }
0x128: {  	v14 =	vand.u32 $0x7F, v20;
	v26 =	vadd.f32 v29, v9;
	v23 =	vld [tilespmem:s7+$0xFFFFFFE0];
	[tilespmem:v25+s31+$0x0] =	vst.idx.msk $0xffff, v18;
	v18 =	vadd.s32 v3, v8  }
0x129: {  	s2 =	sadd.s32 $0x2, s2;
	v24 =	vadd.s32 v0, v14;
	v8 =	vmov v28;
	v25 =	vadd.f32 v30, v7;
	v20 =	vld [tilespmem:s12+$0xFFFFFFF0];
	[tilespmem:v31+s31+$0x0] =	vst.idx.msk $0xffff, v27  }
0x12a: {  	v27 =	vmov s18;
	v28 =	vld [tilespmem:s16+$0xFFFFFF90]  }
0x12b: {  	v27 =	vand.u32 $0x7E, v27  }
0x12c: {  	v29 =	vadd.s32 v0, v27;
	_ =	sdelay $0x1  }
0x12d: {  	v22 =	vadd.f32 v22, v9  }
0x12e: {  	[tilespmem:v21+s31+$0x0] =	vst.idx.msk $0xffff, v26;
	v9 =	vadd.f32 v28, v9  }
0x12f: {  	v21 =	vld [tilespmem:s7+$0xFFFFFFA0];
	[tilespmem:v24+s31+$0x0] =	vst.idx.msk $0xffff, v22  }
0x130: {  	v22 =	vadd.s32 v1, v12;
	v24 =	vld [tilespmem:s13+$0xFFFFFFE0];
	[tilespmem:v29+s31+$0x0] =	vst.idx.msk $0xffff, v9  }
0x131: {  	v9 =	vadd.s32 v1, v13;
	v26 =	vld [tilespmem:s13+$0xFFFFFFA0]  }
0x132: {  	v61 =	vadd.s32 v1, v14  }
0x133: {  	v62 =	vadd.s32 v1, v27;
	v23 =	vadd.f32 v23, v7  }
0x134: {  	[tilespmem:v19+s31+$0x0] =	vst.idx.msk $0xffff, v25;
	v19 =	vadd.f32 v21, v7  }
0x135: {  	v21 =	vld [tilespmem:s12+$0xFFFFFFB0];
	[tilespmem:v22+s31+$0x0] =	vst.idx.msk $0xffff, v23;
	v22 =	vadd.f32 v24, v7  }
0x136: {  	v23 =	vadd.s32 v2, v10;
	v24 =	vld [tilespmem:s7+$0xFFFFFFF0];
	[tilespmem:v9+s31+$0x0] =	vst.idx.msk $0xffff, v19;
	v7 =	vadd.f32 v26, v7  }
0x137: {  	v9 =	vadd.f32 v15, v5;
	v15 =	vadd.s32 v2, v11;
	[tilespmem:v61+s31+$0x0] =	vst.idx.msk $0xffff, v22;
	v19 =	vld [tilespmem:s7+$0xFFFFFFB0]  }
0x138: {  	v16 =	vadd.f32 v16, v4;
	v22 =	vadd.s32 v2, v12;
	v25 =	vld [tilespmem:s13+$0xFFFFFFF0];
	[tilespmem:v62+s31+$0x0] =	vst.idx.msk $0xffff, v7  }
0x139: {  	[tilespmem:v17+s31+$0x0] =	vst.idx.msk $0xffff, v9;
	v9 =	vadd.s32 v2, v13;
	v7 =	vadd.f32 v20, v5;
	v17 =	vld [tilespmem:s13+$0xFFFFFFB0]  }
0x13a: {  	[tilespmem:v18+s31+$0x0] =	vst.idx.msk $0xffff, v16;
	v18 =	vadd.s32 v2, v14;
	v16 =	vadd.f32 v21, v5;
	v20 =	vld [tilespmem:s8+$0x0]  }
0x13b: {  	v21 =	vld [tilespmem:s8+$0xFFFFFFC0];
	[tilespmem:v23+s31+$0x0] =	vst.idx.msk $0xffff, v7;
	v7 =	vadd.f32 v24, v5;
	v23 =	vadd.s32 v2, v27  }
0x13c: {  	v6 =	vadd.s32 v3, v6;
	[tilespmem:v15+s31+$0x0] =	vst.idx.msk $0xffff, v16;
	v24 =	vld [tilespmem:s12+$0x0];
	v15 =	vadd.f32 v19, v5  }
0x13d: {  	v8 =	vadd.s32 v3, v8;
	v16 =	vld [tilespmem:s12+$0xFFFFFFC0];
	[tilespmem:v22+s31+$0x0] =	vst.idx.msk $0xffff, v7;
	v7 =	vadd.f32 v25, v5  }
0x13e: {  	v10 =	vadd.s32 v3, v10;
	v19 =	vld [tilespmem:s7+$0x0];
	[tilespmem:v9+s31+$0x0] =	vst.idx.msk $0xffff, v15;
	v5 =	vadd.f32 v17, v5  }
0x13f: {  	v11 =	vadd.s32 v3, v11;
	v9 =	vadd.f32 v20, v4;
	v15 =	vld [tilespmem:s7+$0xFFFFFFC0];
	[tilespmem:v18+s31+$0x0] =	vst.idx.msk $0xffff, v7  }
0x140: {  	v12 =	vadd.s32 v3, v12;
	v7 =	vadd.f32 v21, v4;
	v17 =	vld [tilespmem:s13+$0x0];
	[tilespmem:v23+s31+$0x0] =	vst.idx.msk $0xffff, v5  }
0x141: {  	[tilespmem:v6+s31+$0x0] =	vst.idx.msk $0xffff, v9;
	v6 =	vadd.s32 v3, v13;
	v5 =	vadd.f32 v24, v4;
	v9 =	vld [tilespmem:s13+$0xFFFFFFC0]  }
0x142: {  	[tilespmem:v8+s31+$0x0] =	vst.idx.msk $0xffff, v7;
	v7 =	vadd.f32 v16, v4;
	v8 =	vadd.s32 v3, v14  }
0x143: {  	[tilespmem:v10+s31+$0x0] =	vst.idx.msk $0xffff, v5;
	v5 =	vadd.f32 v19, v4;
	v10 =	vadd.s32 v3, v27  }
0x144: {  	[tilespmem:v11+s31+$0x0] =	vst.idx.msk $0xffff, v7;
	v7 =	vadd.f32 v15, v4  }
0x145: {  	[tilespmem:v12+s31+$0x0] =	vst.idx.msk $0xffff, v5;
	v5 =	vadd.f32 v17, v4  }
0x146: {  	[tilespmem:v6+s31+$0x0] =	vst.idx.msk $0xffff, v7;
	v4 =	vadd.f32 v9, v4  }
0x147: {  	[tilespmem:v8+s31+$0x0] =	vst.idx.msk $0xffff, v5  }
0x148: {  	[tilespmem:v10+s31+$0x0] =	vst.idx.msk $0xffff, v4  }
0x149: {  	s2 =	simm.s32 $0x1;
	s12 =	simm.s32 $0x9470;
	v9 =	vld [tilespmem:s6+$0x40]  }
0x14a: {  	v4 =	vmov s2;
	v6 =	vld [tilespmem:s12+$0xFFFFFFD0]  }
0x14b: {  	v14 =	vand.u32 $0x7F, v4  }
0x14c: {  	v8 =	vadd.s32 v0, v14  }
0x14d: {  	s23 =	simm.s32 $0x0;
	v7 =	vld [tilespmem:s6+$0x50]  }
0x14e: {  	v4 =	vmov s23;
	v10 =	vld [tilespmem:s12+$0xFFFFFF90]  }
0x14f: {  	v5 =	vld [tilespmem:s6+$0x60];
	v18 =	vand.u32 $0x7E, v4;
	v6 =	vadd.f32 v6, v9  }
0x150: {  	s7 =	simm.s32 $0x3;
	v4 =	vld [tilespmem:s6+$0x70];
	s6 =	simm.s32 $0x94F0;
	v11 =	vadd.s32 v0, v18  }
0x151: {  	v12 =	vld [tilespmem:s6+$0xFFFFFFD0];
	[tilespmem:v8+s0+$0x0] =	vst.idx.msk $0xffff, v6;
	v6 =	vmov s7  }
0x152: {  	v6 =	vand.u32 $0x7F, v6;
	v13 =	vld [tilespmem:s12+$0xFFFFFFE0]  }
0x153: {  	v8 =	vadd.f32 v10, v9;
	v10 =	vadd.s32 v0, v6  }
0x154: {  	s8 =	simm.s32 $0x2;
	v15 =	vadd.s32 v1, v14  }
0x155: {  	[tilespmem:v11+s0+$0x0] =	vst.idx.msk $0xffff, v8;
	v8 =	vmov s8;
	v11 =	vld [tilespmem:s6+$0xFFFFFF90]  }
0x156: {  	v12 =	vadd.f32 v12, v9;
	v8 =	vand.u32 $0x7E, v8;
	v16 =	vld [tilespmem:s12+$0xFFFFFFA0]  }
0x157: {  	s13 =	simm.s32 $0x5;
	s8 =	simm.s32 $0x9570;
	v17 =	vadd.s32 v0, v8;
	v13 =	vadd.f32 v13, v7  }
0x158: {  	v19 =	vld [tilespmem:s8+$0xFFFFFFD0];
	[tilespmem:v10+s0+$0x0] =	vst.idx.msk $0xffff, v12;
	v12 =	vadd.s32 v1, v18;
	v10 =	vmov s13  }
0x159: {  	[tilespmem:v15+s0+$0x0] =	vst.idx.msk $0xffff, v13;
	v10 =	vand.u32 $0x7F, v10;
	v13 =	vld [tilespmem:s6+$0xFFFFFFE0]  }
0x15a: {  	v11 =	vadd.f32 v11, v9;
	v15 =	vadd.s32 v0, v10;
	v20 =	vld [tilespmem:s12+$0xFFFFFFF0]  }
0x15b: {  	s16 =	simm.s32 $0x4;
	v21 =	vadd.s32 v1, v6;
	v16 =	vadd.f32 v16, v7  }
0x15c: {  	v22 =	vadd.s32 v2, v14;
	[tilespmem:v17+s0+$0x0] =	vst.idx.msk $0xffff, v11;
	v11 =	vmov s16;
	v17 =	vld [tilespmem:s8+$0xFFFFFF90]  }
0x15d: {  	v11 =	vand.u32 $0x7E, v11;
	[tilespmem:v12+s0+$0x0] =	vst.idx.msk $0xffff, v16;
	v12 =	vadd.f32 v19, v9;
	v16 =	vld [tilespmem:s6+$0xFFFFFFA0]  }
0x15e: {  	s18 =	simm.s32 $0x7;
	s7 =	simm.s32 $0x95F0;
	v19 =	vadd.s32 v0, v11;
	v13 =	vadd.f32 v13, v7;
	v23 =	vld [tilespmem:s12+$0xFFFFFFB0]  }
0x15f: {  	v24 =	vld [tilespmem:s7+$0xFFFFFFD0];
	[tilespmem:v15+s0+$0x0] =	vst.idx.msk $0xffff, v12;
	v15 =	vadd.s32 v1, v8;
	v20 =	vadd.f32 v20, v5;
	v12 =	vmov s18  }
0x160: {  	[tilespmem:v21+s0+$0x0] =	vst.idx.msk $0xffff, v13;
	v21 =	vadd.s32 v2, v18;
	v12 =	vand.u32 $0x7F, v12;
	v25 =	vld [tilespmem:s8+$0xFFFFFFE0]  }
0x161: {  	v13 =	vadd.f32 v17, v9;
	[tilespmem:v22+s0+$0x0] =	vst.idx.msk $0xffff, v20;
	v17 =	vadd.s32 v0, v12;
	v20 =	vld [tilespmem:s6+$0xFFFFFFF0]  }
0x162: {  	s20 =	simm.s32 $0x6;
	v26 =	vadd.s32 v1, v10;
	v16 =	vadd.f32 v16, v7;
	v27 =	vld [tilespmem:s12+$0x0]  }
0x163: {  	v63 =	vadd.s32 v2, v6;
	[tilespmem:v19+s0+$0x0] =	vst.idx.msk $0xffff, v13;
	v13 =	vmov s20;
	v19 =	vadd.f32 v23, v5;
	v23 =	vld [tilespmem:s7+$0xFFFFFF90]  }
0x164: {  	v30 =	vadd.s32 v3, v14;
	v13 =	vand.u32 $0x7E, v13;
	v29 =	vld [tilespmem:s8+$0xFFFFFFA0];
	[tilespmem:v15+s0+$0x0] =	vst.idx.msk $0xffff, v16;
	v16 =	vadd.f32 v24, v9  }
0x165: {  	[tilespmem:v21+s0+$0x0] =	vst.idx.msk $0xffff, v19;
	v21 =	vadd.s32 v0, v13;
	v14 =	vadd.f32 v25, v7;
	v15 =	vld [tilespmem:s6+$0xFFFFFFB0]  }
0x166: {  	s23 =	simm.s32 $0x9;
	s13 =	simm.s32 $0x9670;
	v19 =	vadd.s32 v1, v11;
	[tilespmem:v17+s0+$0x0] =	vst.idx.msk $0xffff, v16;
	v20 =	vadd.f32 v20, v5;
	v16 =	vld [tilespmem:s12+$0xFFFFFFC0]  }
0x167: {  	v22 =	vld [tilespmem:s13+$0xFFFFFFD0];
	v24 =	vmov s23;
	v17 =	vadd.s32 v2, v8;
	[tilespmem:v26+s0+$0x0] =	vst.idx.msk $0xffff, v14;
	v27 =	vadd.f32 v27, v4  }
0x168: {  	v18 =	vadd.s32 v3, v18;
	v14 =	vand.u32 $0x7F, v24;
	v26 =	vadd.f32 v23, v9;
	v23 =	vld [tilespmem:s7+$0xFFFFFFE0];
	[tilespmem:v63+s0+$0x0] =	vst.idx.msk $0xffff, v20  }
0x169: {  	s2 =	simm.s32 $0xA;
	s16 =	simm.s32 $0x8;
	s12 =	simm.s32 $0x9670;
	v24 =	vadd.s32 v0, v14;
	v25 =	vadd.f32 v29, v7;
	v20 =	vld [tilespmem:s8+$0xFFFFFFF0];
	[tilespmem:v30+s0+$0x0] =	vst.idx.msk $0xffff, v27  }
.LBB2_11:
0x16a: {  	p0 =	slt.u32 s2, $0x7E;
	[tilespmem:v21+s0+$0x0] =	vst.idx.msk $0xffff, v26;
	v26 =	vadd.s32 v1, v12;
	v15 =	vadd.f32 v15, v5;
	v27 =	vld [tilespmem:s6+$0x0];
	v28 =	vmov v11  }
0x16b: {  	v21 =	vmov s16;
	v11 =	vmovc v13;
	s16 =	smov.u32 s2;
	v29 =	vld [tilespmem:s13+$0xFFFFFF90];
	[tilespmem:v19+s0+$0x0] =	vst.idx.msk $0xffff, v25;
	v25 =	vadd.s32 v2, v10;
	v16 =	vadd.f32 v16, v4  }
0x16c: {  	v31 =	vadd.s32 v3, v6;
	v13 =	vand.u32 $0x7E, v21;
	v19 =	vadd.f32 v22, v9;
	v30 =	vld [tilespmem:s7+$0xFFFFFFA0];
	[tilespmem:v17+s0+$0x0] =	vst.idx.msk $0xffff, v15  }
.Ltmp4:
0x16d: {  	v6 =	vmov v10;
	v21 =	vadd.s32 v0, v13;
	v17 =	vadd.f32 v23, v7;
	v15 =	vld [tilespmem:s8+$0xFFFFFFB0];
	[tilespmem:v18+s0+$0x0] =	vst.idx.msk $0xffff, v16;
	(pc) =	sbr.rel @p0 .LBB2_11-.Ltmp4, $4  }
0x16e: {  	s18 =	sadd.s32 $0x1, s2;
	s13 =	sadd.s32 $0x80, s13;
	v10 =	vmov v12;
	[tilespmem:v24+s0+$0x0] =	vst.idx.msk $0xffff, v19;
	v19 =	vadd.s32 v1, v11;
	v18 =	vadd.f32 v20, v5;
	v16 =	vld [tilespmem:s6+$0xFFFFFFC0];
	s6 =	smov.u32 s8  }
0x16f: {  	v12 =	vmovc v14;
	v20 =	vmov s18;
	s8 =	smov.u32 s7;
	s7 =	smov.u32 s12;
	s12 =	smov.u32 s13;
	v22 =	vld [tilespmem:s13+$0xFFFFFFD0];
	[tilespmem:v26+s0+$0x0] =	vst.idx.msk $0xffff, v17;
	v17 =	vadd.s32 v2, v28;
	v27 =	vadd.f32 v27, v4  }
0x170: {  	v14 =	vand.u32 $0x7F, v20;
	v26 =	vadd.f32 v29, v9;
	v23 =	vld [tilespmem:s7+$0xFFFFFFE0];
	[tilespmem:v25+s0+$0x0] =	vst.idx.msk $0xffff, v18;
	v18 =	vadd.s32 v3, v8  }
0x171: {  	s2 =	sadd.s32 $0x2, s2;
	v24 =	vadd.s32 v0, v14;
	v8 =	vmov v28;
	v25 =	vadd.f32 v30, v7;
	v20 =	vld [tilespmem:s8+$0xFFFFFFF0];
	[tilespmem:v31+s0+$0x0] =	vst.idx.msk $0xffff, v27  }
0x172: {  	v27 =	vmov s16;
	v28 =	vld [tilespmem:s13+$0xFFFFFF90]  }
0x173: {  	v27 =	vand.u32 $0x7E, v27  }
0x174: {  	v29 =	vadd.s32 v0, v27;
	_ =	sdelay $0x1  }
0x175: {  	v22 =	vadd.f32 v22, v9  }
0x176: {  	[tilespmem:v21+s0+$0x0] =	vst.idx.msk $0xffff, v26;
	v57 =	vadd.f32 v28, v9  }
0x177: {  	v21 =	vld [tilespmem:s7+$0xFFFFFFA0];
	[tilespmem:v24+s0+$0x0] =	vst.idx.msk $0xffff, v22  }
0x178: {  	v58 =	vadd.s32 v1, v12;
	v24 =	vld [tilespmem:s12+$0xFFFFFFE0];
	[tilespmem:v29+s0+$0x0] =	vst.idx.msk $0xffff, v57  }
0x179: {  	v59 =	vadd.s32 v1, v13;
	v60 =	vld [tilespmem:s12+$0xFFFFFFA0]  }
0x17a: {  	v61 =	vadd.s32 v1, v14  }
0x17b: {  	v62 =	vadd.s32 v1, v27;
	v23 =	vadd.f32 v23, v7  }
0x17c: {  	[tilespmem:v19+s0+$0x0] =	vst.idx.msk $0xffff, v25;
	v63 =	vadd.f32 v21, v7  }
0x17d: {  	v30 =	vld [tilespmem:s8+$0xFFFFFFB0];
	[tilespmem:v58+s0+$0x0] =	vst.idx.msk $0xffff, v23;
	v31 =	vadd.f32 v24, v7  }
0x17e: {  	v32 =	vadd.s32 v2, v10;
	v33 =	vld [tilespmem:s7+$0xFFFFFFF0];
	[tilespmem:v59+s0+$0x0] =	vst.idx.msk $0xffff, v63;
	v34 =	vadd.f32 v60, v7  }
0x17f: {  	v35 =	vadd.f32 v15, v5;
	v36 =	vadd.s32 v2, v11;
	v19 =	vld [tilespmem:s7+$0xFFFFFFB0];
	[tilespmem:v61+s0+$0x0] =	vst.idx.msk $0xffff, v31  }
0x180: {  	v37 =	vadd.s32 v2, v12;
	v16 =	vadd.f32 v16, v4;
	v38 =	vld [tilespmem:s12+$0xFFFFFFF0];
	[tilespmem:v62+s0+$0x0] =	vst.idx.msk $0xffff, v34  }
0x181: {  	v40 =	vadd.s32 v2, v13;
	[tilespmem:v17+s0+$0x0] =	vst.idx.msk $0xffff, v35;
	v39 =	vadd.f32 v20, v5;
	v41 =	vld [tilespmem:s12+$0xFFFFFFB0]  }
0x182: {  	v42 =	vld [tilespmem:s6+$0x0];
	v44 =	vadd.s32 v2, v14;
	[tilespmem:v18+s0+$0x0] =	vst.idx.msk $0xffff, v16;
	v43 =	vadd.f32 v30, v5  }
0x183: {  	v47 =	vadd.s32 v2, v27;
	v45 =	vld [tilespmem:s6+$0xFFFFFFC0];
	[tilespmem:v32+s0+$0x0] =	vst.idx.msk $0xffff, v39;
	v46 =	vadd.f32 v33, v5  }
0x184: {  	v6 =	vadd.s32 v3, v6;
	v48 =	vld [tilespmem:s8+$0x0];
	[tilespmem:v36+s0+$0x0] =	vst.idx.msk $0xffff, v43;
	v49 =	vadd.f32 v19, v5  }
0x185: {  	v8 =	vadd.s32 v3, v8;
	v16 =	vld [tilespmem:s8+$0xFFFFFFC0];
	[tilespmem:v37+s0+$0x0] =	vst.idx.msk $0xffff, v46;
	v50 =	vadd.f32 v38, v5  }
0x186: {  	v51 =	vadd.s32 v3, v10;
	v52 =	vld [tilespmem:s7+$0x0];
	[tilespmem:v40+s0+$0x0] =	vst.idx.msk $0xffff, v49;
	v5 =	vadd.f32 v41, v5  }
0x187: {  	v54 =	vadd.s32 v3, v11;
	v53 =	vadd.f32 v42, v4;
	v15 =	vld [tilespmem:s7+$0xFFFFFFC0];
	[tilespmem:v44+s0+$0x0] =	vst.idx.msk $0xffff, v50  }
0x188: {  	v56 =	vadd.s32 v3, v12;
	v55 =	vadd.f32 v45, v4;
	v57 =	vld [tilespmem:s12+$0x0];
	[tilespmem:v47+s0+$0x0] =	vst.idx.msk $0xffff, v5  }
0x189: {  	v58 =	vadd.s32 v3, v13;
	[tilespmem:v6+s0+$0x0] =	vst.idx.msk $0xffff, v53;
	v5 =	vadd.f32 v48, v4;
	v59 =	vld [tilespmem:s12+$0xFFFFFFC0]  }
0x18a: {  	[tilespmem:v8+s0+$0x0] =	vst.idx.msk $0xffff, v55;
	v61 =	vadd.s32 v3, v14;
	v60 =	vadd.f32 v16, v4  }
0x18b: {  	v62 =	vadd.s32 v3, v27;
	[tilespmem:v51+s0+$0x0] =	vst.idx.msk $0xffff, v5;
	v5 =	vadd.f32 v52, v4  }
0x18c: {  	[tilespmem:v54+s0+$0x0] =	vst.idx.msk $0xffff, v60;
	v63 =	vadd.f32 v15, v4  }
0x18d: {  	s2 =	sshll.u32 s15, $0x13;
	[tilespmem:v56+s0+$0x0] =	vst.idx.msk $0xffff, v5;
	v5 =	vadd.f32 v57, v4  }
0x18e: {  	s2 =	sor.u32 s11, s2;
	[tilespmem:v58+s0+$0x0] =	vst.idx.msk $0xffff, v63;
	v4 =	vadd.f32 v59, v4  }
0x18f: {  	s2 =	sshrl.u32 s2, $0x3;
	[tilespmem:v61+s0+$0x0] =	vst.idx.msk $0xffff, v5  }
0x190: {  	s15 =	simm.s32 $0xF800;
	s7 =	sadd.s32 s1, s2;
	[tilespmem:v62+s0+$0x0] =	vst.idx.msk $0xffff, v4  }
0x191: {  	[hbm4b:s7+s3] =	stream.linear.scatter [tilespmem:s15], [sflag:$0x6], $0x80, $0x38;
	[tilespmem:$0x13C00] =	vst v63  }
0x192: {  	s16 =	simm.s32 $0xF888;
	s18 =	sadd.s32 $0x10, s7  }
0x193: {  	[hbm4b:s18+s3] =	stream.linear.scatter [tilespmem:s16], [sflag:$0x6], $0x80, $0x38;
	[tilespmem:$0x13C00] =	vst v63  }
0x194: {  	s20 =	simm.s32 $0xF910;
	s13 =	simm.s32 $0xFA20;
	s23 =	sadd.s32 $0x20, s7  }
0x195: {  	[hbm4b:s23+s3] =	stream.linear.scatter [tilespmem:s20], [sflag:$0x6], $0x80, $0x38;
	[tilespmem:$0x13C00] =	vst v63  }
0x196: {  	s6 =	simm.s32 $0x440;
	s8 =	simm.s32 $0xF998;
	s12 =	sadd.s32 $0x30, s7  }
0x197: {  	[hbm4b:s12+s3] =	stream.linear.scatter [tilespmem:s8], [sflag:$0x6], $0x80, $0x38;
	[tilespmem:$0x13C00] =	vst v63  }
0x198: {  	s2 =	simm.s32 $0x2200;
	s15 =	sadd.s32 $0x40, s7;
	s16 =	simm.s32 $0xFAA8  }
0x199: {  	[hbm4b:s15+s3] =	stream.linear.scatter [tilespmem:s13], [sflag:$0x6], $0x80, $0x38;
	[tilespmem:$0x13C00] =	vst v63  }
0x19a: {  	s18 =	sadd.s32 $0x50, s7;
	s20 =	simm.s32 $0xFB30;
	s23 =	sadd.s32 $0x60, s7  }
0x19b: {  	[hbm4b:s18+s3] =	stream.linear.scatter [tilespmem:s16], [sflag:$0x6], $0x80, $0x38;
	[tilespmem:$0x13C00] =	vst v63  }
0x19c: {  	s8 =	simm.s32 $0xFBB8;
	s12 =	sadd.s32 $0x70, s7;
	s7 =	sadd.s32 $0x1000, s7  }
0x19d: {  	[hbm4b:s23+s3] =	stream.linear.scatter [tilespmem:s20], [sflag:$0x6], $0x80, $0x38;
	[tilespmem:$0x13C00] =	vst v63  }
.LBB2_13:
0x19e: {  	[hbm4b:s12+s3] =	stream.linear.scatter [tilespmem:s8], [sflag:$0x6], $0x80, $0x38;
	[tilespmem:$0x13C00] =	vst v63  }
0x19f: {  	s8 =	smov.u32 s6;
	s6 =	smov.u32 s2  }
0x1a0: {  	s13 =	sadd.s32 $0x1100, s2;
	s6 =	sshra.s32 s6, $0x2;
	s12 =	sadd.s32 $0xF800, s8  }
0x1a1: {  	[hbm4b:s7+s3] =	stream.linear.scatter [tilespmem:s12], [sflag:$0x6], $0x80, $0x38;
	[tilespmem:$0x13C00] =	vst v63  }
0x1a2: {  	p0 =	sne.s32 s2, $0xFF00;
	s2 =	sadd.s32 $0xF888, s8;
	s12 =	sadd.s32 $0x10, s7  }
0x1a3: {  	[hbm4b:s12+s3] =	stream.linear.scatter [tilespmem:s2], [sflag:$0x6], $0x80, $0x38;
	[tilespmem:$0x13C00] =	vst v63  }
0x1a4: {  	s2 =	sadd.s32 $0xF910, s8;
	s12 =	sadd.s32 $0x20, s7  }
0x1a5: {  	[hbm4b:s12+s3] =	stream.linear.scatter [tilespmem:s2], [sflag:$0x6], $0x80, $0x38;
	[tilespmem:$0x13C00] =	vst v63  }
0x1a6: {  	s2 =	sadd.s32 $0xF998, s8;
	s12 =	sadd.s32 $0x30, s7  }
0x1a7: {  	[hbm4b:s12+s3] =	stream.linear.scatter [tilespmem:s2], [sflag:$0x6], $0x80, $0x38;
	[tilespmem:$0x13C00] =	vst v63  }
0x1a8: {  	s2 =	sadd.s32 $0xFA20, s8;
	s12 =	sadd.s32 $0x40, s7  }
0x1a9: {  	[hbm4b:s12+s3] =	stream.linear.scatter [tilespmem:s2], [sflag:$0x6], $0x80, $0x38;
	[tilespmem:$0x13C00] =	vst v63  }
.Ltmp5:
0x1aa: {  	s2 =	sadd.s32 $0xFAA8, s8;
	s12 =	sadd.s32 $0x50, s7;
	(pc) =	sbr.rel @p0 .LBB2_13-.Ltmp5, $4  }
0x1ab: {  	[hbm4b:s12+s3] =	stream.linear.scatter [tilespmem:s2], [sflag:$0x6], $0x80, $0x38;
	[tilespmem:$0x13C00] =	vst v63  }
0x1ac: {  	s2 =	sadd.s32 $0xFB30, s8;
	s12 =	sadd.s32 $0x60, s7;
	s8 =	sadd.s32 $0xFBB8, s8  }
0x1ad: {  	[hbm4b:s12+s3] =	stream.linear.scatter [tilespmem:s2], [sflag:$0x6], $0x80, $0x38;
	[tilespmem:$0x13C00] =	vst v63  }
0x1ae: {  	s12 =	sadd.s32 $0x70, s7;
	s7 =	sadd.s32 $0x1000, s7;
	s2 =	smov.u32 s13  }
0x1af: {  	[hbm4b:s12+s3] =	stream.linear.scatter [tilespmem:s8], [sflag:$0x6], $0x80, $0x38;
	[tilespmem:$0x13C00] =	vst v63  }
0x1b0: {  	s2 =	sadd.s32 $0xF800, s6  }
0x1b1: {  	[hbm4b:s7+s3] =	stream.linear.scatter [tilespmem:s2], [sflag:$0x6], $0x80, $0x38;
	[tilespmem:$0x13C00] =	vst v63  }
0x1b2: {  	s13 =	sadd.s32 $0xF888, s6;
	s15 =	sadd.s32 $0x10, s7  }
0x1b3: {  	[hbm4b:s15+s3] =	stream.linear.scatter [tilespmem:s13], [sflag:$0x6], $0x80, $0x38;
	[tilespmem:$0x13C00] =	vst v63  }
0x1b4: {  	s16 =	sadd.s32 $0xF910, s6;
	s18 =	sadd.s32 $0x20, s7  }
0x1b5: {  	[hbm4b:s18+s3] =	stream.linear.scatter [tilespmem:s16], [sflag:$0x6], $0x80, $0x38;
	[tilespmem:$0x13C00] =	vst v63  }
0x1b6: {  	s20 =	sadd.s32 $0xF998, s6;
	s23 =	sadd.s32 $0x30, s7  }
0x1b7: {  	[hbm4b:s23+s3] =	stream.linear.scatter [tilespmem:s20], [sflag:$0x6], $0x80, $0x38;
	[tilespmem:$0x13C00] =	vst v63  }
0x1b8: {  	s8 =	sadd.s32 $0xFA20, s6;
	s12 =	sadd.s32 $0x40, s7;
	s21 =	sadd.s32 $0x1, s21  }
0x1b9: {  	[hbm4b:s12+s3] =	stream.linear.scatter [tilespmem:s8], [sflag:$0x6], $0x80, $0x38;
	[tilespmem:$0x13C00] =	vst v63  }
0x1ba: {  	p0 =	sne.s32 s21, $0x32;
	s13 =	sadd.s32 $0xFAA8, s6;
	s15 =	sadd.s32 $0x50, s7  }
0x1bb: {  	[hbm4b:s15+s3] =	stream.linear.scatter [tilespmem:s13], [sflag:$0x6], $0x80, $0x38;
	[tilespmem:$0x13C00] =	vst v63  }
.Ltmp6:
0x1bc: {  	_ = 	snop;
	(pc) =	sbr.rel @p0 .LBB2_2-.Ltmp6, $4  }
0x1bd: {  	s16 =	sadd.s32 $0xFB30, s6;
	s18 =	sadd.s32 $0x60, s7  }
0x1be: {  	[hbm4b:s18+s3] =	stream.linear.scatter [tilespmem:s16], [sflag:$0x6], $0x80, $0x38;
	[tilespmem:$0x13C00] =	vst v63  }
0x1bf: {  	s20 =	sadd.s32 $0xFBB8, s6;
	s23 =	sadd.s32 $0x70, s7  }
0x1c0: {  	[hbm4b:s23+s3] =	stream.linear.scatter [tilespmem:s20], [sflag:$0x6], $0x80, $0x38;
	[tilespmem:$0x13C00] =	vst v63  }
0x1c1: {  	s2 =	simm.s32 $0x5  }
0x1c2: {  	_ =	swait.ge [sflag:s2], $0x4000  }
0x1c3: {  	[sflag:s2] =	ssyncset.done $0x0  }
0x1c4: {  	[sflag:s2] =	ssyncadd.s32 $0xFFFFC000  }
0x1c5: {  	_ =	swait.ge [sflag:s19], $0x4000  }
0x1c6: {  	s6 =	rddreg [dreg:$0x7]  }
0x1c7: {  	s23 =	rddreg [dreg:$0x6];
	s6 =	sadd.s32 $0x1, s6  }
0x1c8: {  	p0 =	sne.s32 s6, s23  }
.Ltmp7:
0x1c9: {  	_ = 	snop;
	(pc) =	sbr.rel @p0 .LBB2_1-.Ltmp7, $3  }
0x1ca: {  	_ =	sdelay $0x1  }
0x1cb: {  	[sflag:s19] =	ssyncset.done $0x0  }
0x1cc: {  	[sflag:s19] =	ssyncadd.s32 $0xFFFFC000  }
0x1cd: {  	_ =	sfence.sel $0x180000  }
0x1ce: {  	[bflag:$0x0] =	sbarrier.arrive $0xFFFF  }
0x1cf: {  	_ =	strace $0x9000004A  }
0x1d0: {  	s0 =	stileid.u32;
	[bflag:$0x2] =	sbarrier.arrive $0xFFFF  }
0x1d1: {  	p0 =	sne.s32 s0, $0x0;
	s0 =	rddreg [dreg:$0x2]  }
0x1d2: {  	s0 =	sadd.s32 @!p0 $0x100000, s0  }
0x1d3: {  	[sflag:s0] =	ssyncadd.tile.s32 @!p0 $0x1;
	_ =	shalt  }
.Lfunc_end2:
_tile_overlayer_lowered:
.L_overlay_start_2:
0x1d4: {  	(tag) =	ssettag $0x2  }
0x1d5: {  	s0 =	rddreg [dreg:$0x0];
	s2 =	stileid.u32  }
0x1d6: {  	s1 =	rddreg [dreg:$0x1];
	p0 =	sne.s32 s2, $0x0  }
0x1d7: {  	s3 =	rddreg [dreg:$0x2];
	[bflag:$0x3] =	sbarrier.arrive $0xFFFF;
	s2 =	simm.s32 @!p0 $0x1C07  }
0x1d8: {  	[timem:s3], [sflag:s2] =	dma.local @!p0 [hbm:s0], s1  }
0x1d9: {  	s0 =	simm.s32 @!p0 $0x7  }
0x1da: {  	_ =	swait.ge @!p0 [sflag:s0], s1  }
0x1db: {  	s1 =	ssub.s32 @!p0 $0x0, s1;
	[sflag:s0] =	ssyncset.done @!p0 $0x0  }
0x1dc: {  	[sflag:s0] =	ssyncadd.s32 @!p0 s1  }
0x1dd: {  	[bflag:$0x3] =	sbarrier.arrive $0xFFFF  }
0x1de: {  	_ =	shalt  }

</sc_bundles>
